<compile_context>
chip_gen: v7x
topology: tpu7x:2x2x1
jax: 0.10.2.dev20260603
libtpu: 0.0.44.dev20260713+nightly
codegen_flags: <defaults>
</compile_context>

<pallas_src>
import functools

import jax
import jax.numpy as jnp
from jax import lax
from jax.experimental import pallas as pl
from jax.experimental.pallas import tpu as pltpu
from jax.experimental.pallas import tpu_sc as plsc

N = 100000
N_PAD = 100352
E = 6400000
NC, NS = 2, 16
BATCH = 128
EPT = 202752
E_PAD = EPT * NC * NS
IDX_ROWS_PT = EPT // BATCH
M_AGG = 12
M_DEG = 16
NBODY_AGG = EPT // (BATCH * M_AGG)
NBODY_DEG = EPT // (BATCH * M_DEG)
ROWS_PT = N_PAD // NS

_mesh = plsc.VectorSubcoreMesh(core_axis_name="c", subcore_axis_name="s")
_sc_params = pltpu.CompilerParams(use_tc_tiling_on_sc=False)



def _deg_body(dst_hbm, z_hbm, out_hbm, acc, idx, ones, sem_i, sem_s):
    c = lax.axis_index("c")
    s = lax.axis_index("s")
    rowbase = (c * NS + s) * IDX_ROWS_PT
    r0 = s * ROWS_PT
    for i in range(BATCH // 16):
        ones[pl.ds(i * 16, 16)] = jnp.full((16,), 1.0, jnp.float32)
    pltpu.sync_copy(z_hbm, acc.at[pl.ds(r0, ROWS_PT)])
    plsc.subcore_barrier()

    def _drain_scatters():
        for j in range(M_DEG):
            pltpu.make_async_copy(ones, acc.at[idx.at[j]], sem_s).wait()

    @pl.loop(0, NBODY_DEG)
    def _(i):
        base = rowbase + i * M_DEG

        @pl.when(i > 0)
        def _drain():
            _drain_scatters()

        pltpu.async_copy(dst_hbm.at[pl.ds(base, M_DEG)], idx, sem_i).wait()
        for j in range(M_DEG):
            pltpu.async_copy(ones, acc.at[idx.at[j]], sem_s, add=True)

    _drain_scatters()
    plsc.subcore_barrier()
    pltpu.sync_copy(acc.at[pl.ds(r0, ROWS_PT)], out_hbm.at[c, pl.ds(r0, ROWS_PT)])


_deg_kernel = pl.kernel(
    _deg_body,
    out_type=jax.ShapeDtypeStruct((NC, N_PAD), jnp.float32),
    mesh=_mesh,
    compiler_params=_sc_params,
    scratch_types=[
        pltpu.VMEM_SHARED((N_PAD,), jnp.float32),
        pltpu.VMEM((M_DEG, BATCH), jnp.int32),
        pltpu.VMEM((BATCH,), jnp.float32),
        pltpu.SemaphoreType.DMA,
        pltpu.SemaphoreType.DMA,
    ],
)



def _agg_body(F, spmem_table, h_hbm, src_hbm, dst_hbm, z_hbm, out_hbm,
              acc, tab, sbuf, dbuf, rows, sem_i, sem_g, sem_s):
    c = lax.axis_index("c")
    s = lax.axis_index("s")
    rowbase = (c * NS + s) * IDX_ROWS_PT
    r0 = s * ROWS_PT
    pltpu.sync_copy(z_hbm, acc.at[pl.ds(r0, ROWS_PT)])
    if spmem_table:
        pltpu.sync_copy(h_hbm.at[pl.ds(r0, ROWS_PT)], tab.at[pl.ds(r0, ROWS_PT)])
        src_tab = tab
    else:
        src_tab = h_hbm
    plsc.subcore_barrier()

    def _drain_scatters():
        for j in range(M_AGG):
            pltpu.make_async_copy(rows.at[j], acc.at[dbuf.at[j]], sem_s).wait()

    @pl.loop(0, NBODY_AGG)
    def _(i):
        base = rowbase + i * M_AGG

        @pl.when(i > 0)
        def _drain():
            _drain_scatters()

        cs = pltpu.async_copy(src_hbm.at[pl.ds(base, M_AGG)], sbuf, sem_i)
        cd = pltpu.async_copy(dst_hbm.at[pl.ds(base, M_AGG)], dbuf, sem_i)
        cs.wait()
        cd.wait()
        gs = [
            pltpu.async_copy(src_tab.at[sbuf.at[j]], rows.at[j], sem_g)
            for j in range(M_AGG)
        ]
        for j in range(M_AGG):
            gs[j].wait()
            pltpu.async_copy(rows.at[j], acc.at[dbuf.at[j]], sem_s, add=True)

    _drain_scatters()
    plsc.subcore_barrier()
    pltpu.sync_copy(acc.at[pl.ds(r0, ROWS_PT)],
                    out_hbm.at[c, pl.ds(r0, ROWS_PT)])


def _make_agg(F, spmem_table):
    tab_shape = (N_PAD, F) if spmem_table else (8,)
    return pl.kernel(
        functools.partial(_agg_body, F, spmem_table),
        out_type=jax.ShapeDtypeStruct((NC, N_PAD, F), jnp.float32),
        mesh=_mesh,
        compiler_params=_sc_params,
        scratch_types=[
            pltpu.VMEM_SHARED((N_PAD, F), jnp.float32),
            pltpu.VMEM_SHARED(tab_shape, jnp.float32),
            pltpu.VMEM((M_AGG, BATCH), jnp.int32),
            pltpu.VMEM((M_AGG, BATCH), jnp.int32),
            pltpu.VMEM((M_AGG, BATCH, F), jnp.float32),
            pltpu.SemaphoreType.DMA,
            pltpu.SemaphoreType.DMA,
            pltpu.SemaphoreType.DMA,
        ],
    )


_agg16 = _make_agg(16, spmem_table=False)
_agg8 = _make_agg(8, spmem_table=True)



def _tc2_body(degp_ref, x_ref, w1_ref, h_ref, d_ref):
    deg = degp_ref[0, :] + degp_ref[1, :] + 1.0
    dis = lax.rsqrt(deg)[:, None]
    h_ref[...] = jnp.dot(x_ref[...], w1_ref[...],
                         preferred_element_type=jnp.float32) * dis
    d_ref[...] = dis


def _tc4_body(aggp_ref, h1_ref, d_ref, b1_ref, w2_ref, h2_ref):
    d = d_ref[...]
    ssum = aggp_ref[0] + aggp_ref[1] + h1_ref[...]
    h = jnp.maximum(ssum * d + b1_ref[...], 0.0)
    h2 = jnp.dot(h, w2_ref[...], preferred_element_type=jnp.float32) * d
    h2_ref[...] = jnp.pad(h2, ((0, 0), (0, 6)))


def _tc6_body(aggp_ref, h2_ref, d_ref, b2_ref, o_ref):
    ssum = aggp_ref[0] + aggp_ref[1] + h2_ref[...]
    o_ref[...] = ssum[:, :2] * d_ref[...] + b2_ref[...]


_B2 = 1024
_tc2 = pl.pallas_call(
    _tc2_body,
    out_shape=(jax.ShapeDtypeStruct((N_PAD, 16), jnp.float32),
               jax.ShapeDtypeStruct((N_PAD, 1), jnp.float32)),
    grid=(N_PAD // _B2,),
    in_specs=[
        pl.BlockSpec((NC, _B2), lambda i: (0, i)),
        pl.BlockSpec((_B2, 10), lambda i: (i, 0)),
        pl.BlockSpec((10, 16), lambda i: (0, 0)),
    ],
    out_specs=(pl.BlockSpec((_B2, 16), lambda i: (i, 0)),
               pl.BlockSpec((_B2, 1), lambda i: (i, 0))),
)

_tc4 = pl.pallas_call(
    _tc4_body,
    out_shape=jax.ShapeDtypeStruct((N_PAD, 8), jnp.float32),
    grid=(N_PAD // _B2,),
    in_specs=[
        pl.BlockSpec((NC, _B2, 16), lambda i: (0, i, 0)),
        pl.BlockSpec((_B2, 16), lambda i: (i, 0)),
        pl.BlockSpec((_B2, 1), lambda i: (i, 0)),
        pl.BlockSpec((1, 16), lambda i: (0, 0)),
        pl.BlockSpec((16, 2), lambda i: (0, 0)),
    ],
    out_specs=pl.BlockSpec((_B2, 8), lambda i: (i, 0)),
)

_B6 = 2000
_tc6 = pl.pallas_call(
    _tc6_body,
    out_shape=jax.ShapeDtypeStruct((N, 2), jnp.float32),
    grid=(N // _B6,),
    in_specs=[
        pl.BlockSpec((NC, _B6, 8), lambda i: (0, i, 0)),
        pl.BlockSpec((_B6, 8), lambda i: (i, 0)),
        pl.BlockSpec((_B6, 1), lambda i: (i, 0)),
        pl.BlockSpec((1, 2), lambda i: (0, 0)),
    ],
    out_specs=pl.BlockSpec((_B6, 2), lambda i: (i, 0)),
)


def kernel(x, edge_index, W1, b1, W2, b2):
    src = edge_index[0].astype(jnp.int32)
    dst = edge_index[1].astype(jnp.int32)
    fill = jnp.full((E_PAD - E,), N, jnp.int32)
    src2d = jnp.concatenate([src, fill]).reshape(E_PAD // BATCH, BATCH)
    dst2d = jnp.concatenate([dst, fill]).reshape(E_PAD // BATCH, BATCH)
    x_pad = jnp.pad(x, ((0, N_PAD - N), (0, 0)))

    z1 = jnp.zeros((ROWS_PT,), jnp.float32)
    z16 = jnp.zeros((ROWS_PT, 16), jnp.float32)
    z8 = jnp.zeros((ROWS_PT, 8), jnp.float32)

    degp = _deg_kernel(dst2d, z1)
    h1p, d = _tc2(degp, x_pad, W1)
    aggp1 = _agg16(h1p, src2d, dst2d, z16)
    h2p = _tc4(aggp1, h1p, d, b1.reshape(1, 16), W2)
    aggp2 = _agg8(h2p, src2d, dst2d, z8)
    out = _tc6(aggp2, h2p, d, b2.reshape(1, 2))
    return out

# --- scband reference (transcript-rebuilt; emitter-appended) ---
"""Pipeline reference for scband-simple-gnn-4784593568475 (READ-ONLY COPY).

The authoritative reference and input builder live on the scoring server;
editing this copy changes nothing except your own understanding.
"""

import jax, jax.numpy as jnp
import numpy as np

N_NODES = 100000
N_EDGES = 6400000


def gcn_conv(x, edge_index, W, b):
    n = x.shape[0]
    src = edge_index[0]
    dst = edge_index[1]
    # add self-loops (PyG GCNConv default add_self_loops=True)
    loop = jnp.arange(n, dtype=edge_index.dtype)
    src = jnp.concatenate([src, loop])
    dst = jnp.concatenate([dst, loop])
    # symmetric normalization deg^-1/2 (computed on dst/col as in PyG gcn_norm)
    deg = jnp.zeros((n,), dtype=x.dtype).at[dst].add(1.0)
    deg_inv_sqrt = jnp.where(deg > 0, deg ** -0.5, 0.0)
    norm = deg_inv_sqrt[src] * deg_inv_sqrt[dst]
    # linear transform then propagate
    h = x @ W
    msg = h[src] * norm[:, None]
    out = jnp.zeros((n, W.shape[1]), dtype=x.dtype).at[dst].add(msg)
    return out + b


def setup_inputs(seed: int = 0) -> dict:
    key = jax.random.key(seed)
    k1, k2, k3, k4, k5, k6 = jax.random.split(key, 6)
    x = jax.random.normal(k1, (N_NODES, 10), dtype=jnp.float32)
    edge_index = jax.random.randint(k2, (2, N_EDGES), 0, N_NODES, dtype=jnp.int64)
    # GCNConv(10, 16) and GCNConv(16, 2): weight [in, out], bias [out]
    W1 = jax.random.normal(k3, (10, 16), dtype=jnp.float32) * (1.0 / np.sqrt(10))
    b1 = jnp.zeros((16,), dtype=jnp.float32)
    W2 = jax.random.normal(k4, (16, 2), dtype=jnp.float32) * (1.0 / np.sqrt(16))
    b2 = jnp.zeros((2,), dtype=jnp.float32)
    return {"x": x, "edge_index": edge_index, "W1": W1, "b1": b1, "W2": W2, "b2": b2}


def reference(x, edge_index, W1, b1, W2, b2):
    h = gcn_conv(x, edge_index, W1, b1)
    h = jax.nn.relu(h)
    out = gcn_conv(h, edge_index, W2, b2)
    return out

if __name__ == "__main__":
    import jax
    _d = setup_inputs()
    print(jax.jit(kernel)(*tuple(_d.values())))

</pallas_src>

<mosaic_0001>
#map = affine_map<(d0, d1) -> (0, 0)>
#map1 = affine_map<(d0, d1) -> (0, 0, 0)>
module attributes {stable_mosaic.version = 14 : i64} {
  func.func @_agg_body(%arg0: i32, %arg1: i32, %arg2: memref<100352x16xf32, #tpu.memory_space<hbm>>, %arg3: memref<50688x128xi32, #tpu.memory_space<hbm>>, %arg4: memref<50688x128xi32, #tpu.memory_space<hbm>>, %arg5: memref<6272x16xf32, #tpu.memory_space<hbm>>, %arg6: memref<2x100352x16xf32, #tpu.memory_space<hbm>>, %arg7: memref<100352x16xf32, #tpu.memory_space<vmem_shared>>, %arg8: memref<8xf32, #tpu.memory_space<vmem_shared>>, %arg9: memref<12x128xi32, #tpu.memory_space<vmem>>, %arg10: memref<12x128xi32, #tpu.memory_space<vmem>>, %arg11: memref<12x128x16xf32, #tpu.memory_space<vmem>>, %arg12: memref<!tpu.dma_semaphore, #tpu.memory_space<semaphore_mem>>, %arg13: memref<!tpu.dma_semaphore, #tpu.memory_space<semaphore_mem>>, %arg14: memref<!tpu.dma_semaphore, #tpu.memory_space<semaphore_mem>>) attributes {dimension_semantics = [#tpu.dimension_semantics<core_parallel>, #tpu.dimension_semantics<subcore_parallel>], iteration_bounds = array<i64: 2, 16>, scalar_prefetch = 0 : i64, scratch_operands = 8 : i64, tpu.core_type = #tpu.core_type<sc_vector_subcore>, window_params = [{transform_indices = #map}, {transform_indices = #map}, {transform_indices = #map}, {transform_indices = #map}, {transform_indices = #map1}]} {
    %mul3A = arith.constant 16 : i32
    %mul3A_0 = arith.muli %arg0, %mul3A : i32
    %add3A = arith.addi %mul3A_0, %arg1 : i32
    %mul3A_1 = arith.constant 1584 : i32
    %mul3A_2 = arith.muli %add3A, %mul3A_1 : i32
    %mul3A_3 = arith.constant 6272 : i32
    %mul3A_4 = arith.muli %arg1, %mul3A_3 : i32
    "tpu.region"() ({
      %run_scoped3A = tpu.sem_alloc : memref<!tpu.dma_semaphore, #tpu.memory_space<semaphore_mem>>
      %dma_start3A = arith.constant 0 : i32
      %dma_start3A_153 = tpu.memref_slice %arg7[%mul3A_4, %dma_start3A] : memref<100352x16xf32, #tpu.memory_space<vmem_shared>> -> memref<6272x16xf32, #tpu.memory_space<vmem_shared>>
      tpu.enqueue_dma source(%arg5 : memref<6272x16xf32, #tpu.memory_space<hbm>>) target(%dma_start3A_153 : memref<6272x16xf32, #tpu.memory_space<vmem_shared>>) target_semaphore(%run_scoped3A : memref<!tpu.dma_semaphore, #tpu.memory_space<semaphore_mem>>)
      %dma_wait3A_154 = arith.constant 0 : i32
      %dma_wait3A_155 = tpu.memref_slice %arg7[%mul3A_4, %dma_wait3A_154] : memref<100352x16xf32, #tpu.memory_space<vmem_shared>> -> memref<6272x16xf32, #tpu.memory_space<vmem_shared>>
      tpu.wait_dma2 semaphore(%run_scoped3A : memref<!tpu.dma_semaphore, #tpu.memory_space<semaphore_mem>>) src(%arg5 : memref<6272x16xf32, #tpu.memory_space<hbm>>) dst(%dma_wait3A_155 : memref<6272x16xf32, #tpu.memory_space<vmem_shared>>)
      tpu.yield
    }) : () -> ()
    %barrier3A = arith.constant 0 : index
    tpu.barrier barrier_id(%barrier3A)
    %scan3A = arith.constant 0 : i32
    %scan3A_5 = arith.constant 132 : i32
    %scan3A_6 = arith.addi %scan3A, %scan3A_5 : i32
    %scan3A_7 = arith.constant 1 : i32
    scf.for %scan3A_153 = %scan3A to %scan3A_6 step %scan3A_7  : i32 {
      %mul3A_154 = arith.constant 1 : i32
      %mul3A_155 = arith.muli %scan3A_153, %mul3A_154 : i32
      %add3A_156 = arith.constant 0 : i32
      %add3A_157 = arith.addi %add3A_156, %mul3A_155 : i32
      %mul3A_158 = arith.constant 12 : i32
      %mul3A_159 = arith.muli %add3A_157, %mul3A_158 : i32
      %add3A_160 = arith.addi %mul3A_2, %mul3A_159 : i32
      %gt3A = arith.constant 0 : i32
      %gt3A_161 = arith.cmpi sgt, %add3A_157, %gt3A : i32
      %convert_element_type3A = arith.extui %gt3A_161 : i1 to i32
      %cond3A = arith.constant 0 : i32
      %cond3A_162 = arith.cmpi ne, %convert_element_type3A, %cond3A : i32
      scf.if %cond3A_162 {
        %dma_wait3A_610 = arith.constant 0 : i32
        %dma_wait3A_611 = arith.constant 0 : i32
        %dma_wait3A_612 = arith.constant 0 : i32
        %dma_wait3A_613 = arith.constant 0 : i32
        %dma_wait3A_614 = tpu.memref_slice %arg11[%dma_wait3A_610, %dma_wait3A_612, %dma_wait3A_613] : memref<12x128x16xf32, #tpu.memory_space<vmem>> -> memref<1x128x16xf32, #tpu.memory_space<vmem>>
        %dma_wait3A_615 = tpu.memref_squeeze %dma_wait3A_614 : memref<1x128x16xf32, #tpu.memory_space<vmem>> -> memref<128x16xf32, #tpu.memory_space<vmem>>
        %dma_wait3A_616 = arith.constant 0 : i32
        %dma_wait3A_617 = tpu.memref_slice %arg10[%dma_wait3A_611, %dma_wait3A_616] : memref<12x128xi32, #tpu.memory_space<vmem>> -> memref<1x128xi32, #tpu.memory_space<vmem>>
        %dma_wait3A_618 = tpu.memref_squeeze %dma_wait3A_617 : memref<1x128xi32, #tpu.memory_space<vmem>> -> memref<128xi32, #tpu.memory_space<vmem>>
        %dma_wait3A_619 = arith.constant 0 : i32
        %dma_wait3A_620 = arith.constant 0 : i32
        %dma_wait3A_621 = tpu.memref_slice %arg7[%dma_wait3A_619, %dma_wait3A_620] : memref<100352x16xf32, #tpu.memory_space<vmem_shared>> -> memref<100352x16xf32, #tpu.memory_space<vmem_shared>>
        tpu.wait_indirect_dma semaphore(%arg14 : memref<!tpu.dma_semaphore, #tpu.memory_space<semaphore_mem>>) src(%dma_wait3A_615 : memref<128x16xf32, #tpu.memory_space<vmem>>) dst(%dma_wait3A_621 : memref<100352x16xf32, #tpu.memory_space<vmem_shared>>)
        %dma_wait3A_622 = arith.constant 1 : i32
        %dma_wait3A_623 = arith.constant 1 : i32
        %dma_wait3A_624 = arith.constant 0 : i32
        %dma_wait3A_625 = arith.constant 0 : i32
        %dma_wait3A_626 = tpu.memref_slice %arg11[%dma_wait3A_622, %dma_wait3A_624, %dma_wait3A_625] : memref<12x128x16xf32, #tpu.memory_space<vmem>> -> memref<1x128x16xf32, #tpu.memory_space<vmem>>
        %dma_wait3A_627 = tpu.memref_squeeze %dma_wait3A_626 : memref<1x128x16xf32, #tpu.memory_space<vmem>> -> memref<128x16xf32, #tpu.memory_space<vmem>>
        %dma_wait3A_628 = arith.constant 0 : i32
        %dma_wait3A_629 = tpu.memref_slice %arg10[%dma_wait3A_623, %dma_wait3A_628] : memref<12x128xi32, #tpu.memory_space<vmem>> -> memref<1x128xi32, #tpu.memory_space<vmem>>
        %dma_wait3A_630 = tpu.memref_squeeze %dma_wait3A_629 : memref<1x128xi32, #tpu.memory_space<vmem>> -> memref<128xi32, #tpu.memory_space<vmem>>
        %dma_wait3A_631 = arith.constant 0 : i32
        %dma_wait3A_632 = arith.constant 0 : i32
        %dma_wait3A_633 = tpu.memref_slice %arg7[%dma_wait3A_631, %dma_wait3A_632] : memref<100352x16xf32, #tpu.memory_space<vmem_shared>> -> memref<100352x16xf32, #tpu.memory_space<vmem_shared>>
        tpu.wait_indirect_dma semaphore(%arg14 : memref<!tpu.dma_semaphore, #tpu.memory_space<semaphore_mem>>) src(%dma_wait3A_627 : memref<128x16xf32, #tpu.memory_space<vmem>>) dst(%dma_wait3A_633 : memref<100352x16xf32, #tpu.memory_space<vmem_shared>>)
        %dma_wait3A_634 = arith.constant 2 : i32
        %dma_wait3A_635 = arith.constant 2 : i32
        %dma_wait3A_636 = arith.constant 0 : i32
        %dma_wait3A_637 = arith.constant 0 : i32
        %dma_wait3A_638 = tpu.memref_slice %arg11[%dma_wait3A_634, %dma_wait3A_636, %dma_wait3A_637] : memref<12x128x16xf32, #tpu.memory_space<vmem>> -> memref<1x128x16xf32, #tpu.memory_space<vmem>>
        %dma_wait3A_639 = tpu.memref_squeeze %dma_wait3A_638 : memref<1x128x16xf32, #tpu.memory_space<vmem>> -> memref<128x16xf32, #tpu.memory_space<vmem>>
        %dma_wait3A_640 = arith.constant 0 : i32
        %dma_wait3A_641 = tpu.memref_slice %arg10[%dma_wait3A_635, %dma_wait3A_640] : memref<12x128xi32, #tpu.memory_space<vmem>> -> memref<1x128xi32, #tpu.memory_space<vmem>>
        %dma_wait3A_642 = tpu.memref_squeeze %dma_wait3A_641 : memref<1x128xi32, #tpu.memory_space<vmem>> -> memref<128xi32, #tpu.memory_space<vmem>>
        %dma_wait3A_643 = arith.constant 0 : i32
        %dma_wait3A_644 = arith.constant 0 : i32
        %dma_wait3A_645 = tpu.memref_slice %arg7[%dma_wait3A_643, %dma_wait3A_644] : memref<100352x16xf32, #tpu.memory_space<vmem_shared>> -> memref<100352x16xf32, #tpu.memory_space<vmem_shared>>
        tpu.wait_indirect_dma semaphore(%arg14 : memref<!tpu.dma_semaphore, #tpu.memory_space<semaphore_mem>>) src(%dma_wait3A_639 : memref<128x16xf32, #tpu.memory_space<vmem>>) dst(%dma_wait3A_645 : memref<100352x16xf32, #tpu.memory_space<vmem_shared>>)
        %dma_wait3A_646 = arith.constant 3 : i32
        %dma_wait3A_647 = arith.constant 3 : i32
        %dma_wait3A_648 = arith.constant 0 : i32
        %dma_wait3A_649 = arith.constant 0 : i32
        %dma_wait3A_650 = tpu.memref_slice %arg11[%dma_wait3A_646, %dma_wait3A_648, %dma_wait3A_649] : memref<12x128x16xf32, #tpu.memory_space<vmem>> -> memref<1x128x16xf32, #tpu.memory_space<vmem>>
        %dma_wait3A_651 = tpu.memref_squeeze %dma_wait3A_650 : memref<1x128x16xf32, #tpu.memory_space<vmem>> -> memref<128x16xf32, #tpu.memory_space<vmem>>
        %dma_wait3A_652 = arith.constant 0 : i32
        %dma_wait3A_653 = tpu.memref_slice %arg10[%dma_wait3A_647, %dma_wait3A_652] : memref<12x128xi32, #tpu.memory_space<vmem>> -> memref<1x128xi32, #tpu.memory_space<vmem>>
        %dma_wait3A_654 = tpu.memref_squeeze %dma_wait3A_653 : memref<1x128xi32, #tpu.memory_space<vmem>> -> memref<128xi32, #tpu.memory_space<vmem>>
        %dma_wait3A_655 = arith.constant 0 : i32
        %dma_wait3A_656 = arith.constant 0 : i32
        %dma_wait3A_657 = tpu.memref_slice %arg7[%dma_wait3A_655, %dma_wait3A_656] : memref<100352x16xf32, #tpu.memory_space<vmem_shared>> -> memref<100352x16xf32, #tpu.memory_space<vmem_shared>>
        tpu.wait_indirect_dma semaphore(%arg14 : memref<!tpu.dma_semaphore, #tpu.memory_space<semaphore_mem>>) src(%dma_wait3A_651 : memref<128x16xf32, #tpu.memory_space<vmem>>) dst(%dma_wait3A_657 : memref<100352x16xf32, #tpu.memory_space<vmem_shared>>)
        %dma_wait3A_658 = arith.constant 4 : i32
        %dma_wait3A_659 = arith.constant 4 : i32
        %dma_wait3A_660 = arith.constant 0 : i32
        %dma_wait3A_661 = arith.constant 0 : i32
        %dma_wait3A_662 = tpu.memref_slice %arg11[%dma_wait3A_658, %dma_wait3A_660, %dma_wait3A_661] : memref<12x128x16xf32, #tpu.memory_space<vmem>> -> memref<1x128x16xf32, #tpu.memory_space<vmem>>
        %dma_wait3A_663 = tpu.memref_squeeze %dma_wait3A_662 : memref<1x128x16xf32, #tpu.memory_space<vmem>> -> memref<128x16xf32, #tpu.memory_space<vmem>>
        %dma_wait3A_664 = arith.constant 0 : i32
        %dma_wait3A_665 = tpu.memref_slice %arg10[%dma_wait3A_659, %dma_wait3A_664] : memref<12x128xi32, #tpu.memory_space<vmem>> -> memref<1x128xi32, #tpu.memory_space<vmem>>
        %dma_wait3A_666 = tpu.memref_squeeze %dma_wait3A_665 : memref<1x128xi32, #tpu.memory_space<vmem>> -> memref<128xi32, #tpu.memory_space<vmem>>
        %dma_wait3A_667 = arith.constant 0 : i32
        %dma_wait3A_668 = arith.constant 0 : i32
        %dma_wait3A_669 = tpu.memref_slice %arg7[%dma_wait3A_667, %dma_wait3A_668] : memref<100352x16xf32, #tpu.memory_space<vmem_shared>> -> memref<100352x16xf32, #tpu.memory_space<vmem_shared>>
        tpu.wait_indirect_dma semaphore(%arg14 : memref<!tpu.dma_semaphore, #tpu.memory_space<semaphore_mem>>) src(%dma_wait3A_663 : memref<128x16xf32, #tpu.memory_space<vmem>>) dst(%dma_wait3A_669 : memref<100352x16xf32, #tpu.memory_space<vmem_shared>>)
        %dma_wait3A_670 = arith.constant 5 : i32
        %dma_wait3A_671 = arith.constant 5 : i32
        %dma_wait3A_672 = arith.constant 0 : i32
        %dma_wait3A_673 = arith.constant 0 : i32
        %dma_wait3A_674 = tpu.memref_slice %arg11[%dma_wait3A_670, %dma_wait3A_672, %dma_wait3A_673] : memref<12x128x16xf32, #tpu.memory_space<vmem>> -> memref<1x128x16xf32, #tpu.memory_space<vmem>>
        %dma_wait3A_675 = tpu.memref_squeeze %dma_wait3A_674 : memref<1x128x16xf32, #tpu.memory_space<vmem>> -> memref<128x16xf32, #tpu.memory_space<vmem>>
        %dma_wait3A_676 = arith.constant 0 : i32
        %dma_wait3A_677 = tpu.memref_slice %arg10[%dma_wait3A_671, %dma_wait3A_676] : memref<12x128xi32, #tpu.memory_space<vmem>> -> memref<1x128xi32, #tpu.memory_space<vmem>>
        %dma_wait3A_678 = tpu.memref_squeeze %dma_wait3A_677 : memref<1x128xi32, #tpu.memory_space<vmem>> -> memref<128xi32, #tpu.memory_space<vmem>>
        %dma_wait3A_679 = arith.constant 0 : i32
        %dma_wait3A_680 = arith.constant 0 : i32
        %dma_wait3A_681 = tpu.memref_slice %arg7[%dma_wait3A_679, %dma_wait3A_680] : memref<100352x16xf32, #tpu.memory_space<vmem_shared>> -> memref<100352x16xf32, #tpu.memory_space<vmem_shared>>
        tpu.wait_indirect_dma semaphore(%arg14 : memref<!tpu.dma_semaphore, #tpu.memory_space<semaphore_mem>>) src(%dma_wait3A_675 : memref<128x16xf32, #tpu.memory_space<vmem>>) dst(%dma_wait3A_681 : memref<100352x16xf32, #tpu.memory_space<vmem_shared>>)
        %dma_wait3A_682 = arith.constant 6 : i32
        %dma_wait3A_683 = arith.constant 6 : i32
        %dma_wait3A_684 = arith.constant 0 : i32
        %dma_wait3A_685 = arith.constant 0 : i32
        %dma_wait3A_686 = tpu.memref_slice %arg11[%dma_wait3A_682, %dma_wait3A_684, %dma_wait3A_685] : memref<12x128x16xf32, #tpu.memory_space<vmem>> -> memref<1x128x16xf32, #tpu.memory_space<vmem>>
        %dma_wait3A_687 = tpu.memref_squeeze %dma_wait3A_686 : memref<1x128x16xf32, #tpu.memory_space<vmem>> -> memref<128x16xf32, #tpu.memory_space<vmem>>
        %dma_wait3A_688 = arith.constant 0 : i32
        %dma_wait3A_689 = tpu.memref_slice %arg10[%dma_wait3A_683, %dma_wait3A_688] : memref<12x128xi32, #tpu.memory_space<vmem>> -> memref<1x128xi32, #tpu.memory_space<vmem>>
        %dma_wait3A_690 = tpu.memref_squeeze %dma_wait3A_689 : memref<1x128xi32, #tpu.memory_space<vmem>> -> memref<128xi32, #tpu.memory_space<vmem>>
        %dma_wait3A_691 = arith.constant 0 : i32
        %dma_wait3A_692 = arith.constant 0 : i32
        %dma_wait3A_693 = tpu.memref_slice %arg7[%dma_wait3A_691, %dma_wait3A_692] : memref<100352x16xf32, #tpu.memory_space<vmem_shared>> -> memref<100352x16xf32, #tpu.memory_space<vmem_shared>>
        tpu.wait_indirect_dma semaphore(%arg14 : memref<!tpu.dma_semaphore, #tpu.memory_space<semaphore_mem>>) src(%dma_wait3A_687 : memref<128x16xf32, #tpu.memory_space<vmem>>) dst(%dma_wait3A_693 : memref<100352x16xf32, #tpu.memory_space<vmem_shared>>)
        %dma_wait3A_694 = arith.constant 7 : i32
        %dma_wait3A_695 = arith.constant 7 : i32
        %dma_wait3A_696 = arith.constant 0 : i32
        %dma_wait3A_697 = arith.constant 0 : i32
        %dma_wait3A_698 = tpu.memref_slice %arg11[%dma_wait3A_694, %dma_wait3A_696, %dma_wait3A_697] : memref<12x128x16xf32, #tpu.memory_space<vmem>> -> memref<1x128x16xf32, #tpu.memory_space<vmem>>
        %dma_wait3A_699 = tpu.memref_squeeze %dma_wait3A_698 : memref<1x128x16xf32, #tpu.memory_space<vmem>> -> memref<128x16xf32, #tpu.memory_space<vmem>>
        %dma_wait3A_700 = arith.constant 0 : i32
        %dma_wait3A_701 = tpu.memref_slice %arg10[%dma_wait3A_695, %dma_wait3A_700] : memref<12x128xi32, #tpu.memory_space<vmem>> -> memref<1x128xi32, #tpu.memory_space<vmem>>
        %dma_wait3A_702 = tpu.memref_squeeze %dma_wait3A_701 : memref<1x128xi32, #tpu.memory_space<vmem>> -> memref<128xi32, #tpu.memory_space<vmem>>
        %dma_wait3A_703 = arith.constant 0 : i32
        %dma_wait3A_704 = arith.constant 0 : i32
        %dma_wait3A_705 = tpu.memref_slice %arg7[%dma_wait3A_703, %dma_wait3A_704] : memref<100352x16xf32, #tpu.memory_space<vmem_shared>> -> memref<100352x16xf32, #tpu.memory_space<vmem_shared>>
        tpu.wait_indirect_dma semaphore(%arg14 : memref<!tpu.dma_semaphore, #tpu.memory_space<semaphore_mem>>) src(%dma_wait3A_699 : memref<128x16xf32, #tpu.memory_space<vmem>>) dst(%dma_wait3A_705 : memref<100352x16xf32, #tpu.memory_space<vmem_shared>>)
        %dma_wait3A_706 = arith.constant 8 : i32
        %dma_wait3A_707 = arith.constant 8 : i32
        %dma_wait3A_708 = arith.constant 0 : i32
        %dma_wait3A_709 = arith.constant 0 : i32
        %dma_wait3A_710 = tpu.memref_slice %arg11[%dma_wait3A_706, %dma_wait3A_708, %dma_wait3A_709] : memref<12x128x16xf32, #tpu.memory_space<vmem>> -> memref<1x128x16xf32, #tpu.memory_space<vmem>>
        %dma_wait3A_711 = tpu.memref_squeeze %dma_wait3A_710 : memref<1x128x16xf32, #tpu.memory_space<vmem>> -> memref<128x16xf32, #tpu.memory_space<vmem>>
        %dma_wait3A_712 = arith.constant 0 : i32
        %dma_wait3A_713 = tpu.memref_slice %arg10[%dma_wait3A_707, %dma_wait3A_712] : memref<12x128xi32, #tpu.memory_space<vmem>> -> memref<1x128xi32, #tpu.memory_space<vmem>>
        %dma_wait3A_714 = tpu.memref_squeeze %dma_wait3A_713 : memref<1x128xi32, #tpu.memory_space<vmem>> -> memref<128xi32, #tpu.memory_space<vmem>>
        %dma_wait3A_715 = arith.constant 0 : i32
        %dma_wait3A_716 = arith.constant 0 : i32
        %dma_wait3A_717 = tpu.memref_slice %arg7[%dma_wait3A_715, %dma_wait3A_716] : memref<100352x16xf32, #tpu.memory_space<vmem_shared>> -> memref<100352x16xf32, #tpu.memory_space<vmem_shared>>
        tpu.wait_indirect_dma semaphore(%arg14 : memref<!tpu.dma_semaphore, #tpu.memory_space<semaphore_mem>>) src(%dma_wait3A_711 : memref<128x16xf32, #tpu.memory_space<vmem>>) dst(%dma_wait3A_717 : memref<100352x16xf32, #tpu.memory_space<vmem_shared>>)
        %dma_wait3A_718 = arith.constant 9 : i32
        %dma_wait3A_719 = arith.constant 9 : i32
        %dma_wait3A_720 = arith.constant 0 : i32
        %dma_wait3A_721 = arith.constant 0 : i32
        %dma_wait3A_722 = tpu.memref_slice %arg11[%dma_wait3A_718, %dma_wait3A_720, %dma_wait3A_721] : memref<12x128x16xf32, #tpu.memory_space<vmem>> -> memref<1x128x16xf32, #tpu.memory_space<vmem>>
        %dma_wait3A_723 = tpu.memref_squeeze %dma_wait3A_722 : memref<1x128x16xf32, #tpu.memory_space<vmem>> -> memref<128x16xf32, #tpu.memory_space<vmem>>
        %dma_wait3A_724 = arith.constant 0 : i32
        %dma_wait3A_725 = tpu.memref_slice %arg10[%dma_wait3A_719, %dma_wait3A_724] : memref<12x128xi32, #tpu.memory_space<vmem>> -> memref<1x128xi32, #tpu.memory_space<vmem>>
        %dma_wait3A_726 = tpu.memref_squeeze %dma_wait3A_725 : memref<1x128xi32, #tpu.memory_space<vmem>> -> memref<128xi32, #tpu.memory_space<vmem>>
        %dma_wait3A_727 = arith.constant 0 : i32
        %dma_wait3A_728 = arith.constant 0 : i32
        %dma_wait3A_729 = tpu.memref_slice %arg7[%dma_wait3A_727, %dma_wait3A_728] : memref<100352x16xf32, #tpu.memory_space<vmem_shared>> -> memref<100352x16xf32, #tpu.memory_space<vmem_shared>>
        tpu.wait_indirect_dma semaphore(%arg14 : memref<!tpu.dma_semaphore, #tpu.memory_space<semaphore_mem>>) src(%dma_wait3A_723 : memref<128x16xf32, #tpu.memory_space<vmem>>) dst(%dma_wait3A_729 : memref<100352x16xf32, #tpu.memory_space<vmem_shared>>)
        %dma_wait3A_730 = arith.constant 10 : i32
        %dma_wait3A_731 = arith.constant 10 : i32
        %dma_wait3A_732 = arith.constant 0 : i32
        %dma_wait3A_733 = arith.constant 0 : i32
        %dma_wait3A_734 = tpu.memref_slice %arg11[%dma_wait3A_730, %dma_wait3A_732, %dma_wait3A_733] : memref<12x128x16xf32, #tpu.memory_space<vmem>> -> memref<1x128x16xf32, #tpu.memory_space<vmem>>
        %dma_wait3A_735 = tpu.memref_squeeze %dma_wait3A_734 : memref<1x128x16xf32, #tpu.memory_space<vmem>> -> memref<128x16xf32, #tpu.memory_space<vmem>>
        %dma_wait3A_736 = arith.constant 0 : i32
        %dma_wait3A_737 = tpu.memref_slice %arg10[%dma_wait3A_731, %dma_wait3A_736] : memref<12x128xi32, #tpu.memory_space<vmem>> -> memref<1x128xi32, #tpu.memory_space<vmem>>
        %dma_wait3A_738 = tpu.memref_squeeze %dma_wait3A_737 : memref<1x128xi32, #tpu.memory_space<vmem>> -> memref<128xi32, #tpu.memory_space<vmem>>
        %dma_wait3A_739 = arith.constant 0 : i32
        %dma_wait3A_740 = arith.constant 0 : i32
        %dma_wait3A_741 = tpu.memref_slice %arg7[%dma_wait3A_739, %dma_wait3A_740] : memref<100352x16xf32, #tpu.memory_space<vmem_shared>> -> memref<100352x16xf32, #tpu.memory_space<vmem_shared>>
        tpu.wait_indirect_dma semaphore(%arg14 : memref<!tpu.dma_semaphore, #tpu.memory_space<semaphore_mem>>) src(%dma_wait3A_735 : memref<128x16xf32, #tpu.memory_space<vmem>>) dst(%dma_wait3A_741 : memref<100352x16xf32, #tpu.memory_space<vmem_shared>>)
        %dma_wait3A_742 = arith.constant 11 : i32
        %dma_wait3A_743 = arith.constant 11 : i32
        %dma_wait3A_744 = arith.constant 0 : i32
        %dma_wait3A_745 = arith.constant 0 : i32
        %dma_wait3A_746 = tpu.memref_slice %arg11[%dma_wait3A_742, %dma_wait3A_744, %dma_wait3A_745] : memref<12x128x16xf32, #tpu.memory_space<vmem>> -> memref<1x128x16xf32, #tpu.memory_space<vmem>>
        %dma_wait3A_747 = tpu.memref_squeeze %dma_wait3A_746 : memref<1x128x16xf32, #tpu.memory_space<vmem>> -> memref<128x16xf32, #tpu.memory_space<vmem>>
        %dma_wait3A_748 = arith.constant 0 : i32
        %dma_wait3A_749 = tpu.memref_slice %arg10[%dma_wait3A_743, %dma_wait3A_748] : memref<12x128xi32, #tpu.memory_space<vmem>> -> memref<1x128xi32, #tpu.memory_space<vmem>>
        %dma_wait3A_750 = tpu.memref_squeeze %dma_wait3A_749 : memref<1x128xi32, #tpu.memory_space<vmem>> -> memref<128xi32, #tpu.memory_space<vmem>>
        %dma_wait3A_751 = arith.constant 0 : i32
        %dma_wait3A_752 = arith.constant 0 : i32
        %dma_wait3A_753 = tpu.memref_slice %arg7[%dma_wait3A_751, %dma_wait3A_752] : memref<100352x16xf32, #tpu.memory_space<vmem_shared>> -> memref<100352x16xf32, #tpu.memory_space<vmem_shared>>
        tpu.wait_indirect_dma semaphore(%arg14 : memref<!tpu.dma_semaphore, #tpu.memory_space<semaphore_mem>>) src(%dma_wait3A_747 : memref<128x16xf32, #tpu.memory_space<vmem>>) dst(%dma_wait3A_753 : memref<100352x16xf32, #tpu.memory_space<vmem_shared>>)
      } else {
      }
      %dma_start3A = arith.constant 0 : i32
      %dma_start3A_163 = tpu.memref_slice %arg3[%add3A_160, %dma_start3A] : memref<50688x128xi32, #tpu.memory_space<hbm>> -> memref<12x128xi32, #tpu.memory_space<hbm>>
      %dma_start3A_164 = arith.constant 0 : i32
      %dma_start3A_165 = tpu.memref_slice %arg3[%add3A_160, %dma_start3A_164] : memref<50688x128xi32, #tpu.memory_space<hbm>> -> memref<12x128xi32, #tpu.memory_space<hbm>>
      tpu.enqueue_dma source(%dma_start3A_165 : memref<12x128xi32, #tpu.memory_space<hbm>>) target(%arg9 : memref<12x128xi32, #tpu.memory_space<vmem>>) target_semaphore(%arg12 : memref<!tpu.dma_semaphore, #tpu.memory_space<semaphore_mem>>)
      %dma_start3A_166 = arith.constant 0 : i32
      %dma_start3A_167 = tpu.memref_slice %arg4[%add3A_160, %dma_start3A_166] : memref<50688x128xi32, #tpu.memory_space<hbm>> -> memref<12x128xi32, #tpu.memory_space<hbm>>
      %dma_start3A_168 = arith.constant 0 : i32
      %dma_start3A_169 = tpu.memref_slice %arg4[%add3A_160, %dma_start3A_168] : memref<50688x128xi32, #tpu.memory_space<hbm>> -> memref<12x128xi32, #tpu.memory_space<hbm>>
      tpu.enqueue_dma source(%dma_start3A_169 : memref<12x128xi32, #tpu.memory_space<hbm>>) target(%arg10 : memref<12x128xi32, #tpu.memory_space<vmem>>) target_semaphore(%arg12 : memref<!tpu.dma_semaphore, #tpu.memory_space<semaphore_mem>>)
      %dma_wait3A_170 = arith.constant 0 : i32
      %dma_wait3A_171 = tpu.memref_slice %arg3[%add3A_160, %dma_wait3A_170] : memref<50688x128xi32, #tpu.memory_space<hbm>> -> memref<12x128xi32, #tpu.memory_space<hbm>>
      %dma_wait3A_172 = arith.constant 0 : i32
      %dma_wait3A_173 = tpu.memref_slice %arg3[%add3A_160, %dma_wait3A_172] : memref<50688x128xi32, #tpu.memory_space<hbm>> -> memref<12x128xi32, #tpu.memory_space<hbm>>
      tpu.wait_dma2 semaphore(%arg12 : memref<!tpu.dma_semaphore, #tpu.memory_space<semaphore_mem>>) src(%dma_wait3A_173 : memref<12x128xi32, #tpu.memory_space<hbm>>) dst(%arg9 : memref<12x128xi32, #tpu.memory_space<vmem>>)
      %dma_wait3A_174 = arith.constant 0 : i32
      %dma_wait3A_175 = tpu.memref_slice %arg4[%add3A_160, %dma_wait3A_174] : memref<50688x128xi32, #tpu.memory_space<hbm>> -> memref<12x128xi32, #tpu.memory_space<hbm>>
      %dma_wait3A_176 = arith.constant 0 : i32
      %dma_wait3A_177 = tpu.memref_slice %arg4[%add3A_160, %dma_wait3A_176] : memref<50688x128xi32, #tpu.memory_space<hbm>> -> memref<12x128xi32, #tpu.memory_space<hbm>>
      tpu.wait_dma2 semaphore(%arg12 : memref<!tpu.dma_semaphore, #tpu.memory_space<semaphore_mem>>) src(%dma_wait3A_177 : memref<12x128xi32, #tpu.memory_space<hbm>>) dst(%arg10 : memref<12x128xi32, #tpu.memory_space<vmem>>)
      %dma_start3A_178 = arith.constant 0 : i32
      %dma_start3A_179 = arith.constant 0 : i32
      %dma_start3A_180 = arith.constant 0 : i32
      %dma_start3A_181 = arith.constant 0 : i32
      %dma_start3A_182 = tpu.memref_slice %arg11[%dma_start3A_179, %dma_start3A_180, %dma_start3A_181] : memref<12x128x16xf32, #tpu.memory_space<vmem>> -> memref<1x128x16xf32, #tpu.memory_space<vmem>>
      %dma_start3A_183 = tpu.memref_squeeze %dma_start3A_182 : memref<1x128x16xf32, #tpu.memory_space<vmem>> -> memref<128x16xf32, #tpu.memory_space<vmem>>
      %dma_start3A_184 = arith.constant 0 : i32
      %dma_start3A_185 = tpu.memref_slice %arg9[%dma_start3A_178, %dma_start3A_184] : memref<12x128xi32, #tpu.memory_space<vmem>> -> memref<1x128xi32, #tpu.memory_space<vmem>>
      %dma_start3A_186 = tpu.memref_squeeze %dma_start3A_185 : memref<1x128xi32, #tpu.memory_space<vmem>> -> memref<128xi32, #tpu.memory_space<vmem>>
      %dma_start3A_187 = arith.constant 0 : i32
      %dma_start3A_188 = arith.constant 0 : i32
      %dma_start3A_189 = tpu.memref_slice %arg2[%dma_start3A_187, %dma_start3A_188] : memref<100352x16xf32, #tpu.memory_space<hbm>> -> memref<100352x16xf32, #tpu.memory_space<hbm>>
      tpu.enqueue_indirect_dma source(%dma_start3A_189 : memref<100352x16xf32, #tpu.memory_space<hbm>>) target(%dma_start3A_183 : memref<128x16xf32, #tpu.memory_space<vmem>>) offsets(%dma_start3A_186 : memref<128xi32, #tpu.memory_space<vmem>>) semaphore(%arg13 : memref<!tpu.dma_semaphore, #tpu.memory_space<semaphore_mem>>)
      %dma_start3A_190 = arith.constant 1 : i32
      %dma_start3A_191 = arith.constant 1 : i32
      %dma_start3A_192 = arith.constant 0 : i32
      %dma_start3A_193 = arith.constant 0 : i32
      %dma_start3A_194 = tpu.memref_slice %arg11[%dma_start3A_191, %dma_start3A_192, %dma_start3A_193] : memref<12x128x16xf32, #tpu.memory_space<vmem>> -> memref<1x128x16xf32, #tpu.memory_space<vmem>>
      %dma_start3A_195 = tpu.memref_squeeze %dma_start3A_194 : memref<1x128x16xf32, #tpu.memory_space<vmem>> -> memref<128x16xf32, #tpu.memory_space<vmem>>
      %dma_start3A_196 = arith.constant 0 : i32
      %dma_start3A_197 = tpu.memref_slice %arg9[%dma_start3A_190, %dma_start3A_196] : memref<12x128xi32, #tpu.memory_space<vmem>> -> memref<1x128xi32, #tpu.memory_space<vmem>>
      %dma_start3A_198 = tpu.memref_squeeze %dma_start3A_197 : memref<1x128xi32, #tpu.memory_space<vmem>> -> memref<128xi32, #tpu.memory_space<vmem>>
      %dma_start3A_199 = arith.constant 0 : i32
      %dma_start3A_200 = arith.constant 0 : i32
      %dma_start3A_201 = tpu.memref_slice %arg2[%dma_start3A_199, %dma_start3A_200] : memref<100352x16xf32, #tpu.memory_space<hbm>> -> memref<100352x16xf32, #tpu.memory_space<hbm>>
      tpu.enqueue_indirect_dma source(%dma_start3A_201 : memref<100352x16xf32, #tpu.memory_space<hbm>>) target(%dma_start3A_195 : memref<128x16xf32, #tpu.memory_space<vmem>>) offsets(%dma_start3A_198 : memref<128xi32, #tpu.memory_space<vmem>>) semaphore(%arg13 : memref<!tpu.dma_semaphore, #tpu.memory_space<semaphore_mem>>)
      %dma_start3A_202 = arith.constant 2 : i32
      %dma_start3A_203 = arith.constant 2 : i32
      %dma_start3A_204 = arith.constant 0 : i32
      %dma_start3A_205 = arith.constant 0 : i32
      %dma_start3A_206 = tpu.memref_slice %arg11[%dma_start3A_203, %dma_start3A_204, %dma_start3A_205] : memref<12x128x16xf32, #tpu.memory_space<vmem>> -> memref<1x128x16xf32, #tpu.memory_space<vmem>>
      %dma_start3A_207 = tpu.memref_squeeze %dma_start3A_206 : memref<1x128x16xf32, #tpu.memory_space<vmem>> -> memref<128x16xf32, #tpu.memory_space<vmem>>
      %dma_start3A_208 = arith.constant 0 : i32
      %dma_start3A_209 = tpu.memref_slice %arg9[%dma_start3A_202, %dma_start3A_208] : memref<12x128xi32, #tpu.memory_space<vmem>> -> memref<1x128xi32, #tpu.memory_space<vmem>>
      %dma_start3A_210 = tpu.memref_squeeze %dma_start3A_209 : memref<1x128xi32, #tpu.memory_space<vmem>> -> memref<128xi32, #tpu.memory_space<vmem>>
      %dma_start3A_211 = arith.constant 0 : i32
      %dma_start3A_212 = arith.constant 0 : i32
      %dma_start3A_213 = tpu.memref_slice %arg2[%dma_start3A_211, %dma_start3A_212] : memref<100352x16xf32, #tpu.memory_space<hbm>> -> memref<100352x16xf32, #tpu.memory_space<hbm>>
      tpu.enqueue_indirect_dma source(%dma_start3A_213 : memref<100352x16xf32, #tpu.memory_space<hbm>>) target(%dma_start3A_207 : memref<128x16xf32, #tpu.memory_space<vmem>>) offsets(%dma_start3A_210 : memref<128xi32, #tpu.memory_space<vmem>>) semaphore(%arg13 : memref<!tpu.dma_semaphore, #tpu.memory_space<semaphore_mem>>)
      %dma_start3A_214 = arith.constant 3 : i32
      %dma_start3A_215 = arith.constant 3 : i32
      %dma_start3A_216 = arith.constant 0 : i32
      %dma_start3A_217 = arith.constant 0 : i32
      %dma_start3A_218 = tpu.memref_slice %arg11[%dma_start3A_215, %dma_start3A_216, %dma_start3A_217] : memref<12x128x16xf32, #tpu.memory_space<vmem>> -> memref<1x128x16xf32, #tpu.memory_space<vmem>>
      %dma_start3A_219 = tpu.memref_squeeze %dma_start3A_218 : memref<1x128x16xf32, #tpu.memory_space<vmem>> -> memref<128x16xf32, #tpu.memory_space<vmem>>
      %dma_start3A_220 = arith.constant 0 : i32
      %dma_start3A_221 = tpu.memref_slice %arg9[%dma_start3A_214, %dma_start3A_220] : memref<12x128xi32, #tpu.memory_space<vmem>> -> memref<1x128xi32, #tpu.memory_space<vmem>>
      %dma_start3A_222 = tpu.memref_squeeze %dma_start3A_221 : memref<1x128xi32, #tpu.memory_space<vmem>> -> memref<128xi32, #tpu.memory_space<vmem>>
      %dma_start3A_223 = arith.constant 0 : i32
      %dma_start3A_224 = arith.constant 0 : i32
      %dma_start3A_225 = tpu.memref_slice %arg2[%dma_start3A_223, %dma_start3A_224] : memref<100352x16xf32, #tpu.memory_space<hbm>> -> memref<100352x16xf32, #tpu.memory_space<hbm>>
      tpu.enqueue_indirect_dma source(%dma_start3A_225 : memref<100352x16xf32, #tpu.memory_space<hbm>>) target(%dma_start3A_219 : memref<128x16xf32, #tpu.memory_space<vmem>>) offsets(%dma_start3A_222 : memref<128xi32, #tpu.memory_space<vmem>>) semaphore(%arg13 : memref<!tpu.dma_semaphore, #tpu.memory_space<semaphore_mem>>)
      %dma_start3A_226 = arith.constant 4 : i32
      %dma_start3A_227 = arith.constant 4 : i32
      %dma_start3A_228 = arith.constant 0 : i32
      %dma_start3A_229 = arith.constant 0 : i32
      %dma_start3A_230 = tpu.memref_slice %arg11[%dma_start3A_227, %dma_start3A_228, %dma_start3A_229] : memref<12x128x16xf32, #tpu.memory_space<vmem>> -> memref<1x128x16xf32, #tpu.memory_space<vmem>>
      %dma_start3A_231 = tpu.memref_squeeze %dma_start3A_230 : memref<1x128x16xf32, #tpu.memory_space<vmem>> -> memref<128x16xf32, #tpu.memory_space<vmem>>
      %dma_start3A_232 = arith.constant 0 : i32
      %dma_start3A_233 = tpu.memref_slice %arg9[%dma_start3A_226, %dma_start3A_232] : memref<12x128xi32, #tpu.memory_space<vmem>> -> memref<1x128xi32, #tpu.memory_space<vmem>>
      %dma_start3A_234 = tpu.memref_squeeze %dma_start3A_233 : memref<1x128xi32, #tpu.memory_space<vmem>> -> memref<128xi32, #tpu.memory_space<vmem>>
      %dma_start3A_235 = arith.constant 0 : i32
      %dma_start3A_236 = arith.constant 0 : i32
      %dma_start3A_237 = tpu.memref_slice %arg2[%dma_start3A_235, %dma_start3A_236] : memref<100352x16xf32, #tpu.memory_space<hbm>> -> memref<100352x16xf32, #tpu.memory_space<hbm>>
      tpu.enqueue_indirect_dma source(%dma_start3A_237 : memref<100352x16xf32, #tpu.memory_space<hbm>>) target(%dma_start3A_231 : memref<128x16xf32, #tpu.memory_space<vmem>>) offsets(%dma_start3A_234 : memref<128xi32, #tpu.memory_space<vmem>>) semaphore(%arg13 : memref<!tpu.dma_semaphore, #tpu.memory_space<semaphore_mem>>)
      %dma_start3A_238 = arith.constant 5 : i32
      %dma_start3A_239 = arith.constant 5 : i32
      %dma_start3A_240 = arith.constant 0 : i32
      %dma_start3A_241 = arith.constant 0 : i32
      %dma_start3A_242 = tpu.memref_slice %arg11[%dma_start3A_239, %dma_start3A_240, %dma_start3A_241] : memref<12x128x16xf32, #tpu.memory_space<vmem>> -> memref<1x128x16xf32, #tpu.memory_space<vmem>>
      %dma_start3A_243 = tpu.memref_squeeze %dma_start3A_242 : memref<1x128x16xf32, #tpu.memory_space<vmem>> -> memref<128x16xf32, #tpu.memory_space<vmem>>
      %dma_start3A_244 = arith.constant 0 : i32
      %dma_start3A_245 = tpu.memref_slice %arg9[%dma_start3A_238, %dma_start3A_244] : memref<12x128xi32, #tpu.memory_space<vmem>> -> memref<1x128xi32, #tpu.memory_space<vmem>>
      %dma_start3A_246 = tpu.memref_squeeze %dma_start3A_245 : memref<1x128xi32, #tpu.memory_space<vmem>> -> memref<128xi32, #tpu.memory_space<vmem>>
      %dma_start3A_247 = arith.constant 0 : i32
      %dma_start3A_248 = arith.constant 0 : i32
      %dma_start3A_249 = tpu.memref_slice %arg2[%dma_start3A_247, %dma_start3A_248] : memref<100352x16xf32, #tpu.memory_space<hbm>> -> memref<100352x16xf32, #tpu.memory_space<hbm>>
      tpu.enqueue_indirect_dma source(%dma_start3A_249 : memref<100352x16xf32, #tpu.memory_space<hbm>>) target(%dma_start3A_243 : memref<128x16xf32, #tpu.memory_space<vmem>>) offsets(%dma_start3A_246 : memref<128xi32, #tpu.memory_space<vmem>>) semaphore(%arg13 : memref<!tpu.dma_semaphore, #tpu.memory_space<semaphore_mem>>)
      %dma_start3A_250 = arith.constant 6 : i32
      %dma_start3A_251 = arith.constant 6 : i32
      %dma_start3A_252 = arith.constant 0 : i32
      %dma_start3A_253 = arith.constant 0 : i32
      %dma_start3A_254 = tpu.memref_slice %arg11[%dma_start3A_251, %dma_start3A_252, %dma_start3A_253] : memref<12x128x16xf32, #tpu.memory_space<vmem>> -> memref<1x128x16xf32, #tpu.memory_space<vmem>>
      %dma_start3A_255 = tpu.memref_squeeze %dma_start3A_254 : memref<1x128x16xf32, #tpu.memory_space<vmem>> -> memref<128x16xf32, #tpu.memory_space<vmem>>
      %dma_start3A_256 = arith.constant 0 : i32
      %dma_start3A_257 = tpu.memref_slice %arg9[%dma_start3A_250, %dma_start3A_256] : memref<12x128xi32, #tpu.memory_space<vmem>> -> memref<1x128xi32, #tpu.memory_space<vmem>>
      %dma_start3A_258 = tpu.memref_squeeze %dma_start3A_257 : memref<1x128xi32, #tpu.memory_space<vmem>> -> memref<128xi32, #tpu.memory_space<vmem>>
      %dma_start3A_259 = arith.constant 0 : i32
      %dma_start3A_260 = arith.constant 0 : i32
      %dma_start3A_261 = tpu.memref_slice %arg2[%dma_start3A_259, %dma_start3A_260] : memref<100352x16xf32, #tpu.memory_space<hbm>> -> memref<100352x16xf32, #tpu.memory_space<hbm>>
      tpu.enqueue_indirect_dma source(%dma_start3A_261 : memref<100352x16xf32, #tpu.memory_space<hbm>>) target(%dma_start3A_255 : memref<128x16xf32, #tpu.memory_space<vmem>>) offsets(%dma_start3A_258 : memref<128xi32, #tpu.memory_space<vmem>>) semaphore(%arg13 : memref<!tpu.dma_semaphore, #tpu.memory_space<semaphore_mem>>)
      %dma_start3A_262 = arith.constant 7 : i32
      %dma_start3A_263 = arith.constant 7 : i32
      %dma_start3A_264 = arith.constant 0 : i32
      %dma_start3A_265 = arith.constant 0 : i32
      %dma_start3A_266 = tpu.memref_slice %arg11[%dma_start3A_263, %dma_start3A_264, %dma_start3A_265] : memref<12x128x16xf32, #tpu.memory_space<vmem>> -> memref<1x128x16xf32, #tpu.memory_space<vmem>>
      %dma_start3A_267 = tpu.memref_squeeze %dma_start3A_266 : memref<1x128x16xf32, #tpu.memory_space<vmem>> -> memref<128x16xf32, #tpu.memory_space<vmem>>
      %dma_start3A_268 = arith.constant 0 : i32
      %dma_start3A_269 = tpu.memref_slice %arg9[%dma_start3A_262, %dma_start3A_268] : memref<12x128xi32, #tpu.memory_space<vmem>> -> memref<1x128xi32, #tpu.memory_space<vmem>>
      %dma_start3A_270 = tpu.memref_squeeze %dma_start3A_269 : memref<1x128xi32, #tpu.memory_space<vmem>> -> memref<128xi32, #tpu.memory_space<vmem>>
      %dma_start3A_271 = arith.constant 0 : i32
      %dma_start3A_272 = arith.constant 0 : i32
      %dma_start3A_273 = tpu.memref_slice %arg2[%dma_start3A_271, %dma_start3A_272] : memref<100352x16xf32, #tpu.memory_space<hbm>> -> memref<100352x16xf32, #tpu.memory_space<hbm>>
      tpu.enqueue_indirect_dma source(%dma_start3A_273 : memref<100352x16xf32, #tpu.memory_space<hbm>>) target(%dma_start3A_267 : memref<128x16xf32, #tpu.memory_space<vmem>>) offsets(%dma_start3A_270 : memref<128xi32, #tpu.memory_space<vmem>>) semaphore(%arg13 : memref<!tpu.dma_semaphore, #tpu.memory_space<semaphore_mem>>)
      %dma_start3A_274 = arith.constant 8 : i32
      %dma_start3A_275 = arith.constant 8 : i32
      %dma_start3A_276 = arith.constant 0 : i32
      %dma_start3A_277 = arith.constant 0 : i32
      %dma_start3A_278 = tpu.memref_slice %arg11[%dma_start3A_275, %dma_start3A_276, %dma_start3A_277] : memref<12x128x16xf32, #tpu.memory_space<vmem>> -> memref<1x128x16xf32, #tpu.memory_space<vmem>>
      %dma_start3A_279 = tpu.memref_squeeze %dma_start3A_278 : memref<1x128x16xf32, #tpu.memory_space<vmem>> -> memref<128x16xf32, #tpu.memory_space<vmem>>
      %dma_start3A_280 = arith.constant 0 : i32
      %dma_start3A_281 = tpu.memref_slice %arg9[%dma_start3A_274, %dma_start3A_280] : memref<12x128xi32, #tpu.memory_space<vmem>> -> memref<1x128xi32, #tpu.memory_space<vmem>>
      %dma_start3A_282 = tpu.memref_squeeze %dma_start3A_281 : memref<1x128xi32, #tpu.memory_space<vmem>> -> memref<128xi32, #tpu.memory_space<vmem>>
      %dma_start3A_283 = arith.constant 0 : i32
      %dma_start3A_284 = arith.constant 0 : i32
      %dma_start3A_285 = tpu.memref_slice %arg2[%dma_start3A_283, %dma_start3A_284] : memref<100352x16xf32, #tpu.memory_space<hbm>> -> memref<100352x16xf32, #tpu.memory_space<hbm>>
      tpu.enqueue_indirect_dma source(%dma_start3A_285 : memref<100352x16xf32, #tpu.memory_space<hbm>>) target(%dma_start3A_279 : memref<128x16xf32, #tpu.memory_space<vmem>>) offsets(%dma_start3A_282 : memref<128xi32, #tpu.memory_space<vmem>>) semaphore(%arg13 : memref<!tpu.dma_semaphore, #tpu.memory_space<semaphore_mem>>)
      %dma_start3A_286 = arith.constant 9 : i32
      %dma_start3A_287 = arith.constant 9 : i32
      %dma_start3A_288 = arith.constant 0 : i32
      %dma_start3A_289 = arith.constant 0 : i32
      %dma_start3A_290 = tpu.memref_slice %arg11[%dma_start3A_287, %dma_start3A_288, %dma_start3A_289] : memref<12x128x16xf32, #tpu.memory_space<vmem>> -> memref<1x128x16xf32, #tpu.memory_space<vmem>>
      %dma_start3A_291 = tpu.memref_squeeze %dma_start3A_290 : memref<1x128x16xf32, #tpu.memory_space<vmem>> -> memref<128x16xf32, #tpu.memory_space<vmem>>
      %dma_start3A_292 = arith.constant 0 : i32
      %dma_start3A_293 = tpu.memref_slice %arg9[%dma_start3A_286, %dma_start3A_292] : memref<12x128xi32, #tpu.memory_space<vmem>> -> memref<1x128xi32, #tpu.memory_space<vmem>>
      %dma_start3A_294 = tpu.memref_squeeze %dma_start3A_293 : memref<1x128xi32, #tpu.memory_space<vmem>> -> memref<128xi32, #tpu.memory_space<vmem>>
      %dma_start3A_295 = arith.constant 0 : i32
      %dma_start3A_296 = arith.constant 0 : i32
      %dma_start3A_297 = tpu.memref_slice %arg2[%dma_start3A_295, %dma_start3A_296] : memref<100352x16xf32, #tpu.memory_space<hbm>> -> memref<100352x16xf32, #tpu.memory_space<hbm>>
      tpu.enqueue_indirect_dma source(%dma_start3A_297 : memref<100352x16xf32, #tpu.memory_space<hbm>>) target(%dma_start3A_291 : memref<128x16xf32, #tpu.memory_space<vmem>>) offsets(%dma_start3A_294 : memref<128xi32, #tpu.memory_space<vmem>>) semaphore(%arg13 : memref<!tpu.dma_semaphore, #tpu.memory_space<semaphore_mem>>)
      %dma_start3A_298 = arith.constant 10 : i32
      %dma_start3A_299 = arith.constant 10 : i32
      %dma_start3A_300 = arith.constant 0 : i32
      %dma_start3A_301 = arith.constant 0 : i32
      %dma_start3A_302 = tpu.memref_slice %arg11[%dma_start3A_299, %dma_start3A_300, %dma_start3A_301] : memref<12x128x16xf32, #tpu.memory_space<vmem>> -> memref<1x128x16xf32, #tpu.memory_space<vmem>>
      %dma_start3A_303 = tpu.memref_squeeze %dma_start3A_302 : memref<1x128x16xf32, #tpu.memory_space<vmem>> -> memref<128x16xf32, #tpu.memory_space<vmem>>
      %dma_start3A_304 = arith.constant 0 : i32
      %dma_start3A_305 = tpu.memref_slice %arg9[%dma_start3A_298, %dma_start3A_304] : memref<12x128xi32, #tpu.memory_space<vmem>> -> memref<1x128xi32, #tpu.memory_space<vmem>>
      %dma_start3A_306 = tpu.memref_squeeze %dma_start3A_305 : memref<1x128xi32, #tpu.memory_space<vmem>> -> memref<128xi32, #tpu.memory_space<vmem>>
      %dma_start3A_307 = arith.constant 0 : i32
      %dma_start3A_308 = arith.constant 0 : i32
      %dma_start3A_309 = tpu.memref_slice %arg2[%dma_start3A_307, %dma_start3A_308] : memref<100352x16xf32, #tpu.memory_space<hbm>> -> memref<100352x16xf32, #tpu.memory_space<hbm>>
      tpu.enqueue_indirect_dma source(%dma_start3A_309 : memref<100352x16xf32, #tpu.memory_space<hbm>>) target(%dma_start3A_303 : memref<128x16xf32, #tpu.memory_space<vmem>>) offsets(%dma_start3A_306 : memref<128xi32, #tpu.memory_space<vmem>>) semaphore(%arg13 : memref<!tpu.dma_semaphore, #tpu.memory_space<semaphore_mem>>)
      %dma_start3A_310 = arith.constant 11 : i32
      %dma_start3A_311 = arith.constant 11 : i32
      %dma_start3A_312 = arith.constant 0 : i32
      %dma_start3A_313 = arith.constant 0 : i32
      %dma_start3A_314 = tpu.memref_slice %arg11[%dma_start3A_311, %dma_start3A_312, %dma_start3A_313] : memref<12x128x16xf32, #tpu.memory_space<vmem>> -> memref<1x128x16xf32, #tpu.memory_space<vmem>>
      %dma_start3A_315 = tpu.memref_squeeze %dma_start3A_314 : memref<1x128x16xf32, #tpu.memory_space<vmem>> -> memref<128x16xf32, #tpu.memory_space<vmem>>
      %dma_start3A_316 = arith.constant 0 : i32
      %dma_start3A_317 = tpu.memref_slice %arg9[%dma_start3A_310, %dma_start3A_316] : memref<12x128xi32, #tpu.memory_space<vmem>> -> memref<1x128xi32, #tpu.memory_space<vmem>>
      %dma_start3A_318 = tpu.memref_squeeze %dma_start3A_317 : memref<1x128xi32, #tpu.memory_space<vmem>> -> memref<128xi32, #tpu.memory_space<vmem>>
      %dma_start3A_319 = arith.constant 0 : i32
      %dma_start3A_320 = arith.constant 0 : i32
      %dma_start3A_321 = tpu.memref_slice %arg2[%dma_start3A_319, %dma_start3A_320] : memref<100352x16xf32, #tpu.memory_space<hbm>> -> memref<100352x16xf32, #tpu.memory_space<hbm>>
      tpu.enqueue_indirect_dma source(%dma_start3A_321 : memref<100352x16xf32, #tpu.memory_space<hbm>>) target(%dma_start3A_315 : memref<128x16xf32, #tpu.memory_space<vmem>>) offsets(%dma_start3A_318 : memref<128xi32, #tpu.memory_space<vmem>>) semaphore(%arg13 : memref<!tpu.dma_semaphore, #tpu.memory_space<semaphore_mem>>)
      %dma_wait3A_322 = arith.constant 0 : i32
      %dma_wait3A_323 = arith.constant 0 : i32
      %dma_wait3A_324 = arith.constant 0 : i32
      %dma_wait3A_325 = arith.constant 0 : i32
      %dma_wait3A_326 = tpu.memref_slice %arg11[%dma_wait3A_323, %dma_wait3A_324, %dma_wait3A_325] : memref<12x128x16xf32, #tpu.memory_space<vmem>> -> memref<1x128x16xf32, #tpu.memory_space<vmem>>
      %dma_wait3A_327 = tpu.memref_squeeze %dma_wait3A_326 : memref<1x128x16xf32, #tpu.memory_space<vmem>> -> memref<128x16xf32, #tpu.memory_space<vmem>>
      %dma_wait3A_328 = arith.constant 0 : i32
      %dma_wait3A_329 = tpu.memref_slice %arg9[%dma_wait3A_322, %dma_wait3A_328] : memref<12x128xi32, #tpu.memory_space<vmem>> -> memref<1x128xi32, #tpu.memory_space<vmem>>
      %dma_wait3A_330 = tpu.memref_squeeze %dma_wait3A_329 : memref<1x128xi32, #tpu.memory_space<vmem>> -> memref<128xi32, #tpu.memory_space<vmem>>
      %dma_wait3A_331 = arith.constant 0 : i32
      %dma_wait3A_332 = arith.constant 0 : i32
      %dma_wait3A_333 = tpu.memref_slice %arg2[%dma_wait3A_331, %dma_wait3A_332] : memref<100352x16xf32, #tpu.memory_space<hbm>> -> memref<100352x16xf32, #tpu.memory_space<hbm>>
      tpu.wait_indirect_dma semaphore(%arg13 : memref<!tpu.dma_semaphore, #tpu.memory_space<semaphore_mem>>) src(%dma_wait3A_333 : memref<100352x16xf32, #tpu.memory_space<hbm>>) dst(%dma_wait3A_327 : memref<128x16xf32, #tpu.memory_space<vmem>>)
      %dma_start3A_334 = arith.constant 0 : i32
      %dma_start3A_335 = arith.constant 0 : i32
      %dma_start3A_336 = arith.constant 0 : i32
      %dma_start3A_337 = arith.constant 0 : i32
      %dma_start3A_338 = tpu.memref_slice %arg11[%dma_start3A_334, %dma_start3A_336, %dma_start3A_337] : memref<12x128x16xf32, #tpu.memory_space<vmem>> -> memref<1x128x16xf32, #tpu.memory_space<vmem>>
      %dma_start3A_339 = tpu.memref_squeeze %dma_start3A_338 : memref<1x128x16xf32, #tpu.memory_space<vmem>> -> memref<128x16xf32, #tpu.memory_space<vmem>>
      %dma_start3A_340 = arith.constant 0 : i32
      %dma_start3A_341 = tpu.memref_slice %arg10[%dma_start3A_335, %dma_start3A_340] : memref<12x128xi32, #tpu.memory_space<vmem>> -> memref<1x128xi32, #tpu.memory_space<vmem>>
      %dma_start3A_342 = tpu.memref_squeeze %dma_start3A_341 : memref<1x128xi32, #tpu.memory_space<vmem>> -> memref<128xi32, #tpu.memory_space<vmem>>
      %dma_start3A_343 = arith.constant 0 : i32
      %dma_start3A_344 = arith.constant 0 : i32
      %dma_start3A_345 = tpu.memref_slice %arg7[%dma_start3A_343, %dma_start3A_344] : memref<100352x16xf32, #tpu.memory_space<vmem_shared>> -> memref<100352x16xf32, #tpu.memory_space<vmem_shared>>
      tpu.enqueue_indirect_dma source(%dma_start3A_339 : memref<128x16xf32, #tpu.memory_space<vmem>>) target(%dma_start3A_345 : memref<100352x16xf32, #tpu.memory_space<vmem_shared>>) offsets(%dma_start3A_342 : memref<128xi32, #tpu.memory_space<vmem>>) semaphore(%arg14 : memref<!tpu.dma_semaphore, #tpu.memory_space<semaphore_mem>>) {add = true}
      %dma_wait3A_346 = arith.constant 1 : i32
      %dma_wait3A_347 = arith.constant 1 : i32
      %dma_wait3A_348 = arith.constant 0 : i32
      %dma_wait3A_349 = arith.constant 0 : i32
      %dma_wait3A_350 = tpu.memref_slice %arg11[%dma_wait3A_347, %dma_wait3A_348, %dma_wait3A_349] : memref<12x128x16xf32, #tpu.memory_space<vmem>> -> memref<1x128x16xf32, #tpu.memory_space<vmem>>
      %dma_wait3A_351 = tpu.memref_squeeze %dma_wait3A_350 : memref<1x128x16xf32, #tpu.memory_space<vmem>> -> memref<128x16xf32, #tpu.memory_space<vmem>>
      %dma_wait3A_352 = arith.constant 0 : i32
      %dma_wait3A_353 = tpu.memref_slice %arg9[%dma_wait3A_346, %dma_wait3A_352] : memref<12x128xi32, #tpu.memory_space<vmem>> -> memref<1x128xi32, #tpu.memory_space<vmem>>
      %dma_wait3A_354 = tpu.memref_squeeze %dma_wait3A_353 : memref<1x128xi32, #tpu.memory_space<vmem>> -> memref<128xi32, #tpu.memory_space<vmem>>
      %dma_wait3A_355 = arith.constant 0 : i32
      %dma_wait3A_356 = arith.constant 0 : i32
      %dma_wait3A_357 = tpu.memref_slice %arg2[%dma_wait3A_355, %dma_wait3A_356] : memref<100352x16xf32, #tpu.memory_space<hbm>> -> memref<100352x16xf32, #tpu.memory_space<hbm>>
      tpu.wait_indirect_dma semaphore(%arg13 : memref<!tpu.dma_semaphore, #tpu.memory_space<semaphore_mem>>) src(%dma_wait3A_357 : memref<100352x16xf32, #tpu.memory_space<hbm>>) dst(%dma_wait3A_351 : memref<128x16xf32, #tpu.memory_space<vmem>>)
      %dma_start3A_358 = arith.constant 1 : i32
      %dma_start3A_359 = arith.constant 1 : i32
      %dma_start3A_360 = arith.constant 0 : i32
      %dma_start3A_361 = arith.constant 0 : i32
      %dma_start3A_362 = tpu.memref_slice %arg11[%dma_start3A_358, %dma_start3A_360, %dma_start3A_361] : memref<12x128x16xf32, #tpu.memory_space<vmem>> -> memref<1x128x16xf32, #tpu.memory_space<vmem>>
      %dma_start3A_363 = tpu.memref_squeeze %dma_start3A_362 : memref<1x128x16xf32, #tpu.memory_space<vmem>> -> memref<128x16xf32, #tpu.memory_space<vmem>>
      %dma_start3A_364 = arith.constant 0 : i32
      %dma_start3A_365 = tpu.memref_slice %arg10[%dma_start3A_359, %dma_start3A_364] : memref<12x128xi32, #tpu.memory_space<vmem>> -> memref<1x128xi32, #tpu.memory_space<vmem>>
      %dma_start3A_366 = tpu.memref_squeeze %dma_start3A_365 : memref<1x128xi32, #tpu.memory_space<vmem>> -> memref<128xi32, #tpu.memory_space<vmem>>
      %dma_start3A_367 = arith.constant 0 : i32
      %dma_start3A_368 = arith.constant 0 : i32
      %dma_start3A_369 = tpu.memref_slice %arg7[%dma_start3A_367, %dma_start3A_368] : memref<100352x16xf32, #tpu.memory_space<vmem_shared>> -> memref<100352x16xf32, #tpu.memory_space<vmem_shared>>
      tpu.enqueue_indirect_dma source(%dma_start3A_363 : memref<128x16xf32, #tpu.memory_space<vmem>>) target(%dma_start3A_369 : memref<100352x16xf32, #tpu.memory_space<vmem_shared>>) offsets(%dma_start3A_366 : memref<128xi32, #tpu.memory_space<vmem>>) semaphore(%arg14 : memref<!tpu.dma_semaphore, #tpu.memory_space<semaphore_mem>>) {add = true}
      %dma_wait3A_370 = arith.constant 2 : i32
      %dma_wait3A_371 = arith.constant 2 : i32
      %dma_wait3A_372 = arith.constant 0 : i32
      %dma_wait3A_373 = arith.constant 0 : i32
      %dma_wait3A_374 = tpu.memref_slice %arg11[%dma_wait3A_371, %dma_wait3A_372, %dma_wait3A_373] : memref<12x128x16xf32, #tpu.memory_space<vmem>> -> memref<1x128x16xf32, #tpu.memory_space<vmem>>
      %dma_wait3A_375 = tpu.memref_squeeze %dma_wait3A_374 : memref<1x128x16xf32, #tpu.memory_space<vmem>> -> memref<128x16xf32, #tpu.memory_space<vmem>>
      %dma_wait3A_376 = arith.constant 0 : i32
      %dma_wait3A_377 = tpu.memref_slice %arg9[%dma_wait3A_370, %dma_wait3A_376] : memref<12x128xi32, #tpu.memory_space<vmem>> -> memref<1x128xi32, #tpu.memory_space<vmem>>
      %dma_wait3A_378 = tpu.memref_squeeze %dma_wait3A_377 : memref<1x128xi32, #tpu.memory_space<vmem>> -> memref<128xi32, #tpu.memory_space<vmem>>
      %dma_wait3A_379 = arith.constant 0 : i32
      %dma_wait3A_380 = arith.constant 0 : i32
      %dma_wait3A_381 = tpu.memref_slice %arg2[%dma_wait3A_379, %dma_wait3A_380] : memref<100352x16xf32, #tpu.memory_space<hbm>> -> memref<100352x16xf32, #tpu.memory_space<hbm>>
      tpu.wait_indirect_dma semaphore(%arg13 : memref<!tpu.dma_semaphore, #tpu.memory_space<semaphore_mem>>) src(%dma_wait3A_381 : memref<100352x16xf32, #tpu.memory_space<hbm>>) dst(%dma_wait3A_375 : memref<128x16xf32, #tpu.memory_space<vmem>>)
      %dma_start3A_382 = arith.constant 2 : i32
      %dma_start3A_383 = arith.constant 2 : i32
      %dma_start3A_384 = arith.constant 0 : i32
      %dma_start3A_385 = arith.constant 0 : i32
      %dma_start3A_386 = tpu.memref_slice %arg11[%dma_start3A_382, %dma_start3A_384, %dma_start3A_385] : memref<12x128x16xf32, #tpu.memory_space<vmem>> -> memref<1x128x16xf32, #tpu.memory_space<vmem>>
      %dma_start3A_387 = tpu.memref_squeeze %dma_start3A_386 : memref<1x128x16xf32, #tpu.memory_space<vmem>> -> memref<128x16xf32, #tpu.memory_space<vmem>>
      %dma_start3A_388 = arith.constant 0 : i32
      %dma_start3A_389 = tpu.memref_slice %arg10[%dma_start3A_383, %dma_start3A_388] : memref<12x128xi32, #tpu.memory_space<vmem>> -> memref<1x128xi32, #tpu.memory_space<vmem>>
      %dma_start3A_390 = tpu.memref_squeeze %dma_start3A_389 : memref<1x128xi32, #tpu.memory_space<vmem>> -> memref<128xi32, #tpu.memory_space<vmem>>
      %dma_start3A_391 = arith.constant 0 : i32
      %dma_start3A_392 = arith.constant 0 : i32
      %dma_start3A_393 = tpu.memref_slice %arg7[%dma_start3A_391, %dma_start3A_392] : memref<100352x16xf32, #tpu.memory_space<vmem_shared>> -> memref<100352x16xf32, #tpu.memory_space<vmem_shared>>
      tpu.enqueue_indirect_dma source(%dma_start3A_387 : memref<128x16xf32, #tpu.memory_space<vmem>>) target(%dma_start3A_393 : memref<100352x16xf32, #tpu.memory_space<vmem_shared>>) offsets(%dma_start3A_390 : memref<128xi32, #tpu.memory_space<vmem>>) semaphore(%arg14 : memref<!tpu.dma_semaphore, #tpu.memory_space<semaphore_mem>>) {add = true}
      %dma_wait3A_394 = arith.constant 3 : i32
      %dma_wait3A_395 = arith.constant 3 : i32
      %dma_wait3A_396 = arith.constant 0 : i32
      %dma_wait3A_397 = arith.constant 0 : i32
      %dma_wait3A_398 = tpu.memref_slice %arg11[%dma_wait3A_395, %dma_wait3A_396, %dma_wait3A_397] : memref<12x128x16xf32, #tpu.memory_space<vmem>> -> memref<1x128x16xf32, #tpu.memory_space<vmem>>
      %dma_wait3A_399 = tpu.memref_squeeze %dma_wait3A_398 : memref<1x128x16xf32, #tpu.memory_space<vmem>> -> memref<128x16xf32, #tpu.memory_space<vmem>>
      %dma_wait3A_400 = arith.constant 0 : i32
      %dma_wait3A_401 = tpu.memref_slice %arg9[%dma_wait3A_394, %dma_wait3A_400] : memref<12x128xi32, #tpu.memory_space<vmem>> -> memref<1x128xi32, #tpu.memory_space<vmem>>
      %dma_wait3A_402 = tpu.memref_squeeze %dma_wait3A_401 : memref<1x128xi32, #tpu.memory_space<vmem>> -> memref<128xi32, #tpu.memory_space<vmem>>
      %dma_wait3A_403 = arith.constant 0 : i32
      %dma_wait3A_404 = arith.constant 0 : i32
      %dma_wait3A_405 = tpu.memref_slice %arg2[%dma_wait3A_403, %dma_wait3A_404] : memref<100352x16xf32, #tpu.memory_space<hbm>> -> memref<100352x16xf32, #tpu.memory_space<hbm>>
      tpu.wait_indirect_dma semaphore(%arg13 : memref<!tpu.dma_semaphore, #tpu.memory_space<semaphore_mem>>) src(%dma_wait3A_405 : memref<100352x16xf32, #tpu.memory_space<hbm>>) dst(%dma_wait3A_399 : memref<128x16xf32, #tpu.memory_space<vmem>>)
      %dma_start3A_406 = arith.constant 3 : i32
      %dma_start3A_407 = arith.constant 3 : i32
      %dma_start3A_408 = arith.constant 0 : i32
      %dma_start3A_409 = arith.constant 0 : i32
      %dma_start3A_410 = tpu.memref_slice %arg11[%dma_start3A_406, %dma_start3A_408, %dma_start3A_409] : memref<12x128x16xf32, #tpu.memory_space<vmem>> -> memref<1x128x16xf32, #tpu.memory_space<vmem>>
      %dma_start3A_411 = tpu.memref_squeeze %dma_start3A_410 : memref<1x128x16xf32, #tpu.memory_space<vmem>> -> memref<128x16xf32, #tpu.memory_space<vmem>>
      %dma_start3A_412 = arith.constant 0 : i32
      %dma_start3A_413 = tpu.memref_slice %arg10[%dma_start3A_407, %dma_start3A_412] : memref<12x128xi32, #tpu.memory_space<vmem>> -> memref<1x128xi32, #tpu.memory_space<vmem>>
      %dma_start3A_414 = tpu.memref_squeeze %dma_start3A_413 : memref<1x128xi32, #tpu.memory_space<vmem>> -> memref<128xi32, #tpu.memory_space<vmem>>
      %dma_start3A_415 = arith.constant 0 : i32
      %dma_start3A_416 = arith.constant 0 : i32
      %dma_start3A_417 = tpu.memref_slice %arg7[%dma_start3A_415, %dma_start3A_416] : memref<100352x16xf32, #tpu.memory_space<vmem_shared>> -> memref<100352x16xf32, #tpu.memory_space<vmem_shared>>
      tpu.enqueue_indirect_dma source(%dma_start3A_411 : memref<128x16xf32, #tpu.memory_space<vmem>>) target(%dma_start3A_417 : memref<100352x16xf32, #tpu.memory_space<vmem_shared>>) offsets(%dma_start3A_414 : memref<128xi32, #tpu.memory_space<vmem>>) semaphore(%arg14 : memref<!tpu.dma_semaphore, #tpu.memory_space<semaphore_mem>>) {add = true}
      %dma_wait3A_418 = arith.constant 4 : i32
      %dma_wait3A_419 = arith.constant 4 : i32
      %dma_wait3A_420 = arith.constant 0 : i32
      %dma_wait3A_421 = arith.constant 0 : i32
      %dma_wait3A_422 = tpu.memref_slice %arg11[%dma_wait3A_419, %dma_wait3A_420, %dma_wait3A_421] : memref<12x128x16xf32, #tpu.memory_space<vmem>> -> memref<1x128x16xf32, #tpu.memory_space<vmem>>
      %dma_wait3A_423 = tpu.memref_squeeze %dma_wait3A_422 : memref<1x128x16xf32, #tpu.memory_space<vmem>> -> memref<128x16xf32, #tpu.memory_space<vmem>>
      %dma_wait3A_424 = arith.constant 0 : i32
      %dma_wait3A_425 = tpu.memref_slice %arg9[%dma_wait3A_418, %dma_wait3A_424] : memref<12x128xi32, #tpu.memory_space<vmem>> -> memref<1x128xi32, #tpu.memory_space<vmem>>
      %dma_wait3A_426 = tpu.memref_squeeze %dma_wait3A_425 : memref<1x128xi32, #tpu.memory_space<vmem>> -> memref<128xi32, #tpu.memory_space<vmem>>
      %dma_wait3A_427 = arith.constant 0 : i32
      %dma_wait3A_428 = arith.constant 0 : i32
      %dma_wait3A_429 = tpu.memref_slice %arg2[%dma_wait3A_427, %dma_wait3A_428] : memref<100352x16xf32, #tpu.memory_space<hbm>> -> memref<100352x16xf32, #tpu.memory_space<hbm>>
      tpu.wait_indirect_dma semaphore(%arg13 : memref<!tpu.dma_semaphore, #tpu.memory_space<semaphore_mem>>) src(%dma_wait3A_429 : memref<100352x16xf32, #tpu.memory_space<hbm>>) dst(%dma_wait3A_423 : memref<128x16xf32, #tpu.memory_space<vmem>>)
      %dma_start3A_430 = arith.constant 4 : i32
      %dma_start3A_431 = arith.constant 4 : i32
      %dma_start3A_432 = arith.constant 0 : i32
      %dma_start3A_433 = arith.constant 0 : i32
      %dma_start3A_434 = tpu.memref_slice %arg11[%dma_start3A_430, %dma_start3A_432, %dma_start3A_433] : memref<12x128x16xf32, #tpu.memory_space<vmem>> -> memref<1x128x16xf32, #tpu.memory_space<vmem>>
      %dma_start3A_435 = tpu.memref_squeeze %dma_start3A_434 : memref<1x128x16xf32, #tpu.memory_space<vmem>> -> memref<128x16xf32, #tpu.memory_space<vmem>>
      %dma_start3A_436 = arith.constant 0 : i32
      %dma_start3A_437 = tpu.memref_slice %arg10[%dma_start3A_431, %dma_start3A_436] : memref<12x128xi32, #tpu.memory_space<vmem>> -> memref<1x128xi32, #tpu.memory_space<vmem>>
      %dma_start3A_438 = tpu.memref_squeeze %dma_start3A_437 : memref<1x128xi32, #tpu.memory_space<vmem>> -> memref<128xi32, #tpu.memory_space<vmem>>
      %dma_start3A_439 = arith.constant 0 : i32
      %dma_start3A_440 = arith.constant 0 : i32
      %dma_start3A_441 = tpu.memref_slice %arg7[%dma_start3A_439, %dma_start3A_440] : memref<100352x16xf32, #tpu.memory_space<vmem_shared>> -> memref<100352x16xf32, #tpu.memory_space<vmem_shared>>
      tpu.enqueue_indirect_dma source(%dma_start3A_435 : memref<128x16xf32, #tpu.memory_space<vmem>>) target(%dma_start3A_441 : memref<100352x16xf32, #tpu.memory_space<vmem_shared>>) offsets(%dma_start3A_438 : memref<128xi32, #tpu.memory_space<vmem>>) semaphore(%arg14 : memref<!tpu.dma_semaphore, #tpu.memory_space<semaphore_mem>>) {add = true}
      %dma_wait3A_442 = arith.constant 5 : i32
      %dma_wait3A_443 = arith.constant 5 : i32
      %dma_wait3A_444 = arith.constant 0 : i32
      %dma_wait3A_445 = arith.constant 0 : i32
      %dma_wait3A_446 = tpu.memref_slice %arg11[%dma_wait3A_443, %dma_wait3A_444, %dma_wait3A_445] : memref<12x128x16xf32, #tpu.memory_space<vmem>> -> memref<1x128x16xf32, #tpu.memory_space<vmem>>
      %dma_wait3A_447 = tpu.memref_squeeze %dma_wait3A_446 : memref<1x128x16xf32, #tpu.memory_space<vmem>> -> memref<128x16xf32, #tpu.memory_space<vmem>>
      %dma_wait3A_448 = arith.constant 0 : i32
      %dma_wait3A_449 = tpu.memref_slice %arg9[%dma_wait3A_442, %dma_wait3A_448] : memref<12x128xi32, #tpu.memory_space<vmem>> -> memref<1x128xi32, #tpu.memory_space<vmem>>
      %dma_wait3A_450 = tpu.memref_squeeze %dma_wait3A_449 : memref<1x128xi32, #tpu.memory_space<vmem>> -> memref<128xi32, #tpu.memory_space<vmem>>
      %dma_wait3A_451 = arith.constant 0 : i32
      %dma_wait3A_452 = arith.constant 0 : i32
      %dma_wait3A_453 = tpu.memref_slice %arg2[%dma_wait3A_451, %dma_wait3A_452] : memref<100352x16xf32, #tpu.memory_space<hbm>> -> memref<100352x16xf32, #tpu.memory_space<hbm>>
      tpu.wait_indirect_dma semaphore(%arg13 : memref<!tpu.dma_semaphore, #tpu.memory_space<semaphore_mem>>) src(%dma_wait3A_453 : memref<100352x16xf32, #tpu.memory_space<hbm>>) dst(%dma_wait3A_447 : memref<128x16xf32, #tpu.memory_space<vmem>>)
      %dma_start3A_454 = arith.constant 5 : i32
      %dma_start3A_455 = arith.constant 5 : i32
      %dma_start3A_456 = arith.constant 0 : i32
      %dma_start3A_457 = arith.constant 0 : i32
      %dma_start3A_458 = tpu.memref_slice %arg11[%dma_start3A_454, %dma_start3A_456, %dma_start3A_457] : memref<12x128x16xf32, #tpu.memory_space<vmem>> -> memref<1x128x16xf32, #tpu.memory_space<vmem>>
      %dma_start3A_459 = tpu.memref_squeeze %dma_start3A_458 : memref<1x128x16xf32, #tpu.memory_space<vmem>> -> memref<128x16xf32, #tpu.memory_space<vmem>>
      %dma_start3A_460 = arith.constant 0 : i32
      %dma_start3A_461 = tpu.memref_slice %arg10[%dma_start3A_455, %dma_start3A_460] : memref<12x128xi32, #tpu.memory_space<vmem>> -> memref<1x128xi32, #tpu.memory_space<vmem>>
      %dma_start3A_462 = tpu.memref_squeeze %dma_start3A_461 : memref<1x128xi32, #tpu.memory_space<vmem>> -> memref<128xi32, #tpu.memory_space<vmem>>
      %dma_start3A_463 = arith.constant 0 : i32
      %dma_start3A_464 = arith.constant 0 : i32
      %dma_start3A_465 = tpu.memref_slice %arg7[%dma_start3A_463, %dma_start3A_464] : memref<100352x16xf32, #tpu.memory_space<vmem_shared>> -> memref<100352x16xf32, #tpu.memory_space<vmem_shared>>
      tpu.enqueue_indirect_dma source(%dma_start3A_459 : memref<128x16xf32, #tpu.memory_space<vmem>>) target(%dma_start3A_465 : memref<100352x16xf32, #tpu.memory_space<vmem_shared>>) offsets(%dma_start3A_462 : memref<128xi32, #tpu.memory_space<vmem>>) semaphore(%arg14 : memref<!tpu.dma_semaphore, #tpu.memory_space<semaphore_mem>>) {add = true}
      %dma_wait3A_466 = arith.constant 6 : i32
      %dma_wait3A_467 = arith.constant 6 : i32
      %dma_wait3A_468 = arith.constant 0 : i32
      %dma_wait3A_469 = arith.constant 0 : i32
      %dma_wait3A_470 = tpu.memref_slice %arg11[%dma_wait3A_467, %dma_wait3A_468, %dma_wait3A_469] : memref<12x128x16xf32, #tpu.memory_space<vmem>> -> memref<1x128x16xf32, #tpu.memory_space<vmem>>
      %dma_wait3A_471 = tpu.memref_squeeze %dma_wait3A_470 : memref<1x128x16xf32, #tpu.memory_space<vmem>> -> memref<128x16xf32, #tpu.memory_space<vmem>>
      %dma_wait3A_472 = arith.constant 0 : i32
      %dma_wait3A_473 = tpu.memref_slice %arg9[%dma_wait3A_466, %dma_wait3A_472] : memref<12x128xi32, #tpu.memory_space<vmem>> -> memref<1x128xi32, #tpu.memory_space<vmem>>
      %dma_wait3A_474 = tpu.memref_squeeze %dma_wait3A_473 : memref<1x128xi32, #tpu.memory_space<vmem>> -> memref<128xi32, #tpu.memory_space<vmem>>
      %dma_wait3A_475 = arith.constant 0 : i32
      %dma_wait3A_476 = arith.constant 0 : i32
      %dma_wait3A_477 = tpu.memref_slice %arg2[%dma_wait3A_475, %dma_wait3A_476] : memref<100352x16xf32, #tpu.memory_space<hbm>> -> memref<100352x16xf32, #tpu.memory_space<hbm>>
      tpu.wait_indirect_dma semaphore(%arg13 : memref<!tpu.dma_semaphore, #tpu.memory_space<semaphore_mem>>) src(%dma_wait3A_477 : memref<100352x16xf32, #tpu.memory_space<hbm>>) dst(%dma_wait3A_471 : memref<128x16xf32, #tpu.memory_space<vmem>>)
      %dma_start3A_478 = arith.constant 6 : i32
      %dma_start3A_479 = arith.constant 6 : i32
      %dma_start3A_480 = arith.constant 0 : i32
      %dma_start3A_481 = arith.constant 0 : i32
      %dma_start3A_482 = tpu.memref_slice %arg11[%dma_start3A_478, %dma_start3A_480, %dma_start3A_481] : memref<12x128x16xf32, #tpu.memory_space<vmem>> -> memref<1x128x16xf32, #tpu.memory_space<vmem>>
      %dma_start3A_483 = tpu.memref_squeeze %dma_start3A_482 : memref<1x128x16xf32, #tpu.memory_space<vmem>> -> memref<128x16xf32, #tpu.memory_space<vmem>>
      %dma_start3A_484 = arith.constant 0 : i32
      %dma_start3A_485 = tpu.memref_slice %arg10[%dma_start3A_479, %dma_start3A_484] : memref<12x128xi32, #tpu.memory_space<vmem>> -> memref<1x128xi32, #tpu.memory_space<vmem>>
      %dma_start3A_486 = tpu.memref_squeeze %dma_start3A_485 : memref<1x128xi32, #tpu.memory_space<vmem>> -> memref<128xi32, #tpu.memory_space<vmem>>
      %dma_start3A_487 = arith.constant 0 : i32
      %dma_start3A_488 = arith.constant 0 : i32
      %dma_start3A_489 = tpu.memref_slice %arg7[%dma_start3A_487, %dma_start3A_488] : memref<100352x16xf32, #tpu.memory_space<vmem_shared>> -> memref<100352x16xf32, #tpu.memory_space<vmem_shared>>
      tpu.enqueue_indirect_dma source(%dma_start3A_483 : memref<128x16xf32, #tpu.memory_space<vmem>>) target(%dma_start3A_489 : memref<100352x16xf32, #tpu.memory_space<vmem_shared>>) offsets(%dma_start3A_486 : memref<128xi32, #tpu.memory_space<vmem>>) semaphore(%arg14 : memref<!tpu.dma_semaphore, #tpu.memory_space<semaphore_mem>>) {add = true}
      %dma_wait3A_490 = arith.constant 7 : i32
      %dma_wait3A_491 = arith.constant 7 : i32
      %dma_wait3A_492 = arith.constant 0 : i32
      %dma_wait3A_493 = arith.constant 0 : i32
      %dma_wait3A_494 = tpu.memref_slice %arg11[%dma_wait3A_491, %dma_wait3A_492, %dma_wait3A_493] : memref<12x128x16xf32, #tpu.memory_space<vmem>> -> memref<1x128x16xf32, #tpu.memory_space<vmem>>
      %dma_wait3A_495 = tpu.memref_squeeze %dma_wait3A_494 : memref<1x128x16xf32, #tpu.memory_space<vmem>> -> memref<128x16xf32, #tpu.memory_space<vmem>>
      %dma_wait3A_496 = arith.constant 0 : i32
      %dma_wait3A_497 = tpu.memref_slice %arg9[%dma_wait3A_490, %dma_wait3A_496] : memref<12x128xi32, #tpu.memory_space<vmem>> -> memref<1x128xi32, #tpu.memory_space<vmem>>
      %dma_wait3A_498 = tpu.memref_squeeze %dma_wait3A_497 : memref<1x128xi32, #tpu.memory_space<vmem>> -> memref<128xi32, #tpu.memory_space<vmem>>
      %dma_wait3A_499 = arith.constant 0 : i32
      %dma_wait3A_500 = arith.constant 0 : i32
      %dma_wait3A_501 = tpu.memref_slice %arg2[%dma_wait3A_499, %dma_wait3A_500] : memref<100352x16xf32, #tpu.memory_space<hbm>> -> memref<100352x16xf32, #tpu.memory_space<hbm>>
      tpu.wait_indirect_dma semaphore(%arg13 : memref<!tpu.dma_semaphore, #tpu.memory_space<semaphore_mem>>) src(%dma_wait3A_501 : memref<100352x16xf32, #tpu.memory_space<hbm>>) dst(%dma_wait3A_495 : memref<128x16xf32, #tpu.memory_space<vmem>>)
      %dma_start3A_502 = arith.constant 7 : i32
      %dma_start3A_503 = arith.constant 7 : i32
      %dma_start3A_504 = arith.constant 0 : i32
      %dma_start3A_505 = arith.constant 0 : i32
      %dma_start3A_506 = tpu.memref_slice %arg11[%dma_start3A_502, %dma_start3A_504, %dma_start3A_505] : memref<12x128x16xf32, #tpu.memory_space<vmem>> -> memref<1x128x16xf32, #tpu.memory_space<vmem>>
      %dma_start3A_507 = tpu.memref_squeeze %dma_start3A_506 : memref<1x128x16xf32, #tpu.memory_space<vmem>> -> memref<128x16xf32, #tpu.memory_space<vmem>>
      %dma_start3A_508 = arith.constant 0 : i32
      %dma_start3A_509 = tpu.memref_slice %arg10[%dma_start3A_503, %dma_start3A_508] : memref<12x128xi32, #tpu.memory_space<vmem>> -> memref<1x128xi32, #tpu.memory_space<vmem>>
      %dma_start3A_510 = tpu.memref_squeeze %dma_start3A_509 : memref<1x128xi32, #tpu.memory_space<vmem>> -> memref<128xi32, #tpu.memory_space<vmem>>
      %dma_start3A_511 = arith.constant 0 : i32
      %dma_start3A_512 = arith.constant 0 : i32
      %dma_start3A_513 = tpu.memref_slice %arg7[%dma_start3A_511, %dma_start3A_512] : memref<100352x16xf32, #tpu.memory_space<vmem_shared>> -> memref<100352x16xf32, #tpu.memory_space<vmem_shared>>
      tpu.enqueue_indirect_dma source(%dma_start3A_507 : memref<128x16xf32, #tpu.memory_space<vmem>>) target(%dma_start3A_513 : memref<100352x16xf32, #tpu.memory_space<vmem_shared>>) offsets(%dma_start3A_510 : memref<128xi32, #tpu.memory_space<vmem>>) semaphore(%arg14 : memref<!tpu.dma_semaphore, #tpu.memory_space<semaphore_mem>>) {add = true}
      %dma_wait3A_514 = arith.constant 8 : i32
      %dma_wait3A_515 = arith.constant 8 : i32
      %dma_wait3A_516 = arith.constant 0 : i32
      %dma_wait3A_517 = arith.constant 0 : i32
      %dma_wait3A_518 = tpu.memref_slice %arg11[%dma_wait3A_515, %dma_wait3A_516, %dma_wait3A_517] : memref<12x128x16xf32, #tpu.memory_space<vmem>> -> memref<1x128x16xf32, #tpu.memory_space<vmem>>
      %dma_wait3A_519 = tpu.memref_squeeze %dma_wait3A_518 : memref<1x128x16xf32, #tpu.memory_space<vmem>> -> memref<128x16xf32, #tpu.memory_space<vmem>>
      %dma_wait3A_520 = arith.constant 0 : i32
      %dma_wait3A_521 = tpu.memref_slice %arg9[%dma_wait3A_514, %dma_wait3A_520] : memref<12x128xi32, #tpu.memory_space<vmem>> -> memref<1x128xi32, #tpu.memory_space<vmem>>
      %dma_wait3A_522 = tpu.memref_squeeze %dma_wait3A_521 : memref<1x128xi32, #tpu.memory_space<vmem>> -> memref<128xi32, #tpu.memory_space<vmem>>
      %dma_wait3A_523 = arith.constant 0 : i32
      %dma_wait3A_524 = arith.constant 0 : i32
      %dma_wait3A_525 = tpu.memref_slice %arg2[%dma_wait3A_523, %dma_wait3A_524] : memref<100352x16xf32, #tpu.memory_space<hbm>> -> memref<100352x16xf32, #tpu.memory_space<hbm>>
      tpu.wait_indirect_dma semaphore(%arg13 : memref<!tpu.dma_semaphore, #tpu.memory_space<semaphore_mem>>) src(%dma_wait3A_525 : memref<100352x16xf32, #tpu.memory_space<hbm>>) dst(%dma_wait3A_519 : memref<128x16xf32, #tpu.memory_space<vmem>>)
      %dma_start3A_526 = arith.constant 8 : i32
      %dma_start3A_527 = arith.constant 8 : i32
      %dma_start3A_528 = arith.constant 0 : i32
      %dma_start3A_529 = arith.constant 0 : i32
      %dma_start3A_530 = tpu.memref_slice %arg11[%dma_start3A_526, %dma_start3A_528, %dma_start3A_529] : memref<12x128x16xf32, #tpu.memory_space<vmem>> -> memref<1x128x16xf32, #tpu.memory_space<vmem>>
      %dma_start3A_531 = tpu.memref_squeeze %dma_start3A_530 : memref<1x128x16xf32, #tpu.memory_space<vmem>> -> memref<128x16xf32, #tpu.memory_space<vmem>>
      %dma_start3A_532 = arith.constant 0 : i32
      %dma_start3A_533 = tpu.memref_slice %arg10[%dma_start3A_527, %dma_start3A_532] : memref<12x128xi32, #tpu.memory_space<vmem>> -> memref<1x128xi32, #tpu.memory_space<vmem>>
      %dma_start3A_534 = tpu.memref_squeeze %dma_start3A_533 : memref<1x128xi32, #tpu.memory_space<vmem>> -> memref<128xi32, #tpu.memory_space<vmem>>
      %dma_start3A_535 = arith.constant 0 : i32
      %dma_start3A_536 = arith.constant 0 : i32
      %dma_start3A_537 = tpu.memref_slice %arg7[%dma_start3A_535, %dma_start3A_536] : memref<100352x16xf32, #tpu.memory_space<vmem_shared>> -> memref<100352x16xf32, #tpu.memory_space<vmem_shared>>
      tpu.enqueue_indirect_dma source(%dma_start3A_531 : memref<128x16xf32, #tpu.memory_space<vmem>>) target(%dma_start3A_537 : memref<100352x16xf32, #tpu.memory_space<vmem_shared>>) offsets(%dma_start3A_534 : memref<128xi32, #tpu.memory_space<vmem>>) semaphore(%arg14 : memref<!tpu.dma_semaphore, #tpu.memory_space<semaphore_mem>>) {add = true}
      %dma_wait3A_538 = arith.constant 9 : i32
      %dma_wait3A_539 = arith.constant 9 : i32
      %dma_wait3A_540 = arith.constant 0 : i32
      %dma_wait3A_541 = arith.constant 0 : i32
      %dma_wait3A_542 = tpu.memref_slice %arg11[%dma_wait3A_539, %dma_wait3A_540, %dma_wait3A_541] : memref<12x128x16xf32, #tpu.memory_space<vmem>> -> memref<1x128x16xf32, #tpu.memory_space<vmem>>
      %dma_wait3A_543 = tpu.memref_squeeze %dma_wait3A_542 : memref<1x128x16xf32, #tpu.memory_space<vmem>> -> memref<128x16xf32, #tpu.memory_space<vmem>>
      %dma_wait3A_544 = arith.constant 0 : i32
      %dma_wait3A_545 = tpu.memref_slice %arg9[%dma_wait3A_538, %dma_wait3A_544] : memref<12x128xi32, #tpu.memory_space<vmem>> -> memref<1x128xi32, #tpu.memory_space<vmem>>
      %dma_wait3A_546 = tpu.memref_squeeze %dma_wait3A_545 : memref<1x128xi32, #tpu.memory_space<vmem>> -> memref<128xi32, #tpu.memory_space<vmem>>
      %dma_wait3A_547 = arith.constant 0 : i32
      %dma_wait3A_548 = arith.constant 0 : i32
      %dma_wait3A_549 = tpu.memref_slice %arg2[%dma_wait3A_547, %dma_wait3A_548] : memref<100352x16xf32, #tpu.memory_space<hbm>> -> memref<100352x16xf32, #tpu.memory_space<hbm>>
      tpu.wait_indirect_dma semaphore(%arg13 : memref<!tpu.dma_semaphore, #tpu.memory_space<semaphore_mem>>) src(%dma_wait3A_549 : memref<100352x16xf32, #tpu.memory_space<hbm>>) dst(%dma_wait3A_543 : memref<128x16xf32, #tpu.memory_space<vmem>>)
      %dma_start3A_550 = arith.constant 9 : i32
      %dma_start3A_551 = arith.constant 9 : i32
      %dma_start3A_552 = arith.constant 0 : i32
      %dma_start3A_553 = arith.constant 0 : i32
      %dma_start3A_554 = tpu.memref_slice %arg11[%dma_start3A_550, %dma_start3A_552, %dma_start3A_553] : memref<12x128x16xf32, #tpu.memory_space<vmem>> -> memref<1x128x16xf32, #tpu.memory_space<vmem>>
      %dma_start3A_555 = tpu.memref_squeeze %dma_start3A_554 : memref<1x128x16xf32, #tpu.memory_space<vmem>> -> memref<128x16xf32, #tpu.memory_space<vmem>>
      %dma_start3A_556 = arith.constant 0 : i32
      %dma_start3A_557 = tpu.memref_slice %arg10[%dma_start3A_551, %dma_start3A_556] : memref<12x128xi32, #tpu.memory_space<vmem>> -> memref<1x128xi32, #tpu.memory_space<vmem>>
      %dma_start3A_558 = tpu.memref_squeeze %dma_start3A_557 : memref<1x128xi32, #tpu.memory_space<vmem>> -> memref<128xi32, #tpu.memory_space<vmem>>
      %dma_start3A_559 = arith.constant 0 : i32
      %dma_start3A_560 = arith.constant 0 : i32
      %dma_start3A_561 = tpu.memref_slice %arg7[%dma_start3A_559, %dma_start3A_560] : memref<100352x16xf32, #tpu.memory_space<vmem_shared>> -> memref<100352x16xf32, #tpu.memory_space<vmem_shared>>
      tpu.enqueue_indirect_dma source(%dma_start3A_555 : memref<128x16xf32, #tpu.memory_space<vmem>>) target(%dma_start3A_561 : memref<100352x16xf32, #tpu.memory_space<vmem_shared>>) offsets(%dma_start3A_558 : memref<128xi32, #tpu.memory_space<vmem>>) semaphore(%arg14 : memref<!tpu.dma_semaphore, #tpu.memory_space<semaphore_mem>>) {add = true}
      %dma_wait3A_562 = arith.constant 10 : i32
      %dma_wait3A_563 = arith.constant 10 : i32
      %dma_wait3A_564 = arith.constant 0 : i32
      %dma_wait3A_565 = arith.constant 0 : i32
      %dma_wait3A_566 = tpu.memref_slice %arg11[%dma_wait3A_563, %dma_wait3A_564, %dma_wait3A_565] : memref<12x128x16xf32, #tpu.memory_space<vmem>> -> memref<1x128x16xf32, #tpu.memory_space<vmem>>
      %dma_wait3A_567 = tpu.memref_squeeze %dma_wait3A_566 : memref<1x128x16xf32, #tpu.memory_space<vmem>> -> memref<128x16xf32, #tpu.memory_space<vmem>>
      %dma_wait3A_568 = arith.constant 0 : i32
      %dma_wait3A_569 = tpu.memref_slice %arg9[%dma_wait3A_562, %dma_wait3A_568] : memref<12x128xi32, #tpu.memory_space<vmem>> -> memref<1x128xi32, #tpu.memory_space<vmem>>
      %dma_wait3A_570 = tpu.memref_squeeze %dma_wait3A_569 : memref<1x128xi32, #tpu.memory_space<vmem>> -> memref<128xi32, #tpu.memory_space<vmem>>
      %dma_wait3A_571 = arith.constant 0 : i32
      %dma_wait3A_572 = arith.constant 0 : i32
      %dma_wait3A_573 = tpu.memref_slice %arg2[%dma_wait3A_571, %dma_wait3A_572] : memref<100352x16xf32, #tpu.memory_space<hbm>> -> memref<100352x16xf32, #tpu.memory_space<hbm>>
      tpu.wait_indirect_dma semaphore(%arg13 : memref<!tpu.dma_semaphore, #tpu.memory_space<semaphore_mem>>) src(%dma_wait3A_573 : memref<100352x16xf32, #tpu.memory_space<hbm>>) dst(%dma_wait3A_567 : memref<128x16xf32, #tpu.memory_space<vmem>>)
      %dma_start3A_574 = arith.constant 10 : i32
      %dma_start3A_575 = arith.constant 10 : i32
      %dma_start3A_576 = arith.constant 0 : i32
      %dma_start3A_577 = arith.constant 0 : i32
      %dma_start3A_578 = tpu.memref_slice %arg11[%dma_start3A_574, %dma_start3A_576, %dma_start3A_577] : memref<12x128x16xf32, #tpu.memory_space<vmem>> -> memref<1x128x16xf32, #tpu.memory_space<vmem>>
      %dma_start3A_579 = tpu.memref_squeeze %dma_start3A_578 : memref<1x128x16xf32, #tpu.memory_space<vmem>> -> memref<128x16xf32, #tpu.memory_space<vmem>>
      %dma_start3A_580 = arith.constant 0 : i32
      %dma_start3A_581 = tpu.memref_slice %arg10[%dma_start3A_575, %dma_start3A_580] : memref<12x128xi32, #tpu.memory_space<vmem>> -> memref<1x128xi32, #tpu.memory_space<vmem>>
      %dma_start3A_582 = tpu.memref_squeeze %dma_start3A_581 : memref<1x128xi32, #tpu.memory_space<vmem>> -> memref<128xi32, #tpu.memory_space<vmem>>
      %dma_start3A_583 = arith.constant 0 : i32
      %dma_start3A_584 = arith.constant 0 : i32
      %dma_start3A_585 = tpu.memref_slice %arg7[%dma_start3A_583, %dma_start3A_584] : memref<100352x16xf32, #tpu.memory_space<vmem_shared>> -> memref<100352x16xf32, #tpu.memory_space<vmem_shared>>
      tpu.enqueue_indirect_dma source(%dma_start3A_579 : memref<128x16xf32, #tpu.memory_space<vmem>>) target(%dma_start3A_585 : memref<100352x16xf32, #tpu.memory_space<vmem_shared>>) offsets(%dma_start3A_582 : memref<128xi32, #tpu.memory_space<vmem>>) semaphore(%arg14 : memref<!tpu.dma_semaphore, #tpu.memory_space<semaphore_mem>>) {add = true}
      %dma_wait3A_586 = arith.constant 11 : i32
      %dma_wait3A_587 = arith.constant 11 : i32
      %dma_wait3A_588 = arith.constant 0 : i32
      %dma_wait3A_589 = arith.constant 0 : i32
      %dma_wait3A_590 = tpu.memref_slice %arg11[%dma_wait3A_587, %dma_wait3A_588, %dma_wait3A_589] : memref<12x128x16xf32, #tpu.memory_space<vmem>> -> memref<1x128x16xf32, #tpu.memory_space<vmem>>
      %dma_wait3A_591 = tpu.memref_squeeze %dma_wait3A_590 : memref<1x128x16xf32, #tpu.memory_space<vmem>> -> memref<128x16xf32, #tpu.memory_space<vmem>>
      %dma_wait3A_592 = arith.constant 0 : i32
      %dma_wait3A_593 = tpu.memref_slice %arg9[%dma_wait3A_586, %dma_wait3A_592] : memref<12x128xi32, #tpu.memory_space<vmem>> -> memref<1x128xi32, #tpu.memory_space<vmem>>
      %dma_wait3A_594 = tpu.memref_squeeze %dma_wait3A_593 : memref<1x128xi32, #tpu.memory_space<vmem>> -> memref<128xi32, #tpu.memory_space<vmem>>
      %dma_wait3A_595 = arith.constant 0 : i32
      %dma_wait3A_596 = arith.constant 0 : i32
      %dma_wait3A_597 = tpu.memref_slice %arg2[%dma_wait3A_595, %dma_wait3A_596] : memref<100352x16xf32, #tpu.memory_space<hbm>> -> memref<100352x16xf32, #tpu.memory_space<hbm>>
      tpu.wait_indirect_dma semaphore(%arg13 : memref<!tpu.dma_semaphore, #tpu.memory_space<semaphore_mem>>) src(%dma_wait3A_597 : memref<100352x16xf32, #tpu.memory_space<hbm>>) dst(%dma_wait3A_591 : memref<128x16xf32, #tpu.memory_space<vmem>>)
      %dma_start3A_598 = arith.constant 11 : i32
      %dma_start3A_599 = arith.constant 11 : i32
      %dma_start3A_600 = arith.constant 0 : i32
      %dma_start3A_601 = arith.constant 0 : i32
      %dma_start3A_602 = tpu.memref_slice %arg11[%dma_start3A_598, %dma_start3A_600, %dma_start3A_601] : memref<12x128x16xf32, #tpu.memory_space<vmem>> -> memref<1x128x16xf32, #tpu.memory_space<vmem>>
      %dma_start3A_603 = tpu.memref_squeeze %dma_start3A_602 : memref<1x128x16xf32, #tpu.memory_space<vmem>> -> memref<128x16xf32, #tpu.memory_space<vmem>>
      %dma_start3A_604 = arith.constant 0 : i32
      %dma_start3A_605 = tpu.memref_slice %arg10[%dma_start3A_599, %dma_start3A_604] : memref<12x128xi32, #tpu.memory_space<vmem>> -> memref<1x128xi32, #tpu.memory_space<vmem>>
      %dma_start3A_606 = tpu.memref_squeeze %dma_start3A_605 : memref<1x128xi32, #tpu.memory_space<vmem>> -> memref<128xi32, #tpu.memory_space<vmem>>
      %dma_start3A_607 = arith.constant 0 : i32
      %dma_start3A_608 = arith.constant 0 : i32
      %dma_start3A_609 = tpu.memref_slice %arg7[%dma_start3A_607, %dma_start3A_608] : memref<100352x16xf32, #tpu.memory_space<vmem_shared>> -> memref<100352x16xf32, #tpu.memory_space<vmem_shared>>
      tpu.enqueue_indirect_dma source(%dma_start3A_603 : memref<128x16xf32, #tpu.memory_space<vmem>>) target(%dma_start3A_609 : memref<100352x16xf32, #tpu.memory_space<vmem_shared>>) offsets(%dma_start3A_606 : memref<128xi32, #tpu.memory_space<vmem>>) semaphore(%arg14 : memref<!tpu.dma_semaphore, #tpu.memory_space<semaphore_mem>>) {add = true}
    }
    %scan3A_8 = arith.constant 132 : i32
    %dma_wait3A = arith.constant 0 : i32
    %dma_wait3A_9 = arith.constant 0 : i32
    %dma_wait3A_10 = arith.constant 0 : i32
    %dma_wait3A_11 = arith.constant 0 : i32
    %dma_wait3A_12 = tpu.memref_slice %arg11[%dma_wait3A, %dma_wait3A_10, %dma_wait3A_11] : memref<12x128x16xf32, #tpu.memory_space<vmem>> -> memref<1x128x16xf32, #tpu.memory_space<vmem>>
    %dma_wait3A_13 = tpu.memref_squeeze %dma_wait3A_12 : memref<1x128x16xf32, #tpu.memory_space<vmem>> -> memref<128x16xf32, #tpu.memory_space<vmem>>
    %dma_wait3A_14 = arith.constant 0 : i32
    %dma_wait3A_15 = tpu.memref_slice %arg10[%dma_wait3A_9, %dma_wait3A_14] : memref<12x128xi32, #tpu.memory_space<vmem>> -> memref<1x128xi32, #tpu.memory_space<vmem>>
    %dma_wait3A_16 = tpu.memref_squeeze %dma_wait3A_15 : memref<1x128xi32, #tpu.memory_space<vmem>> -> memref<128xi32, #tpu.memory_space<vmem>>
    %dma_wait3A_17 = arith.constant 0 : i32
    %dma_wait3A_18 = arith.constant 0 : i32
    %dma_wait3A_19 = tpu.memref_slice %arg7[%dma_wait3A_17, %dma_wait3A_18] : memref<100352x16xf32, #tpu.memory_space<vmem_shared>> -> memref<100352x16xf32, #tpu.memory_space<vmem_shared>>
    tpu.wait_indirect_dma semaphore(%arg14 : memref<!tpu.dma_semaphore, #tpu.memory_space<semaphore_mem>>) src(%dma_wait3A_13 : memref<128x16xf32, #tpu.memory_space<vmem>>) dst(%dma_wait3A_19 : memref<100352x16xf32, #tpu.memory_space<vmem_shared>>)
    %dma_wait3A_20 = arith.constant 1 : i32
    %dma_wait3A_21 = arith.constant 1 : i32
    %dma_wait3A_22 = arith.constant 0 : i32
    %dma_wait3A_23 = arith.constant 0 : i32
    %dma_wait3A_24 = tpu.memref_slice %arg11[%dma_wait3A_20, %dma_wait3A_22, %dma_wait3A_23] : memref<12x128x16xf32, #tpu.memory_space<vmem>> -> memref<1x128x16xf32, #tpu.memory_space<vmem>>
    %dma_wait3A_25 = tpu.memref_squeeze %dma_wait3A_24 : memref<1x128x16xf32, #tpu.memory_space<vmem>> -> memref<128x16xf32, #tpu.memory_space<vmem>>
    %dma_wait3A_26 = arith.constant 0 : i32
    %dma_wait3A_27 = tpu.memref_slice %arg10[%dma_wait3A_21, %dma_wait3A_26] : memref<12x128xi32, #tpu.memory_space<vmem>> -> memref<1x128xi32, #tpu.memory_space<vmem>>
    %dma_wait3A_28 = tpu.memref_squeeze %dma_wait3A_27 : memref<1x128xi32, #tpu.memory_space<vmem>> -> memref<128xi32, #tpu.memory_space<vmem>>
    %dma_wait3A_29 = arith.constant 0 : i32
    %dma_wait3A_30 = arith.constant 0 : i32
    %dma_wait3A_31 = tpu.memref_slice %arg7[%dma_wait3A_29, %dma_wait3A_30] : memref<100352x16xf32, #tpu.memory_space<vmem_shared>> -> memref<100352x16xf32, #tpu.memory_space<vmem_shared>>
    tpu.wait_indirect_dma semaphore(%arg14 : memref<!tpu.dma_semaphore, #tpu.memory_space<semaphore_mem>>) src(%dma_wait3A_25 : memref<128x16xf32, #tpu.memory_space<vmem>>) dst(%dma_wait3A_31 : memref<100352x16xf32, #tpu.memory_space<vmem_shared>>)
    %dma_wait3A_32 = arith.constant 2 : i32
    %dma_wait3A_33 = arith.constant 2 : i32
    %dma_wait3A_34 = arith.constant 0 : i32
    %dma_wait3A_35 = arith.constant 0 : i32
    %dma_wait3A_36 = tpu.memref_slice %arg11[%dma_wait3A_32, %dma_wait3A_34, %dma_wait3A_35] : memref<12x128x16xf32, #tpu.memory_space<vmem>> -> memref<1x128x16xf32, #tpu.memory_space<vmem>>
    %dma_wait3A_37 = tpu.memref_squeeze %dma_wait3A_36 : memref<1x128x16xf32, #tpu.memory_space<vmem>> -> memref<128x16xf32, #tpu.memory_space<vmem>>
    %dma_wait3A_38 = arith.constant 0 : i32
    %dma_wait3A_39 = tpu.memref_slice %arg10[%dma_wait3A_33, %dma_wait3A_38] : memref<12x128xi32, #tpu.memory_space<vmem>> -> memref<1x128xi32, #tpu.memory_space<vmem>>
    %dma_wait3A_40 = tpu.memref_squeeze %dma_wait3A_39 : memref<1x128xi32, #tpu.memory_space<vmem>> -> memref<128xi32, #tpu.memory_space<vmem>>
    %dma_wait3A_41 = arith.constant 0 : i32
    %dma_wait3A_42 = arith.constant 0 : i32
    %dma_wait3A_43 = tpu.memref_slice %arg7[%dma_wait3A_41, %dma_wait3A_42] : memref<100352x16xf32, #tpu.memory_space<vmem_shared>> -> memref<100352x16xf32, #tpu.memory_space<vmem_shared>>
    tpu.wait_indirect_dma semaphore(%arg14 : memref<!tpu.dma_semaphore, #tpu.memory_space<semaphore_mem>>) src(%dma_wait3A_37 : memref<128x16xf32, #tpu.memory_space<vmem>>) dst(%dma_wait3A_43 : memref<100352x16xf32, #tpu.memory_space<vmem_shared>>)
    %dma_wait3A_44 = arith.constant 3 : i32
    %dma_wait3A_45 = arith.constant 3 : i32
    %dma_wait3A_46 = arith.constant 0 : i32
    %dma_wait3A_47 = arith.constant 0 : i32
    %dma_wait3A_48 = tpu.memref_slice %arg11[%dma_wait3A_44, %dma_wait3A_46, %dma_wait3A_47] : memref<12x128x16xf32, #tpu.memory_space<vmem>> -> memref<1x128x16xf32, #tpu.memory_space<vmem>>
    %dma_wait3A_49 = tpu.memref_squeeze %dma_wait3A_48 : memref<1x128x16xf32, #tpu.memory_space<vmem>> -> memref<128x16xf32, #tpu.memory_space<vmem>>
    %dma_wait3A_50 = arith.constant 0 : i32
    %dma_wait3A_51 = tpu.memref_slice %arg10[%dma_wait3A_45, %dma_wait3A_50] : memref<12x128xi32, #tpu.memory_space<vmem>> -> memref<1x128xi32, #tpu.memory_space<vmem>>
    %dma_wait3A_52 = tpu.memref_squeeze %dma_wait3A_51 : memref<1x128xi32, #tpu.memory_space<vmem>> -> memref<128xi32, #tpu.memory_space<vmem>>
    %dma_wait3A_53 = arith.constant 0 : i32
    %dma_wait3A_54 = arith.constant 0 : i32
    %dma_wait3A_55 = tpu.memref_slice %arg7[%dma_wait3A_53, %dma_wait3A_54] : memref<100352x16xf32, #tpu.memory_space<vmem_shared>> -> memref<100352x16xf32, #tpu.memory_space<vmem_shared>>
    tpu.wait_indirect_dma semaphore(%arg14 : memref<!tpu.dma_semaphore, #tpu.memory_space<semaphore_mem>>) src(%dma_wait3A_49 : memref<128x16xf32, #tpu.memory_space<vmem>>) dst(%dma_wait3A_55 : memref<100352x16xf32, #tpu.memory_space<vmem_shared>>)
    %dma_wait3A_56 = arith.constant 4 : i32
    %dma_wait3A_57 = arith.constant 4 : i32
    %dma_wait3A_58 = arith.constant 0 : i32
    %dma_wait3A_59 = arith.constant 0 : i32
    %dma_wait3A_60 = tpu.memref_slice %arg11[%dma_wait3A_56, %dma_wait3A_58, %dma_wait3A_59] : memref<12x128x16xf32, #tpu.memory_space<vmem>> -> memref<1x128x16xf32, #tpu.memory_space<vmem>>
    %dma_wait3A_61 = tpu.memref_squeeze %dma_wait3A_60 : memref<1x128x16xf32, #tpu.memory_space<vmem>> -> memref<128x16xf32, #tpu.memory_space<vmem>>
    %dma_wait3A_62 = arith.constant 0 : i32
    %dma_wait3A_63 = tpu.memref_slice %arg10[%dma_wait3A_57, %dma_wait3A_62] : memref<12x128xi32, #tpu.memory_space<vmem>> -> memref<1x128xi32, #tpu.memory_space<vmem>>
    %dma_wait3A_64 = tpu.memref_squeeze %dma_wait3A_63 : memref<1x128xi32, #tpu.memory_space<vmem>> -> memref<128xi32, #tpu.memory_space<vmem>>
    %dma_wait3A_65 = arith.constant 0 : i32
    %dma_wait3A_66 = arith.constant 0 : i32
    %dma_wait3A_67 = tpu.memref_slice %arg7[%dma_wait3A_65, %dma_wait3A_66] : memref<100352x16xf32, #tpu.memory_space<vmem_shared>> -> memref<100352x16xf32, #tpu.memory_space<vmem_shared>>
    tpu.wait_indirect_dma semaphore(%arg14 : memref<!tpu.dma_semaphore, #tpu.memory_space<semaphore_mem>>) src(%dma_wait3A_61 : memref<128x16xf32, #tpu.memory_space<vmem>>) dst(%dma_wait3A_67 : memref<100352x16xf32, #tpu.memory_space<vmem_shared>>)
    %dma_wait3A_68 = arith.constant 5 : i32
    %dma_wait3A_69 = arith.constant 5 : i32
    %dma_wait3A_70 = arith.constant 0 : i32
    %dma_wait3A_71 = arith.constant 0 : i32
    %dma_wait3A_72 = tpu.memref_slice %arg11[%dma_wait3A_68, %dma_wait3A_70, %dma_wait3A_71] : memref<12x128x16xf32, #tpu.memory_space<vmem>> -> memref<1x128x16xf32, #tpu.memory_space<vmem>>
    %dma_wait3A_73 = tpu.memref_squeeze %dma_wait3A_72 : memref<1x128x16xf32, #tpu.memory_space<vmem>> -> memref<128x16xf32, #tpu.memory_space<vmem>>
    %dma_wait3A_74 = arith.constant 0 : i32
    %dma_wait3A_75 = tpu.memref_slice %arg10[%dma_wait3A_69, %dma_wait3A_74] : memref<12x128xi32, #tpu.memory_space<vmem>> -> memref<1x128xi32, #tpu.memory_space<vmem>>
    %dma_wait3A_76 = tpu.memref_squeeze %dma_wait3A_75 : memref<1x128xi32, #tpu.memory_space<vmem>> -> memref<128xi32, #tpu.memory_space<vmem>>
    %dma_wait3A_77 = arith.constant 0 : i32
    %dma_wait3A_78 = arith.constant 0 : i32
    %dma_wait3A_79 = tpu.memref_slice %arg7[%dma_wait3A_77, %dma_wait3A_78] : memref<100352x16xf32, #tpu.memory_space<vmem_shared>> -> memref<100352x16xf32, #tpu.memory_space<vmem_shared>>
    tpu.wait_indirect_dma semaphore(%arg14 : memref<!tpu.dma_semaphore, #tpu.memory_space<semaphore_mem>>) src(%dma_wait3A_73 : memref<128x16xf32, #tpu.memory_space<vmem>>) dst(%dma_wait3A_79 : memref<100352x16xf32, #tpu.memory_space<vmem_shared>>)
    %dma_wait3A_80 = arith.constant 6 : i32
    %dma_wait3A_81 = arith.constant 6 : i32
    %dma_wait3A_82 = arith.constant 0 : i32
    %dma_wait3A_83 = arith.constant 0 : i32
    %dma_wait3A_84 = tpu.memref_slice %arg11[%dma_wait3A_80, %dma_wait3A_82, %dma_wait3A_83] : memref<12x128x16xf32, #tpu.memory_space<vmem>> -> memref<1x128x16xf32, #tpu.memory_space<vmem>>
    %dma_wait3A_85 = tpu.memref_squeeze %dma_wait3A_84 : memref<1x128x16xf32, #tpu.memory_space<vmem>> -> memref<128x16xf32, #tpu.memory_space<vmem>>
    %dma_wait3A_86 = arith.constant 0 : i32
    %dma_wait3A_87 = tpu.memref_slice %arg10[%dma_wait3A_81, %dma_wait3A_86] : memref<12x128xi32, #tpu.memory_space<vmem>> -> memref<1x128xi32, #tpu.memory_space<vmem>>
    %dma_wait3A_88 = tpu.memref_squeeze %dma_wait3A_87 : memref<1x128xi32, #tpu.memory_space<vmem>> -> memref<128xi32, #tpu.memory_space<vmem>>
    %dma_wait3A_89 = arith.constant 0 : i32
    %dma_wait3A_90 = arith.constant 0 : i32
    %dma_wait3A_91 = tpu.memref_slice %arg7[%dma_wait3A_89, %dma_wait3A_90] : memref<100352x16xf32, #tpu.memory_space<vmem_shared>> -> memref<100352x16xf32, #tpu.memory_space<vmem_shared>>
    tpu.wait_indirect_dma semaphore(%arg14 : memref<!tpu.dma_semaphore, #tpu.memory_space<semaphore_mem>>) src(%dma_wait3A_85 : memref<128x16xf32, #tpu.memory_space<vmem>>) dst(%dma_wait3A_91 : memref<100352x16xf32, #tpu.memory_space<vmem_shared>>)
    %dma_wait3A_92 = arith.constant 7 : i32
    %dma_wait3A_93 = arith.constant 7 : i32
    %dma_wait3A_94 = arith.constant 0 : i32
    %dma_wait3A_95 = arith.constant 0 : i32
    %dma_wait3A_96 = tpu.memref_slice %arg11[%dma_wait3A_92, %dma_wait3A_94, %dma_wait3A_95] : memref<12x128x16xf32, #tpu.memory_space<vmem>> -> memref<1x128x16xf32, #tpu.memory_space<vmem>>
    %dma_wait3A_97 = tpu.memref_squeeze %dma_wait3A_96 : memref<1x128x16xf32, #tpu.memory_space<vmem>> -> memref<128x16xf32, #tpu.memory_space<vmem>>
    %dma_wait3A_98 = arith.constant 0 : i32
    %dma_wait3A_99 = tpu.memref_slice %arg10[%dma_wait3A_93, %dma_wait3A_98] : memref<12x128xi32, #tpu.memory_space<vmem>> -> memref<1x128xi32, #tpu.memory_space<vmem>>
    %dma_wait3A_100 = tpu.memref_squeeze %dma_wait3A_99 : memref<1x128xi32, #tpu.memory_space<vmem>> -> memref<128xi32, #tpu.memory_space<vmem>>
    %dma_wait3A_101 = arith.constant 0 : i32
    %dma_wait3A_102 = arith.constant 0 : i32
    %dma_wait3A_103 = tpu.memref_slice %arg7[%dma_wait3A_101, %dma_wait3A_102] : memref<100352x16xf32, #tpu.memory_space<vmem_shared>> -> memref<100352x16xf32, #tpu.memory_space<vmem_shared>>
    tpu.wait_indirect_dma semaphore(%arg14 : memref<!tpu.dma_semaphore, #tpu.memory_space<semaphore_mem>>) src(%dma_wait3A_97 : memref<128x16xf32, #tpu.memory_space<vmem>>) dst(%dma_wait3A_103 : memref<100352x16xf32, #tpu.memory_space<vmem_shared>>)
    %dma_wait3A_104 = arith.constant 8 : i32
    %dma_wait3A_105 = arith.constant 8 : i32
    %dma_wait3A_106 = arith.constant 0 : i32
    %dma_wait3A_107 = arith.constant 0 : i32
    %dma_wait3A_108 = tpu.memref_slice %arg11[%dma_wait3A_104, %dma_wait3A_106, %dma_wait3A_107] : memref<12x128x16xf32, #tpu.memory_space<vmem>> -> memref<1x128x16xf32, #tpu.memory_space<vmem>>
    %dma_wait3A_109 = tpu.memref_squeeze %dma_wait3A_108 : memref<1x128x16xf32, #tpu.memory_space<vmem>> -> memref<128x16xf32, #tpu.memory_space<vmem>>
    %dma_wait3A_110 = arith.constant 0 : i32
    %dma_wait3A_111 = tpu.memref_slice %arg10[%dma_wait3A_105, %dma_wait3A_110] : memref<12x128xi32, #tpu.memory_space<vmem>> -> memref<1x128xi32, #tpu.memory_space<vmem>>
    %dma_wait3A_112 = tpu.memref_squeeze %dma_wait3A_111 : memref<1x128xi32, #tpu.memory_space<vmem>> -> memref<128xi32, #tpu.memory_space<vmem>>
    %dma_wait3A_113 = arith.constant 0 : i32
    %dma_wait3A_114 = arith.constant 0 : i32
    %dma_wait3A_115 = tpu.memref_slice %arg7[%dma_wait3A_113, %dma_wait3A_114] : memref<100352x16xf32, #tpu.memory_space<vmem_shared>> -> memref<100352x16xf32, #tpu.memory_space<vmem_shared>>
    tpu.wait_indirect_dma semaphore(%arg14 : memref<!tpu.dma_semaphore, #tpu.memory_space<semaphore_mem>>) src(%dma_wait3A_109 : memref<128x16xf32, #tpu.memory_space<vmem>>) dst(%dma_wait3A_115 : memref<100352x16xf32, #tpu.memory_space<vmem_shared>>)
    %dma_wait3A_116 = arith.constant 9 : i32
    %dma_wait3A_117 = arith.constant 9 : i32
    %dma_wait3A_118 = arith.constant 0 : i32
    %dma_wait3A_119 = arith.constant 0 : i32
    %dma_wait3A_120 = tpu.memref_slice %arg11[%dma_wait3A_116, %dma_wait3A_118, %dma_wait3A_119] : memref<12x128x16xf32, #tpu.memory_space<vmem>> -> memref<1x128x16xf32, #tpu.memory_space<vmem>>
    %dma_wait3A_121 = tpu.memref_squeeze %dma_wait3A_120 : memref<1x128x16xf32, #tpu.memory_space<vmem>> -> memref<128x16xf32, #tpu.memory_space<vmem>>
    %dma_wait3A_122 = arith.constant 0 : i32
    %dma_wait3A_123 = tpu.memref_slice %arg10[%dma_wait3A_117, %dma_wait3A_122] : memref<12x128xi32, #tpu.memory_space<vmem>> -> memref<1x128xi32, #tpu.memory_space<vmem>>
    %dma_wait3A_124 = tpu.memref_squeeze %dma_wait3A_123 : memref<1x128xi32, #tpu.memory_space<vmem>> -> memref<128xi32, #tpu.memory_space<vmem>>
    %dma_wait3A_125 = arith.constant 0 : i32
    %dma_wait3A_126 = arith.constant 0 : i32
    %dma_wait3A_127 = tpu.memref_slice %arg7[%dma_wait3A_125, %dma_wait3A_126] : memref<100352x16xf32, #tpu.memory_space<vmem_shared>> -> memref<100352x16xf32, #tpu.memory_space<vmem_shared>>
    tpu.wait_indirect_dma semaphore(%arg14 : memref<!tpu.dma_semaphore, #tpu.memory_space<semaphore_mem>>) src(%dma_wait3A_121 : memref<128x16xf32, #tpu.memory_space<vmem>>) dst(%dma_wait3A_127 : memref<100352x16xf32, #tpu.memory_space<vmem_shared>>)
    %dma_wait3A_128 = arith.constant 10 : i32
    %dma_wait3A_129 = arith.constant 10 : i32
    %dma_wait3A_130 = arith.constant 0 : i32
    %dma_wait3A_131 = arith.constant 0 : i32
    %dma_wait3A_132 = tpu.memref_slice %arg11[%dma_wait3A_128, %dma_wait3A_130, %dma_wait3A_131] : memref<12x128x16xf32, #tpu.memory_space<vmem>> -> memref<1x128x16xf32, #tpu.memory_space<vmem>>
    %dma_wait3A_133 = tpu.memref_squeeze %dma_wait3A_132 : memref<1x128x16xf32, #tpu.memory_space<vmem>> -> memref<128x16xf32, #tpu.memory_space<vmem>>
    %dma_wait3A_134 = arith.constant 0 : i32
    %dma_wait3A_135 = tpu.memref_slice %arg10[%dma_wait3A_129, %dma_wait3A_134] : memref<12x128xi32, #tpu.memory_space<vmem>> -> memref<1x128xi32, #tpu.memory_space<vmem>>
    %dma_wait3A_136 = tpu.memref_squeeze %dma_wait3A_135 : memref<1x128xi32, #tpu.memory_space<vmem>> -> memref<128xi32, #tpu.memory_space<vmem>>
    %dma_wait3A_137 = arith.constant 0 : i32
    %dma_wait3A_138 = arith.constant 0 : i32
    %dma_wait3A_139 = tpu.memref_slice %arg7[%dma_wait3A_137, %dma_wait3A_138] : memref<100352x16xf32, #tpu.memory_space<vmem_shared>> -> memref<100352x16xf32, #tpu.memory_space<vmem_shared>>
    tpu.wait_indirect_dma semaphore(%arg14 : memref<!tpu.dma_semaphore, #tpu.memory_space<semaphore_mem>>) src(%dma_wait3A_133 : memref<128x16xf32, #tpu.memory_space<vmem>>) dst(%dma_wait3A_139 : memref<100352x16xf32, #tpu.memory_space<vmem_shared>>)
    %dma_wait3A_140 = arith.constant 11 : i32
    %dma_wait3A_141 = arith.constant 11 : i32
    %dma_wait3A_142 = arith.constant 0 : i32
    %dma_wait3A_143 = arith.constant 0 : i32
    %dma_wait3A_144 = tpu.memref_slice %arg11[%dma_wait3A_140, %dma_wait3A_142, %dma_wait3A_143] : memref<12x128x16xf32, #tpu.memory_space<vmem>> -> memref<1x128x16xf32, #tpu.memory_space<vmem>>
    %dma_wait3A_145 = tpu.memref_squeeze %dma_wait3A_144 : memref<1x128x16xf32, #tpu.memory_space<vmem>> -> memref<128x16xf32, #tpu.memory_space<vmem>>
    %dma_wait3A_146 = arith.constant 0 : i32
    %dma_wait3A_147 = tpu.memref_slice %arg10[%dma_wait3A_141, %dma_wait3A_146] : memref<12x128xi32, #tpu.memory_space<vmem>> -> memref<1x128xi32, #tpu.memory_space<vmem>>
    %dma_wait3A_148 = tpu.memref_squeeze %dma_wait3A_147 : memref<1x128xi32, #tpu.memory_space<vmem>> -> memref<128xi32, #tpu.memory_space<vmem>>
    %dma_wait3A_149 = arith.constant 0 : i32
    %dma_wait3A_150 = arith.constant 0 : i32
    %dma_wait3A_151 = tpu.memref_slice %arg7[%dma_wait3A_149, %dma_wait3A_150] : memref<100352x16xf32, #tpu.memory_space<vmem_shared>> -> memref<100352x16xf32, #tpu.memory_space<vmem_shared>>
    tpu.wait_indirect_dma semaphore(%arg14 : memref<!tpu.dma_semaphore, #tpu.memory_space<semaphore_mem>>) src(%dma_wait3A_145 : memref<128x16xf32, #tpu.memory_space<vmem>>) dst(%dma_wait3A_151 : memref<100352x16xf32, #tpu.memory_space<vmem_shared>>)
    %barrier3A_152 = arith.constant 0 : index
    tpu.barrier barrier_id(%barrier3A_152)
    "tpu.region"() ({
      %run_scoped3A = tpu.sem_alloc : memref<!tpu.dma_semaphore, #tpu.memory_space<semaphore_mem>>
      %dma_start3A = arith.constant 0 : i32
      %dma_start3A_153 = tpu.memref_slice %arg6[%arg0, %mul3A_4, %dma_start3A] : memref<2x100352x16xf32, #tpu.memory_space<hbm>> -> memref<1x6272x16xf32, #tpu.memory_space<hbm>>
      %dma_start3A_154 = tpu.memref_squeeze %dma_start3A_153 : memref<1x6272x16xf32, #tpu.memory_space<hbm>> -> memref<6272x16xf32, #tpu.memory_space<hbm>>
      %dma_start3A_155 = arith.constant 0 : i32
      %dma_start3A_156 = tpu.memref_slice %arg7[%mul3A_4, %dma_start3A_155] : memref<100352x16xf32, #tpu.memory_space<vmem_shared>> -> memref<6272x16xf32, #tpu.memory_space<vmem_shared>>
      tpu.enqueue_dma source(%dma_start3A_156 : memref<6272x16xf32, #tpu.memory_space<vmem_shared>>) target(%dma_start3A_154 : memref<6272x16xf32, #tpu.memory_space<hbm>>) target_semaphore(%run_scoped3A : memref<!tpu.dma_semaphore, #tpu.memory_space<semaphore_mem>>)
      %dma_wait3A_157 = arith.constant 0 : i32
      %dma_wait3A_158 = tpu.memref_slice %arg6[%arg0, %mul3A_4, %dma_wait3A_157] : memref<2x100352x16xf32, #tpu.memory_space<hbm>> -> memref<1x6272x16xf32, #tpu.memory_space<hbm>>
      %dma_wait3A_159 = tpu.memref_squeeze %dma_wait3A_158 : memref<1x6272x16xf32, #tpu.memory_space<hbm>> -> memref<6272x16xf32, #tpu.memory_space<hbm>>
      %dma_wait3A_160 = arith.constant 0 : i32
      %dma_wait3A_161 = tpu.memref_slice %arg7[%mul3A_4, %dma_wait3A_160] : memref<100352x16xf32, #tpu.memory_space<vmem_shared>> -> memref<6272x16xf32, #tpu.memory_space<vmem_shared>>
      tpu.wait_dma2 semaphore(%run_scoped3A : memref<!tpu.dma_semaphore, #tpu.memory_space<semaphore_mem>>) src(%dma_wait3A_161 : memref<6272x16xf32, #tpu.memory_space<vmem_shared>>) dst(%dma_wait3A_159 : memref<6272x16xf32, #tpu.memory_space<hbm>>)
      tpu.yield
    }) : () -> ()
    return
  }
}

#map = affine_map<(d0, d1) -> (0, 0)>
#map1 = affine_map<(d0, d1) -> (0)>
module attributes {stable_mosaic.version = 14 : i64} {
  func.func @_deg_body(%arg0: i32, %arg1: i32, %arg2: memref<50688x128xi32, #tpu.memory_space<hbm>>, %arg3: memref<6272xf32, #tpu.memory_space<hbm>>, %arg4: memref<2x100352xf32, #tpu.memory_space<hbm>>, %arg5: memref<100352xf32, #tpu.memory_space<vmem_shared>>, %arg6: memref<16x128xi32, #tpu.memory_space<vmem>>, %arg7: memref<128xf32, #tpu.memory_space<vmem>>, %arg8: memref<!tpu.dma_semaphore, #tpu.memory_space<semaphore_mem>>, %arg9: memref<!tpu.dma_semaphore, #tpu.memory_space<semaphore_mem>>) attributes {dimension_semantics = [#tpu.dimension_semantics<core_parallel>, #tpu.dimension_semantics<subcore_parallel>], iteration_bounds = array<i64: 2, 16>, scalar_prefetch = 0 : i64, scratch_operands = 5 : i64, tpu.core_type = #tpu.core_type<sc_vector_subcore>, window_params = [{transform_indices = #map}, {transform_indices = #map1}, {transform_indices = #map}]} {
    %mul3A = arith.constant 16 : i32
    %mul3A_0 = arith.muli %arg0, %mul3A : i32
    %add3A = arith.addi %mul3A_0, %arg1 : i32
    %mul3A_1 = arith.constant 1584 : i32
    %mul3A_2 = arith.muli %add3A, %mul3A_1 : i32
    %mul3A_3 = arith.constant 6272 : i32
    %mul3A_4 = arith.muli %arg1, %mul3A_3 : i32
    %broadcast_in_dim3A = arith.constant 1.000000e+00 : f32
    %broadcast_in_dim3A_5 = vector.broadcast %broadcast_in_dim3A : f32 to vector<16xf32>
    %swap3A = arith.constant 0 : index
    %swap3A_6 = tpu.vector_load %arg7[%swap3A] {strides = array<i32>} : memref<128xf32, #tpu.memory_space<vmem>>, vector<16xf32>,
    %swap3A_7 = vector.shape_cast %swap3A_6 : vector<16xf32> to vector<16xf32>
    %swap3A_8 = vector.shape_cast %broadcast_in_dim3A_5 : vector<16xf32> to vector<16xf32>
    tpu.vector_store %arg7[%swap3A], %swap3A_8 {strides = array<i32>} : memref<128xf32, #tpu.memory_space<vmem>>, vector<16xf32>,
    %broadcast_in_dim3A_9 = arith.constant 1.000000e+00 : f32
    %broadcast_in_dim3A_10 = vector.broadcast %broadcast_in_dim3A_9 : f32 to vector<16xf32>
    %swap3A_11 = arith.constant 16 : index
    %swap3A_12 = tpu.vector_load %arg7[%swap3A_11] {strides = array<i32>} : memref<128xf32, #tpu.memory_space<vmem>>, vector<16xf32>,
    %swap3A_13 = vector.shape_cast %swap3A_12 : vector<16xf32> to vector<16xf32>
    %swap3A_14 = vector.shape_cast %broadcast_in_dim3A_10 : vector<16xf32> to vector<16xf32>
    tpu.vector_store %arg7[%swap3A_11], %swap3A_14 {strides = array<i32>} : memref<128xf32, #tpu.memory_space<vmem>>, vector<16xf32>,
    %broadcast_in_dim3A_15 = arith.constant 1.000000e+00 : f32
    %broadcast_in_dim3A_16 = vector.broadcast %broadcast_in_dim3A_15 : f32 to vector<16xf32>
    %swap3A_17 = arith.constant 32 : index
    %swap3A_18 = tpu.vector_load %arg7[%swap3A_17] {strides = array<i32>} : memref<128xf32, #tpu.memory_space<vmem>>, vector<16xf32>,
    %swap3A_19 = vector.shape_cast %swap3A_18 : vector<16xf32> to vector<16xf32>
    %swap3A_20 = vector.shape_cast %broadcast_in_dim3A_16 : vector<16xf32> to vector<16xf32>
    tpu.vector_store %arg7[%swap3A_17], %swap3A_20 {strides = array<i32>} : memref<128xf32, #tpu.memory_space<vmem>>, vector<16xf32>,
    %broadcast_in_dim3A_21 = arith.constant 1.000000e+00 : f32
    %broadcast_in_dim3A_22 = vector.broadcast %broadcast_in_dim3A_21 : f32 to vector<16xf32>
    %swap3A_23 = arith.constant 48 : index
    %swap3A_24 = tpu.vector_load %arg7[%swap3A_23] {strides = array<i32>} : memref<128xf32, #tpu.memory_space<vmem>>, vector<16xf32>,
    %swap3A_25 = vector.shape_cast %swap3A_24 : vector<16xf32> to vector<16xf32>
    %swap3A_26 = vector.shape_cast %broadcast_in_dim3A_22 : vector<16xf32> to vector<16xf32>
    tpu.vector_store %arg7[%swap3A_23], %swap3A_26 {strides = array<i32>} : memref<128xf32, #tpu.memory_space<vmem>>, vector<16xf32>,
    %broadcast_in_dim3A_27 = arith.constant 1.000000e+00 : f32
    %broadcast_in_dim3A_28 = vector.broadcast %broadcast_in_dim3A_27 : f32 to vector<16xf32>
    %swap3A_29 = arith.constant 64 : index
    %swap3A_30 = tpu.vector_load %arg7[%swap3A_29] {strides = array<i32>} : memref<128xf32, #tpu.memory_space<vmem>>, vector<16xf32>,
    %swap3A_31 = vector.shape_cast %swap3A_30 : vector<16xf32> to vector<16xf32>
    %swap3A_32 = vector.shape_cast %broadcast_in_dim3A_28 : vector<16xf32> to vector<16xf32>
    tpu.vector_store %arg7[%swap3A_29], %swap3A_32 {strides = array<i32>} : memref<128xf32, #tpu.memory_space<vmem>>, vector<16xf32>,
    %broadcast_in_dim3A_33 = arith.constant 1.000000e+00 : f32
    %broadcast_in_dim3A_34 = vector.broadcast %broadcast_in_dim3A_33 : f32 to vector<16xf32>
    %swap3A_35 = arith.constant 80 : index
    %swap3A_36 = tpu.vector_load %arg7[%swap3A_35] {strides = array<i32>} : memref<128xf32, #tpu.memory_space<vmem>>, vector<16xf32>,
    %swap3A_37 = vector.shape_cast %swap3A_36 : vector<16xf32> to vector<16xf32>
    %swap3A_38 = vector.shape_cast %broadcast_in_dim3A_34 : vector<16xf32> to vector<16xf32>
    tpu.vector_store %arg7[%swap3A_35], %swap3A_38 {strides = array<i32>} : memref<128xf32, #tpu.memory_space<vmem>>, vector<16xf32>,
    %broadcast_in_dim3A_39 = arith.constant 1.000000e+00 : f32
    %broadcast_in_dim3A_40 = vector.broadcast %broadcast_in_dim3A_39 : f32 to vector<16xf32>
    %swap3A_41 = arith.constant 96 : index
    %swap3A_42 = tpu.vector_load %arg7[%swap3A_41] {strides = array<i32>} : memref<128xf32, #tpu.memory_space<vmem>>, vector<16xf32>,
    %swap3A_43 = vector.shape_cast %swap3A_42 : vector<16xf32> to vector<16xf32>
    %swap3A_44 = vector.shape_cast %broadcast_in_dim3A_40 : vector<16xf32> to vector<16xf32>
    tpu.vector_store %arg7[%swap3A_41], %swap3A_44 {strides = array<i32>} : memref<128xf32, #tpu.memory_space<vmem>>, vector<16xf32>,
    %broadcast_in_dim3A_45 = arith.constant 1.000000e+00 : f32
    %broadcast_in_dim3A_46 = vector.broadcast %broadcast_in_dim3A_45 : f32 to vector<16xf32>
    %swap3A_47 = arith.constant 112 : index
    %swap3A_48 = tpu.vector_load %arg7[%swap3A_47] {strides = array<i32>} : memref<128xf32, #tpu.memory_space<vmem>>, vector<16xf32>,
    %swap3A_49 = vector.shape_cast %swap3A_48 : vector<16xf32> to vector<16xf32>
    %swap3A_50 = vector.shape_cast %broadcast_in_dim3A_46 : vector<16xf32> to vector<16xf32>
    tpu.vector_store %arg7[%swap3A_47], %swap3A_50 {strides = array<i32>} : memref<128xf32, #tpu.memory_space<vmem>>, vector<16xf32>,
    "tpu.region"() ({
      %run_scoped3A = tpu.sem_alloc : memref<!tpu.dma_semaphore, #tpu.memory_space<semaphore_mem>>
      %dma_start3A = tpu.memref_slice %arg5[%mul3A_4] : memref<100352xf32, #tpu.memory_space<vmem_shared>> -> memref<6272xf32, #tpu.memory_space<vmem_shared>>
      tpu.enqueue_dma source(%arg3 : memref<6272xf32, #tpu.memory_space<hbm>>) target(%dma_start3A : memref<6272xf32, #tpu.memory_space<vmem_shared>>) target_semaphore(%run_scoped3A : memref<!tpu.dma_semaphore, #tpu.memory_space<semaphore_mem>>)
      %dma_wait3A_151 = tpu.memref_slice %arg5[%mul3A_4] : memref<100352xf32, #tpu.memory_space<vmem_shared>> -> memref<6272xf32, #tpu.memory_space<vmem_shared>>
      tpu.wait_dma2 semaphore(%run_scoped3A : memref<!tpu.dma_semaphore, #tpu.memory_space<semaphore_mem>>) src(%arg3 : memref<6272xf32, #tpu.memory_space<hbm>>) dst(%dma_wait3A_151 : memref<6272xf32, #tpu.memory_space<vmem_shared>>)
      tpu.yield
    }) : () -> ()
    %barrier3A = arith.constant 0 : index
    tpu.barrier barrier_id(%barrier3A)
    %scan3A = arith.constant 0 : i32
    %scan3A_51 = arith.constant 99 : i32
    %scan3A_52 = arith.addi %scan3A, %scan3A_51 : i32
    %scan3A_53 = arith.constant 1 : i32
    scf.for %scan3A_151 = %scan3A to %scan3A_52 step %scan3A_53  : i32 {
      %mul3A_152 = arith.constant 1 : i32
      %mul3A_153 = arith.muli %scan3A_151, %mul3A_152 : i32
      %add3A_154 = arith.constant 0 : i32
      %add3A_155 = arith.addi %add3A_154, %mul3A_153 : i32
      %mul3A_156 = arith.constant 16 : i32
      %mul3A_157 = arith.muli %add3A_155, %mul3A_156 : i32
      %add3A_158 = arith.addi %mul3A_2, %mul3A_157 : i32
      %gt3A = arith.constant 0 : i32
      %gt3A_159 = arith.cmpi sgt, %add3A_155, %gt3A : i32
      %convert_element_type3A = arith.extui %gt3A_159 : i1 to i32
      %cond3A = arith.constant 0 : i32
      %cond3A_160 = arith.cmpi ne, %convert_element_type3A, %cond3A : i32
      scf.if %cond3A_160 {
        %dma_wait3A_264 = arith.constant 0 : i32
        %dma_wait3A_265 = arith.constant 0 : i32
        %dma_wait3A_266 = tpu.memref_slice %arg6[%dma_wait3A_264, %dma_wait3A_265] : memref<16x128xi32, #tpu.memory_space<vmem>> -> memref<1x128xi32, #tpu.memory_space<vmem>>
        %dma_wait3A_267 = tpu.memref_squeeze %dma_wait3A_266 : memref<1x128xi32, #tpu.memory_space<vmem>> -> memref<128xi32, #tpu.memory_space<vmem>>
        %dma_wait3A_268 = arith.constant 0 : i32
        %dma_wait3A_269 = tpu.memref_slice %arg5[%dma_wait3A_268] : memref<100352xf32, #tpu.memory_space<vmem_shared>> -> memref<100352xf32, #tpu.memory_space<vmem_shared>>
        tpu.wait_indirect_dma semaphore(%arg9 : memref<!tpu.dma_semaphore, #tpu.memory_space<semaphore_mem>>) src(%arg7 : memref<128xf32, #tpu.memory_space<vmem>>) dst(%dma_wait3A_269 : memref<100352xf32, #tpu.memory_space<vmem_shared>>)
        %dma_wait3A_270 = arith.constant 1 : i32
        %dma_wait3A_271 = arith.constant 0 : i32
        %dma_wait3A_272 = tpu.memref_slice %arg6[%dma_wait3A_270, %dma_wait3A_271] : memref<16x128xi32, #tpu.memory_space<vmem>> -> memref<1x128xi32, #tpu.memory_space<vmem>>
        %dma_wait3A_273 = tpu.memref_squeeze %dma_wait3A_272 : memref<1x128xi32, #tpu.memory_space<vmem>> -> memref<128xi32, #tpu.memory_space<vmem>>
        %dma_wait3A_274 = arith.constant 0 : i32
        %dma_wait3A_275 = tpu.memref_slice %arg5[%dma_wait3A_274] : memref<100352xf32, #tpu.memory_space<vmem_shared>> -> memref<100352xf32, #tpu.memory_space<vmem_shared>>
        tpu.wait_indirect_dma semaphore(%arg9 : memref<!tpu.dma_semaphore, #tpu.memory_space<semaphore_mem>>) src(%arg7 : memref<128xf32, #tpu.memory_space<vmem>>) dst(%dma_wait3A_275 : memref<100352xf32, #tpu.memory_space<vmem_shared>>)
        %dma_wait3A_276 = arith.constant 2 : i32
        %dma_wait3A_277 = arith.constant 0 : i32
        %dma_wait3A_278 = tpu.memref_slice %arg6[%dma_wait3A_276, %dma_wait3A_277] : memref<16x128xi32, #tpu.memory_space<vmem>> -> memref<1x128xi32, #tpu.memory_space<vmem>>
        %dma_wait3A_279 = tpu.memref_squeeze %dma_wait3A_278 : memref<1x128xi32, #tpu.memory_space<vmem>> -> memref<128xi32, #tpu.memory_space<vmem>>
        %dma_wait3A_280 = arith.constant 0 : i32
        %dma_wait3A_281 = tpu.memref_slice %arg5[%dma_wait3A_280] : memref<100352xf32, #tpu.memory_space<vmem_shared>> -> memref<100352xf32, #tpu.memory_space<vmem_shared>>
        tpu.wait_indirect_dma semaphore(%arg9 : memref<!tpu.dma_semaphore, #tpu.memory_space<semaphore_mem>>) src(%arg7 : memref<128xf32, #tpu.memory_space<vmem>>) dst(%dma_wait3A_281 : memref<100352xf32, #tpu.memory_space<vmem_shared>>)
        %dma_wait3A_282 = arith.constant 3 : i32
        %dma_wait3A_283 = arith.constant 0 : i32
        %dma_wait3A_284 = tpu.memref_slice %arg6[%dma_wait3A_282, %dma_wait3A_283] : memref<16x128xi32, #tpu.memory_space<vmem>> -> memref<1x128xi32, #tpu.memory_space<vmem>>
        %dma_wait3A_285 = tpu.memref_squeeze %dma_wait3A_284 : memref<1x128xi32, #tpu.memory_space<vmem>> -> memref<128xi32, #tpu.memory_space<vmem>>
        %dma_wait3A_286 = arith.constant 0 : i32
        %dma_wait3A_287 = tpu.memref_slice %arg5[%dma_wait3A_286] : memref<100352xf32, #tpu.memory_space<vmem_shared>> -> memref<100352xf32, #tpu.memory_space<vmem_shared>>
        tpu.wait_indirect_dma semaphore(%arg9 : memref<!tpu.dma_semaphore, #tpu.memory_space<semaphore_mem>>) src(%arg7 : memref<128xf32, #tpu.memory_space<vmem>>) dst(%dma_wait3A_287 : memref<100352xf32, #tpu.memory_space<vmem_shared>>)
        %dma_wait3A_288 = arith.constant 4 : i32
        %dma_wait3A_289 = arith.constant 0 : i32
        %dma_wait3A_290 = tpu.memref_slice %arg6[%dma_wait3A_288, %dma_wait3A_289] : memref<16x128xi32, #tpu.memory_space<vmem>> -> memref<1x128xi32, #tpu.memory_space<vmem>>
        %dma_wait3A_291 = tpu.memref_squeeze %dma_wait3A_290 : memref<1x128xi32, #tpu.memory_space<vmem>> -> memref<128xi32, #tpu.memory_space<vmem>>
        %dma_wait3A_292 = arith.constant 0 : i32
        %dma_wait3A_293 = tpu.memref_slice %arg5[%dma_wait3A_292] : memref<100352xf32, #tpu.memory_space<vmem_shared>> -> memref<100352xf32, #tpu.memory_space<vmem_shared>>
        tpu.wait_indirect_dma semaphore(%arg9 : memref<!tpu.dma_semaphore, #tpu.memory_space<semaphore_mem>>) src(%arg7 : memref<128xf32, #tpu.memory_space<vmem>>) dst(%dma_wait3A_293 : memref<100352xf32, #tpu.memory_space<vmem_shared>>)
        %dma_wait3A_294 = arith.constant 5 : i32
        %dma_wait3A_295 = arith.constant 0 : i32
        %dma_wait3A_296 = tpu.memref_slice %arg6[%dma_wait3A_294, %dma_wait3A_295] : memref<16x128xi32, #tpu.memory_space<vmem>> -> memref<1x128xi32, #tpu.memory_space<vmem>>
        %dma_wait3A_297 = tpu.memref_squeeze %dma_wait3A_296 : memref<1x128xi32, #tpu.memory_space<vmem>> -> memref<128xi32, #tpu.memory_space<vmem>>
        %dma_wait3A_298 = arith.constant 0 : i32
        %dma_wait3A_299 = tpu.memref_slice %arg5[%dma_wait3A_298] : memref<100352xf32, #tpu.memory_space<vmem_shared>> -> memref<100352xf32, #tpu.memory_space<vmem_shared>>
        tpu.wait_indirect_dma semaphore(%arg9 : memref<!tpu.dma_semaphore, #tpu.memory_space<semaphore_mem>>) src(%arg7 : memref<128xf32, #tpu.memory_space<vmem>>) dst(%dma_wait3A_299 : memref<100352xf32, #tpu.memory_space<vmem_shared>>)
        %dma_wait3A_300 = arith.constant 6 : i32
        %dma_wait3A_301 = arith.constant 0 : i32
        %dma_wait3A_302 = tpu.memref_slice %arg6[%dma_wait3A_300, %dma_wait3A_301] : memref<16x128xi32, #tpu.memory_space<vmem>> -> memref<1x128xi32, #tpu.memory_space<vmem>>
        %dma_wait3A_303 = tpu.memref_squeeze %dma_wait3A_302 : memref<1x128xi32, #tpu.memory_space<vmem>> -> memref<128xi32, #tpu.memory_space<vmem>>
        %dma_wait3A_304 = arith.constant 0 : i32
        %dma_wait3A_305 = tpu.memref_slice %arg5[%dma_wait3A_304] : memref<100352xf32, #tpu.memory_space<vmem_shared>> -> memref<100352xf32, #tpu.memory_space<vmem_shared>>
        tpu.wait_indirect_dma semaphore(%arg9 : memref<!tpu.dma_semaphore, #tpu.memory_space<semaphore_mem>>) src(%arg7 : memref<128xf32, #tpu.memory_space<vmem>>) dst(%dma_wait3A_305 : memref<100352xf32, #tpu.memory_space<vmem_shared>>)
        %dma_wait3A_306 = arith.constant 7 : i32
        %dma_wait3A_307 = arith.constant 0 : i32
        %dma_wait3A_308 = tpu.memref_slice %arg6[%dma_wait3A_306, %dma_wait3A_307] : memref<16x128xi32, #tpu.memory_space<vmem>> -> memref<1x128xi32, #tpu.memory_space<vmem>>
        %dma_wait3A_309 = tpu.memref_squeeze %dma_wait3A_308 : memref<1x128xi32, #tpu.memory_space<vmem>> -> memref<128xi32, #tpu.memory_space<vmem>>
        %dma_wait3A_310 = arith.constant 0 : i32
        %dma_wait3A_311 = tpu.memref_slice %arg5[%dma_wait3A_310] : memref<100352xf32, #tpu.memory_space<vmem_shared>> -> memref<100352xf32, #tpu.memory_space<vmem_shared>>
        tpu.wait_indirect_dma semaphore(%arg9 : memref<!tpu.dma_semaphore, #tpu.memory_space<semaphore_mem>>) src(%arg7 : memref<128xf32, #tpu.memory_space<vmem>>) dst(%dma_wait3A_311 : memref<100352xf32, #tpu.memory_space<vmem_shared>>)
        %dma_wait3A_312 = arith.constant 8 : i32
        %dma_wait3A_313 = arith.constant 0 : i32
        %dma_wait3A_314 = tpu.memref_slice %arg6[%dma_wait3A_312, %dma_wait3A_313] : memref<16x128xi32, #tpu.memory_space<vmem>> -> memref<1x128xi32, #tpu.memory_space<vmem>>
        %dma_wait3A_315 = tpu.memref_squeeze %dma_wait3A_314 : memref<1x128xi32, #tpu.memory_space<vmem>> -> memref<128xi32, #tpu.memory_space<vmem>>
        %dma_wait3A_316 = arith.constant 0 : i32
        %dma_wait3A_317 = tpu.memref_slice %arg5[%dma_wait3A_316] : memref<100352xf32, #tpu.memory_space<vmem_shared>> -> memref<100352xf32, #tpu.memory_space<vmem_shared>>
        tpu.wait_indirect_dma semaphore(%arg9 : memref<!tpu.dma_semaphore, #tpu.memory_space<semaphore_mem>>) src(%arg7 : memref<128xf32, #tpu.memory_space<vmem>>) dst(%dma_wait3A_317 : memref<100352xf32, #tpu.memory_space<vmem_shared>>)
        %dma_wait3A_318 = arith.constant 9 : i32
        %dma_wait3A_319 = arith.constant 0 : i32
        %dma_wait3A_320 = tpu.memref_slice %arg6[%dma_wait3A_318, %dma_wait3A_319] : memref<16x128xi32, #tpu.memory_space<vmem>> -> memref<1x128xi32, #tpu.memory_space<vmem>>
        %dma_wait3A_321 = tpu.memref_squeeze %dma_wait3A_320 : memref<1x128xi32, #tpu.memory_space<vmem>> -> memref<128xi32, #tpu.memory_space<vmem>>
        %dma_wait3A_322 = arith.constant 0 : i32
        %dma_wait3A_323 = tpu.memref_slice %arg5[%dma_wait3A_322] : memref<100352xf32, #tpu.memory_space<vmem_shared>> -> memref<100352xf32, #tpu.memory_space<vmem_shared>>
        tpu.wait_indirect_dma semaphore(%arg9 : memref<!tpu.dma_semaphore, #tpu.memory_space<semaphore_mem>>) src(%arg7 : memref<128xf32, #tpu.memory_space<vmem>>) dst(%dma_wait3A_323 : memref<100352xf32, #tpu.memory_space<vmem_shared>>)
        %dma_wait3A_324 = arith.constant 10 : i32
        %dma_wait3A_325 = arith.constant 0 : i32
        %dma_wait3A_326 = tpu.memref_slice %arg6[%dma_wait3A_324, %dma_wait3A_325] : memref<16x128xi32, #tpu.memory_space<vmem>> -> memref<1x128xi32, #tpu.memory_space<vmem>>
        %dma_wait3A_327 = tpu.memref_squeeze %dma_wait3A_326 : memref<1x128xi32, #tpu.memory_space<vmem>> -> memref<128xi32, #tpu.memory_space<vmem>>
        %dma_wait3A_328 = arith.constant 0 : i32
        %dma_wait3A_329 = tpu.memref_slice %arg5[%dma_wait3A_328] : memref<100352xf32, #tpu.memory_space<vmem_shared>> -> memref<100352xf32, #tpu.memory_space<vmem_shared>>
        tpu.wait_indirect_dma semaphore(%arg9 : memref<!tpu.dma_semaphore, #tpu.memory_space<semaphore_mem>>) src(%arg7 : memref<128xf32, #tpu.memory_space<vmem>>) dst(%dma_wait3A_329 : memref<100352xf32, #tpu.memory_space<vmem_shared>>)
        %dma_wait3A_330 = arith.constant 11 : i32
        %dma_wait3A_331 = arith.constant 0 : i32
        %dma_wait3A_332 = tpu.memref_slice %arg6[%dma_wait3A_330, %dma_wait3A_331] : memref<16x128xi32, #tpu.memory_space<vmem>> -> memref<1x128xi32, #tpu.memory_space<vmem>>
        %dma_wait3A_333 = tpu.memref_squeeze %dma_wait3A_332 : memref<1x128xi32, #tpu.memory_space<vmem>> -> memref<128xi32, #tpu.memory_space<vmem>>
        %dma_wait3A_334 = arith.constant 0 : i32
        %dma_wait3A_335 = tpu.memref_slice %arg5[%dma_wait3A_334] : memref<100352xf32, #tpu.memory_space<vmem_shared>> -> memref<100352xf32, #tpu.memory_space<vmem_shared>>
        tpu.wait_indirect_dma semaphore(%arg9 : memref<!tpu.dma_semaphore, #tpu.memory_space<semaphore_mem>>) src(%arg7 : memref<128xf32, #tpu.memory_space<vmem>>) dst(%dma_wait3A_335 : memref<100352xf32, #tpu.memory_space<vmem_shared>>)
        %dma_wait3A_336 = arith.constant 12 : i32
        %dma_wait3A_337 = arith.constant 0 : i32
        %dma_wait3A_338 = tpu.memref_slice %arg6[%dma_wait3A_336, %dma_wait3A_337] : memref<16x128xi32, #tpu.memory_space<vmem>> -> memref<1x128xi32, #tpu.memory_space<vmem>>
        %dma_wait3A_339 = tpu.memref_squeeze %dma_wait3A_338 : memref<1x128xi32, #tpu.memory_space<vmem>> -> memref<128xi32, #tpu.memory_space<vmem>>
        %dma_wait3A_340 = arith.constant 0 : i32
        %dma_wait3A_341 = tpu.memref_slice %arg5[%dma_wait3A_340] : memref<100352xf32, #tpu.memory_space<vmem_shared>> -> memref<100352xf32, #tpu.memory_space<vmem_shared>>
        tpu.wait_indirect_dma semaphore(%arg9 : memref<!tpu.dma_semaphore, #tpu.memory_space<semaphore_mem>>) src(%arg7 : memref<128xf32, #tpu.memory_space<vmem>>) dst(%dma_wait3A_341 : memref<100352xf32, #tpu.memory_space<vmem_shared>>)
        %dma_wait3A_342 = arith.constant 13 : i32
        %dma_wait3A_343 = arith.constant 0 : i32
        %dma_wait3A_344 = tpu.memref_slice %arg6[%dma_wait3A_342, %dma_wait3A_343] : memref<16x128xi32, #tpu.memory_space<vmem>> -> memref<1x128xi32, #tpu.memory_space<vmem>>
        %dma_wait3A_345 = tpu.memref_squeeze %dma_wait3A_344 : memref<1x128xi32, #tpu.memory_space<vmem>> -> memref<128xi32, #tpu.memory_space<vmem>>
        %dma_wait3A_346 = arith.constant 0 : i32
        %dma_wait3A_347 = tpu.memref_slice %arg5[%dma_wait3A_346] : memref<100352xf32, #tpu.memory_space<vmem_shared>> -> memref<100352xf32, #tpu.memory_space<vmem_shared>>
        tpu.wait_indirect_dma semaphore(%arg9 : memref<!tpu.dma_semaphore, #tpu.memory_space<semaphore_mem>>) src(%arg7 : memref<128xf32, #tpu.memory_space<vmem>>) dst(%dma_wait3A_347 : memref<100352xf32, #tpu.memory_space<vmem_shared>>)
        %dma_wait3A_348 = arith.constant 14 : i32
        %dma_wait3A_349 = arith.constant 0 : i32
        %dma_wait3A_350 = tpu.memref_slice %arg6[%dma_wait3A_348, %dma_wait3A_349] : memref<16x128xi32, #tpu.memory_space<vmem>> -> memref<1x128xi32, #tpu.memory_space<vmem>>
        %dma_wait3A_351 = tpu.memref_squeeze %dma_wait3A_350 : memref<1x128xi32, #tpu.memory_space<vmem>> -> memref<128xi32, #tpu.memory_space<vmem>>
        %dma_wait3A_352 = arith.constant 0 : i32
        %dma_wait3A_353 = tpu.memref_slice %arg5[%dma_wait3A_352] : memref<100352xf32, #tpu.memory_space<vmem_shared>> -> memref<100352xf32, #tpu.memory_space<vmem_shared>>
        tpu.wait_indirect_dma semaphore(%arg9 : memref<!tpu.dma_semaphore, #tpu.memory_space<semaphore_mem>>) src(%arg7 : memref<128xf32, #tpu.memory_space<vmem>>) dst(%dma_wait3A_353 : memref<100352xf32, #tpu.memory_space<vmem_shared>>)
        %dma_wait3A_354 = arith.constant 15 : i32
        %dma_wait3A_355 = arith.constant 0 : i32
        %dma_wait3A_356 = tpu.memref_slice %arg6[%dma_wait3A_354, %dma_wait3A_355] : memref<16x128xi32, #tpu.memory_space<vmem>> -> memref<1x128xi32, #tpu.memory_space<vmem>>
        %dma_wait3A_357 = tpu.memref_squeeze %dma_wait3A_356 : memref<1x128xi32, #tpu.memory_space<vmem>> -> memref<128xi32, #tpu.memory_space<vmem>>
        %dma_wait3A_358 = arith.constant 0 : i32
        %dma_wait3A_359 = tpu.memref_slice %arg5[%dma_wait3A_358] : memref<100352xf32, #tpu.memory_space<vmem_shared>> -> memref<100352xf32, #tpu.memory_space<vmem_shared>>
        tpu.wait_indirect_dma semaphore(%arg9 : memref<!tpu.dma_semaphore, #tpu.memory_space<semaphore_mem>>) src(%arg7 : memref<128xf32, #tpu.memory_space<vmem>>) dst(%dma_wait3A_359 : memref<100352xf32, #tpu.memory_space<vmem_shared>>)
      } else {
      }
      %dma_start3A = arith.constant 0 : i32
      %dma_start3A_161 = tpu.memref_slice %arg2[%add3A_158, %dma_start3A] : memref<50688x128xi32, #tpu.memory_space<hbm>> -> memref<16x128xi32, #tpu.memory_space<hbm>>
      %dma_start3A_162 = arith.constant 0 : i32
      %dma_start3A_163 = tpu.memref_slice %arg2[%add3A_158, %dma_start3A_162] : memref<50688x128xi32, #tpu.memory_space<hbm>> -> memref<16x128xi32, #tpu.memory_space<hbm>>
      tpu.enqueue_dma source(%dma_start3A_163 : memref<16x128xi32, #tpu.memory_space<hbm>>) target(%arg6 : memref<16x128xi32, #tpu.memory_space<vmem>>) target_semaphore(%arg8 : memref<!tpu.dma_semaphore, #tpu.memory_space<semaphore_mem>>)
      %dma_wait3A_164 = arith.constant 0 : i32
      %dma_wait3A_165 = tpu.memref_slice %arg2[%add3A_158, %dma_wait3A_164] : memref<50688x128xi32, #tpu.memory_space<hbm>> -> memref<16x128xi32, #tpu.memory_space<hbm>>
      %dma_wait3A_166 = arith.constant 0 : i32
      %dma_wait3A_167 = tpu.memref_slice %arg2[%add3A_158, %dma_wait3A_166] : memref<50688x128xi32, #tpu.memory_space<hbm>> -> memref<16x128xi32, #tpu.memory_space<hbm>>
      tpu.wait_dma2 semaphore(%arg8 : memref<!tpu.dma_semaphore, #tpu.memory_space<semaphore_mem>>) src(%dma_wait3A_167 : memref<16x128xi32, #tpu.memory_space<hbm>>) dst(%arg6 : memref<16x128xi32, #tpu.memory_space<vmem>>)
      %dma_start3A_168 = arith.constant 0 : i32
      %dma_start3A_169 = arith.constant 0 : i32
      %dma_start3A_170 = tpu.memref_slice %arg6[%dma_start3A_168, %dma_start3A_169] : memref<16x128xi32, #tpu.memory_space<vmem>> -> memref<1x128xi32, #tpu.memory_space<vmem>>
      %dma_start3A_171 = tpu.memref_squeeze %dma_start3A_170 : memref<1x128xi32, #tpu.memory_space<vmem>> -> memref<128xi32, #tpu.memory_space<vmem>>
      %dma_start3A_172 = arith.constant 0 : i32
      %dma_start3A_173 = tpu.memref_slice %arg5[%dma_start3A_172] : memref<100352xf32, #tpu.memory_space<vmem_shared>> -> memref<100352xf32, #tpu.memory_space<vmem_shared>>
      tpu.enqueue_indirect_dma source(%arg7 : memref<128xf32, #tpu.memory_space<vmem>>) target(%dma_start3A_173 : memref<100352xf32, #tpu.memory_space<vmem_shared>>) offsets(%dma_start3A_171 : memref<128xi32, #tpu.memory_space<vmem>>) semaphore(%arg9 : memref<!tpu.dma_semaphore, #tpu.memory_space<semaphore_mem>>) {add = true}
      %dma_start3A_174 = arith.constant 1 : i32
      %dma_start3A_175 = arith.constant 0 : i32
      %dma_start3A_176 = tpu.memref_slice %arg6[%dma_start3A_174, %dma_start3A_175] : memref<16x128xi32, #tpu.memory_space<vmem>> -> memref<1x128xi32, #tpu.memory_space<vmem>>
      %dma_start3A_177 = tpu.memref_squeeze %dma_start3A_176 : memref<1x128xi32, #tpu.memory_space<vmem>> -> memref<128xi32, #tpu.memory_space<vmem>>
      %dma_start3A_178 = arith.constant 0 : i32
      %dma_start3A_179 = tpu.memref_slice %arg5[%dma_start3A_178] : memref<100352xf32, #tpu.memory_space<vmem_shared>> -> memref<100352xf32, #tpu.memory_space<vmem_shared>>
      tpu.enqueue_indirect_dma source(%arg7 : memref<128xf32, #tpu.memory_space<vmem>>) target(%dma_start3A_179 : memref<100352xf32, #tpu.memory_space<vmem_shared>>) offsets(%dma_start3A_177 : memref<128xi32, #tpu.memory_space<vmem>>) semaphore(%arg9 : memref<!tpu.dma_semaphore, #tpu.memory_space<semaphore_mem>>) {add = true}
      %dma_start3A_180 = arith.constant 2 : i32
      %dma_start3A_181 = arith.constant 0 : i32
      %dma_start3A_182 = tpu.memref_slice %arg6[%dma_start3A_180, %dma_start3A_181] : memref<16x128xi32, #tpu.memory_space<vmem>> -> memref<1x128xi32, #tpu.memory_space<vmem>>
      %dma_start3A_183 = tpu.memref_squeeze %dma_start3A_182 : memref<1x128xi32, #tpu.memory_space<vmem>> -> memref<128xi32, #tpu.memory_space<vmem>>
      %dma_start3A_184 = arith.constant 0 : i32
      %dma_start3A_185 = tpu.memref_slice %arg5[%dma_start3A_184] : memref<100352xf32, #tpu.memory_space<vmem_shared>> -> memref<100352xf32, #tpu.memory_space<vmem_shared>>
      tpu.enqueue_indirect_dma source(%arg7 : memref<128xf32, #tpu.memory_space<vmem>>) target(%dma_start3A_185 : memref<100352xf32, #tpu.memory_space<vmem_shared>>) offsets(%dma_start3A_183 : memref<128xi32, #tpu.memory_space<vmem>>) semaphore(%arg9 : memref<!tpu.dma_semaphore, #tpu.memory_space<semaphore_mem>>) {add = true}
      %dma_start3A_186 = arith.constant 3 : i32
      %dma_start3A_187 = arith.constant 0 : i32
      %dma_start3A_188 = tpu.memref_slice %arg6[%dma_start3A_186, %dma_start3A_187] : memref<16x128xi32, #tpu.memory_space<vmem>> -> memref<1x128xi32, #tpu.memory_space<vmem>>
      %dma_start3A_189 = tpu.memref_squeeze %dma_start3A_188 : memref<1x128xi32, #tpu.memory_space<vmem>> -> memref<128xi32, #tpu.memory_space<vmem>>
      %dma_start3A_190 = arith.constant 0 : i32
      %dma_start3A_191 = tpu.memref_slice %arg5[%dma_start3A_190] : memref<100352xf32, #tpu.memory_space<vmem_shared>> -> memref<100352xf32, #tpu.memory_space<vmem_shared>>
      tpu.enqueue_indirect_dma source(%arg7 : memref<128xf32, #tpu.memory_space<vmem>>) target(%dma_start3A_191 : memref<100352xf32, #tpu.memory_space<vmem_shared>>) offsets(%dma_start3A_189 : memref<128xi32, #tpu.memory_space<vmem>>) semaphore(%arg9 : memref<!tpu.dma_semaphore, #tpu.memory_space<semaphore_mem>>) {add = true}
      %dma_start3A_192 = arith.constant 4 : i32
      %dma_start3A_193 = arith.constant 0 : i32
      %dma_start3A_194 = tpu.memref_slice %arg6[%dma_start3A_192, %dma_start3A_193] : memref<16x128xi32, #tpu.memory_space<vmem>> -> memref<1x128xi32, #tpu.memory_space<vmem>>
      %dma_start3A_195 = tpu.memref_squeeze %dma_start3A_194 : memref<1x128xi32, #tpu.memory_space<vmem>> -> memref<128xi32, #tpu.memory_space<vmem>>
      %dma_start3A_196 = arith.constant 0 : i32
      %dma_start3A_197 = tpu.memref_slice %arg5[%dma_start3A_196] : memref<100352xf32, #tpu.memory_space<vmem_shared>> -> memref<100352xf32, #tpu.memory_space<vmem_shared>>
      tpu.enqueue_indirect_dma source(%arg7 : memref<128xf32, #tpu.memory_space<vmem>>) target(%dma_start3A_197 : memref<100352xf32, #tpu.memory_space<vmem_shared>>) offsets(%dma_start3A_195 : memref<128xi32, #tpu.memory_space<vmem>>) semaphore(%arg9 : memref<!tpu.dma_semaphore, #tpu.memory_space<semaphore_mem>>) {add = true}
      %dma_start3A_198 = arith.constant 5 : i32
      %dma_start3A_199 = arith.constant 0 : i32
      %dma_start3A_200 = tpu.memref_slice %arg6[%dma_start3A_198, %dma_start3A_199] : memref<16x128xi32, #tpu.memory_space<vmem>> -> memref<1x128xi32, #tpu.memory_space<vmem>>
      %dma_start3A_201 = tpu.memref_squeeze %dma_start3A_200 : memref<1x128xi32, #tpu.memory_space<vmem>> -> memref<128xi32, #tpu.memory_space<vmem>>
      %dma_start3A_202 = arith.constant 0 : i32
      %dma_start3A_203 = tpu.memref_slice %arg5[%dma_start3A_202] : memref<100352xf32, #tpu.memory_space<vmem_shared>> -> memref<100352xf32, #tpu.memory_space<vmem_shared>>
      tpu.enqueue_indirect_dma source(%arg7 : memref<128xf32, #tpu.memory_space<vmem>>) target(%dma_start3A_203 : memref<100352xf32, #tpu.memory_space<vmem_shared>>) offsets(%dma_start3A_201 : memref<128xi32, #tpu.memory_space<vmem>>) semaphore(%arg9 : memref<!tpu.dma_semaphore, #tpu.memory_space<semaphore_mem>>) {add = true}
      %dma_start3A_204 = arith.constant 6 : i32
      %dma_start3A_205 = arith.constant 0 : i32
      %dma_start3A_206 = tpu.memref_slice %arg6[%dma_start3A_204, %dma_start3A_205] : memref<16x128xi32, #tpu.memory_space<vmem>> -> memref<1x128xi32, #tpu.memory_space<vmem>>
      %dma_start3A_207 = tpu.memref_squeeze %dma_start3A_206 : memref<1x128xi32, #tpu.memory_space<vmem>> -> memref<128xi32, #tpu.memory_space<vmem>>
      %dma_start3A_208 = arith.constant 0 : i32
      %dma_start3A_209 = tpu.memref_slice %arg5[%dma_start3A_208] : memref<100352xf32, #tpu.memory_space<vmem_shared>> -> memref<100352xf32, #tpu.memory_space<vmem_shared>>
      tpu.enqueue_indirect_dma source(%arg7 : memref<128xf32, #tpu.memory_space<vmem>>) target(%dma_start3A_209 : memref<100352xf32, #tpu.memory_space<vmem_shared>>) offsets(%dma_start3A_207 : memref<128xi32, #tpu.memory_space<vmem>>) semaphore(%arg9 : memref<!tpu.dma_semaphore, #tpu.memory_space<semaphore_mem>>) {add = true}
      %dma_start3A_210 = arith.constant 7 : i32
      %dma_start3A_211 = arith.constant 0 : i32
      %dma_start3A_212 = tpu.memref_slice %arg6[%dma_start3A_210, %dma_start3A_211] : memref<16x128xi32, #tpu.memory_space<vmem>> -> memref<1x128xi32, #tpu.memory_space<vmem>>
      %dma_start3A_213 = tpu.memref_squeeze %dma_start3A_212 : memref<1x128xi32, #tpu.memory_space<vmem>> -> memref<128xi32, #tpu.memory_space<vmem>>
      %dma_start3A_214 = arith.constant 0 : i32
      %dma_start3A_215 = tpu.memref_slice %arg5[%dma_start3A_214] : memref<100352xf32, #tpu.memory_space<vmem_shared>> -> memref<100352xf32, #tpu.memory_space<vmem_shared>>
      tpu.enqueue_indirect_dma source(%arg7 : memref<128xf32, #tpu.memory_space<vmem>>) target(%dma_start3A_215 : memref<100352xf32, #tpu.memory_space<vmem_shared>>) offsets(%dma_start3A_213 : memref<128xi32, #tpu.memory_space<vmem>>) semaphore(%arg9 : memref<!tpu.dma_semaphore, #tpu.memory_space<semaphore_mem>>) {add = true}
      %dma_start3A_216 = arith.constant 8 : i32
      %dma_start3A_217 = arith.constant 0 : i32
      %dma_start3A_218 = tpu.memref_slice %arg6[%dma_start3A_216, %dma_start3A_217] : memref<16x128xi32, #tpu.memory_space<vmem>> -> memref<1x128xi32, #tpu.memory_space<vmem>>
      %dma_start3A_219 = tpu.memref_squeeze %dma_start3A_218 : memref<1x128xi32, #tpu.memory_space<vmem>> -> memref<128xi32, #tpu.memory_space<vmem>>
      %dma_start3A_220 = arith.constant 0 : i32
      %dma_start3A_221 = tpu.memref_slice %arg5[%dma_start3A_220] : memref<100352xf32, #tpu.memory_space<vmem_shared>> -> memref<100352xf32, #tpu.memory_space<vmem_shared>>
      tpu.enqueue_indirect_dma source(%arg7 : memref<128xf32, #tpu.memory_space<vmem>>) target(%dma_start3A_221 : memref<100352xf32, #tpu.memory_space<vmem_shared>>) offsets(%dma_start3A_219 : memref<128xi32, #tpu.memory_space<vmem>>) semaphore(%arg9 : memref<!tpu.dma_semaphore, #tpu.memory_space<semaphore_mem>>) {add = true}
      %dma_start3A_222 = arith.constant 9 : i32
      %dma_start3A_223 = arith.constant 0 : i32
      %dma_start3A_224 = tpu.memref_slice %arg6[%dma_start3A_222, %dma_start3A_223] : memref<16x128xi32, #tpu.memory_space<vmem>> -> memref<1x128xi32, #tpu.memory_space<vmem>>
      %dma_start3A_225 = tpu.memref_squeeze %dma_start3A_224 : memref<1x128xi32, #tpu.memory_space<vmem>> -> memref<128xi32, #tpu.memory_space<vmem>>
      %dma_start3A_226 = arith.constant 0 : i32
      %dma_start3A_227 = tpu.memref_slice %arg5[%dma_start3A_226] : memref<100352xf32, #tpu.memory_space<vmem_shared>> -> memref<100352xf32, #tpu.memory_space<vmem_shared>>
      tpu.enqueue_indirect_dma source(%arg7 : memref<128xf32, #tpu.memory_space<vmem>>) target(%dma_start3A_227 : memref<100352xf32, #tpu.memory_space<vmem_shared>>) offsets(%dma_start3A_225 : memref<128xi32, #tpu.memory_space<vmem>>) semaphore(%arg9 : memref<!tpu.dma_semaphore, #tpu.memory_space<semaphore_mem>>) {add = true}
      %dma_start3A_228 = arith.constant 10 : i32
      %dma_start3A_229 = arith.constant 0 : i32
      %dma_start3A_230 = tpu.memref_slice %arg6[%dma_start3A_228, %dma_start3A_229] : memref<16x128xi32, #tpu.memory_space<vmem>> -> memref<1x128xi32, #tpu.memory_space<vmem>>
      %dma_start3A_231 = tpu.memref_squeeze %dma_start3A_230 : memref<1x128xi32, #tpu.memory_space<vmem>> -> memref<128xi32, #tpu.memory_space<vmem>>
      %dma_start3A_232 = arith.constant 0 : i32
      %dma_start3A_233 = tpu.memref_slice %arg5[%dma_start3A_232] : memref<100352xf32, #tpu.memory_space<vmem_shared>> -> memref<100352xf32, #tpu.memory_space<vmem_shared>>
      tpu.enqueue_indirect_dma source(%arg7 : memref<128xf32, #tpu.memory_space<vmem>>) target(%dma_start3A_233 : memref<100352xf32, #tpu.memory_space<vmem_shared>>) offsets(%dma_start3A_231 : memref<128xi32, #tpu.memory_space<vmem>>) semaphore(%arg9 : memref<!tpu.dma_semaphore, #tpu.memory_space<semaphore_mem>>) {add = true}
      %dma_start3A_234 = arith.constant 11 : i32
      %dma_start3A_235 = arith.constant 0 : i32
      %dma_start3A_236 = tpu.memref_slice %arg6[%dma_start3A_234, %dma_start3A_235] : memref<16x128xi32, #tpu.memory_space<vmem>> -> memref<1x128xi32, #tpu.memory_space<vmem>>
      %dma_start3A_237 = tpu.memref_squeeze %dma_start3A_236 : memref<1x128xi32, #tpu.memory_space<vmem>> -> memref<128xi32, #tpu.memory_space<vmem>>
      %dma_start3A_238 = arith.constant 0 : i32
      %dma_start3A_239 = tpu.memref_slice %arg5[%dma_start3A_238] : memref<100352xf32, #tpu.memory_space<vmem_shared>> -> memref<100352xf32, #tpu.memory_space<vmem_shared>>
      tpu.enqueue_indirect_dma source(%arg7 : memref<128xf32, #tpu.memory_space<vmem>>) target(%dma_start3A_239 : memref<100352xf32, #tpu.memory_space<vmem_shared>>) offsets(%dma_start3A_237 : memref<128xi32, #tpu.memory_space<vmem>>) semaphore(%arg9 : memref<!tpu.dma_semaphore, #tpu.memory_space<semaphore_mem>>) {add = true}
      %dma_start3A_240 = arith.constant 12 : i32
      %dma_start3A_241 = arith.constant 0 : i32
      %dma_start3A_242 = tpu.memref_slice %arg6[%dma_start3A_240, %dma_start3A_241] : memref<16x128xi32, #tpu.memory_space<vmem>> -> memref<1x128xi32, #tpu.memory_space<vmem>>
      %dma_start3A_243 = tpu.memref_squeeze %dma_start3A_242 : memref<1x128xi32, #tpu.memory_space<vmem>> -> memref<128xi32, #tpu.memory_space<vmem>>
      %dma_start3A_244 = arith.constant 0 : i32
      %dma_start3A_245 = tpu.memref_slice %arg5[%dma_start3A_244] : memref<100352xf32, #tpu.memory_space<vmem_shared>> -> memref<100352xf32, #tpu.memory_space<vmem_shared>>
      tpu.enqueue_indirect_dma source(%arg7 : memref<128xf32, #tpu.memory_space<vmem>>) target(%dma_start3A_245 : memref<100352xf32, #tpu.memory_space<vmem_shared>>) offsets(%dma_start3A_243 : memref<128xi32, #tpu.memory_space<vmem>>) semaphore(%arg9 : memref<!tpu.dma_semaphore, #tpu.memory_space<semaphore_mem>>) {add = true}
      %dma_start3A_246 = arith.constant 13 : i32
      %dma_start3A_247 = arith.constant 0 : i32
      %dma_start3A_248 = tpu.memref_slice %arg6[%dma_start3A_246, %dma_start3A_247] : memref<16x128xi32, #tpu.memory_space<vmem>> -> memref<1x128xi32, #tpu.memory_space<vmem>>
      %dma_start3A_249 = tpu.memref_squeeze %dma_start3A_248 : memref<1x128xi32, #tpu.memory_space<vmem>> -> memref<128xi32, #tpu.memory_space<vmem>>
      %dma_start3A_250 = arith.constant 0 : i32
      %dma_start3A_251 = tpu.memref_slice %arg5[%dma_start3A_250] : memref<100352xf32, #tpu.memory_space<vmem_shared>> -> memref<100352xf32, #tpu.memory_space<vmem_shared>>
      tpu.enqueue_indirect_dma source(%arg7 : memref<128xf32, #tpu.memory_space<vmem>>) target(%dma_start3A_251 : memref<100352xf32, #tpu.memory_space<vmem_shared>>) offsets(%dma_start3A_249 : memref<128xi32, #tpu.memory_space<vmem>>) semaphore(%arg9 : memref<!tpu.dma_semaphore, #tpu.memory_space<semaphore_mem>>) {add = true}
      %dma_start3A_252 = arith.constant 14 : i32
      %dma_start3A_253 = arith.constant 0 : i32
      %dma_start3A_254 = tpu.memref_slice %arg6[%dma_start3A_252, %dma_start3A_253] : memref<16x128xi32, #tpu.memory_space<vmem>> -> memref<1x128xi32, #tpu.memory_space<vmem>>
      %dma_start3A_255 = tpu.memref_squeeze %dma_start3A_254 : memref<1x128xi32, #tpu.memory_space<vmem>> -> memref<128xi32, #tpu.memory_space<vmem>>
      %dma_start3A_256 = arith.constant 0 : i32
      %dma_start3A_257 = tpu.memref_slice %arg5[%dma_start3A_256] : memref<100352xf32, #tpu.memory_space<vmem_shared>> -> memref<100352xf32, #tpu.memory_space<vmem_shared>>
      tpu.enqueue_indirect_dma source(%arg7 : memref<128xf32, #tpu.memory_space<vmem>>) target(%dma_start3A_257 : memref<100352xf32, #tpu.memory_space<vmem_shared>>) offsets(%dma_start3A_255 : memref<128xi32, #tpu.memory_space<vmem>>) semaphore(%arg9 : memref<!tpu.dma_semaphore, #tpu.memory_space<semaphore_mem>>) {add = true}
      %dma_start3A_258 = arith.constant 15 : i32
      %dma_start3A_259 = arith.constant 0 : i32
      %dma_start3A_260 = tpu.memref_slice %arg6[%dma_start3A_258, %dma_start3A_259] : memref<16x128xi32, #tpu.memory_space<vmem>> -> memref<1x128xi32, #tpu.memory_space<vmem>>
      %dma_start3A_261 = tpu.memref_squeeze %dma_start3A_260 : memref<1x128xi32, #tpu.memory_space<vmem>> -> memref<128xi32, #tpu.memory_space<vmem>>
      %dma_start3A_262 = arith.constant 0 : i32
      %dma_start3A_263 = tpu.memref_slice %arg5[%dma_start3A_262] : memref<100352xf32, #tpu.memory_space<vmem_shared>> -> memref<100352xf32, #tpu.memory_space<vmem_shared>>
      tpu.enqueue_indirect_dma source(%arg7 : memref<128xf32, #tpu.memory_space<vmem>>) target(%dma_start3A_263 : memref<100352xf32, #tpu.memory_space<vmem_shared>>) offsets(%dma_start3A_261 : memref<128xi32, #tpu.memory_space<vmem>>) semaphore(%arg9 : memref<!tpu.dma_semaphore, #tpu.memory_space<semaphore_mem>>) {add = true}
    }
    %scan3A_54 = arith.constant 99 : i32
    %dma_wait3A = arith.constant 0 : i32
    %dma_wait3A_55 = arith.constant 0 : i32
    %dma_wait3A_56 = tpu.memref_slice %arg6[%dma_wait3A, %dma_wait3A_55] : memref<16x128xi32, #tpu.memory_space<vmem>> -> memref<1x128xi32, #tpu.memory_space<vmem>>
    %dma_wait3A_57 = tpu.memref_squeeze %dma_wait3A_56 : memref<1x128xi32, #tpu.memory_space<vmem>> -> memref<128xi32, #tpu.memory_space<vmem>>
    %dma_wait3A_58 = arith.constant 0 : i32
    %dma_wait3A_59 = tpu.memref_slice %arg5[%dma_wait3A_58] : memref<100352xf32, #tpu.memory_space<vmem_shared>> -> memref<100352xf32, #tpu.memory_space<vmem_shared>>
    tpu.wait_indirect_dma semaphore(%arg9 : memref<!tpu.dma_semaphore, #tpu.memory_space<semaphore_mem>>) src(%arg7 : memref<128xf32, #tpu.memory_space<vmem>>) dst(%dma_wait3A_59 : memref<100352xf32, #tpu.memory_space<vmem_shared>>)
    %dma_wait3A_60 = arith.constant 1 : i32
    %dma_wait3A_61 = arith.constant 0 : i32
    %dma_wait3A_62 = tpu.memref_slice %arg6[%dma_wait3A_60, %dma_wait3A_61] : memref<16x128xi32, #tpu.memory_space<vmem>> -> memref<1x128xi32, #tpu.memory_space<vmem>>
    %dma_wait3A_63 = tpu.memref_squeeze %dma_wait3A_62 : memref<1x128xi32, #tpu.memory_space<vmem>> -> memref<128xi32, #tpu.memory_space<vmem>>
    %dma_wait3A_64 = arith.constant 0 : i32
    %dma_wait3A_65 = tpu.memref_slice %arg5[%dma_wait3A_64] : memref<100352xf32, #tpu.memory_space<vmem_shared>> -> memref<100352xf32, #tpu.memory_space<vmem_shared>>
    tpu.wait_indirect_dma semaphore(%arg9 : memref<!tpu.dma_semaphore, #tpu.memory_space<semaphore_mem>>) src(%arg7 : memref<128xf32, #tpu.memory_space<vmem>>) dst(%dma_wait3A_65 : memref<100352xf32, #tpu.memory_space<vmem_shared>>)
    %dma_wait3A_66 = arith.constant 2 : i32
    %dma_wait3A_67 = arith.constant 0 : i32
    %dma_wait3A_68 = tpu.memref_slice %arg6[%dma_wait3A_66, %dma_wait3A_67] : memref<16x128xi32, #tpu.memory_space<vmem>> -> memref<1x128xi32, #tpu.memory_space<vmem>>
    %dma_wait3A_69 = tpu.memref_squeeze %dma_wait3A_68 : memref<1x128xi32, #tpu.memory_space<vmem>> -> memref<128xi32, #tpu.memory_space<vmem>>
    %dma_wait3A_70 = arith.constant 0 : i32
    %dma_wait3A_71 = tpu.memref_slice %arg5[%dma_wait3A_70] : memref<100352xf32, #tpu.memory_space<vmem_shared>> -> memref<100352xf32, #tpu.memory_space<vmem_shared>>
    tpu.wait_indirect_dma semaphore(%arg9 : memref<!tpu.dma_semaphore, #tpu.memory_space<semaphore_mem>>) src(%arg7 : memref<128xf32, #tpu.memory_space<vmem>>) dst(%dma_wait3A_71 : memref<100352xf32, #tpu.memory_space<vmem_shared>>)
    %dma_wait3A_72 = arith.constant 3 : i32
    %dma_wait3A_73 = arith.constant 0 : i32
    %dma_wait3A_74 = tpu.memref_slice %arg6[%dma_wait3A_72, %dma_wait3A_73] : memref<16x128xi32, #tpu.memory_space<vmem>> -> memref<1x128xi32, #tpu.memory_space<vmem>>
    %dma_wait3A_75 = tpu.memref_squeeze %dma_wait3A_74 : memref<1x128xi32, #tpu.memory_space<vmem>> -> memref<128xi32, #tpu.memory_space<vmem>>
    %dma_wait3A_76 = arith.constant 0 : i32
    %dma_wait3A_77 = tpu.memref_slice %arg5[%dma_wait3A_76] : memref<100352xf32, #tpu.memory_space<vmem_shared>> -> memref<100352xf32, #tpu.memory_space<vmem_shared>>
    tpu.wait_indirect_dma semaphore(%arg9 : memref<!tpu.dma_semaphore, #tpu.memory_space<semaphore_mem>>) src(%arg7 : memref<128xf32, #tpu.memory_space<vmem>>) dst(%dma_wait3A_77 : memref<100352xf32, #tpu.memory_space<vmem_shared>>)
    %dma_wait3A_78 = arith.constant 4 : i32
    %dma_wait3A_79 = arith.constant 0 : i32
    %dma_wait3A_80 = tpu.memref_slice %arg6[%dma_wait3A_78, %dma_wait3A_79] : memref<16x128xi32, #tpu.memory_space<vmem>> -> memref<1x128xi32, #tpu.memory_space<vmem>>
    %dma_wait3A_81 = tpu.memref_squeeze %dma_wait3A_80 : memref<1x128xi32, #tpu.memory_space<vmem>> -> memref<128xi32, #tpu.memory_space<vmem>>
    %dma_wait3A_82 = arith.constant 0 : i32
    %dma_wait3A_83 = tpu.memref_slice %arg5[%dma_wait3A_82] : memref<100352xf32, #tpu.memory_space<vmem_shared>> -> memref<100352xf32, #tpu.memory_space<vmem_shared>>
    tpu.wait_indirect_dma semaphore(%arg9 : memref<!tpu.dma_semaphore, #tpu.memory_space<semaphore_mem>>) src(%arg7 : memref<128xf32, #tpu.memory_space<vmem>>) dst(%dma_wait3A_83 : memref<100352xf32, #tpu.memory_space<vmem_shared>>)
    %dma_wait3A_84 = arith.constant 5 : i32
    %dma_wait3A_85 = arith.constant 0 : i32
    %dma_wait3A_86 = tpu.memref_slice %arg6[%dma_wait3A_84, %dma_wait3A_85] : memref<16x128xi32, #tpu.memory_space<vmem>> -> memref<1x128xi32, #tpu.memory_space<vmem>>
    %dma_wait3A_87 = tpu.memref_squeeze %dma_wait3A_86 : memref<1x128xi32, #tpu.memory_space<vmem>> -> memref<128xi32, #tpu.memory_space<vmem>>
    %dma_wait3A_88 = arith.constant 0 : i32
    %dma_wait3A_89 = tpu.memref_slice %arg5[%dma_wait3A_88] : memref<100352xf32, #tpu.memory_space<vmem_shared>> -> memref<100352xf32, #tpu.memory_space<vmem_shared>>
    tpu.wait_indirect_dma semaphore(%arg9 : memref<!tpu.dma_semaphore, #tpu.memory_space<semaphore_mem>>) src(%arg7 : memref<128xf32, #tpu.memory_space<vmem>>) dst(%dma_wait3A_89 : memref<100352xf32, #tpu.memory_space<vmem_shared>>)
    %dma_wait3A_90 = arith.constant 6 : i32
    %dma_wait3A_91 = arith.constant 0 : i32
    %dma_wait3A_92 = tpu.memref_slice %arg6[%dma_wait3A_90, %dma_wait3A_91] : memref<16x128xi32, #tpu.memory_space<vmem>> -> memref<1x128xi32, #tpu.memory_space<vmem>>
    %dma_wait3A_93 = tpu.memref_squeeze %dma_wait3A_92 : memref<1x128xi32, #tpu.memory_space<vmem>> -> memref<128xi32, #tpu.memory_space<vmem>>
    %dma_wait3A_94 = arith.constant 0 : i32
    %dma_wait3A_95 = tpu.memref_slice %arg5[%dma_wait3A_94] : memref<100352xf32, #tpu.memory_space<vmem_shared>> -> memref<100352xf32, #tpu.memory_space<vmem_shared>>
    tpu.wait_indirect_dma semaphore(%arg9 : memref<!tpu.dma_semaphore, #tpu.memory_space<semaphore_mem>>) src(%arg7 : memref<128xf32, #tpu.memory_space<vmem>>) dst(%dma_wait3A_95 : memref<100352xf32, #tpu.memory_space<vmem_shared>>)
    %dma_wait3A_96 = arith.constant 7 : i32
    %dma_wait3A_97 = arith.constant 0 : i32
    %dma_wait3A_98 = tpu.memref_slice %arg6[%dma_wait3A_96, %dma_wait3A_97] : memref<16x128xi32, #tpu.memory_space<vmem>> -> memref<1x128xi32, #tpu.memory_space<vmem>>
    %dma_wait3A_99 = tpu.memref_squeeze %dma_wait3A_98 : memref<1x128xi32, #tpu.memory_space<vmem>> -> memref<128xi32, #tpu.memory_space<vmem>>
    %dma_wait3A_100 = arith.constant 0 : i32
    %dma_wait3A_101 = tpu.memref_slice %arg5[%dma_wait3A_100] : memref<100352xf32, #tpu.memory_space<vmem_shared>> -> memref<100352xf32, #tpu.memory_space<vmem_shared>>
    tpu.wait_indirect_dma semaphore(%arg9 : memref<!tpu.dma_semaphore, #tpu.memory_space<semaphore_mem>>) src(%arg7 : memref<128xf32, #tpu.memory_space<vmem>>) dst(%dma_wait3A_101 : memref<100352xf32, #tpu.memory_space<vmem_shared>>)
    %dma_wait3A_102 = arith.constant 8 : i32
    %dma_wait3A_103 = arith.constant 0 : i32
    %dma_wait3A_104 = tpu.memref_slice %arg6[%dma_wait3A_102, %dma_wait3A_103] : memref<16x128xi32, #tpu.memory_space<vmem>> -> memref<1x128xi32, #tpu.memory_space<vmem>>
    %dma_wait3A_105 = tpu.memref_squeeze %dma_wait3A_104 : memref<1x128xi32, #tpu.memory_space<vmem>> -> memref<128xi32, #tpu.memory_space<vmem>>
    %dma_wait3A_106 = arith.constant 0 : i32
    %dma_wait3A_107 = tpu.memref_slice %arg5[%dma_wait3A_106] : memref<100352xf32, #tpu.memory_space<vmem_shared>> -> memref<100352xf32, #tpu.memory_space<vmem_shared>>
    tpu.wait_indirect_dma semaphore(%arg9 : memref<!tpu.dma_semaphore, #tpu.memory_space<semaphore_mem>>) src(%arg7 : memref<128xf32, #tpu.memory_space<vmem>>) dst(%dma_wait3A_107 : memref<100352xf32, #tpu.memory_space<vmem_shared>>)
    %dma_wait3A_108 = arith.constant 9 : i32
    %dma_wait3A_109 = arith.constant 0 : i32
    %dma_wait3A_110 = tpu.memref_slice %arg6[%dma_wait3A_108, %dma_wait3A_109] : memref<16x128xi32, #tpu.memory_space<vmem>> -> memref<1x128xi32, #tpu.memory_space<vmem>>
    %dma_wait3A_111 = tpu.memref_squeeze %dma_wait3A_110 : memref<1x128xi32, #tpu.memory_space<vmem>> -> memref<128xi32, #tpu.memory_space<vmem>>
    %dma_wait3A_112 = arith.constant 0 : i32
    %dma_wait3A_113 = tpu.memref_slice %arg5[%dma_wait3A_112] : memref<100352xf32, #tpu.memory_space<vmem_shared>> -> memref<100352xf32, #tpu.memory_space<vmem_shared>>
    tpu.wait_indirect_dma semaphore(%arg9 : memref<!tpu.dma_semaphore, #tpu.memory_space<semaphore_mem>>) src(%arg7 : memref<128xf32, #tpu.memory_space<vmem>>) dst(%dma_wait3A_113 : memref<100352xf32, #tpu.memory_space<vmem_shared>>)
    %dma_wait3A_114 = arith.constant 10 : i32
    %dma_wait3A_115 = arith.constant 0 : i32
    %dma_wait3A_116 = tpu.memref_slice %arg6[%dma_wait3A_114, %dma_wait3A_115] : memref<16x128xi32, #tpu.memory_space<vmem>> -> memref<1x128xi32, #tpu.memory_space<vmem>>
    %dma_wait3A_117 = tpu.memref_squeeze %dma_wait3A_116 : memref<1x128xi32, #tpu.memory_space<vmem>> -> memref<128xi32, #tpu.memory_space<vmem>>
    %dma_wait3A_118 = arith.constant 0 : i32
    %dma_wait3A_119 = tpu.memref_slice %arg5[%dma_wait3A_118] : memref<100352xf32, #tpu.memory_space<vmem_shared>> -> memref<100352xf32, #tpu.memory_space<vmem_shared>>
    tpu.wait_indirect_dma semaphore(%arg9 : memref<!tpu.dma_semaphore, #tpu.memory_space<semaphore_mem>>) src(%arg7 : memref<128xf32, #tpu.memory_space<vmem>>) dst(%dma_wait3A_119 : memref<100352xf32, #tpu.memory_space<vmem_shared>>)
    %dma_wait3A_120 = arith.constant 11 : i32
    %dma_wait3A_121 = arith.constant 0 : i32
    %dma_wait3A_122 = tpu.memref_slice %arg6[%dma_wait3A_120, %dma_wait3A_121] : memref<16x128xi32, #tpu.memory_space<vmem>> -> memref<1x128xi32, #tpu.memory_space<vmem>>
    %dma_wait3A_123 = tpu.memref_squeeze %dma_wait3A_122 : memref<1x128xi32, #tpu.memory_space<vmem>> -> memref<128xi32, #tpu.memory_space<vmem>>
    %dma_wait3A_124 = arith.constant 0 : i32
    %dma_wait3A_125 = tpu.memref_slice %arg5[%dma_wait3A_124] : memref<100352xf32, #tpu.memory_space<vmem_shared>> -> memref<100352xf32, #tpu.memory_space<vmem_shared>>
    tpu.wait_indirect_dma semaphore(%arg9 : memref<!tpu.dma_semaphore, #tpu.memory_space<semaphore_mem>>) src(%arg7 : memref<128xf32, #tpu.memory_space<vmem>>) dst(%dma_wait3A_125 : memref<100352xf32, #tpu.memory_space<vmem_shared>>)
    %dma_wait3A_126 = arith.constant 12 : i32
    %dma_wait3A_127 = arith.constant 0 : i32
    %dma_wait3A_128 = tpu.memref_slice %arg6[%dma_wait3A_126, %dma_wait3A_127] : memref<16x128xi32, #tpu.memory_space<vmem>> -> memref<1x128xi32, #tpu.memory_space<vmem>>
    %dma_wait3A_129 = tpu.memref_squeeze %dma_wait3A_128 : memref<1x128xi32, #tpu.memory_space<vmem>> -> memref<128xi32, #tpu.memory_space<vmem>>
    %dma_wait3A_130 = arith.constant 0 : i32
    %dma_wait3A_131 = tpu.memref_slice %arg5[%dma_wait3A_130] : memref<100352xf32, #tpu.memory_space<vmem_shared>> -> memref<100352xf32, #tpu.memory_space<vmem_shared>>
    tpu.wait_indirect_dma semaphore(%arg9 : memref<!tpu.dma_semaphore, #tpu.memory_space<semaphore_mem>>) src(%arg7 : memref<128xf32, #tpu.memory_space<vmem>>) dst(%dma_wait3A_131 : memref<100352xf32, #tpu.memory_space<vmem_shared>>)
    %dma_wait3A_132 = arith.constant 13 : i32
    %dma_wait3A_133 = arith.constant 0 : i32
    %dma_wait3A_134 = tpu.memref_slice %arg6[%dma_wait3A_132, %dma_wait3A_133] : memref<16x128xi32, #tpu.memory_space<vmem>> -> memref<1x128xi32, #tpu.memory_space<vmem>>
    %dma_wait3A_135 = tpu.memref_squeeze %dma_wait3A_134 : memref<1x128xi32, #tpu.memory_space<vmem>> -> memref<128xi32, #tpu.memory_space<vmem>>
    %dma_wait3A_136 = arith.constant 0 : i32
    %dma_wait3A_137 = tpu.memref_slice %arg5[%dma_wait3A_136] : memref<100352xf32, #tpu.memory_space<vmem_shared>> -> memref<100352xf32, #tpu.memory_space<vmem_shared>>
    tpu.wait_indirect_dma semaphore(%arg9 : memref<!tpu.dma_semaphore, #tpu.memory_space<semaphore_mem>>) src(%arg7 : memref<128xf32, #tpu.memory_space<vmem>>) dst(%dma_wait3A_137 : memref<100352xf32, #tpu.memory_space<vmem_shared>>)
    %dma_wait3A_138 = arith.constant 14 : i32
    %dma_wait3A_139 = arith.constant 0 : i32
    %dma_wait3A_140 = tpu.memref_slice %arg6[%dma_wait3A_138, %dma_wait3A_139] : memref<16x128xi32, #tpu.memory_space<vmem>> -> memref<1x128xi32, #tpu.memory_space<vmem>>
    %dma_wait3A_141 = tpu.memref_squeeze %dma_wait3A_140 : memref<1x128xi32, #tpu.memory_space<vmem>> -> memref<128xi32, #tpu.memory_space<vmem>>
    %dma_wait3A_142 = arith.constant 0 : i32
    %dma_wait3A_143 = tpu.memref_slice %arg5[%dma_wait3A_142] : memref<100352xf32, #tpu.memory_space<vmem_shared>> -> memref<100352xf32, #tpu.memory_space<vmem_shared>>
    tpu.wait_indirect_dma semaphore(%arg9 : memref<!tpu.dma_semaphore, #tpu.memory_space<semaphore_mem>>) src(%arg7 : memref<128xf32, #tpu.memory_space<vmem>>) dst(%dma_wait3A_143 : memref<100352xf32, #tpu.memory_space<vmem_shared>>)
    %dma_wait3A_144 = arith.constant 15 : i32
    %dma_wait3A_145 = arith.constant 0 : i32
    %dma_wait3A_146 = tpu.memref_slice %arg6[%dma_wait3A_144, %dma_wait3A_145] : memref<16x128xi32, #tpu.memory_space<vmem>> -> memref<1x128xi32, #tpu.memory_space<vmem>>
    %dma_wait3A_147 = tpu.memref_squeeze %dma_wait3A_146 : memref<1x128xi32, #tpu.memory_space<vmem>> -> memref<128xi32, #tpu.memory_space<vmem>>
    %dma_wait3A_148 = arith.constant 0 : i32
    %dma_wait3A_149 = tpu.memref_slice %arg5[%dma_wait3A_148] : memref<100352xf32, #tpu.memory_space<vmem_shared>> -> memref<100352xf32, #tpu.memory_space<vmem_shared>>
    tpu.wait_indirect_dma semaphore(%arg9 : memref<!tpu.dma_semaphore, #tpu.memory_space<semaphore_mem>>) src(%arg7 : memref<128xf32, #tpu.memory_space<vmem>>) dst(%dma_wait3A_149 : memref<100352xf32, #tpu.memory_space<vmem_shared>>)
    %barrier3A_150 = arith.constant 0 : index
    tpu.barrier barrier_id(%barrier3A_150)
    "tpu.region"() ({
      %run_scoped3A = tpu.sem_alloc : memref<!tpu.dma_semaphore, #tpu.memory_space<semaphore_mem>>
      %dma_start3A = tpu.memref_slice %arg4[%arg0, %mul3A_4] : memref<2x100352xf32, #tpu.memory_space<hbm>> -> memref<1x6272xf32, #tpu.memory_space<hbm>>
      %dma_start3A_151 = tpu.memref_squeeze %dma_start3A : memref<1x6272xf32, #tpu.memory_space<hbm>> -> memref<6272xf32, #tpu.memory_space<hbm>>
      %dma_start3A_152 = tpu.memref_slice %arg5[%mul3A_4] : memref<100352xf32, #tpu.memory_space<vmem_shared>> -> memref<6272xf32, #tpu.memory_space<vmem_shared>>
      tpu.enqueue_dma source(%dma_start3A_152 : memref<6272xf32, #tpu.memory_space<vmem_shared>>) target(%dma_start3A_151 : memref<6272xf32, #tpu.memory_space<hbm>>) target_semaphore(%run_scoped3A : memref<!tpu.dma_semaphore, #tpu.memory_space<semaphore_mem>>)
      %dma_wait3A_153 = tpu.memref_slice %arg4[%arg0, %mul3A_4] : memref<2x100352xf32, #tpu.memory_space<hbm>> -> memref<1x6272xf32, #tpu.memory_space<hbm>>
      %dma_wait3A_154 = tpu.memref_squeeze %dma_wait3A_153 : memref<1x6272xf32, #tpu.memory_space<hbm>> -> memref<6272xf32, #tpu.memory_space<hbm>>
      %dma_wait3A_155 = tpu.memref_slice %arg5[%mul3A_4] : memref<100352xf32, #tpu.memory_space<vmem_shared>> -> memref<6272xf32, #tpu.memory_space<vmem_shared>>
      tpu.wait_dma2 semaphore(%run_scoped3A : memref<!tpu.dma_semaphore, #tpu.memory_space<semaphore_mem>>) src(%dma_wait3A_155 : memref<6272xf32, #tpu.memory_space<vmem_shared>>) dst(%dma_wait3A_154 : memref<6272xf32, #tpu.memory_space<hbm>>)
      tpu.yield
    }) : () -> ()
    return
  }
}

#map = affine_map<(d0, d1) -> (0, 0)>
#map1 = affine_map<(d0, d1) -> (0, 0, 0)>
module attributes {stable_mosaic.version = 14 : i64} {
  func.func @_agg_body(%arg0: i32, %arg1: i32, %arg2: memref<100352x8xf32, #tpu.memory_space<hbm>>, %arg3: memref<50688x128xi32, #tpu.memory_space<hbm>>, %arg4: memref<50688x128xi32, #tpu.memory_space<hbm>>, %arg5: memref<6272x8xf32, #tpu.memory_space<hbm>>, %arg6: memref<2x100352x8xf32, #tpu.memory_space<hbm>>, %arg7: memref<100352x8xf32, #tpu.memory_space<vmem_shared>>, %arg8: memref<100352x8xf32, #tpu.memory_space<vmem_shared>>, %arg9: memref<12x128xi32, #tpu.memory_space<vmem>>, %arg10: memref<12x128xi32, #tpu.memory_space<vmem>>, %arg11: memref<12x128x8xf32, #tpu.memory_space<vmem>>, %arg12: memref<!tpu.dma_semaphore, #tpu.memory_space<semaphore_mem>>, %arg13: memref<!tpu.dma_semaphore, #tpu.memory_space<semaphore_mem>>, %arg14: memref<!tpu.dma_semaphore, #tpu.memory_space<semaphore_mem>>) attributes {dimension_semantics = [#tpu.dimension_semantics<core_parallel>, #tpu.dimension_semantics<subcore_parallel>], iteration_bounds = array<i64: 2, 16>, scalar_prefetch = 0 : i64, scratch_operands = 8 : i64, tpu.core_type = #tpu.core_type<sc_vector_subcore>, window_params = [{transform_indices = #map}, {transform_indices = #map}, {transform_indices = #map}, {transform_indices = #map}, {transform_indices = #map1}]} {
    %mul3A = arith.constant 16 : i32
    %mul3A_0 = arith.muli %arg0, %mul3A : i32
    %add3A = arith.addi %mul3A_0, %arg1 : i32
    %mul3A_1 = arith.constant 1584 : i32
    %mul3A_2 = arith.muli %add3A, %mul3A_1 : i32
    %mul3A_3 = arith.constant 6272 : i32
    %mul3A_4 = arith.muli %arg1, %mul3A_3 : i32
    "tpu.region"() ({
      %run_scoped3A = tpu.sem_alloc : memref<!tpu.dma_semaphore, #tpu.memory_space<semaphore_mem>>
      %dma_start3A = arith.constant 0 : i32
      %dma_start3A_153 = tpu.memref_slice %arg7[%mul3A_4, %dma_start3A] : memref<100352x8xf32, #tpu.memory_space<vmem_shared>> -> memref<6272x8xf32, #tpu.memory_space<vmem_shared>>
      tpu.enqueue_dma source(%arg5 : memref<6272x8xf32, #tpu.memory_space<hbm>>) target(%dma_start3A_153 : memref<6272x8xf32, #tpu.memory_space<vmem_shared>>) target_semaphore(%run_scoped3A : memref<!tpu.dma_semaphore, #tpu.memory_space<semaphore_mem>>)
      %dma_wait3A_154 = arith.constant 0 : i32
      %dma_wait3A_155 = tpu.memref_slice %arg7[%mul3A_4, %dma_wait3A_154] : memref<100352x8xf32, #tpu.memory_space<vmem_shared>> -> memref<6272x8xf32, #tpu.memory_space<vmem_shared>>
      tpu.wait_dma2 semaphore(%run_scoped3A : memref<!tpu.dma_semaphore, #tpu.memory_space<semaphore_mem>>) src(%arg5 : memref<6272x8xf32, #tpu.memory_space<hbm>>) dst(%dma_wait3A_155 : memref<6272x8xf32, #tpu.memory_space<vmem_shared>>)
      tpu.yield
    }) : () -> ()
    "tpu.region"() ({
      %run_scoped3A = tpu.sem_alloc : memref<!tpu.dma_semaphore, #tpu.memory_space<semaphore_mem>>
      %dma_start3A = arith.constant 0 : i32
      %dma_start3A_153 = tpu.memref_slice %arg8[%mul3A_4, %dma_start3A] : memref<100352x8xf32, #tpu.memory_space<vmem_shared>> -> memref<6272x8xf32, #tpu.memory_space<vmem_shared>>
      %dma_start3A_154 = arith.constant 0 : i32
      %dma_start3A_155 = tpu.memref_slice %arg2[%mul3A_4, %dma_start3A_154] : memref<100352x8xf32, #tpu.memory_space<hbm>> -> memref<6272x8xf32, #tpu.memory_space<hbm>>
      tpu.enqueue_dma source(%dma_start3A_155 : memref<6272x8xf32, #tpu.memory_space<hbm>>) target(%dma_start3A_153 : memref<6272x8xf32, #tpu.memory_space<vmem_shared>>) target_semaphore(%run_scoped3A : memref<!tpu.dma_semaphore, #tpu.memory_space<semaphore_mem>>)
      %dma_wait3A_156 = arith.constant 0 : i32
      %dma_wait3A_157 = tpu.memref_slice %arg8[%mul3A_4, %dma_wait3A_156] : memref<100352x8xf32, #tpu.memory_space<vmem_shared>> -> memref<6272x8xf32, #tpu.memory_space<vmem_shared>>
      %dma_wait3A_158 = arith.constant 0 : i32
      %dma_wait3A_159 = tpu.memref_slice %arg2[%mul3A_4, %dma_wait3A_158] : memref<100352x8xf32, #tpu.memory_space<hbm>> -> memref<6272x8xf32, #tpu.memory_space<hbm>>
      tpu.wait_dma2 semaphore(%run_scoped3A : memref<!tpu.dma_semaphore, #tpu.memory_space<semaphore_mem>>) src(%dma_wait3A_159 : memref<6272x8xf32, #tpu.memory_space<hbm>>) dst(%dma_wait3A_157 : memref<6272x8xf32, #tpu.memory_space<vmem_shared>>)
      tpu.yield
    }) : () -> ()
    %barrier3A = arith.constant 0 : index
    tpu.barrier barrier_id(%barrier3A)
    %scan3A = arith.constant 0 : i32
    %scan3A_5 = arith.constant 132 : i32
    %scan3A_6 = arith.addi %scan3A, %scan3A_5 : i32
    %scan3A_7 = arith.constant 1 : i32
    scf.for %scan3A_153 = %scan3A to %scan3A_6 step %scan3A_7  : i32 {
      %mul3A_154 = arith.constant 1 : i32
      %mul3A_155 = arith.muli %scan3A_153, %mul3A_154 : i32
      %add3A_156 = arith.constant 0 : i32
      %add3A_157 = arith.addi %add3A_156, %mul3A_155 : i32
      %mul3A_158 = arith.constant 12 : i32
      %mul3A_159 = arith.muli %add3A_157, %mul3A_158 : i32
      %add3A_160 = arith.addi %mul3A_2, %mul3A_159 : i32
      %gt3A = arith.constant 0 : i32
      %gt3A_161 = arith.cmpi sgt, %add3A_157, %gt3A : i32
      %convert_element_type3A = arith.extui %gt3A_161 : i1 to i32
      %cond3A = arith.constant 0 : i32
      %cond3A_162 = arith.cmpi ne, %convert_element_type3A, %cond3A : i32
      scf.if %cond3A_162 {
        %dma_wait3A_610 = arith.constant 0 : i32
        %dma_wait3A_611 = arith.constant 0 : i32
        %dma_wait3A_612 = arith.constant 0 : i32
        %dma_wait3A_613 = arith.constant 0 : i32
        %dma_wait3A_614 = tpu.memref_slice %arg11[%dma_wait3A_610, %dma_wait3A_612, %dma_wait3A_613] : memref<12x128x8xf32, #tpu.memory_space<vmem>> -> memref<1x128x8xf32, #tpu.memory_space<vmem>>
        %dma_wait3A_615 = tpu.memref_squeeze %dma_wait3A_614 : memref<1x128x8xf32, #tpu.memory_space<vmem>> -> memref<128x8xf32, #tpu.memory_space<vmem>>
        %dma_wait3A_616 = arith.constant 0 : i32
        %dma_wait3A_617 = tpu.memref_slice %arg10[%dma_wait3A_611, %dma_wait3A_616] : memref<12x128xi32, #tpu.memory_space<vmem>> -> memref<1x128xi32, #tpu.memory_space<vmem>>
        %dma_wait3A_618 = tpu.memref_squeeze %dma_wait3A_617 : memref<1x128xi32, #tpu.memory_space<vmem>> -> memref<128xi32, #tpu.memory_space<vmem>>
        %dma_wait3A_619 = arith.constant 0 : i32
        %dma_wait3A_620 = arith.constant 0 : i32
        %dma_wait3A_621 = tpu.memref_slice %arg7[%dma_wait3A_619, %dma_wait3A_620] : memref<100352x8xf32, #tpu.memory_space<vmem_shared>> -> memref<100352x8xf32, #tpu.memory_space<vmem_shared>>
        tpu.wait_indirect_dma semaphore(%arg14 : memref<!tpu.dma_semaphore, #tpu.memory_space<semaphore_mem>>) src(%dma_wait3A_615 : memref<128x8xf32, #tpu.memory_space<vmem>>) dst(%dma_wait3A_621 : memref<100352x8xf32, #tpu.memory_space<vmem_shared>>)
        %dma_wait3A_622 = arith.constant 1 : i32
        %dma_wait3A_623 = arith.constant 1 : i32
        %dma_wait3A_624 = arith.constant 0 : i32
        %dma_wait3A_625 = arith.constant 0 : i32
        %dma_wait3A_626 = tpu.memref_slice %arg11[%dma_wait3A_622, %dma_wait3A_624, %dma_wait3A_625] : memref<12x128x8xf32, #tpu.memory_space<vmem>> -> memref<1x128x8xf32, #tpu.memory_space<vmem>>
        %dma_wait3A_627 = tpu.memref_squeeze %dma_wait3A_626 : memref<1x128x8xf32, #tpu.memory_space<vmem>> -> memref<128x8xf32, #tpu.memory_space<vmem>>
        %dma_wait3A_628 = arith.constant 0 : i32
        %dma_wait3A_629 = tpu.memref_slice %arg10[%dma_wait3A_623, %dma_wait3A_628] : memref<12x128xi32, #tpu.memory_space<vmem>> -> memref<1x128xi32, #tpu.memory_space<vmem>>
        %dma_wait3A_630 = tpu.memref_squeeze %dma_wait3A_629 : memref<1x128xi32, #tpu.memory_space<vmem>> -> memref<128xi32, #tpu.memory_space<vmem>>
        %dma_wait3A_631 = arith.constant 0 : i32
        %dma_wait3A_632 = arith.constant 0 : i32
        %dma_wait3A_633 = tpu.memref_slice %arg7[%dma_wait3A_631, %dma_wait3A_632] : memref<100352x8xf32, #tpu.memory_space<vmem_shared>> -> memref<100352x8xf32, #tpu.memory_space<vmem_shared>>
        tpu.wait_indirect_dma semaphore(%arg14 : memref<!tpu.dma_semaphore, #tpu.memory_space<semaphore_mem>>) src(%dma_wait3A_627 : memref<128x8xf32, #tpu.memory_space<vmem>>) dst(%dma_wait3A_633 : memref<100352x8xf32, #tpu.memory_space<vmem_shared>>)
        %dma_wait3A_634 = arith.constant 2 : i32
        %dma_wait3A_635 = arith.constant 2 : i32
        %dma_wait3A_636 = arith.constant 0 : i32
        %dma_wait3A_637 = arith.constant 0 : i32
        %dma_wait3A_638 = tpu.memref_slice %arg11[%dma_wait3A_634, %dma_wait3A_636, %dma_wait3A_637] : memref<12x128x8xf32, #tpu.memory_space<vmem>> -> memref<1x128x8xf32, #tpu.memory_space<vmem>>
        %dma_wait3A_639 = tpu.memref_squeeze %dma_wait3A_638 : memref<1x128x8xf32, #tpu.memory_space<vmem>> -> memref<128x8xf32, #tpu.memory_space<vmem>>
        %dma_wait3A_640 = arith.constant 0 : i32
        %dma_wait3A_641 = tpu.memref_slice %arg10[%dma_wait3A_635, %dma_wait3A_640] : memref<12x128xi32, #tpu.memory_space<vmem>> -> memref<1x128xi32, #tpu.memory_space<vmem>>
        %dma_wait3A_642 = tpu.memref_squeeze %dma_wait3A_641 : memref<1x128xi32, #tpu.memory_space<vmem>> -> memref<128xi32, #tpu.memory_space<vmem>>
        %dma_wait3A_643 = arith.constant 0 : i32
        %dma_wait3A_644 = arith.constant 0 : i32
        %dma_wait3A_645 = tpu.memref_slice %arg7[%dma_wait3A_643, %dma_wait3A_644] : memref<100352x8xf32, #tpu.memory_space<vmem_shared>> -> memref<100352x8xf32, #tpu.memory_space<vmem_shared>>
        tpu.wait_indirect_dma semaphore(%arg14 : memref<!tpu.dma_semaphore, #tpu.memory_space<semaphore_mem>>) src(%dma_wait3A_639 : memref<128x8xf32, #tpu.memory_space<vmem>>) dst(%dma_wait3A_645 : memref<100352x8xf32, #tpu.memory_space<vmem_shared>>)
        %dma_wait3A_646 = arith.constant 3 : i32
        %dma_wait3A_647 = arith.constant 3 : i32
        %dma_wait3A_648 = arith.constant 0 : i32
        %dma_wait3A_649 = arith.constant 0 : i32
        %dma_wait3A_650 = tpu.memref_slice %arg11[%dma_wait3A_646, %dma_wait3A_648, %dma_wait3A_649] : memref<12x128x8xf32, #tpu.memory_space<vmem>> -> memref<1x128x8xf32, #tpu.memory_space<vmem>>
        %dma_wait3A_651 = tpu.memref_squeeze %dma_wait3A_650 : memref<1x128x8xf32, #tpu.memory_space<vmem>> -> memref<128x8xf32, #tpu.memory_space<vmem>>
        %dma_wait3A_652 = arith.constant 0 : i32
        %dma_wait3A_653 = tpu.memref_slice %arg10[%dma_wait3A_647, %dma_wait3A_652] : memref<12x128xi32, #tpu.memory_space<vmem>> -> memref<1x128xi32, #tpu.memory_space<vmem>>
        %dma_wait3A_654 = tpu.memref_squeeze %dma_wait3A_653 : memref<1x128xi32, #tpu.memory_space<vmem>> -> memref<128xi32, #tpu.memory_space<vmem>>
        %dma_wait3A_655 = arith.constant 0 : i32
        %dma_wait3A_656 = arith.constant 0 : i32
        %dma_wait3A_657 = tpu.memref_slice %arg7[%dma_wait3A_655, %dma_wait3A_656] : memref<100352x8xf32, #tpu.memory_space<vmem_shared>> -> memref<100352x8xf32, #tpu.memory_space<vmem_shared>>
        tpu.wait_indirect_dma semaphore(%arg14 : memref<!tpu.dma_semaphore, #tpu.memory_space<semaphore_mem>>) src(%dma_wait3A_651 : memref<128x8xf32, #tpu.memory_space<vmem>>) dst(%dma_wait3A_657 : memref<100352x8xf32, #tpu.memory_space<vmem_shared>>)
        %dma_wait3A_658 = arith.constant 4 : i32
        %dma_wait3A_659 = arith.constant 4 : i32
        %dma_wait3A_660 = arith.constant 0 : i32
        %dma_wait3A_661 = arith.constant 0 : i32
        %dma_wait3A_662 = tpu.memref_slice %arg11[%dma_wait3A_658, %dma_wait3A_660, %dma_wait3A_661] : memref<12x128x8xf32, #tpu.memory_space<vmem>> -> memref<1x128x8xf32, #tpu.memory_space<vmem>>
        %dma_wait3A_663 = tpu.memref_squeeze %dma_wait3A_662 : memref<1x128x8xf32, #tpu.memory_space<vmem>> -> memref<128x8xf32, #tpu.memory_space<vmem>>
        %dma_wait3A_664 = arith.constant 0 : i32
        %dma_wait3A_665 = tpu.memref_slice %arg10[%dma_wait3A_659, %dma_wait3A_664] : memref<12x128xi32, #tpu.memory_space<vmem>> -> memref<1x128xi32, #tpu.memory_space<vmem>>
        %dma_wait3A_666 = tpu.memref_squeeze %dma_wait3A_665 : memref<1x128xi32, #tpu.memory_space<vmem>> -> memref<128xi32, #tpu.memory_space<vmem>>
        %dma_wait3A_667 = arith.constant 0 : i32
        %dma_wait3A_668 = arith.constant 0 : i32
        %dma_wait3A_669 = tpu.memref_slice %arg7[%dma_wait3A_667, %dma_wait3A_668] : memref<100352x8xf32, #tpu.memory_space<vmem_shared>> -> memref<100352x8xf32, #tpu.memory_space<vmem_shared>>
        tpu.wait_indirect_dma semaphore(%arg14 : memref<!tpu.dma_semaphore, #tpu.memory_space<semaphore_mem>>) src(%dma_wait3A_663 : memref<128x8xf32, #tpu.memory_space<vmem>>) dst(%dma_wait3A_669 : memref<100352x8xf32, #tpu.memory_space<vmem_shared>>)
        %dma_wait3A_670 = arith.constant 5 : i32
        %dma_wait3A_671 = arith.constant 5 : i32
        %dma_wait3A_672 = arith.constant 0 : i32
        %dma_wait3A_673 = arith.constant 0 : i32
        %dma_wait3A_674 = tpu.memref_slice %arg11[%dma_wait3A_670, %dma_wait3A_672, %dma_wait3A_673] : memref<12x128x8xf32, #tpu.memory_space<vmem>> -> memref<1x128x8xf32, #tpu.memory_space<vmem>>
        %dma_wait3A_675 = tpu.memref_squeeze %dma_wait3A_674 : memref<1x128x8xf32, #tpu.memory_space<vmem>> -> memref<128x8xf32, #tpu.memory_space<vmem>>
        %dma_wait3A_676 = arith.constant 0 : i32
        %dma_wait3A_677 = tpu.memref_slice %arg10[%dma_wait3A_671, %dma_wait3A_676] : memref<12x128xi32, #tpu.memory_space<vmem>> -> memref<1x128xi32, #tpu.memory_space<vmem>>
        %dma_wait3A_678 = tpu.memref_squeeze %dma_wait3A_677 : memref<1x128xi32, #tpu.memory_space<vmem>> -> memref<128xi32, #tpu.memory_space<vmem>>
        %dma_wait3A_679 = arith.constant 0 : i32
        %dma_wait3A_680 = arith.constant 0 : i32
        %dma_wait3A_681 = tpu.memref_slice %arg7[%dma_wait3A_679, %dma_wait3A_680] : memref<100352x8xf32, #tpu.memory_space<vmem_shared>> -> memref<100352x8xf32, #tpu.memory_space<vmem_shared>>
        tpu.wait_indirect_dma semaphore(%arg14 : memref<!tpu.dma_semaphore, #tpu.memory_space<semaphore_mem>>) src(%dma_wait3A_675 : memref<128x8xf32, #tpu.memory_space<vmem>>) dst(%dma_wait3A_681 : memref<100352x8xf32, #tpu.memory_space<vmem_shared>>)
        %dma_wait3A_682 = arith.constant 6 : i32
        %dma_wait3A_683 = arith.constant 6 : i32
        %dma_wait3A_684 = arith.constant 0 : i32
        %dma_wait3A_685 = arith.constant 0 : i32
        %dma_wait3A_686 = tpu.memref_slice %arg11[%dma_wait3A_682, %dma_wait3A_684, %dma_wait3A_685] : memref<12x128x8xf32, #tpu.memory_space<vmem>> -> memref<1x128x8xf32, #tpu.memory_space<vmem>>
        %dma_wait3A_687 = tpu.memref_squeeze %dma_wait3A_686 : memref<1x128x8xf32, #tpu.memory_space<vmem>> -> memref<128x8xf32, #tpu.memory_space<vmem>>
        %dma_wait3A_688 = arith.constant 0 : i32
        %dma_wait3A_689 = tpu.memref_slice %arg10[%dma_wait3A_683, %dma_wait3A_688] : memref<12x128xi32, #tpu.memory_space<vmem>> -> memref<1x128xi32, #tpu.memory_space<vmem>>
        %dma_wait3A_690 = tpu.memref_squeeze %dma_wait3A_689 : memref<1x128xi32, #tpu.memory_space<vmem>> -> memref<128xi32, #tpu.memory_space<vmem>>
        %dma_wait3A_691 = arith.constant 0 : i32
        %dma_wait3A_692 = arith.constant 0 : i32
        %dma_wait3A_693 = tpu.memref_slice %arg7[%dma_wait3A_691, %dma_wait3A_692] : memref<100352x8xf32, #tpu.memory_space<vmem_shared>> -> memref<100352x8xf32, #tpu.memory_space<vmem_shared>>
        tpu.wait_indirect_dma semaphore(%arg14 : memref<!tpu.dma_semaphore, #tpu.memory_space<semaphore_mem>>) src(%dma_wait3A_687 : memref<128x8xf32, #tpu.memory_space<vmem>>) dst(%dma_wait3A_693 : memref<100352x8xf32, #tpu.memory_space<vmem_shared>>)
        %dma_wait3A_694 = arith.constant 7 : i32
        %dma_wait3A_695 = arith.constant 7 : i32
        %dma_wait3A_696 = arith.constant 0 : i32
        %dma_wait3A_697 = arith.constant 0 : i32
        %dma_wait3A_698 = tpu.memref_slice %arg11[%dma_wait3A_694, %dma_wait3A_696, %dma_wait3A_697] : memref<12x128x8xf32, #tpu.memory_space<vmem>> -> memref<1x128x8xf32, #tpu.memory_space<vmem>>
        %dma_wait3A_699 = tpu.memref_squeeze %dma_wait3A_698 : memref<1x128x8xf32, #tpu.memory_space<vmem>> -> memref<128x8xf32, #tpu.memory_space<vmem>>
        %dma_wait3A_700 = arith.constant 0 : i32
        %dma_wait3A_701 = tpu.memref_slice %arg10[%dma_wait3A_695, %dma_wait3A_700] : memref<12x128xi32, #tpu.memory_space<vmem>> -> memref<1x128xi32, #tpu.memory_space<vmem>>
        %dma_wait3A_702 = tpu.memref_squeeze %dma_wait3A_701 : memref<1x128xi32, #tpu.memory_space<vmem>> -> memref<128xi32, #tpu.memory_space<vmem>>
        %dma_wait3A_703 = arith.constant 0 : i32
        %dma_wait3A_704 = arith.constant 0 : i32
        %dma_wait3A_705 = tpu.memref_slice %arg7[%dma_wait3A_703, %dma_wait3A_704] : memref<100352x8xf32, #tpu.memory_space<vmem_shared>> -> memref<100352x8xf32, #tpu.memory_space<vmem_shared>>
        tpu.wait_indirect_dma semaphore(%arg14 : memref<!tpu.dma_semaphore, #tpu.memory_space<semaphore_mem>>) src(%dma_wait3A_699 : memref<128x8xf32, #tpu.memory_space<vmem>>) dst(%dma_wait3A_705 : memref<100352x8xf32, #tpu.memory_space<vmem_shared>>)
        %dma_wait3A_706 = arith.constant 8 : i32
        %dma_wait3A_707 = arith.constant 8 : i32
        %dma_wait3A_708 = arith.constant 0 : i32
        %dma_wait3A_709 = arith.constant 0 : i32
        %dma_wait3A_710 = tpu.memref_slice %arg11[%dma_wait3A_706, %dma_wait3A_708, %dma_wait3A_709] : memref<12x128x8xf32, #tpu.memory_space<vmem>> -> memref<1x128x8xf32, #tpu.memory_space<vmem>>
        %dma_wait3A_711 = tpu.memref_squeeze %dma_wait3A_710 : memref<1x128x8xf32, #tpu.memory_space<vmem>> -> memref<128x8xf32, #tpu.memory_space<vmem>>
        %dma_wait3A_712 = arith.constant 0 : i32
        %dma_wait3A_713 = tpu.memref_slice %arg10[%dma_wait3A_707, %dma_wait3A_712] : memref<12x128xi32, #tpu.memory_space<vmem>> -> memref<1x128xi32, #tpu.memory_space<vmem>>
        %dma_wait3A_714 = tpu.memref_squeeze %dma_wait3A_713 : memref<1x128xi32, #tpu.memory_space<vmem>> -> memref<128xi32, #tpu.memory_space<vmem>>
        %dma_wait3A_715 = arith.constant 0 : i32
        %dma_wait3A_716 = arith.constant 0 : i32
        %dma_wait3A_717 = tpu.memref_slice %arg7[%dma_wait3A_715, %dma_wait3A_716] : memref<100352x8xf32, #tpu.memory_space<vmem_shared>> -> memref<100352x8xf32, #tpu.memory_space<vmem_shared>>
        tpu.wait_indirect_dma semaphore(%arg14 : memref<!tpu.dma_semaphore, #tpu.memory_space<semaphore_mem>>) src(%dma_wait3A_711 : memref<128x8xf32, #tpu.memory_space<vmem>>) dst(%dma_wait3A_717 : memref<100352x8xf32, #tpu.memory_space<vmem_shared>>)
        %dma_wait3A_718 = arith.constant 9 : i32
        %dma_wait3A_719 = arith.constant 9 : i32
        %dma_wait3A_720 = arith.constant 0 : i32
        %dma_wait3A_721 = arith.constant 0 : i32
        %dma_wait3A_722 = tpu.memref_slice %arg11[%dma_wait3A_718, %dma_wait3A_720, %dma_wait3A_721] : memref<12x128x8xf32, #tpu.memory_space<vmem>> -> memref<1x128x8xf32, #tpu.memory_space<vmem>>
        %dma_wait3A_723 = tpu.memref_squeeze %dma_wait3A_722 : memref<1x128x8xf32, #tpu.memory_space<vmem>> -> memref<128x8xf32, #tpu.memory_space<vmem>>
        %dma_wait3A_724 = arith.constant 0 : i32
        %dma_wait3A_725 = tpu.memref_slice %arg10[%dma_wait3A_719, %dma_wait3A_724] : memref<12x128xi32, #tpu.memory_space<vmem>> -> memref<1x128xi32, #tpu.memory_space<vmem>>
        %dma_wait3A_726 = tpu.memref_squeeze %dma_wait3A_725 : memref<1x128xi32, #tpu.memory_space<vmem>> -> memref<128xi32, #tpu.memory_space<vmem>>
        %dma_wait3A_727 = arith.constant 0 : i32
        %dma_wait3A_728 = arith.constant 0 : i32
        %dma_wait3A_729 = tpu.memref_slice %arg7[%dma_wait3A_727, %dma_wait3A_728] : memref<100352x8xf32, #tpu.memory_space<vmem_shared>> -> memref<100352x8xf32, #tpu.memory_space<vmem_shared>>
        tpu.wait_indirect_dma semaphore(%arg14 : memref<!tpu.dma_semaphore, #tpu.memory_space<semaphore_mem>>) src(%dma_wait3A_723 : memref<128x8xf32, #tpu.memory_space<vmem>>) dst(%dma_wait3A_729 : memref<100352x8xf32, #tpu.memory_space<vmem_shared>>)
        %dma_wait3A_730 = arith.constant 10 : i32
        %dma_wait3A_731 = arith.constant 10 : i32
        %dma_wait3A_732 = arith.constant 0 : i32
        %dma_wait3A_733 = arith.constant 0 : i32
        %dma_wait3A_734 = tpu.memref_slice %arg11[%dma_wait3A_730, %dma_wait3A_732, %dma_wait3A_733] : memref<12x128x8xf32, #tpu.memory_space<vmem>> -> memref<1x128x8xf32, #tpu.memory_space<vmem>>
        %dma_wait3A_735 = tpu.memref_squeeze %dma_wait3A_734 : memref<1x128x8xf32, #tpu.memory_space<vmem>> -> memref<128x8xf32, #tpu.memory_space<vmem>>
        %dma_wait3A_736 = arith.constant 0 : i32
        %dma_wait3A_737 = tpu.memref_slice %arg10[%dma_wait3A_731, %dma_wait3A_736] : memref<12x128xi32, #tpu.memory_space<vmem>> -> memref<1x128xi32, #tpu.memory_space<vmem>>
        %dma_wait3A_738 = tpu.memref_squeeze %dma_wait3A_737 : memref<1x128xi32, #tpu.memory_space<vmem>> -> memref<128xi32, #tpu.memory_space<vmem>>
        %dma_wait3A_739 = arith.constant 0 : i32
        %dma_wait3A_740 = arith.constant 0 : i32
        %dma_wait3A_741 = tpu.memref_slice %arg7[%dma_wait3A_739, %dma_wait3A_740] : memref<100352x8xf32, #tpu.memory_space<vmem_shared>> -> memref<100352x8xf32, #tpu.memory_space<vmem_shared>>
        tpu.wait_indirect_dma semaphore(%arg14 : memref<!tpu.dma_semaphore, #tpu.memory_space<semaphore_mem>>) src(%dma_wait3A_735 : memref<128x8xf32, #tpu.memory_space<vmem>>) dst(%dma_wait3A_741 : memref<100352x8xf32, #tpu.memory_space<vmem_shared>>)
        %dma_wait3A_742 = arith.constant 11 : i32
        %dma_wait3A_743 = arith.constant 11 : i32
        %dma_wait3A_744 = arith.constant 0 : i32
        %dma_wait3A_745 = arith.constant 0 : i32
        %dma_wait3A_746 = tpu.memref_slice %arg11[%dma_wait3A_742, %dma_wait3A_744, %dma_wait3A_745] : memref<12x128x8xf32, #tpu.memory_space<vmem>> -> memref<1x128x8xf32, #tpu.memory_space<vmem>>
        %dma_wait3A_747 = tpu.memref_squeeze %dma_wait3A_746 : memref<1x128x8xf32, #tpu.memory_space<vmem>> -> memref<128x8xf32, #tpu.memory_space<vmem>>
        %dma_wait3A_748 = arith.constant 0 : i32
        %dma_wait3A_749 = tpu.memref_slice %arg10[%dma_wait3A_743, %dma_wait3A_748] : memref<12x128xi32, #tpu.memory_space<vmem>> -> memref<1x128xi32, #tpu.memory_space<vmem>>
        %dma_wait3A_750 = tpu.memref_squeeze %dma_wait3A_749 : memref<1x128xi32, #tpu.memory_space<vmem>> -> memref<128xi32, #tpu.memory_space<vmem>>
        %dma_wait3A_751 = arith.constant 0 : i32
        %dma_wait3A_752 = arith.constant 0 : i32
        %dma_wait3A_753 = tpu.memref_slice %arg7[%dma_wait3A_751, %dma_wait3A_752] : memref<100352x8xf32, #tpu.memory_space<vmem_shared>> -> memref<100352x8xf32, #tpu.memory_space<vmem_shared>>
        tpu.wait_indirect_dma semaphore(%arg14 : memref<!tpu.dma_semaphore, #tpu.memory_space<semaphore_mem>>) src(%dma_wait3A_747 : memref<128x8xf32, #tpu.memory_space<vmem>>) dst(%dma_wait3A_753 : memref<100352x8xf32, #tpu.memory_space<vmem_shared>>)
      } else {
      }
      %dma_start3A = arith.constant 0 : i32
      %dma_start3A_163 = tpu.memref_slice %arg3[%add3A_160, %dma_start3A] : memref<50688x128xi32, #tpu.memory_space<hbm>> -> memref<12x128xi32, #tpu.memory_space<hbm>>
      %dma_start3A_164 = arith.constant 0 : i32
      %dma_start3A_165 = tpu.memref_slice %arg3[%add3A_160, %dma_start3A_164] : memref<50688x128xi32, #tpu.memory_space<hbm>> -> memref<12x128xi32, #tpu.memory_space<hbm>>
      tpu.enqueue_dma source(%dma_start3A_165 : memref<12x128xi32, #tpu.memory_space<hbm>>) target(%arg9 : memref<12x128xi32, #tpu.memory_space<vmem>>) target_semaphore(%arg12 : memref<!tpu.dma_semaphore, #tpu.memory_space<semaphore_mem>>)
      %dma_start3A_166 = arith.constant 0 : i32
      %dma_start3A_167 = tpu.memref_slice %arg4[%add3A_160, %dma_start3A_166] : memref<50688x128xi32, #tpu.memory_space<hbm>> -> memref<12x128xi32, #tpu.memory_space<hbm>>
      %dma_start3A_168 = arith.constant 0 : i32
      %dma_start3A_169 = tpu.memref_slice %arg4[%add3A_160, %dma_start3A_168] : memref<50688x128xi32, #tpu.memory_space<hbm>> -> memref<12x128xi32, #tpu.memory_space<hbm>>
      tpu.enqueue_dma source(%dma_start3A_169 : memref<12x128xi32, #tpu.memory_space<hbm>>) target(%arg10 : memref<12x128xi32, #tpu.memory_space<vmem>>) target_semaphore(%arg12 : memref<!tpu.dma_semaphore, #tpu.memory_space<semaphore_mem>>)
      %dma_wait3A_170 = arith.constant 0 : i32
      %dma_wait3A_171 = tpu.memref_slice %arg3[%add3A_160, %dma_wait3A_170] : memref<50688x128xi32, #tpu.memory_space<hbm>> -> memref<12x128xi32, #tpu.memory_space<hbm>>
      %dma_wait3A_172 = arith.constant 0 : i32
      %dma_wait3A_173 = tpu.memref_slice %arg3[%add3A_160, %dma_wait3A_172] : memref<50688x128xi32, #tpu.memory_space<hbm>> -> memref<12x128xi32, #tpu.memory_space<hbm>>
      tpu.wait_dma2 semaphore(%arg12 : memref<!tpu.dma_semaphore, #tpu.memory_space<semaphore_mem>>) src(%dma_wait3A_173 : memref<12x128xi32, #tpu.memory_space<hbm>>) dst(%arg9 : memref<12x128xi32, #tpu.memory_space<vmem>>)
      %dma_wait3A_174 = arith.constant 0 : i32
      %dma_wait3A_175 = tpu.memref_slice %arg4[%add3A_160, %dma_wait3A_174] : memref<50688x128xi32, #tpu.memory_space<hbm>> -> memref<12x128xi32, #tpu.memory_space<hbm>>
      %dma_wait3A_176 = arith.constant 0 : i32
      %dma_wait3A_177 = tpu.memref_slice %arg4[%add3A_160, %dma_wait3A_176] : memref<50688x128xi32, #tpu.memory_space<hbm>> -> memref<12x128xi32, #tpu.memory_space<hbm>>
      tpu.wait_dma2 semaphore(%arg12 : memref<!tpu.dma_semaphore, #tpu.memory_space<semaphore_mem>>) src(%dma_wait3A_177 : memref<12x128xi32, #tpu.memory_space<hbm>>) dst(%arg10 : memref<12x128xi32, #tpu.memory_space<vmem>>)
      %dma_start3A_178 = arith.constant 0 : i32
      %dma_start3A_179 = arith.constant 0 : i32
      %dma_start3A_180 = arith.constant 0 : i32
      %dma_start3A_181 = arith.constant 0 : i32
      %dma_start3A_182 = tpu.memref_slice %arg11[%dma_start3A_179, %dma_start3A_180, %dma_start3A_181] : memref<12x128x8xf32, #tpu.memory_space<vmem>> -> memref<1x128x8xf32, #tpu.memory_space<vmem>>
      %dma_start3A_183 = tpu.memref_squeeze %dma_start3A_182 : memref<1x128x8xf32, #tpu.memory_space<vmem>> -> memref<128x8xf32, #tpu.memory_space<vmem>>
      %dma_start3A_184 = arith.constant 0 : i32
      %dma_start3A_185 = tpu.memref_slice %arg9[%dma_start3A_178, %dma_start3A_184] : memref<12x128xi32, #tpu.memory_space<vmem>> -> memref<1x128xi32, #tpu.memory_space<vmem>>
      %dma_start3A_186 = tpu.memref_squeeze %dma_start3A_185 : memref<1x128xi32, #tpu.memory_space<vmem>> -> memref<128xi32, #tpu.memory_space<vmem>>
      %dma_start3A_187 = arith.constant 0 : i32
      %dma_start3A_188 = arith.constant 0 : i32
      %dma_start3A_189 = tpu.memref_slice %arg8[%dma_start3A_187, %dma_start3A_188] : memref<100352x8xf32, #tpu.memory_space<vmem_shared>> -> memref<100352x8xf32, #tpu.memory_space<vmem_shared>>
      tpu.enqueue_indirect_dma source(%dma_start3A_189 : memref<100352x8xf32, #tpu.memory_space<vmem_shared>>) target(%dma_start3A_183 : memref<128x8xf32, #tpu.memory_space<vmem>>) offsets(%dma_start3A_186 : memref<128xi32, #tpu.memory_space<vmem>>) semaphore(%arg13 : memref<!tpu.dma_semaphore, #tpu.memory_space<semaphore_mem>>)
      %dma_start3A_190 = arith.constant 1 : i32
      %dma_start3A_191 = arith.constant 1 : i32
      %dma_start3A_192 = arith.constant 0 : i32
      %dma_start3A_193 = arith.constant 0 : i32
      %dma_start3A_194 = tpu.memref_slice %arg11[%dma_start3A_191, %dma_start3A_192, %dma_start3A_193] : memref<12x128x8xf32, #tpu.memory_space<vmem>> -> memref<1x128x8xf32, #tpu.memory_space<vmem>>
      %dma_start3A_195 = tpu.memref_squeeze %dma_start3A_194 : memref<1x128x8xf32, #tpu.memory_space<vmem>> -> memref<128x8xf32, #tpu.memory_space<vmem>>
      %dma_start3A_196 = arith.constant 0 : i32
      %dma_start3A_197 = tpu.memref_slice %arg9[%dma_start3A_190, %dma_start3A_196] : memref<12x128xi32, #tpu.memory_space<vmem>> -> memref<1x128xi32, #tpu.memory_space<vmem>>
      %dma_start3A_198 = tpu.memref_squeeze %dma_start3A_197 : memref<1x128xi32, #tpu.memory_space<vmem>> -> memref<128xi32, #tpu.memory_space<vmem>>
      %dma_start3A_199 = arith.constant 0 : i32
      %dma_start3A_200 = arith.constant 0 : i32
      %dma_start3A_201 = tpu.memref_slice %arg8[%dma_start3A_199, %dma_start3A_200] : memref<100352x8xf32, #tpu.memory_space<vmem_shared>> -> memref<100352x8xf32, #tpu.memory_space<vmem_shared>>
      tpu.enqueue_indirect_dma source(%dma_start3A_201 : memref<100352x8xf32, #tpu.memory_space<vmem_shared>>) target(%dma_start3A_195 : memref<128x8xf32, #tpu.memory_space<vmem>>) offsets(%dma_start3A_198 : memref<128xi32, #tpu.memory_space<vmem>>) semaphore(%arg13 : memref<!tpu.dma_semaphore, #tpu.memory_space<semaphore_mem>>)
      %dma_start3A_202 = arith.constant 2 : i32
      %dma_start3A_203 = arith.constant 2 : i32
      %dma_start3A_204 = arith.constant 0 : i32
      %dma_start3A_205 = arith.constant 0 : i32
      %dma_start3A_206 = tpu.memref_slice %arg11[%dma_start3A_203, %dma_start3A_204, %dma_start3A_205] : memref<12x128x8xf32, #tpu.memory_space<vmem>> -> memref<1x128x8xf32, #tpu.memory_space<vmem>>
      %dma_start3A_207 = tpu.memref_squeeze %dma_start3A_206 : memref<1x128x8xf32, #tpu.memory_space<vmem>> -> memref<128x8xf32, #tpu.memory_space<vmem>>
      %dma_start3A_208 = arith.constant 0 : i32
      %dma_start3A_209 = tpu.memref_slice %arg9[%dma_start3A_202, %dma_start3A_208] : memref<12x128xi32, #tpu.memory_space<vmem>> -> memref<1x128xi32, #tpu.memory_space<vmem>>
      %dma_start3A_210 = tpu.memref_squeeze %dma_start3A_209 : memref<1x128xi32, #tpu.memory_space<vmem>> -> memref<128xi32, #tpu.memory_space<vmem>>
      %dma_start3A_211 = arith.constant 0 : i32
      %dma_start3A_212 = arith.constant 0 : i32
      %dma_start3A_213 = tpu.memref_slice %arg8[%dma_start3A_211, %dma_start3A_212] : memref<100352x8xf32, #tpu.memory_space<vmem_shared>> -> memref<100352x8xf32, #tpu.memory_space<vmem_shared>>
      tpu.enqueue_indirect_dma source(%dma_start3A_213 : memref<100352x8xf32, #tpu.memory_space<vmem_shared>>) target(%dma_start3A_207 : memref<128x8xf32, #tpu.memory_space<vmem>>) offsets(%dma_start3A_210 : memref<128xi32, #tpu.memory_space<vmem>>) semaphore(%arg13 : memref<!tpu.dma_semaphore, #tpu.memory_space<semaphore_mem>>)
      %dma_start3A_214 = arith.constant 3 : i32
      %dma_start3A_215 = arith.constant 3 : i32
      %dma_start3A_216 = arith.constant 0 : i32
      %dma_start3A_217 = arith.constant 0 : i32
      %dma_start3A_218 = tpu.memref_slice %arg11[%dma_start3A_215, %dma_start3A_216, %dma_start3A_217] : memref<12x128x8xf32, #tpu.memory_space<vmem>> -> memref<1x128x8xf32, #tpu.memory_space<vmem>>
      %dma_start3A_219 = tpu.memref_squeeze %dma_start3A_218 : memref<1x128x8xf32, #tpu.memory_space<vmem>> -> memref<128x8xf32, #tpu.memory_space<vmem>>
      %dma_start3A_220 = arith.constant 0 : i32
      %dma_start3A_221 = tpu.memref_slice %arg9[%dma_start3A_214, %dma_start3A_220] : memref<12x128xi32, #tpu.memory_space<vmem>> -> memref<1x128xi32, #tpu.memory_space<vmem>>
      %dma_start3A_222 = tpu.memref_squeeze %dma_start3A_221 : memref<1x128xi32, #tpu.memory_space<vmem>> -> memref<128xi32, #tpu.memory_space<vmem>>
      %dma_start3A_223 = arith.constant 0 : i32
      %dma_start3A_224 = arith.constant 0 : i32
      %dma_start3A_225 = tpu.memref_slice %arg8[%dma_start3A_223, %dma_start3A_224] : memref<100352x8xf32, #tpu.memory_space<vmem_shared>> -> memref<100352x8xf32, #tpu.memory_space<vmem_shared>>
      tpu.enqueue_indirect_dma source(%dma_start3A_225 : memref<100352x8xf32, #tpu.memory_space<vmem_shared>>) target(%dma_start3A_219 : memref<128x8xf32, #tpu.memory_space<vmem>>) offsets(%dma_start3A_222 : memref<128xi32, #tpu.memory_space<vmem>>) semaphore(%arg13 : memref<!tpu.dma_semaphore, #tpu.memory_space<semaphore_mem>>)
      %dma_start3A_226 = arith.constant 4 : i32
      %dma_start3A_227 = arith.constant 4 : i32
      %dma_start3A_228 = arith.constant 0 : i32
      %dma_start3A_229 = arith.constant 0 : i32
      %dma_start3A_230 = tpu.memref_slice %arg11[%dma_start3A_227, %dma_start3A_228, %dma_start3A_229] : memref<12x128x8xf32, #tpu.memory_space<vmem>> -> memref<1x128x8xf32, #tpu.memory_space<vmem>>
      %dma_start3A_231 = tpu.memref_squeeze %dma_start3A_230 : memref<1x128x8xf32, #tpu.memory_space<vmem>> -> memref<128x8xf32, #tpu.memory_space<vmem>>
      %dma_start3A_232 = arith.constant 0 : i32
      %dma_start3A_233 = tpu.memref_slice %arg9[%dma_start3A_226, %dma_start3A_232] : memref<12x128xi32, #tpu.memory_space<vmem>> -> memref<1x128xi32, #tpu.memory_space<vmem>>
      %dma_start3A_234 = tpu.memref_squeeze %dma_start3A_233 : memref<1x128xi32, #tpu.memory_space<vmem>> -> memref<128xi32, #tpu.memory_space<vmem>>
      %dma_start3A_235 = arith.constant 0 : i32
      %dma_start3A_236 = arith.constant 0 : i32
      %dma_start3A_237 = tpu.memref_slice %arg8[%dma_start3A_235, %dma_start3A_236] : memref<100352x8xf32, #tpu.memory_space<vmem_shared>> -> memref<100352x8xf32, #tpu.memory_space<vmem_shared>>
      tpu.enqueue_indirect_dma source(%dma_start3A_237 : memref<100352x8xf32, #tpu.memory_space<vmem_shared>>) target(%dma_start3A_231 : memref<128x8xf32, #tpu.memory_space<vmem>>) offsets(%dma_start3A_234 : memref<128xi32, #tpu.memory_space<vmem>>) semaphore(%arg13 : memref<!tpu.dma_semaphore, #tpu.memory_space<semaphore_mem>>)
      %dma_start3A_238 = arith.constant 5 : i32
      %dma_start3A_239 = arith.constant 5 : i32
      %dma_start3A_240 = arith.constant 0 : i32
      %dma_start3A_241 = arith.constant 0 : i32
      %dma_start3A_242 = tpu.memref_slice %arg11[%dma_start3A_239, %dma_start3A_240, %dma_start3A_241] : memref<12x128x8xf32, #tpu.memory_space<vmem>> -> memref<1x128x8xf32, #tpu.memory_space<vmem>>
      %dma_start3A_243 = tpu.memref_squeeze %dma_start3A_242 : memref<1x128x8xf32, #tpu.memory_space<vmem>> -> memref<128x8xf32, #tpu.memory_space<vmem>>
      %dma_start3A_244 = arith.constant 0 : i32
      %dma_start3A_245 = tpu.memref_slice %arg9[%dma_start3A_238, %dma_start3A_244] : memref<12x128xi32, #tpu.memory_space<vmem>> -> memref<1x128xi32, #tpu.memory_space<vmem>>
      %dma_start3A_246 = tpu.memref_squeeze %dma_start3A_245 : memref<1x128xi32, #tpu.memory_space<vmem>> -> memref<128xi32, #tpu.memory_space<vmem>>
      %dma_start3A_247 = arith.constant 0 : i32
      %dma_start3A_248 = arith.constant 0 : i32
      %dma_start3A_249 = tpu.memref_slice %arg8[%dma_start3A_247, %dma_start3A_248] : memref<100352x8xf32, #tpu.memory_space<vmem_shared>> -> memref<100352x8xf32, #tpu.memory_space<vmem_shared>>
      tpu.enqueue_indirect_dma source(%dma_start3A_249 : memref<100352x8xf32, #tpu.memory_space<vmem_shared>>) target(%dma_start3A_243 : memref<128x8xf32, #tpu.memory_space<vmem>>) offsets(%dma_start3A_246 : memref<128xi32, #tpu.memory_space<vmem>>) semaphore(%arg13 : memref<!tpu.dma_semaphore, #tpu.memory_space<semaphore_mem>>)
      %dma_start3A_250 = arith.constant 6 : i32
      %dma_start3A_251 = arith.constant 6 : i32
      %dma_start3A_252 = arith.constant 0 : i32
      %dma_start3A_253 = arith.constant 0 : i32
      %dma_start3A_254 = tpu.memref_slice %arg11[%dma_start3A_251, %dma_start3A_252, %dma_start3A_253] : memref<12x128x8xf32, #tpu.memory_space<vmem>> -> memref<1x128x8xf32, #tpu.memory_space<vmem>>
      %dma_start3A_255 = tpu.memref_squeeze %dma_start3A_254 : memref<1x128x8xf32, #tpu.memory_space<vmem>> -> memref<128x8xf32, #tpu.memory_space<vmem>>
      %dma_start3A_256 = arith.constant 0 : i32
      %dma_start3A_257 = tpu.memref_slice %arg9[%dma_start3A_250, %dma_start3A_256] : memref<12x128xi32, #tpu.memory_space<vmem>> -> memref<1x128xi32, #tpu.memory_space<vmem>>
      %dma_start3A_258 = tpu.memref_squeeze %dma_start3A_257 : memref<1x128xi32, #tpu.memory_space<vmem>> -> memref<128xi32, #tpu.memory_space<vmem>>
      %dma_start3A_259 = arith.constant 0 : i32
      %dma_start3A_260 = arith.constant 0 : i32
      %dma_start3A_261 = tpu.memref_slice %arg8[%dma_start3A_259, %dma_start3A_260] : memref<100352x8xf32, #tpu.memory_space<vmem_shared>> -> memref<100352x8xf32, #tpu.memory_space<vmem_shared>>
      tpu.enqueue_indirect_dma source(%dma_start3A_261 : memref<100352x8xf32, #tpu.memory_space<vmem_shared>>) target(%dma_start3A_255 : memref<128x8xf32, #tpu.memory_space<vmem>>) offsets(%dma_start3A_258 : memref<128xi32, #tpu.memory_space<vmem>>) semaphore(%arg13 : memref<!tpu.dma_semaphore, #tpu.memory_space<semaphore_mem>>)
      %dma_start3A_262 = arith.constant 7 : i32
      %dma_start3A_263 = arith.constant 7 : i32
      %dma_start3A_264 = arith.constant 0 : i32
      %dma_start3A_265 = arith.constant 0 : i32
      %dma_start3A_266 = tpu.memref_slice %arg11[%dma_start3A_263, %dma_start3A_264, %dma_start3A_265] : memref<12x128x8xf32, #tpu.memory_space<vmem>> -> memref<1x128x8xf32, #tpu.memory_space<vmem>>
      %dma_start3A_267 = tpu.memref_squeeze %dma_start3A_266 : memref<1x128x8xf32, #tpu.memory_space<vmem>> -> memref<128x8xf32, #tpu.memory_space<vmem>>
      %dma_start3A_268 = arith.constant 0 : i32
      %dma_start3A_269 = tpu.memref_slice %arg9[%dma_start3A_262, %dma_start3A_268] : memref<12x128xi32, #tpu.memory_space<vmem>> -> memref<1x128xi32, #tpu.memory_space<vmem>>
      %dma_start3A_270 = tpu.memref_squeeze %dma_start3A_269 : memref<1x128xi32, #tpu.memory_space<vmem>> -> memref<128xi32, #tpu.memory_space<vmem>>
      %dma_start3A_271 = arith.constant 0 : i32
      %dma_start3A_272 = arith.constant 0 : i32
      %dma_start3A_273 = tpu.memref_slice %arg8[%dma_start3A_271, %dma_start3A_272] : memref<100352x8xf32, #tpu.memory_space<vmem_shared>> -> memref<100352x8xf32, #tpu.memory_space<vmem_shared>>
      tpu.enqueue_indirect_dma source(%dma_start3A_273 : memref<100352x8xf32, #tpu.memory_space<vmem_shared>>) target(%dma_start3A_267 : memref<128x8xf32, #tpu.memory_space<vmem>>) offsets(%dma_start3A_270 : memref<128xi32, #tpu.memory_space<vmem>>) semaphore(%arg13 : memref<!tpu.dma_semaphore, #tpu.memory_space<semaphore_mem>>)
      %dma_start3A_274 = arith.constant 8 : i32
      %dma_start3A_275 = arith.constant 8 : i32
      %dma_start3A_276 = arith.constant 0 : i32
      %dma_start3A_277 = arith.constant 0 : i32
      %dma_start3A_278 = tpu.memref_slice %arg11[%dma_start3A_275, %dma_start3A_276, %dma_start3A_277] : memref<12x128x8xf32, #tpu.memory_space<vmem>> -> memref<1x128x8xf32, #tpu.memory_space<vmem>>
      %dma_start3A_279 = tpu.memref_squeeze %dma_start3A_278 : memref<1x128x8xf32, #tpu.memory_space<vmem>> -> memref<128x8xf32, #tpu.memory_space<vmem>>
      %dma_start3A_280 = arith.constant 0 : i32
      %dma_start3A_281 = tpu.memref_slice %arg9[%dma_start3A_274, %dma_start3A_280] : memref<12x128xi32, #tpu.memory_space<vmem>> -> memref<1x128xi32, #tpu.memory_space<vmem>>
      %dma_start3A_282 = tpu.memref_squeeze %dma_start3A_281 : memref<1x128xi32, #tpu.memory_space<vmem>> -> memref<128xi32, #tpu.memory_space<vmem>>
      %dma_start3A_283 = arith.constant 0 : i32
      %dma_start3A_284 = arith.constant 0 : i32
      %dma_start3A_285 = tpu.memref_slice %arg8[%dma_start3A_283, %dma_start3A_284] : memref<100352x8xf32, #tpu.memory_space<vmem_shared>> -> memref<100352x8xf32, #tpu.memory_space<vmem_shared>>
      tpu.enqueue_indirect_dma source(%dma_start3A_285 : memref<100352x8xf32, #tpu.memory_space<vmem_shared>>) target(%dma_start3A_279 : memref<128x8xf32, #tpu.memory_space<vmem>>) offsets(%dma_start3A_282 : memref<128xi32, #tpu.memory_space<vmem>>) semaphore(%arg13 : memref<!tpu.dma_semaphore, #tpu.memory_space<semaphore_mem>>)
      %dma_start3A_286 = arith.constant 9 : i32
      %dma_start3A_287 = arith.constant 9 : i32
      %dma_start3A_288 = arith.constant 0 : i32
      %dma_start3A_289 = arith.constant 0 : i32
      %dma_start3A_290 = tpu.memref_slice %arg11[%dma_start3A_287, %dma_start3A_288, %dma_start3A_289] : memref<12x128x8xf32, #tpu.memory_space<vmem>> -> memref<1x128x8xf32, #tpu.memory_space<vmem>>
      %dma_start3A_291 = tpu.memref_squeeze %dma_start3A_290 : memref<1x128x8xf32, #tpu.memory_space<vmem>> -> memref<128x8xf32, #tpu.memory_space<vmem>>
      %dma_start3A_292 = arith.constant 0 : i32
      %dma_start3A_293 = tpu.memref_slice %arg9[%dma_start3A_286, %dma_start3A_292] : memref<12x128xi32, #tpu.memory_space<vmem>> -> memref<1x128xi32, #tpu.memory_space<vmem>>
      %dma_start3A_294 = tpu.memref_squeeze %dma_start3A_293 : memref<1x128xi32, #tpu.memory_space<vmem>> -> memref<128xi32, #tpu.memory_space<vmem>>
      %dma_start3A_295 = arith.constant 0 : i32
      %dma_start3A_296 = arith.constant 0 : i32
      %dma_start3A_297 = tpu.memref_slice %arg8[%dma_start3A_295, %dma_start3A_296] : memref<100352x8xf32, #tpu.memory_space<vmem_shared>> -> memref<100352x8xf32, #tpu.memory_space<vmem_shared>>
      tpu.enqueue_indirect_dma source(%dma_start3A_297 : memref<100352x8xf32, #tpu.memory_space<vmem_shared>>) target(%dma_start3A_291 : memref<128x8xf32, #tpu.memory_space<vmem>>) offsets(%dma_start3A_294 : memref<128xi32, #tpu.memory_space<vmem>>) semaphore(%arg13 : memref<!tpu.dma_semaphore, #tpu.memory_space<semaphore_mem>>)
      %dma_start3A_298 = arith.constant 10 : i32
      %dma_start3A_299 = arith.constant 10 : i32
      %dma_start3A_300 = arith.constant 0 : i32
      %dma_start3A_301 = arith.constant 0 : i32
      %dma_start3A_302 = tpu.memref_slice %arg11[%dma_start3A_299, %dma_start3A_300, %dma_start3A_301] : memref<12x128x8xf32, #tpu.memory_space<vmem>> -> memref<1x128x8xf32, #tpu.memory_space<vmem>>
      %dma_start3A_303 = tpu.memref_squeeze %dma_start3A_302 : memref<1x128x8xf32, #tpu.memory_space<vmem>> -> memref<128x8xf32, #tpu.memory_space<vmem>>
      %dma_start3A_304 = arith.constant 0 : i32
      %dma_start3A_305 = tpu.memref_slice %arg9[%dma_start3A_298, %dma_start3A_304] : memref<12x128xi32, #tpu.memory_space<vmem>> -> memref<1x128xi32, #tpu.memory_space<vmem>>
      %dma_start3A_306 = tpu.memref_squeeze %dma_start3A_305 : memref<1x128xi32, #tpu.memory_space<vmem>> -> memref<128xi32, #tpu.memory_space<vmem>>
      %dma_start3A_307 = arith.constant 0 : i32
      %dma_start3A_308 = arith.constant 0 : i32
      %dma_start3A_309 = tpu.memref_slice %arg8[%dma_start3A_307, %dma_start3A_308] : memref<100352x8xf32, #tpu.memory_space<vmem_shared>> -> memref<100352x8xf32, #tpu.memory_space<vmem_shared>>
      tpu.enqueue_indirect_dma source(%dma_start3A_309 : memref<100352x8xf32, #tpu.memory_space<vmem_shared>>) target(%dma_start3A_303 : memref<128x8xf32, #tpu.memory_space<vmem>>) offsets(%dma_start3A_306 : memref<128xi32, #tpu.memory_space<vmem>>) semaphore(%arg13 : memref<!tpu.dma_semaphore, #tpu.memory_space<semaphore_mem>>)
      %dma_start3A_310 = arith.constant 11 : i32
      %dma_start3A_311 = arith.constant 11 : i32
      %dma_start3A_312 = arith.constant 0 : i32
      %dma_start3A_313 = arith.constant 0 : i32
      %dma_start3A_314 = tpu.memref_slice %arg11[%dma_start3A_311, %dma_start3A_312, %dma_start3A_313] : memref<12x128x8xf32, #tpu.memory_space<vmem>> -> memref<1x128x8xf32, #tpu.memory_space<vmem>>
      %dma_start3A_315 = tpu.memref_squeeze %dma_start3A_314 : memref<1x128x8xf32, #tpu.memory_space<vmem>> -> memref<128x8xf32, #tpu.memory_space<vmem>>
      %dma_start3A_316 = arith.constant 0 : i32
      %dma_start3A_317 = tpu.memref_slice %arg9[%dma_start3A_310, %dma_start3A_316] : memref<12x128xi32, #tpu.memory_space<vmem>> -> memref<1x128xi32, #tpu.memory_space<vmem>>
      %dma_start3A_318 = tpu.memref_squeeze %dma_start3A_317 : memref<1x128xi32, #tpu.memory_space<vmem>> -> memref<128xi32, #tpu.memory_space<vmem>>
      %dma_start3A_319 = arith.constant 0 : i32
      %dma_start3A_320 = arith.constant 0 : i32
      %dma_start3A_321 = tpu.memref_slice %arg8[%dma_start3A_319, %dma_start3A_320] : memref<100352x8xf32, #tpu.memory_space<vmem_shared>> -> memref<100352x8xf32, #tpu.memory_space<vmem_shared>>
      tpu.enqueue_indirect_dma source(%dma_start3A_321 : memref<100352x8xf32, #tpu.memory_space<vmem_shared>>) target(%dma_start3A_315 : memref<128x8xf32, #tpu.memory_space<vmem>>) offsets(%dma_start3A_318 : memref<128xi32, #tpu.memory_space<vmem>>) semaphore(%arg13 : memref<!tpu.dma_semaphore, #tpu.memory_space<semaphore_mem>>)
      %dma_wait3A_322 = arith.constant 0 : i32
      %dma_wait3A_323 = arith.constant 0 : i32
      %dma_wait3A_324 = arith.constant 0 : i32
      %dma_wait3A_325 = arith.constant 0 : i32
      %dma_wait3A_326 = tpu.memref_slice %arg11[%dma_wait3A_323, %dma_wait3A_324, %dma_wait3A_325] : memref<12x128x8xf32, #tpu.memory_space<vmem>> -> memref<1x128x8xf32, #tpu.memory_space<vmem>>
      %dma_wait3A_327 = tpu.memref_squeeze %dma_wait3A_326 : memref<1x128x8xf32, #tpu.memory_space<vmem>> -> memref<128x8xf32, #tpu.memory_space<vmem>>
      %dma_wait3A_328 = arith.constant 0 : i32
      %dma_wait3A_329 = tpu.memref_slice %arg9[%dma_wait3A_322, %dma_wait3A_328] : memref<12x128xi32, #tpu.memory_space<vmem>> -> memref<1x128xi32, #tpu.memory_space<vmem>>
      %dma_wait3A_330 = tpu.memref_squeeze %dma_wait3A_329 : memref<1x128xi32, #tpu.memory_space<vmem>> -> memref<128xi32, #tpu.memory_space<vmem>>
      %dma_wait3A_331 = arith.constant 0 : i32
      %dma_wait3A_332 = arith.constant 0 : i32
      %dma_wait3A_333 = tpu.memref_slice %arg8[%dma_wait3A_331, %dma_wait3A_332] : memref<100352x8xf32, #tpu.memory_space<vmem_shared>> -> memref<100352x8xf32, #tpu.memory_space<vmem_shared>>
      tpu.wait_indirect_dma semaphore(%arg13 : memref<!tpu.dma_semaphore, #tpu.memory_space<semaphore_mem>>) src(%dma_wait3A_333 : memref<100352x8xf32, #tpu.memory_space<vmem_shared>>) dst(%dma_wait3A_327 : memref<128x8xf32, #tpu.memory_space<vmem>>)
      %dma_start3A_334 = arith.constant 0 : i32
      %dma_start3A_335 = arith.constant 0 : i32
      %dma_start3A_336 = arith.constant 0 : i32
      %dma_start3A_337 = arith.constant 0 : i32
      %dma_start3A_338 = tpu.memref_slice %arg11[%dma_start3A_334, %dma_start3A_336, %dma_start3A_337] : memref<12x128x8xf32, #tpu.memory_space<vmem>> -> memref<1x128x8xf32, #tpu.memory_space<vmem>>
      %dma_start3A_339 = tpu.memref_squeeze %dma_start3A_338 : memref<1x128x8xf32, #tpu.memory_space<vmem>> -> memref<128x8xf32, #tpu.memory_space<vmem>>
      %dma_start3A_340 = arith.constant 0 : i32
      %dma_start3A_341 = tpu.memref_slice %arg10[%dma_start3A_335, %dma_start3A_340] : memref<12x128xi32, #tpu.memory_space<vmem>> -> memref<1x128xi32, #tpu.memory_space<vmem>>
      %dma_start3A_342 = tpu.memref_squeeze %dma_start3A_341 : memref<1x128xi32, #tpu.memory_space<vmem>> -> memref<128xi32, #tpu.memory_space<vmem>>
      %dma_start3A_343 = arith.constant 0 : i32
      %dma_start3A_344 = arith.constant 0 : i32
      %dma_start3A_345 = tpu.memref_slice %arg7[%dma_start3A_343, %dma_start3A_344] : memref<100352x8xf32, #tpu.memory_space<vmem_shared>> -> memref<100352x8xf32, #tpu.memory_space<vmem_shared>>
      tpu.enqueue_indirect_dma source(%dma_start3A_339 : memref<128x8xf32, #tpu.memory_space<vmem>>) target(%dma_start3A_345 : memref<100352x8xf32, #tpu.memory_space<vmem_shared>>) offsets(%dma_start3A_342 : memref<128xi32, #tpu.memory_space<vmem>>) semaphore(%arg14 : memref<!tpu.dma_semaphore, #tpu.memory_space<semaphore_mem>>) {add = true}
      %dma_wait3A_346 = arith.constant 1 : i32
      %dma_wait3A_347 = arith.constant 1 : i32
      %dma_wait3A_348 = arith.constant 0 : i32
      %dma_wait3A_349 = arith.constant 0 : i32
      %dma_wait3A_350 = tpu.memref_slice %arg11[%dma_wait3A_347, %dma_wait3A_348, %dma_wait3A_349] : memref<12x128x8xf32, #tpu.memory_space<vmem>> -> memref<1x128x8xf32, #tpu.memory_space<vmem>>
      %dma_wait3A_351 = tpu.memref_squeeze %dma_wait3A_350 : memref<1x128x8xf32, #tpu.memory_space<vmem>> -> memref<128x8xf32, #tpu.memory_space<vmem>>
      %dma_wait3A_352 = arith.constant 0 : i32
      %dma_wait3A_353 = tpu.memref_slice %arg9[%dma_wait3A_346, %dma_wait3A_352] : memref<12x128xi32, #tpu.memory_space<vmem>> -> memref<1x128xi32, #tpu.memory_space<vmem>>
      %dma_wait3A_354 = tpu.memref_squeeze %dma_wait3A_353 : memref<1x128xi32, #tpu.memory_space<vmem>> -> memref<128xi32, #tpu.memory_space<vmem>>
      %dma_wait3A_355 = arith.constant 0 : i32
      %dma_wait3A_356 = arith.constant 0 : i32
      %dma_wait3A_357 = tpu.memref_slice %arg8[%dma_wait3A_355, %dma_wait3A_356] : memref<100352x8xf32, #tpu.memory_space<vmem_shared>> -> memref<100352x8xf32, #tpu.memory_space<vmem_shared>>
      tpu.wait_indirect_dma semaphore(%arg13 : memref<!tpu.dma_semaphore, #tpu.memory_space<semaphore_mem>>) src(%dma_wait3A_357 : memref<100352x8xf32, #tpu.memory_space<vmem_shared>>) dst(%dma_wait3A_351 : memref<128x8xf32, #tpu.memory_space<vmem>>)
      %dma_start3A_358 = arith.constant 1 : i32
      %dma_start3A_359 = arith.constant 1 : i32
      %dma_start3A_360 = arith.constant 0 : i32
      %dma_start3A_361 = arith.constant 0 : i32
      %dma_start3A_362 = tpu.memref_slice %arg11[%dma_start3A_358, %dma_start3A_360, %dma_start3A_361] : memref<12x128x8xf32, #tpu.memory_space<vmem>> -> memref<1x128x8xf32, #tpu.memory_space<vmem>>
      %dma_start3A_363 = tpu.memref_squeeze %dma_start3A_362 : memref<1x128x8xf32, #tpu.memory_space<vmem>> -> memref<128x8xf32, #tpu.memory_space<vmem>>
      %dma_start3A_364 = arith.constant 0 : i32
      %dma_start3A_365 = tpu.memref_slice %arg10[%dma_start3A_359, %dma_start3A_364] : memref<12x128xi32, #tpu.memory_space<vmem>> -> memref<1x128xi32, #tpu.memory_space<vmem>>
      %dma_start3A_366 = tpu.memref_squeeze %dma_start3A_365 : memref<1x128xi32, #tpu.memory_space<vmem>> -> memref<128xi32, #tpu.memory_space<vmem>>
      %dma_start3A_367 = arith.constant 0 : i32
      %dma_start3A_368 = arith.constant 0 : i32
      %dma_start3A_369 = tpu.memref_slice %arg7[%dma_start3A_367, %dma_start3A_368] : memref<100352x8xf32, #tpu.memory_space<vmem_shared>> -> memref<100352x8xf32, #tpu.memory_space<vmem_shared>>
      tpu.enqueue_indirect_dma source(%dma_start3A_363 : memref<128x8xf32, #tpu.memory_space<vmem>>) target(%dma_start3A_369 : memref<100352x8xf32, #tpu.memory_space<vmem_shared>>) offsets(%dma_start3A_366 : memref<128xi32, #tpu.memory_space<vmem>>) semaphore(%arg14 : memref<!tpu.dma_semaphore, #tpu.memory_space<semaphore_mem>>) {add = true}
      %dma_wait3A_370 = arith.constant 2 : i32
      %dma_wait3A_371 = arith.constant 2 : i32
      %dma_wait3A_372 = arith.constant 0 : i32
      %dma_wait3A_373 = arith.constant 0 : i32
      %dma_wait3A_374 = tpu.memref_slice %arg11[%dma_wait3A_371, %dma_wait3A_372, %dma_wait3A_373] : memref<12x128x8xf32, #tpu.memory_space<vmem>> -> memref<1x128x8xf32, #tpu.memory_space<vmem>>
      %dma_wait3A_375 = tpu.memref_squeeze %dma_wait3A_374 : memref<1x128x8xf32, #tpu.memory_space<vmem>> -> memref<128x8xf32, #tpu.memory_space<vmem>>
      %dma_wait3A_376 = arith.constant 0 : i32
      %dma_wait3A_377 = tpu.memref_slice %arg9[%dma_wait3A_370, %dma_wait3A_376] : memref<12x128xi32, #tpu.memory_space<vmem>> -> memref<1x128xi32, #tpu.memory_space<vmem>>
      %dma_wait3A_378 = tpu.memref_squeeze %dma_wait3A_377 : memref<1x128xi32, #tpu.memory_space<vmem>> -> memref<128xi32, #tpu.memory_space<vmem>>
      %dma_wait3A_379 = arith.constant 0 : i32
      %dma_wait3A_380 = arith.constant 0 : i32
      %dma_wait3A_381 = tpu.memref_slice %arg8[%dma_wait3A_379, %dma_wait3A_380] : memref<100352x8xf32, #tpu.memory_space<vmem_shared>> -> memref<100352x8xf32, #tpu.memory_space<vmem_shared>>
      tpu.wait_indirect_dma semaphore(%arg13 : memref<!tpu.dma_semaphore, #tpu.memory_space<semaphore_mem>>) src(%dma_wait3A_381 : memref<100352x8xf32, #tpu.memory_space<vmem_shared>>) dst(%dma_wait3A_375 : memref<128x8xf32, #tpu.memory_space<vmem>>)
      %dma_start3A_382 = arith.constant 2 : i32
      %dma_start3A_383 = arith.constant 2 : i32
      %dma_start3A_384 = arith.constant 0 : i32
      %dma_start3A_385 = arith.constant 0 : i32
      %dma_start3A_386 = tpu.memref_slice %arg11[%dma_start3A_382, %dma_start3A_384, %dma_start3A_385] : memref<12x128x8xf32, #tpu.memory_space<vmem>> -> memref<1x128x8xf32, #tpu.memory_space<vmem>>
      %dma_start3A_387 = tpu.memref_squeeze %dma_start3A_386 : memref<1x128x8xf32, #tpu.memory_space<vmem>> -> memref<128x8xf32, #tpu.memory_space<vmem>>
      %dma_start3A_388 = arith.constant 0 : i32
      %dma_start3A_389 = tpu.memref_slice %arg10[%dma_start3A_383, %dma_start3A_388] : memref<12x128xi32, #tpu.memory_space<vmem>> -> memref<1x128xi32, #tpu.memory_space<vmem>>
      %dma_start3A_390 = tpu.memref_squeeze %dma_start3A_389 : memref<1x128xi32, #tpu.memory_space<vmem>> -> memref<128xi32, #tpu.memory_space<vmem>>
      %dma_start3A_391 = arith.constant 0 : i32
      %dma_start3A_392 = arith.constant 0 : i32
      %dma_start3A_393 = tpu.memref_slice %arg7[%dma_start3A_391, %dma_start3A_392] : memref<100352x8xf32, #tpu.memory_space<vmem_shared>> -> memref<100352x8xf32, #tpu.memory_space<vmem_shared>>
      tpu.enqueue_indirect_dma source(%dma_start3A_387 : memref<128x8xf32, #tpu.memory_space<vmem>>) target(%dma_start3A_393 : memref<100352x8xf32, #tpu.memory_space<vmem_shared>>) offsets(%dma_start3A_390 : memref<128xi32, #tpu.memory_space<vmem>>) semaphore(%arg14 : memref<!tpu.dma_semaphore, #tpu.memory_space<semaphore_mem>>) {add = true}
      %dma_wait3A_394 = arith.constant 3 : i32
      %dma_wait3A_395 = arith.constant 3 : i32
      %dma_wait3A_396 = arith.constant 0 : i32
      %dma_wait3A_397 = arith.constant 0 : i32
      %dma_wait3A_398 = tpu.memref_slice %arg11[%dma_wait3A_395, %dma_wait3A_396, %dma_wait3A_397] : memref<12x128x8xf32, #tpu.memory_space<vmem>> -> memref<1x128x8xf32, #tpu.memory_space<vmem>>
      %dma_wait3A_399 = tpu.memref_squeeze %dma_wait3A_398 : memref<1x128x8xf32, #tpu.memory_space<vmem>> -> memref<128x8xf32, #tpu.memory_space<vmem>>
      %dma_wait3A_400 = arith.constant 0 : i32
      %dma_wait3A_401 = tpu.memref_slice %arg9[%dma_wait3A_394, %dma_wait3A_400] : memref<12x128xi32, #tpu.memory_space<vmem>> -> memref<1x128xi32, #tpu.memory_space<vmem>>
      %dma_wait3A_402 = tpu.memref_squeeze %dma_wait3A_401 : memref<1x128xi32, #tpu.memory_space<vmem>> -> memref<128xi32, #tpu.memory_space<vmem>>
      %dma_wait3A_403 = arith.constant 0 : i32
      %dma_wait3A_404 = arith.constant 0 : i32
      %dma_wait3A_405 = tpu.memref_slice %arg8[%dma_wait3A_403, %dma_wait3A_404] : memref<100352x8xf32, #tpu.memory_space<vmem_shared>> -> memref<100352x8xf32, #tpu.memory_space<vmem_shared>>
      tpu.wait_indirect_dma semaphore(%arg13 : memref<!tpu.dma_semaphore, #tpu.memory_space<semaphore_mem>>) src(%dma_wait3A_405 : memref<100352x8xf32, #tpu.memory_space<vmem_shared>>) dst(%dma_wait3A_399 : memref<128x8xf32, #tpu.memory_space<vmem>>)
      %dma_start3A_406 = arith.constant 3 : i32
      %dma_start3A_407 = arith.constant 3 : i32
      %dma_start3A_408 = arith.constant 0 : i32
      %dma_start3A_409 = arith.constant 0 : i32
      %dma_start3A_410 = tpu.memref_slice %arg11[%dma_start3A_406, %dma_start3A_408, %dma_start3A_409] : memref<12x128x8xf32, #tpu.memory_space<vmem>> -> memref<1x128x8xf32, #tpu.memory_space<vmem>>
      %dma_start3A_411 = tpu.memref_squeeze %dma_start3A_410 : memref<1x128x8xf32, #tpu.memory_space<vmem>> -> memref<128x8xf32, #tpu.memory_space<vmem>>
      %dma_start3A_412 = arith.constant 0 : i32
      %dma_start3A_413 = tpu.memref_slice %arg10[%dma_start3A_407, %dma_start3A_412] : memref<12x128xi32, #tpu.memory_space<vmem>> -> memref<1x128xi32, #tpu.memory_space<vmem>>
      %dma_start3A_414 = tpu.memref_squeeze %dma_start3A_413 : memref<1x128xi32, #tpu.memory_space<vmem>> -> memref<128xi32, #tpu.memory_space<vmem>>
      %dma_start3A_415 = arith.constant 0 : i32
      %dma_start3A_416 = arith.constant 0 : i32
      %dma_start3A_417 = tpu.memref_slice %arg7[%dma_start3A_415, %dma_start3A_416] : memref<100352x8xf32, #tpu.memory_space<vmem_shared>> -> memref<100352x8xf32, #tpu.memory_space<vmem_shared>>
      tpu.enqueue_indirect_dma source(%dma_start3A_411 : memref<128x8xf32, #tpu.memory_space<vmem>>) target(%dma_start3A_417 : memref<100352x8xf32, #tpu.memory_space<vmem_shared>>) offsets(%dma_start3A_414 : memref<128xi32, #tpu.memory_space<vmem>>) semaphore(%arg14 : memref<!tpu.dma_semaphore, #tpu.memory_space<semaphore_mem>>) {add = true}
      %dma_wait3A_418 = arith.constant 4 : i32
      %dma_wait3A_419 = arith.constant 4 : i32
      %dma_wait3A_420 = arith.constant 0 : i32
      %dma_wait3A_421 = arith.constant 0 : i32
      %dma_wait3A_422 = tpu.memref_slice %arg11[%dma_wait3A_419, %dma_wait3A_420, %dma_wait3A_421] : memref<12x128x8xf32, #tpu.memory_space<vmem>> -> memref<1x128x8xf32, #tpu.memory_space<vmem>>
      %dma_wait3A_423 = tpu.memref_squeeze %dma_wait3A_422 : memref<1x128x8xf32, #tpu.memory_space<vmem>> -> memref<128x8xf32, #tpu.memory_space<vmem>>
      %dma_wait3A_424 = arith.constant 0 : i32
      %dma_wait3A_425 = tpu.memref_slice %arg9[%dma_wait3A_418, %dma_wait3A_424] : memref<12x128xi32, #tpu.memory_space<vmem>> -> memref<1x128xi32, #tpu.memory_space<vmem>>
      %dma_wait3A_426 = tpu.memref_squeeze %dma_wait3A_425 : memref<1x128xi32, #tpu.memory_space<vmem>> -> memref<128xi32, #tpu.memory_space<vmem>>
      %dma_wait3A_427 = arith.constant 0 : i32
      %dma_wait3A_428 = arith.constant 0 : i32
      %dma_wait3A_429 = tpu.memref_slice %arg8[%dma_wait3A_427, %dma_wait3A_428] : memref<100352x8xf32, #tpu.memory_space<vmem_shared>> -> memref<100352x8xf32, #tpu.memory_space<vmem_shared>>
      tpu.wait_indirect_dma semaphore(%arg13 : memref<!tpu.dma_semaphore, #tpu.memory_space<semaphore_mem>>) src(%dma_wait3A_429 : memref<100352x8xf32, #tpu.memory_space<vmem_shared>>) dst(%dma_wait3A_423 : memref<128x8xf32, #tpu.memory_space<vmem>>)
      %dma_start3A_430 = arith.constant 4 : i32
      %dma_start3A_431 = arith.constant 4 : i32
      %dma_start3A_432 = arith.constant 0 : i32
      %dma_start3A_433 = arith.constant 0 : i32
      %dma_start3A_434 = tpu.memref_slice %arg11[%dma_start3A_430, %dma_start3A_432, %dma_start3A_433] : memref<12x128x8xf32, #tpu.memory_space<vmem>> -> memref<1x128x8xf32, #tpu.memory_space<vmem>>
      %dma_start3A_435 = tpu.memref_squeeze %dma_start3A_434 : memref<1x128x8xf32, #tpu.memory_space<vmem>> -> memref<128x8xf32, #tpu.memory_space<vmem>>
      %dma_start3A_436 = arith.constant 0 : i32
      %dma_start3A_437 = tpu.memref_slice %arg10[%dma_start3A_431, %dma_start3A_436] : memref<12x128xi32, #tpu.memory_space<vmem>> -> memref<1x128xi32, #tpu.memory_space<vmem>>
      %dma_start3A_438 = tpu.memref_squeeze %dma_start3A_437 : memref<1x128xi32, #tpu.memory_space<vmem>> -> memref<128xi32, #tpu.memory_space<vmem>>
      %dma_start3A_439 = arith.constant 0 : i32
      %dma_start3A_440 = arith.constant 0 : i32
      %dma_start3A_441 = tpu.memref_slice %arg7[%dma_start3A_439, %dma_start3A_440] : memref<100352x8xf32, #tpu.memory_space<vmem_shared>> -> memref<100352x8xf32, #tpu.memory_space<vmem_shared>>
      tpu.enqueue_indirect_dma source(%dma_start3A_435 : memref<128x8xf32, #tpu.memory_space<vmem>>) target(%dma_start3A_441 : memref<100352x8xf32, #tpu.memory_space<vmem_shared>>) offsets(%dma_start3A_438 : memref<128xi32, #tpu.memory_space<vmem>>) semaphore(%arg14 : memref<!tpu.dma_semaphore, #tpu.memory_space<semaphore_mem>>) {add = true}
      %dma_wait3A_442 = arith.constant 5 : i32
      %dma_wait3A_443 = arith.constant 5 : i32
      %dma_wait3A_444 = arith.constant 0 : i32
      %dma_wait3A_445 = arith.constant 0 : i32
      %dma_wait3A_446 = tpu.memref_slice %arg11[%dma_wait3A_443, %dma_wait3A_444, %dma_wait3A_445] : memref<12x128x8xf32, #tpu.memory_space<vmem>> -> memref<1x128x8xf32, #tpu.memory_space<vmem>>
      %dma_wait3A_447 = tpu.memref_squeeze %dma_wait3A_446 : memref<1x128x8xf32, #tpu.memory_space<vmem>> -> memref<128x8xf32, #tpu.memory_space<vmem>>
      %dma_wait3A_448 = arith.constant 0 : i32
      %dma_wait3A_449 = tpu.memref_slice %arg9[%dma_wait3A_442, %dma_wait3A_448] : memref<12x128xi32, #tpu.memory_space<vmem>> -> memref<1x128xi32, #tpu.memory_space<vmem>>
      %dma_wait3A_450 = tpu.memref_squeeze %dma_wait3A_449 : memref<1x128xi32, #tpu.memory_space<vmem>> -> memref<128xi32, #tpu.memory_space<vmem>>
      %dma_wait3A_451 = arith.constant 0 : i32
      %dma_wait3A_452 = arith.constant 0 : i32
      %dma_wait3A_453 = tpu.memref_slice %arg8[%dma_wait3A_451, %dma_wait3A_452] : memref<100352x8xf32, #tpu.memory_space<vmem_shared>> -> memref<100352x8xf32, #tpu.memory_space<vmem_shared>>
      tpu.wait_indirect_dma semaphore(%arg13 : memref<!tpu.dma_semaphore, #tpu.memory_space<semaphore_mem>>) src(%dma_wait3A_453 : memref<100352x8xf32, #tpu.memory_space<vmem_shared>>) dst(%dma_wait3A_447 : memref<128x8xf32, #tpu.memory_space<vmem>>)
      %dma_start3A_454 = arith.constant 5 : i32
      %dma_start3A_455 = arith.constant 5 : i32
      %dma_start3A_456 = arith.constant 0 : i32
      %dma_start3A_457 = arith.constant 0 : i32
      %dma_start3A_458 = tpu.memref_slice %arg11[%dma_start3A_454, %dma_start3A_456, %dma_start3A_457] : memref<12x128x8xf32, #tpu.memory_space<vmem>> -> memref<1x128x8xf32, #tpu.memory_space<vmem>>
      %dma_start3A_459 = tpu.memref_squeeze %dma_start3A_458 : memref<1x128x8xf32, #tpu.memory_space<vmem>> -> memref<128x8xf32, #tpu.memory_space<vmem>>
      %dma_start3A_460 = arith.constant 0 : i32
      %dma_start3A_461 = tpu.memref_slice %arg10[%dma_start3A_455, %dma_start3A_460] : memref<12x128xi32, #tpu.memory_space<vmem>> -> memref<1x128xi32, #tpu.memory_space<vmem>>
      %dma_start3A_462 = tpu.memref_squeeze %dma_start3A_461 : memref<1x128xi32, #tpu.memory_space<vmem>> -> memref<128xi32, #tpu.memory_space<vmem>>
      %dma_start3A_463 = arith.constant 0 : i32
      %dma_start3A_464 = arith.constant 0 : i32
      %dma_start3A_465 = tpu.memref_slice %arg7[%dma_start3A_463, %dma_start3A_464] : memref<100352x8xf32, #tpu.memory_space<vmem_shared>> -> memref<100352x8xf32, #tpu.memory_space<vmem_shared>>
      tpu.enqueue_indirect_dma source(%dma_start3A_459 : memref<128x8xf32, #tpu.memory_space<vmem>>) target(%dma_start3A_465 : memref<100352x8xf32, #tpu.memory_space<vmem_shared>>) offsets(%dma_start3A_462 : memref<128xi32, #tpu.memory_space<vmem>>) semaphore(%arg14 : memref<!tpu.dma_semaphore, #tpu.memory_space<semaphore_mem>>) {add = true}
      %dma_wait3A_466 = arith.constant 6 : i32
      %dma_wait3A_467 = arith.constant 6 : i32
      %dma_wait3A_468 = arith.constant 0 : i32
      %dma_wait3A_469 = arith.constant 0 : i32
      %dma_wait3A_470 = tpu.memref_slice %arg11[%dma_wait3A_467, %dma_wait3A_468, %dma_wait3A_469] : memref<12x128x8xf32, #tpu.memory_space<vmem>> -> memref<1x128x8xf32, #tpu.memory_space<vmem>>
      %dma_wait3A_471 = tpu.memref_squeeze %dma_wait3A_470 : memref<1x128x8xf32, #tpu.memory_space<vmem>> -> memref<128x8xf32, #tpu.memory_space<vmem>>
      %dma_wait3A_472 = arith.constant 0 : i32
      %dma_wait3A_473 = tpu.memref_slice %arg9[%dma_wait3A_466, %dma_wait3A_472] : memref<12x128xi32, #tpu.memory_space<vmem>> -> memref<1x128xi32, #tpu.memory_space<vmem>>
      %dma_wait3A_474 = tpu.memref_squeeze %dma_wait3A_473 : memref<1x128xi32, #tpu.memory_space<vmem>> -> memref<128xi32, #tpu.memory_space<vmem>>
      %dma_wait3A_475 = arith.constant 0 : i32
      %dma_wait3A_476 = arith.constant 0 : i32
      %dma_wait3A_477 = tpu.memref_slice %arg8[%dma_wait3A_475, %dma_wait3A_476] : memref<100352x8xf32, #tpu.memory_space<vmem_shared>> -> memref<100352x8xf32, #tpu.memory_space<vmem_shared>>
      tpu.wait_indirect_dma semaphore(%arg13 : memref<!tpu.dma_semaphore, #tpu.memory_space<semaphore_mem>>) src(%dma_wait3A_477 : memref<100352x8xf32, #tpu.memory_space<vmem_shared>>) dst(%dma_wait3A_471 : memref<128x8xf32, #tpu.memory_space<vmem>>)
      %dma_start3A_478 = arith.constant 6 : i32
      %dma_start3A_479 = arith.constant 6 : i32
      %dma_start3A_480 = arith.constant 0 : i32
      %dma_start3A_481 = arith.constant 0 : i32
      %dma_start3A_482 = tpu.memref_slice %arg11[%dma_start3A_478, %dma_start3A_480, %dma_start3A_481] : memref<12x128x8xf32, #tpu.memory_space<vmem>> -> memref<1x128x8xf32, #tpu.memory_space<vmem>>
      %dma_start3A_483 = tpu.memref_squeeze %dma_start3A_482 : memref<1x128x8xf32, #tpu.memory_space<vmem>> -> memref<128x8xf32, #tpu.memory_space<vmem>>
      %dma_start3A_484 = arith.constant 0 : i32
      %dma_start3A_485 = tpu.memref_slice %arg10[%dma_start3A_479, %dma_start3A_484] : memref<12x128xi32, #tpu.memory_space<vmem>> -> memref<1x128xi32, #tpu.memory_space<vmem>>
      %dma_start3A_486 = tpu.memref_squeeze %dma_start3A_485 : memref<1x128xi32, #tpu.memory_space<vmem>> -> memref<128xi32, #tpu.memory_space<vmem>>
      %dma_start3A_487 = arith.constant 0 : i32
      %dma_start3A_488 = arith.constant 0 : i32
      %dma_start3A_489 = tpu.memref_slice %arg7[%dma_start3A_487, %dma_start3A_488] : memref<100352x8xf32, #tpu.memory_space<vmem_shared>> -> memref<100352x8xf32, #tpu.memory_space<vmem_shared>>
      tpu.enqueue_indirect_dma source(%dma_start3A_483 : memref<128x8xf32, #tpu.memory_space<vmem>>) target(%dma_start3A_489 : memref<100352x8xf32, #tpu.memory_space<vmem_shared>>) offsets(%dma_start3A_486 : memref<128xi32, #tpu.memory_space<vmem>>) semaphore(%arg14 : memref<!tpu.dma_semaphore, #tpu.memory_space<semaphore_mem>>) {add = true}
      %dma_wait3A_490 = arith.constant 7 : i32
      %dma_wait3A_491 = arith.constant 7 : i32
      %dma_wait3A_492 = arith.constant 0 : i32
      %dma_wait3A_493 = arith.constant 0 : i32
      %dma_wait3A_494 = tpu.memref_slice %arg11[%dma_wait3A_491, %dma_wait3A_492, %dma_wait3A_493] : memref<12x128x8xf32, #tpu.memory_space<vmem>> -> memref<1x128x8xf32, #tpu.memory_space<vmem>>
      %dma_wait3A_495 = tpu.memref_squeeze %dma_wait3A_494 : memref<1x128x8xf32, #tpu.memory_space<vmem>> -> memref<128x8xf32, #tpu.memory_space<vmem>>
      %dma_wait3A_496 = arith.constant 0 : i32
      %dma_wait3A_497 = tpu.memref_slice %arg9[%dma_wait3A_490, %dma_wait3A_496] : memref<12x128xi32, #tpu.memory_space<vmem>> -> memref<1x128xi32, #tpu.memory_space<vmem>>
      %dma_wait3A_498 = tpu.memref_squeeze %dma_wait3A_497 : memref<1x128xi32, #tpu.memory_space<vmem>> -> memref<128xi32, #tpu.memory_space<vmem>>
      %dma_wait3A_499 = arith.constant 0 : i32
      %dma_wait3A_500 = arith.constant 0 : i32
      %dma_wait3A_501 = tpu.memref_slice %arg8[%dma_wait3A_499, %dma_wait3A_500] : memref<100352x8xf32, #tpu.memory_space<vmem_shared>> -> memref<100352x8xf32, #tpu.memory_space<vmem_shared>>
      tpu.wait_indirect_dma semaphore(%arg13 : memref<!tpu.dma_semaphore, #tpu.memory_space<semaphore_mem>>) src(%dma_wait3A_501 : memref<100352x8xf32, #tpu.memory_space<vmem_shared>>) dst(%dma_wait3A_495 : memref<128x8xf32, #tpu.memory_space<vmem>>)
      %dma_start3A_502 = arith.constant 7 : i32
      %dma_start3A_503 = arith.constant 7 : i32
      %dma_start3A_504 = arith.constant 0 : i32
      %dma_start3A_505 = arith.constant 0 : i32
      %dma_start3A_506 = tpu.memref_slice %arg11[%dma_start3A_502, %dma_start3A_504, %dma_start3A_505] : memref<12x128x8xf32, #tpu.memory_space<vmem>> -> memref<1x128x8xf32, #tpu.memory_space<vmem>>
      %dma_start3A_507 = tpu.memref_squeeze %dma_start3A_506 : memref<1x128x8xf32, #tpu.memory_space<vmem>> -> memref<128x8xf32, #tpu.memory_space<vmem>>
      %dma_start3A_508 = arith.constant 0 : i32
      %dma_start3A_509 = tpu.memref_slice %arg10[%dma_start3A_503, %dma_start3A_508] : memref<12x128xi32, #tpu.memory_space<vmem>> -> memref<1x128xi32, #tpu.memory_space<vmem>>
      %dma_start3A_510 = tpu.memref_squeeze %dma_start3A_509 : memref<1x128xi32, #tpu.memory_space<vmem>> -> memref<128xi32, #tpu.memory_space<vmem>>
      %dma_start3A_511 = arith.constant 0 : i32
      %dma_start3A_512 = arith.constant 0 : i32
      %dma_start3A_513 = tpu.memref_slice %arg7[%dma_start3A_511, %dma_start3A_512] : memref<100352x8xf32, #tpu.memory_space<vmem_shared>> -> memref<100352x8xf32, #tpu.memory_space<vmem_shared>>
      tpu.enqueue_indirect_dma source(%dma_start3A_507 : memref<128x8xf32, #tpu.memory_space<vmem>>) target(%dma_start3A_513 : memref<100352x8xf32, #tpu.memory_space<vmem_shared>>) offsets(%dma_start3A_510 : memref<128xi32, #tpu.memory_space<vmem>>) semaphore(%arg14 : memref<!tpu.dma_semaphore, #tpu.memory_space<semaphore_mem>>) {add = true}
      %dma_wait3A_514 = arith.constant 8 : i32
      %dma_wait3A_515 = arith.constant 8 : i32
      %dma_wait3A_516 = arith.constant 0 : i32
      %dma_wait3A_517 = arith.constant 0 : i32
      %dma_wait3A_518 = tpu.memref_slice %arg11[%dma_wait3A_515, %dma_wait3A_516, %dma_wait3A_517] : memref<12x128x8xf32, #tpu.memory_space<vmem>> -> memref<1x128x8xf32, #tpu.memory_space<vmem>>
      %dma_wait3A_519 = tpu.memref_squeeze %dma_wait3A_518 : memref<1x128x8xf32, #tpu.memory_space<vmem>> -> memref<128x8xf32, #tpu.memory_space<vmem>>
      %dma_wait3A_520 = arith.constant 0 : i32
      %dma_wait3A_521 = tpu.memref_slice %arg9[%dma_wait3A_514, %dma_wait3A_520] : memref<12x128xi32, #tpu.memory_space<vmem>> -> memref<1x128xi32, #tpu.memory_space<vmem>>
      %dma_wait3A_522 = tpu.memref_squeeze %dma_wait3A_521 : memref<1x128xi32, #tpu.memory_space<vmem>> -> memref<128xi32, #tpu.memory_space<vmem>>
      %dma_wait3A_523 = arith.constant 0 : i32
      %dma_wait3A_524 = arith.constant 0 : i32
      %dma_wait3A_525 = tpu.memref_slice %arg8[%dma_wait3A_523, %dma_wait3A_524] : memref<100352x8xf32, #tpu.memory_space<vmem_shared>> -> memref<100352x8xf32, #tpu.memory_space<vmem_shared>>
      tpu.wait_indirect_dma semaphore(%arg13 : memref<!tpu.dma_semaphore, #tpu.memory_space<semaphore_mem>>) src(%dma_wait3A_525 : memref<100352x8xf32, #tpu.memory_space<vmem_shared>>) dst(%dma_wait3A_519 : memref<128x8xf32, #tpu.memory_space<vmem>>)
      %dma_start3A_526 = arith.constant 8 : i32
      %dma_start3A_527 = arith.constant 8 : i32
      %dma_start3A_528 = arith.constant 0 : i32
      %dma_start3A_529 = arith.constant 0 : i32
      %dma_start3A_530 = tpu.memref_slice %arg11[%dma_start3A_526, %dma_start3A_528, %dma_start3A_529] : memref<12x128x8xf32, #tpu.memory_space<vmem>> -> memref<1x128x8xf32, #tpu.memory_space<vmem>>
      %dma_start3A_531 = tpu.memref_squeeze %dma_start3A_530 : memref<1x128x8xf32, #tpu.memory_space<vmem>> -> memref<128x8xf32, #tpu.memory_space<vmem>>
      %dma_start3A_532 = arith.constant 0 : i32
      %dma_start3A_533 = tpu.memref_slice %arg10[%dma_start3A_527, %dma_start3A_532] : memref<12x128xi32, #tpu.memory_space<vmem>> -> memref<1x128xi32, #tpu.memory_space<vmem>>
      %dma_start3A_534 = tpu.memref_squeeze %dma_start3A_533 : memref<1x128xi32, #tpu.memory_space<vmem>> -> memref<128xi32, #tpu.memory_space<vmem>>
      %dma_start3A_535 = arith.constant 0 : i32
      %dma_start3A_536 = arith.constant 0 : i32
      %dma_start3A_537 = tpu.memref_slice %arg7[%dma_start3A_535, %dma_start3A_536] : memref<100352x8xf32, #tpu.memory_space<vmem_shared>> -> memref<100352x8xf32, #tpu.memory_space<vmem_shared>>
      tpu.enqueue_indirect_dma source(%dma_start3A_531 : memref<128x8xf32, #tpu.memory_space<vmem>>) target(%dma_start3A_537 : memref<100352x8xf32, #tpu.memory_space<vmem_shared>>) offsets(%dma_start3A_534 : memref<128xi32, #tpu.memory_space<vmem>>) semaphore(%arg14 : memref<!tpu.dma_semaphore, #tpu.memory_space<semaphore_mem>>) {add = true}
      %dma_wait3A_538 = arith.constant 9 : i32
      %dma_wait3A_539 = arith.constant 9 : i32
      %dma_wait3A_540 = arith.constant 0 : i32
      %dma_wait3A_541 = arith.constant 0 : i32
      %dma_wait3A_542 = tpu.memref_slice %arg11[%dma_wait3A_539, %dma_wait3A_540, %dma_wait3A_541] : memref<12x128x8xf32, #tpu.memory_space<vmem>> -> memref<1x128x8xf32, #tpu.memory_space<vmem>>
      %dma_wait3A_543 = tpu.memref_squeeze %dma_wait3A_542 : memref<1x128x8xf32, #tpu.memory_space<vmem>> -> memref<128x8xf32, #tpu.memory_space<vmem>>
      %dma_wait3A_544 = arith.constant 0 : i32
      %dma_wait3A_545 = tpu.memref_slice %arg9[%dma_wait3A_538, %dma_wait3A_544] : memref<12x128xi32, #tpu.memory_space<vmem>> -> memref<1x128xi32, #tpu.memory_space<vmem>>
      %dma_wait3A_546 = tpu.memref_squeeze %dma_wait3A_545 : memref<1x128xi32, #tpu.memory_space<vmem>> -> memref<128xi32, #tpu.memory_space<vmem>>
      %dma_wait3A_547 = arith.constant 0 : i32
      %dma_wait3A_548 = arith.constant 0 : i32
      %dma_wait3A_549 = tpu.memref_slice %arg8[%dma_wait3A_547, %dma_wait3A_548] : memref<100352x8xf32, #tpu.memory_space<vmem_shared>> -> memref<100352x8xf32, #tpu.memory_space<vmem_shared>>
      tpu.wait_indirect_dma semaphore(%arg13 : memref<!tpu.dma_semaphore, #tpu.memory_space<semaphore_mem>>) src(%dma_wait3A_549 : memref<100352x8xf32, #tpu.memory_space<vmem_shared>>) dst(%dma_wait3A_543 : memref<128x8xf32, #tpu.memory_space<vmem>>)
      %dma_start3A_550 = arith.constant 9 : i32
      %dma_start3A_551 = arith.constant 9 : i32
      %dma_start3A_552 = arith.constant 0 : i32
      %dma_start3A_553 = arith.constant 0 : i32
      %dma_start3A_554 = tpu.memref_slice %arg11[%dma_start3A_550, %dma_start3A_552, %dma_start3A_553] : memref<12x128x8xf32, #tpu.memory_space<vmem>> -> memref<1x128x8xf32, #tpu.memory_space<vmem>>
      %dma_start3A_555 = tpu.memref_squeeze %dma_start3A_554 : memref<1x128x8xf32, #tpu.memory_space<vmem>> -> memref<128x8xf32, #tpu.memory_space<vmem>>
      %dma_start3A_556 = arith.constant 0 : i32
      %dma_start3A_557 = tpu.memref_slice %arg10[%dma_start3A_551, %dma_start3A_556] : memref<12x128xi32, #tpu.memory_space<vmem>> -> memref<1x128xi32, #tpu.memory_space<vmem>>
      %dma_start3A_558 = tpu.memref_squeeze %dma_start3A_557 : memref<1x128xi32, #tpu.memory_space<vmem>> -> memref<128xi32, #tpu.memory_space<vmem>>
      %dma_start3A_559 = arith.constant 0 : i32
      %dma_start3A_560 = arith.constant 0 : i32
      %dma_start3A_561 = tpu.memref_slice %arg7[%dma_start3A_559, %dma_start3A_560] : memref<100352x8xf32, #tpu.memory_space<vmem_shared>> -> memref<100352x8xf32, #tpu.memory_space<vmem_shared>>
      tpu.enqueue_indirect_dma source(%dma_start3A_555 : memref<128x8xf32, #tpu.memory_space<vmem>>) target(%dma_start3A_561 : memref<100352x8xf32, #tpu.memory_space<vmem_shared>>) offsets(%dma_start3A_558 : memref<128xi32, #tpu.memory_space<vmem>>) semaphore(%arg14 : memref<!tpu.dma_semaphore, #tpu.memory_space<semaphore_mem>>) {add = true}
      %dma_wait3A_562 = arith.constant 10 : i32
      %dma_wait3A_563 = arith.constant 10 : i32
      %dma_wait3A_564 = arith.constant 0 : i32
      %dma_wait3A_565 = arith.constant 0 : i32
      %dma_wait3A_566 = tpu.memref_slice %arg11[%dma_wait3A_563, %dma_wait3A_564, %dma_wait3A_565] : memref<12x128x8xf32, #tpu.memory_space<vmem>> -> memref<1x128x8xf32, #tpu.memory_space<vmem>>
      %dma_wait3A_567 = tpu.memref_squeeze %dma_wait3A_566 : memref<1x128x8xf32, #tpu.memory_space<vmem>> -> memref<128x8xf32, #tpu.memory_space<vmem>>
      %dma_wait3A_568 = arith.constant 0 : i32
      %dma_wait3A_569 = tpu.memref_slice %arg9[%dma_wait3A_562, %dma_wait3A_568] : memref<12x128xi32, #tpu.memory_space<vmem>> -> memref<1x128xi32, #tpu.memory_space<vmem>>
      %dma_wait3A_570 = tpu.memref_squeeze %dma_wait3A_569 : memref<1x128xi32, #tpu.memory_space<vmem>> -> memref<128xi32, #tpu.memory_space<vmem>>
      %dma_wait3A_571 = arith.constant 0 : i32
      %dma_wait3A_572 = arith.constant 0 : i32
      %dma_wait3A_573 = tpu.memref_slice %arg8[%dma_wait3A_571, %dma_wait3A_572] : memref<100352x8xf32, #tpu.memory_space<vmem_shared>> -> memref<100352x8xf32, #tpu.memory_space<vmem_shared>>
      tpu.wait_indirect_dma semaphore(%arg13 : memref<!tpu.dma_semaphore, #tpu.memory_space<semaphore_mem>>) src(%dma_wait3A_573 : memref<100352x8xf32, #tpu.memory_space<vmem_shared>>) dst(%dma_wait3A_567 : memref<128x8xf32, #tpu.memory_space<vmem>>)
      %dma_start3A_574 = arith.constant 10 : i32
      %dma_start3A_575 = arith.constant 10 : i32
      %dma_start3A_576 = arith.constant 0 : i32
      %dma_start3A_577 = arith.constant 0 : i32
      %dma_start3A_578 = tpu.memref_slice %arg11[%dma_start3A_574, %dma_start3A_576, %dma_start3A_577] : memref<12x128x8xf32, #tpu.memory_space<vmem>> -> memref<1x128x8xf32, #tpu.memory_space<vmem>>
      %dma_start3A_579 = tpu.memref_squeeze %dma_start3A_578 : memref<1x128x8xf32, #tpu.memory_space<vmem>> -> memref<128x8xf32, #tpu.memory_space<vmem>>
      %dma_start3A_580 = arith.constant 0 : i32
      %dma_start3A_581 = tpu.memref_slice %arg10[%dma_start3A_575, %dma_start3A_580] : memref<12x128xi32, #tpu.memory_space<vmem>> -> memref<1x128xi32, #tpu.memory_space<vmem>>
      %dma_start3A_582 = tpu.memref_squeeze %dma_start3A_581 : memref<1x128xi32, #tpu.memory_space<vmem>> -> memref<128xi32, #tpu.memory_space<vmem>>
      %dma_start3A_583 = arith.constant 0 : i32
      %dma_start3A_584 = arith.constant 0 : i32
      %dma_start3A_585 = tpu.memref_slice %arg7[%dma_start3A_583, %dma_start3A_584] : memref<100352x8xf32, #tpu.memory_space<vmem_shared>> -> memref<100352x8xf32, #tpu.memory_space<vmem_shared>>
      tpu.enqueue_indirect_dma source(%dma_start3A_579 : memref<128x8xf32, #tpu.memory_space<vmem>>) target(%dma_start3A_585 : memref<100352x8xf32, #tpu.memory_space<vmem_shared>>) offsets(%dma_start3A_582 : memref<128xi32, #tpu.memory_space<vmem>>) semaphore(%arg14 : memref<!tpu.dma_semaphore, #tpu.memory_space<semaphore_mem>>) {add = true}
      %dma_wait3A_586 = arith.constant 11 : i32
      %dma_wait3A_587 = arith.constant 11 : i32
      %dma_wait3A_588 = arith.constant 0 : i32
      %dma_wait3A_589 = arith.constant 0 : i32
      %dma_wait3A_590 = tpu.memref_slice %arg11[%dma_wait3A_587, %dma_wait3A_588, %dma_wait3A_589] : memref<12x128x8xf32, #tpu.memory_space<vmem>> -> memref<1x128x8xf32, #tpu.memory_space<vmem>>
      %dma_wait3A_591 = tpu.memref_squeeze %dma_wait3A_590 : memref<1x128x8xf32, #tpu.memory_space<vmem>> -> memref<128x8xf32, #tpu.memory_space<vmem>>
      %dma_wait3A_592 = arith.constant 0 : i32
      %dma_wait3A_593 = tpu.memref_slice %arg9[%dma_wait3A_586, %dma_wait3A_592] : memref<12x128xi32, #tpu.memory_space<vmem>> -> memref<1x128xi32, #tpu.memory_space<vmem>>
      %dma_wait3A_594 = tpu.memref_squeeze %dma_wait3A_593 : memref<1x128xi32, #tpu.memory_space<vmem>> -> memref<128xi32, #tpu.memory_space<vmem>>
      %dma_wait3A_595 = arith.constant 0 : i32
      %dma_wait3A_596 = arith.constant 0 : i32
      %dma_wait3A_597 = tpu.memref_slice %arg8[%dma_wait3A_595, %dma_wait3A_596] : memref<100352x8xf32, #tpu.memory_space<vmem_shared>> -> memref<100352x8xf32, #tpu.memory_space<vmem_shared>>
      tpu.wait_indirect_dma semaphore(%arg13 : memref<!tpu.dma_semaphore, #tpu.memory_space<semaphore_mem>>) src(%dma_wait3A_597 : memref<100352x8xf32, #tpu.memory_space<vmem_shared>>) dst(%dma_wait3A_591 : memref<128x8xf32, #tpu.memory_space<vmem>>)
      %dma_start3A_598 = arith.constant 11 : i32
      %dma_start3A_599 = arith.constant 11 : i32
      %dma_start3A_600 = arith.constant 0 : i32
      %dma_start3A_601 = arith.constant 0 : i32
      %dma_start3A_602 = tpu.memref_slice %arg11[%dma_start3A_598, %dma_start3A_600, %dma_start3A_601] : memref<12x128x8xf32, #tpu.memory_space<vmem>> -> memref<1x128x8xf32, #tpu.memory_space<vmem>>
      %dma_start3A_603 = tpu.memref_squeeze %dma_start3A_602 : memref<1x128x8xf32, #tpu.memory_space<vmem>> -> memref<128x8xf32, #tpu.memory_space<vmem>>
      %dma_start3A_604 = arith.constant 0 : i32
      %dma_start3A_605 = tpu.memref_slice %arg10[%dma_start3A_599, %dma_start3A_604] : memref<12x128xi32, #tpu.memory_space<vmem>> -> memref<1x128xi32, #tpu.memory_space<vmem>>
      %dma_start3A_606 = tpu.memref_squeeze %dma_start3A_605 : memref<1x128xi32, #tpu.memory_space<vmem>> -> memref<128xi32, #tpu.memory_space<vmem>>
      %dma_start3A_607 = arith.constant 0 : i32
      %dma_start3A_608 = arith.constant 0 : i32
      %dma_start3A_609 = tpu.memref_slice %arg7[%dma_start3A_607, %dma_start3A_608] : memref<100352x8xf32, #tpu.memory_space<vmem_shared>> -> memref<100352x8xf32, #tpu.memory_space<vmem_shared>>
      tpu.enqueue_indirect_dma source(%dma_start3A_603 : memref<128x8xf32, #tpu.memory_space<vmem>>) target(%dma_start3A_609 : memref<100352x8xf32, #tpu.memory_space<vmem_shared>>) offsets(%dma_start3A_606 : memref<128xi32, #tpu.memory_space<vmem>>) semaphore(%arg14 : memref<!tpu.dma_semaphore, #tpu.memory_space<semaphore_mem>>) {add = true}
    }
    %scan3A_8 = arith.constant 132 : i32
    %dma_wait3A = arith.constant 0 : i32
    %dma_wait3A_9 = arith.constant 0 : i32
    %dma_wait3A_10 = arith.constant 0 : i32
    %dma_wait3A_11 = arith.constant 0 : i32
    %dma_wait3A_12 = tpu.memref_slice %arg11[%dma_wait3A, %dma_wait3A_10, %dma_wait3A_11] : memref<12x128x8xf32, #tpu.memory_space<vmem>> -> memref<1x128x8xf32, #tpu.memory_space<vmem>>
    %dma_wait3A_13 = tpu.memref_squeeze %dma_wait3A_12 : memref<1x128x8xf32, #tpu.memory_space<vmem>> -> memref<128x8xf32, #tpu.memory_space<vmem>>
    %dma_wait3A_14 = arith.constant 0 : i32
    %dma_wait3A_15 = tpu.memref_slice %arg10[%dma_wait3A_9, %dma_wait3A_14] : memref<12x128xi32, #tpu.memory_space<vmem>> -> memref<1x128xi32, #tpu.memory_space<vmem>>
    %dma_wait3A_16 = tpu.memref_squeeze %dma_wait3A_15 : memref<1x128xi32, #tpu.memory_space<vmem>> -> memref<128xi32, #tpu.memory_space<vmem>>
    %dma_wait3A_17 = arith.constant 0 : i32
    %dma_wait3A_18 = arith.constant 0 : i32
    %dma_wait3A_19 = tpu.memref_slice %arg7[%dma_wait3A_17, %dma_wait3A_18] : memref<100352x8xf32, #tpu.memory_space<vmem_shared>> -> memref<100352x8xf32, #tpu.memory_space<vmem_shared>>
    tpu.wait_indirect_dma semaphore(%arg14 : memref<!tpu.dma_semaphore, #tpu.memory_space<semaphore_mem>>) src(%dma_wait3A_13 : memref<128x8xf32, #tpu.memory_space<vmem>>) dst(%dma_wait3A_19 : memref<100352x8xf32, #tpu.memory_space<vmem_shared>>)
    %dma_wait3A_20 = arith.constant 1 : i32
    %dma_wait3A_21 = arith.constant 1 : i32
    %dma_wait3A_22 = arith.constant 0 : i32
    %dma_wait3A_23 = arith.constant 0 : i32
    %dma_wait3A_24 = tpu.memref_slice %arg11[%dma_wait3A_20, %dma_wait3A_22, %dma_wait3A_23] : memref<12x128x8xf32, #tpu.memory_space<vmem>> -> memref<1x128x8xf32, #tpu.memory_space<vmem>>
    %dma_wait3A_25 = tpu.memref_squeeze %dma_wait3A_24 : memref<1x128x8xf32, #tpu.memory_space<vmem>> -> memref<128x8xf32, #tpu.memory_space<vmem>>
    %dma_wait3A_26 = arith.constant 0 : i32
    %dma_wait3A_27 = tpu.memref_slice %arg10[%dma_wait3A_21, %dma_wait3A_26] : memref<12x128xi32, #tpu.memory_space<vmem>> -> memref<1x128xi32, #tpu.memory_space<vmem>>
    %dma_wait3A_28 = tpu.memref_squeeze %dma_wait3A_27 : memref<1x128xi32, #tpu.memory_space<vmem>> -> memref<128xi32, #tpu.memory_space<vmem>>
    %dma_wait3A_29 = arith.constant 0 : i32
    %dma_wait3A_30 = arith.constant 0 : i32
    %dma_wait3A_31 = tpu.memref_slice %arg7[%dma_wait3A_29, %dma_wait3A_30] : memref<100352x8xf32, #tpu.memory_space<vmem_shared>> -> memref<100352x8xf32, #tpu.memory_space<vmem_shared>>
    tpu.wait_indirect_dma semaphore(%arg14 : memref<!tpu.dma_semaphore, #tpu.memory_space<semaphore_mem>>) src(%dma_wait3A_25 : memref<128x8xf32, #tpu.memory_space<vmem>>) dst(%dma_wait3A_31 : memref<100352x8xf32, #tpu.memory_space<vmem_shared>>)
    %dma_wait3A_32 = arith.constant 2 : i32
    %dma_wait3A_33 = arith.constant 2 : i32
    %dma_wait3A_34 = arith.constant 0 : i32
    %dma_wait3A_35 = arith.constant 0 : i32
    %dma_wait3A_36 = tpu.memref_slice %arg11[%dma_wait3A_32, %dma_wait3A_34, %dma_wait3A_35] : memref<12x128x8xf32, #tpu.memory_space<vmem>> -> memref<1x128x8xf32, #tpu.memory_space<vmem>>
    %dma_wait3A_37 = tpu.memref_squeeze %dma_wait3A_36 : memref<1x128x8xf32, #tpu.memory_space<vmem>> -> memref<128x8xf32, #tpu.memory_space<vmem>>
    %dma_wait3A_38 = arith.constant 0 : i32
    %dma_wait3A_39 = tpu.memref_slice %arg10[%dma_wait3A_33, %dma_wait3A_38] : memref<12x128xi32, #tpu.memory_space<vmem>> -> memref<1x128xi32, #tpu.memory_space<vmem>>
    %dma_wait3A_40 = tpu.memref_squeeze %dma_wait3A_39 : memref<1x128xi32, #tpu.memory_space<vmem>> -> memref<128xi32, #tpu.memory_space<vmem>>
    %dma_wait3A_41 = arith.constant 0 : i32
    %dma_wait3A_42 = arith.constant 0 : i32
    %dma_wait3A_43 = tpu.memref_slice %arg7[%dma_wait3A_41, %dma_wait3A_42] : memref<100352x8xf32, #tpu.memory_space<vmem_shared>> -> memref<100352x8xf32, #tpu.memory_space<vmem_shared>>
    tpu.wait_indirect_dma semaphore(%arg14 : memref<!tpu.dma_semaphore, #tpu.memory_space<semaphore_mem>>) src(%dma_wait3A_37 : memref<128x8xf32, #tpu.memory_space<vmem>>) dst(%dma_wait3A_43 : memref<100352x8xf32, #tpu.memory_space<vmem_shared>>)
    %dma_wait3A_44 = arith.constant 3 : i32
    %dma_wait3A_45 = arith.constant 3 : i32
    %dma_wait3A_46 = arith.constant 0 : i32
    %dma_wait3A_47 = arith.constant 0 : i32
    %dma_wait3A_48 = tpu.memref_slice %arg11[%dma_wait3A_44, %dma_wait3A_46, %dma_wait3A_47] : memref<12x128x8xf32, #tpu.memory_space<vmem>> -> memref<1x128x8xf32, #tpu.memory_space<vmem>>
    %dma_wait3A_49 = tpu.memref_squeeze %dma_wait3A_48 : memref<1x128x8xf32, #tpu.memory_space<vmem>> -> memref<128x8xf32, #tpu.memory_space<vmem>>
    %dma_wait3A_50 = arith.constant 0 : i32
    %dma_wait3A_51 = tpu.memref_slice %arg10[%dma_wait3A_45, %dma_wait3A_50] : memref<12x128xi32, #tpu.memory_space<vmem>> -> memref<1x128xi32, #tpu.memory_space<vmem>>
    %dma_wait3A_52 = tpu.memref_squeeze %dma_wait3A_51 : memref<1x128xi32, #tpu.memory_space<vmem>> -> memref<128xi32, #tpu.memory_space<vmem>>
    %dma_wait3A_53 = arith.constant 0 : i32
    %dma_wait3A_54 = arith.constant 0 : i32
    %dma_wait3A_55 = tpu.memref_slice %arg7[%dma_wait3A_53, %dma_wait3A_54] : memref<100352x8xf32, #tpu.memory_space<vmem_shared>> -> memref<100352x8xf32, #tpu.memory_space<vmem_shared>>
    tpu.wait_indirect_dma semaphore(%arg14 : memref<!tpu.dma_semaphore, #tpu.memory_space<semaphore_mem>>) src(%dma_wait3A_49 : memref<128x8xf32, #tpu.memory_space<vmem>>) dst(%dma_wait3A_55 : memref<100352x8xf32, #tpu.memory_space<vmem_shared>>)
    %dma_wait3A_56 = arith.constant 4 : i32
    %dma_wait3A_57 = arith.constant 4 : i32
    %dma_wait3A_58 = arith.constant 0 : i32
    %dma_wait3A_59 = arith.constant 0 : i32
    %dma_wait3A_60 = tpu.memref_slice %arg11[%dma_wait3A_56, %dma_wait3A_58, %dma_wait3A_59] : memref<12x128x8xf32, #tpu.memory_space<vmem>> -> memref<1x128x8xf32, #tpu.memory_space<vmem>>
    %dma_wait3A_61 = tpu.memref_squeeze %dma_wait3A_60 : memref<1x128x8xf32, #tpu.memory_space<vmem>> -> memref<128x8xf32, #tpu.memory_space<vmem>>
    %dma_wait3A_62 = arith.constant 0 : i32
    %dma_wait3A_63 = tpu.memref_slice %arg10[%dma_wait3A_57, %dma_wait3A_62] : memref<12x128xi32, #tpu.memory_space<vmem>> -> memref<1x128xi32, #tpu.memory_space<vmem>>
    %dma_wait3A_64 = tpu.memref_squeeze %dma_wait3A_63 : memref<1x128xi32, #tpu.memory_space<vmem>> -> memref<128xi32, #tpu.memory_space<vmem>>
    %dma_wait3A_65 = arith.constant 0 : i32
    %dma_wait3A_66 = arith.constant 0 : i32
    %dma_wait3A_67 = tpu.memref_slice %arg7[%dma_wait3A_65, %dma_wait3A_66] : memref<100352x8xf32, #tpu.memory_space<vmem_shared>> -> memref<100352x8xf32, #tpu.memory_space<vmem_shared>>
    tpu.wait_indirect_dma semaphore(%arg14 : memref<!tpu.dma_semaphore, #tpu.memory_space<semaphore_mem>>) src(%dma_wait3A_61 : memref<128x8xf32, #tpu.memory_space<vmem>>) dst(%dma_wait3A_67 : memref<100352x8xf32, #tpu.memory_space<vmem_shared>>)
    %dma_wait3A_68 = arith.constant 5 : i32
    %dma_wait3A_69 = arith.constant 5 : i32
    %dma_wait3A_70 = arith.constant 0 : i32
    %dma_wait3A_71 = arith.constant 0 : i32
    %dma_wait3A_72 = tpu.memref_slice %arg11[%dma_wait3A_68, %dma_wait3A_70, %dma_wait3A_71] : memref<12x128x8xf32, #tpu.memory_space<vmem>> -> memref<1x128x8xf32, #tpu.memory_space<vmem>>
    %dma_wait3A_73 = tpu.memref_squeeze %dma_wait3A_72 : memref<1x128x8xf32, #tpu.memory_space<vmem>> -> memref<128x8xf32, #tpu.memory_space<vmem>>
    %dma_wait3A_74 = arith.constant 0 : i32
    %dma_wait3A_75 = tpu.memref_slice %arg10[%dma_wait3A_69, %dma_wait3A_74] : memref<12x128xi32, #tpu.memory_space<vmem>> -> memref<1x128xi32, #tpu.memory_space<vmem>>
    %dma_wait3A_76 = tpu.memref_squeeze %dma_wait3A_75 : memref<1x128xi32, #tpu.memory_space<vmem>> -> memref<128xi32, #tpu.memory_space<vmem>>
    %dma_wait3A_77 = arith.constant 0 : i32
    %dma_wait3A_78 = arith.constant 0 : i32
    %dma_wait3A_79 = tpu.memref_slice %arg7[%dma_wait3A_77, %dma_wait3A_78] : memref<100352x8xf32, #tpu.memory_space<vmem_shared>> -> memref<100352x8xf32, #tpu.memory_space<vmem_shared>>
    tpu.wait_indirect_dma semaphore(%arg14 : memref<!tpu.dma_semaphore, #tpu.memory_space<semaphore_mem>>) src(%dma_wait3A_73 : memref<128x8xf32, #tpu.memory_space<vmem>>) dst(%dma_wait3A_79 : memref<100352x8xf32, #tpu.memory_space<vmem_shared>>)
    %dma_wait3A_80 = arith.constant 6 : i32
    %dma_wait3A_81 = arith.constant 6 : i32
    %dma_wait3A_82 = arith.constant 0 : i32
    %dma_wait3A_83 = arith.constant 0 : i32
    %dma_wait3A_84 = tpu.memref_slice %arg11[%dma_wait3A_80, %dma_wait3A_82, %dma_wait3A_83] : memref<12x128x8xf32, #tpu.memory_space<vmem>> -> memref<1x128x8xf32, #tpu.memory_space<vmem>>
    %dma_wait3A_85 = tpu.memref_squeeze %dma_wait3A_84 : memref<1x128x8xf32, #tpu.memory_space<vmem>> -> memref<128x8xf32, #tpu.memory_space<vmem>>
    %dma_wait3A_86 = arith.constant 0 : i32
    %dma_wait3A_87 = tpu.memref_slice %arg10[%dma_wait3A_81, %dma_wait3A_86] : memref<12x128xi32, #tpu.memory_space<vmem>> -> memref<1x128xi32, #tpu.memory_space<vmem>>
    %dma_wait3A_88 = tpu.memref_squeeze %dma_wait3A_87 : memref<1x128xi32, #tpu.memory_space<vmem>> -> memref<128xi32, #tpu.memory_space<vmem>>
    %dma_wait3A_89 = arith.constant 0 : i32
    %dma_wait3A_90 = arith.constant 0 : i32
    %dma_wait3A_91 = tpu.memref_slice %arg7[%dma_wait3A_89, %dma_wait3A_90] : memref<100352x8xf32, #tpu.memory_space<vmem_shared>> -> memref<100352x8xf32, #tpu.memory_space<vmem_shared>>
    tpu.wait_indirect_dma semaphore(%arg14 : memref<!tpu.dma_semaphore, #tpu.memory_space<semaphore_mem>>) src(%dma_wait3A_85 : memref<128x8xf32, #tpu.memory_space<vmem>>) dst(%dma_wait3A_91 : memref<100352x8xf32, #tpu.memory_space<vmem_shared>>)
    %dma_wait3A_92 = arith.constant 7 : i32
    %dma_wait3A_93 = arith.constant 7 : i32
    %dma_wait3A_94 = arith.constant 0 : i32
    %dma_wait3A_95 = arith.constant 0 : i32
    %dma_wait3A_96 = tpu.memref_slice %arg11[%dma_wait3A_92, %dma_wait3A_94, %dma_wait3A_95] : memref<12x128x8xf32, #tpu.memory_space<vmem>> -> memref<1x128x8xf32, #tpu.memory_space<vmem>>
    %dma_wait3A_97 = tpu.memref_squeeze %dma_wait3A_96 : memref<1x128x8xf32, #tpu.memory_space<vmem>> -> memref<128x8xf32, #tpu.memory_space<vmem>>
    %dma_wait3A_98 = arith.constant 0 : i32
    %dma_wait3A_99 = tpu.memref_slice %arg10[%dma_wait3A_93, %dma_wait3A_98] : memref<12x128xi32, #tpu.memory_space<vmem>> -> memref<1x128xi32, #tpu.memory_space<vmem>>
    %dma_wait3A_100 = tpu.memref_squeeze %dma_wait3A_99 : memref<1x128xi32, #tpu.memory_space<vmem>> -> memref<128xi32, #tpu.memory_space<vmem>>
    %dma_wait3A_101 = arith.constant 0 : i32
    %dma_wait3A_102 = arith.constant 0 : i32
    %dma_wait3A_103 = tpu.memref_slice %arg7[%dma_wait3A_101, %dma_wait3A_102] : memref<100352x8xf32, #tpu.memory_space<vmem_shared>> -> memref<100352x8xf32, #tpu.memory_space<vmem_shared>>
    tpu.wait_indirect_dma semaphore(%arg14 : memref<!tpu.dma_semaphore, #tpu.memory_space<semaphore_mem>>) src(%dma_wait3A_97 : memref<128x8xf32, #tpu.memory_space<vmem>>) dst(%dma_wait3A_103 : memref<100352x8xf32, #tpu.memory_space<vmem_shared>>)
    %dma_wait3A_104 = arith.constant 8 : i32
    %dma_wait3A_105 = arith.constant 8 : i32
    %dma_wait3A_106 = arith.constant 0 : i32
    %dma_wait3A_107 = arith.constant 0 : i32
    %dma_wait3A_108 = tpu.memref_slice %arg11[%dma_wait3A_104, %dma_wait3A_106, %dma_wait3A_107] : memref<12x128x8xf32, #tpu.memory_space<vmem>> -> memref<1x128x8xf32, #tpu.memory_space<vmem>>
    %dma_wait3A_109 = tpu.memref_squeeze %dma_wait3A_108 : memref<1x128x8xf32, #tpu.memory_space<vmem>> -> memref<128x8xf32, #tpu.memory_space<vmem>>
    %dma_wait3A_110 = arith.constant 0 : i32
    %dma_wait3A_111 = tpu.memref_slice %arg10[%dma_wait3A_105, %dma_wait3A_110] : memref<12x128xi32, #tpu.memory_space<vmem>> -> memref<1x128xi32, #tpu.memory_space<vmem>>
    %dma_wait3A_112 = tpu.memref_squeeze %dma_wait3A_111 : memref<1x128xi32, #tpu.memory_space<vmem>> -> memref<128xi32, #tpu.memory_space<vmem>>
    %dma_wait3A_113 = arith.constant 0 : i32
    %dma_wait3A_114 = arith.constant 0 : i32
    %dma_wait3A_115 = tpu.memref_slice %arg7[%dma_wait3A_113, %dma_wait3A_114] : memref<100352x8xf32, #tpu.memory_space<vmem_shared>> -> memref<100352x8xf32, #tpu.memory_space<vmem_shared>>
    tpu.wait_indirect_dma semaphore(%arg14 : memref<!tpu.dma_semaphore, #tpu.memory_space<semaphore_mem>>) src(%dma_wait3A_109 : memref<128x8xf32, #tpu.memory_space<vmem>>) dst(%dma_wait3A_115 : memref<100352x8xf32, #tpu.memory_space<vmem_shared>>)
    %dma_wait3A_116 = arith.constant 9 : i32
    %dma_wait3A_117 = arith.constant 9 : i32
    %dma_wait3A_118 = arith.constant 0 : i32
    %dma_wait3A_119 = arith.constant 0 : i32
    %dma_wait3A_120 = tpu.memref_slice %arg11[%dma_wait3A_116, %dma_wait3A_118, %dma_wait3A_119] : memref<12x128x8xf32, #tpu.memory_space<vmem>> -> memref<1x128x8xf32, #tpu.memory_space<vmem>>
    %dma_wait3A_121 = tpu.memref_squeeze %dma_wait3A_120 : memref<1x128x8xf32, #tpu.memory_space<vmem>> -> memref<128x8xf32, #tpu.memory_space<vmem>>
    %dma_wait3A_122 = arith.constant 0 : i32
    %dma_wait3A_123 = tpu.memref_slice %arg10[%dma_wait3A_117, %dma_wait3A_122] : memref<12x128xi32, #tpu.memory_space<vmem>> -> memref<1x128xi32, #tpu.memory_space<vmem>>
    %dma_wait3A_124 = tpu.memref_squeeze %dma_wait3A_123 : memref<1x128xi32, #tpu.memory_space<vmem>> -> memref<128xi32, #tpu.memory_space<vmem>>
    %dma_wait3A_125 = arith.constant 0 : i32
    %dma_wait3A_126 = arith.constant 0 : i32
    %dma_wait3A_127 = tpu.memref_slice %arg7[%dma_wait3A_125, %dma_wait3A_126] : memref<100352x8xf32, #tpu.memory_space<vmem_shared>> -> memref<100352x8xf32, #tpu.memory_space<vmem_shared>>
    tpu.wait_indirect_dma semaphore(%arg14 : memref<!tpu.dma_semaphore, #tpu.memory_space<semaphore_mem>>) src(%dma_wait3A_121 : memref<128x8xf32, #tpu.memory_space<vmem>>) dst(%dma_wait3A_127 : memref<100352x8xf32, #tpu.memory_space<vmem_shared>>)
    %dma_wait3A_128 = arith.constant 10 : i32
    %dma_wait3A_129 = arith.constant 10 : i32
    %dma_wait3A_130 = arith.constant 0 : i32
    %dma_wait3A_131 = arith.constant 0 : i32
    %dma_wait3A_132 = tpu.memref_slice %arg11[%dma_wait3A_128, %dma_wait3A_130, %dma_wait3A_131] : memref<12x128x8xf32, #tpu.memory_space<vmem>> -> memref<1x128x8xf32, #tpu.memory_space<vmem>>
    %dma_wait3A_133 = tpu.memref_squeeze %dma_wait3A_132 : memref<1x128x8xf32, #tpu.memory_space<vmem>> -> memref<128x8xf32, #tpu.memory_space<vmem>>
    %dma_wait3A_134 = arith.constant 0 : i32
    %dma_wait3A_135 = tpu.memref_slice %arg10[%dma_wait3A_129, %dma_wait3A_134] : memref<12x128xi32, #tpu.memory_space<vmem>> -> memref<1x128xi32, #tpu.memory_space<vmem>>
    %dma_wait3A_136 = tpu.memref_squeeze %dma_wait3A_135 : memref<1x128xi32, #tpu.memory_space<vmem>> -> memref<128xi32, #tpu.memory_space<vmem>>
    %dma_wait3A_137 = arith.constant 0 : i32
    %dma_wait3A_138 = arith.constant 0 : i32
    %dma_wait3A_139 = tpu.memref_slice %arg7[%dma_wait3A_137, %dma_wait3A_138] : memref<100352x8xf32, #tpu.memory_space<vmem_shared>> -> memref<100352x8xf32, #tpu.memory_space<vmem_shared>>
    tpu.wait_indirect_dma semaphore(%arg14 : memref<!tpu.dma_semaphore, #tpu.memory_space<semaphore_mem>>) src(%dma_wait3A_133 : memref<128x8xf32, #tpu.memory_space<vmem>>) dst(%dma_wait3A_139 : memref<100352x8xf32, #tpu.memory_space<vmem_shared>>)
    %dma_wait3A_140 = arith.constant 11 : i32
    %dma_wait3A_141 = arith.constant 11 : i32
    %dma_wait3A_142 = arith.constant 0 : i32
    %dma_wait3A_143 = arith.constant 0 : i32
    %dma_wait3A_144 = tpu.memref_slice %arg11[%dma_wait3A_140, %dma_wait3A_142, %dma_wait3A_143] : memref<12x128x8xf32, #tpu.memory_space<vmem>> -> memref<1x128x8xf32, #tpu.memory_space<vmem>>
    %dma_wait3A_145 = tpu.memref_squeeze %dma_wait3A_144 : memref<1x128x8xf32, #tpu.memory_space<vmem>> -> memref<128x8xf32, #tpu.memory_space<vmem>>
    %dma_wait3A_146 = arith.constant 0 : i32
    %dma_wait3A_147 = tpu.memref_slice %arg10[%dma_wait3A_141, %dma_wait3A_146] : memref<12x128xi32, #tpu.memory_space<vmem>> -> memref<1x128xi32, #tpu.memory_space<vmem>>
    %dma_wait3A_148 = tpu.memref_squeeze %dma_wait3A_147 : memref<1x128xi32, #tpu.memory_space<vmem>> -> memref<128xi32, #tpu.memory_space<vmem>>
    %dma_wait3A_149 = arith.constant 0 : i32
    %dma_wait3A_150 = arith.constant 0 : i32
    %dma_wait3A_151 = tpu.memref_slice %arg7[%dma_wait3A_149, %dma_wait3A_150] : memref<100352x8xf32, #tpu.memory_space<vmem_shared>> -> memref<100352x8xf32, #tpu.memory_space<vmem_shared>>
    tpu.wait_indirect_dma semaphore(%arg14 : memref<!tpu.dma_semaphore, #tpu.memory_space<semaphore_mem>>) src(%dma_wait3A_145 : memref<128x8xf32, #tpu.memory_space<vmem>>) dst(%dma_wait3A_151 : memref<100352x8xf32, #tpu.memory_space<vmem_shared>>)
    %barrier3A_152 = arith.constant 0 : index
    tpu.barrier barrier_id(%barrier3A_152)
    "tpu.region"() ({
      %run_scoped3A = tpu.sem_alloc : memref<!tpu.dma_semaphore, #tpu.memory_space<semaphore_mem>>
      %dma_start3A = arith.constant 0 : i32
      %dma_start3A_153 = tpu.memref_slice %arg6[%arg0, %mul3A_4, %dma_start3A] : memref<2x100352x8xf32, #tpu.memory_space<hbm>> -> memref<1x6272x8xf32, #tpu.memory_space<hbm>>
      %dma_start3A_154 = tpu.memref_squeeze %dma_start3A_153 : memref<1x6272x8xf32, #tpu.memory_space<hbm>> -> memref<6272x8xf32, #tpu.memory_space<hbm>>
      %dma_start3A_155 = arith.constant 0 : i32
      %dma_start3A_156 = tpu.memref_slice %arg7[%mul3A_4, %dma_start3A_155] : memref<100352x8xf32, #tpu.memory_space<vmem_shared>> -> memref<6272x8xf32, #tpu.memory_space<vmem_shared>>
      tpu.enqueue_dma source(%dma_start3A_156 : memref<6272x8xf32, #tpu.memory_space<vmem_shared>>) target(%dma_start3A_154 : memref<6272x8xf32, #tpu.memory_space<hbm>>) target_semaphore(%run_scoped3A : memref<!tpu.dma_semaphore, #tpu.memory_space<semaphore_mem>>)
      %dma_wait3A_157 = arith.constant 0 : i32
      %dma_wait3A_158 = tpu.memref_slice %arg6[%arg0, %mul3A_4, %dma_wait3A_157] : memref<2x100352x8xf32, #tpu.memory_space<hbm>> -> memref<1x6272x8xf32, #tpu.memory_space<hbm>>
      %dma_wait3A_159 = tpu.memref_squeeze %dma_wait3A_158 : memref<1x6272x8xf32, #tpu.memory_space<hbm>> -> memref<6272x8xf32, #tpu.memory_space<hbm>>
      %dma_wait3A_160 = arith.constant 0 : i32
      %dma_wait3A_161 = tpu.memref_slice %arg7[%mul3A_4, %dma_wait3A_160] : memref<100352x8xf32, #tpu.memory_space<vmem_shared>> -> memref<6272x8xf32, #tpu.memory_space<vmem_shared>>
      tpu.wait_dma2 semaphore(%run_scoped3A : memref<!tpu.dma_semaphore, #tpu.memory_space<semaphore_mem>>) src(%dma_wait3A_161 : memref<6272x8xf32, #tpu.memory_space<vmem_shared>>) dst(%dma_wait3A_159 : memref<6272x8xf32, #tpu.memory_space<hbm>>)
      tpu.yield
    }) : () -> ()
    return
  }
}

module attributes {stable_mosaic.version = 14 : i64} {
  func.func @_tc2_body(%arg0: i32, %arg1: memref<2x1024xf32, #tpu.memory_space<vmem>>, %arg2: memref<1024x10xf32, #tpu.memory_space<vmem>>, %arg3: memref<10x16xf32, #tpu.memory_space<vmem>>, %arg4: memref<1024x16xf32, #tpu.memory_space<vmem>>, %arg5: memref<1024x1xf32, #tpu.memory_space<vmem>>) attributes {dimension_semantics = [#tpu.dimension_semantics<arbitrary>], iteration_bounds = array<i64: 98>, scalar_prefetch = 0 : i64, scratch_operands = 0 : i64, tpu.core_type = #tpu.core_type<tc>, window_params = [{transform_indices = @transform_0, window_bounds = array<i64: 2, 1024>}, {transform_indices = @transform_1, window_bounds = array<i64: 1024, 10>}, {pipeline_mode = #tpu.pipeline_mode<synchronous>, transform_indices = @transform_2, window_bounds = array<i64: 10, 16>}, {transform_indices = @transform_3, window_bounds = array<i64: 1024, 16>}, {transform_indices = @transform_4, window_bounds = array<i64: 1024, 1>}]} {
    %get3A = arith.constant 0 : index
    %get3A_0 = arith.constant 0 : index
    %get3A_1 = vector.load %arg1[%get3A, %get3A_0] : memref<2x1024xf32, #tpu.memory_space<vmem>>, vector<1x1024xf32>
    %get3A_2 = vector.shape_cast %get3A_1 : vector<1x1024xf32> to vector<1024xf32>
    %get3A_3 = arith.constant 1 : index
    %get3A_4 = arith.constant 0 : index
    %get3A_5 = vector.load %arg1[%get3A_3, %get3A_4] : memref<2x1024xf32, #tpu.memory_space<vmem>>, vector<1x1024xf32>
    %get3A_6 = vector.shape_cast %get3A_5 : vector<1x1024xf32> to vector<1024xf32>
    %add3A = arith.addf %get3A_2, %get3A_6 : vector<1024xf32>
    %add3A_7 = arith.constant 1.000000e+00 : f32
    %add3A_8 = vector.broadcast %add3A_7 : f32 to vector<1024xf32>
    %add3A_9 = arith.addf %add3A, %add3A_8 : vector<1024xf32>
    %rsqrt3A = math.rsqrt %add3A_9 : vector<1024xf32>
    %broadcast_in_dim3A = vector.shape_cast %rsqrt3A : vector<1024xf32> to vector<1024x1xf32>
    %get3A_10 = arith.constant 0 : index
    %get3A_11 = arith.constant 0 : index
    %get3A_12 = vector.load %arg2[%get3A_10, %get3A_11] : memref<1024x10xf32, #tpu.memory_space<vmem>>, vector<1024x10xf32>
    %get3A_13 = arith.constant 0 : index
    %get3A_14 = arith.constant 0 : index
    %get3A_15 = vector.load %arg3[%get3A_13, %get3A_14] : memref<10x16xf32, #tpu.memory_space<vmem>>, vector<10x16xf32>
    %dot_general3A = arith.constant dense<0.000000e+00> : vector<1024x16xf32>
    %dot_general3A_16 = tpu.matmul %get3A_12, %get3A_15, %dot_general3A {dimension_numbers = #tpu.dot_dimension_numbers<[1], [0], [0], [1], [0, 0, 1, 1], [], []>, transpose_lhs_hint = false} : vector<1024x10xf32>, vector<10x16xf32>, vector<1024x16xf32> -> vector<1024x16xf32>
    %mul3A = vector.broadcast %broadcast_in_dim3A : vector<1024x1xf32> to vector<1024x16xf32>
    %mul3A_17 = arith.mulf %dot_general3A_16, %mul3A : vector<1024x16xf32>
    %swap3A = arith.constant 0 : index
    %swap3A_18 = arith.constant 0 : index
    %swap3A_19 = vector.load %arg4[%swap3A, %swap3A_18] : memref<1024x16xf32, #tpu.memory_space<vmem>>, vector<1024x16xf32>
    tpu.vector_store %arg4[%swap3A, %swap3A_18], %mul3A_17 {strides = array<i32>} : memref<1024x16xf32, #tpu.memory_space<vmem>>, vector<1024x16xf32>,
    %swap3A_20 = arith.constant 0 : index
    %swap3A_21 = arith.constant 0 : index
    %swap3A_22 = vector.load %arg5[%swap3A_20, %swap3A_21] : memref<1024x1xf32, #tpu.memory_space<vmem>>, vector<1024x1xf32>
    tpu.vector_store %arg5[%swap3A_20, %swap3A_21], %broadcast_in_dim3A {strides = array<i32>} : memref<1024x1xf32, #tpu.memory_space<vmem>>, vector<1024x1xf32>,
    return
  }
  func.func @transform_0(%arg0: i32) -> (i32, i32) {
    %c0_i32 = arith.constant 0 : i32
    %c0_i32_0 = arith.constant 0 : i32
    return %c0_i32, %arg0 : i32, i32
  }
  func.func @transform_1(%arg0: i32) -> (i32, i32) {
    %c0_i32 = arith.constant 0 : i32
    %c0_i32_0 = arith.constant 0 : i32
    return %arg0, %c0_i32 : i32, i32
  }
  func.func @transform_2(%arg0: i32) -> (i32, i32) {
    %c0_i32 = arith.constant 0 : i32
    %c0_i32_0 = arith.constant 0 : i32
    %c0_i32_1 = arith.constant 0 : i32
    return %c0_i32, %c0_i32_0 : i32, i32
  }
  func.func @transform_3(%arg0: i32) -> (i32, i32) {
    %c0_i32 = arith.constant 0 : i32
    %c0_i32_0 = arith.constant 0 : i32
    return %arg0, %c0_i32 : i32, i32
  }
  func.func @transform_4(%arg0: i32) -> (i32, i32) {
    %c0_i32 = arith.constant 0 : i32
    %c0_i32_0 = arith.constant 0 : i32
    return %arg0, %c0_i32 : i32, i32
  }
}

module attributes {stable_mosaic.version = 14 : i64} {
  func.func @_tc4_body(%arg0: i32, %arg1: memref<2x1024x16xf32, #tpu.memory_space<vmem>>, %arg2: memref<1024x16xf32, #tpu.memory_space<vmem>>, %arg3: memref<1024x1xf32, #tpu.memory_space<vmem>>, %arg4: memref<1x16xf32, #tpu.memory_space<vmem>>, %arg5: memref<16x2xf32, #tpu.memory_space<vmem>>, %arg6: memref<1024x8xf32, #tpu.memory_space<vmem>>) attributes {dimension_semantics = [#tpu.dimension_semantics<arbitrary>], iteration_bounds = array<i64: 98>, scalar_prefetch = 0 : i64, scratch_operands = 0 : i64, tpu.core_type = #tpu.core_type<tc>, window_params = [{transform_indices = @transform_0, window_bounds = array<i64: 2, 1024, 16>}, {transform_indices = @transform_1, window_bounds = array<i64: 1024, 16>}, {transform_indices = @transform_2, window_bounds = array<i64: 1024, 1>}, {pipeline_mode = #tpu.pipeline_mode<synchronous>, transform_indices = @transform_3, window_bounds = array<i64: 1, 16>}, {pipeline_mode = #tpu.pipeline_mode<synchronous>, transform_indices = @transform_4, window_bounds = array<i64: 16, 2>}, {transform_indices = @transform_5, window_bounds = array<i64: 1024, 8>}]} {
    %get3A = arith.constant 0 : index
    %get3A_0 = arith.constant 0 : index
    %get3A_1 = vector.load %arg3[%get3A, %get3A_0] : memref<1024x1xf32, #tpu.memory_space<vmem>>, vector<1024x1xf32>
    %get3A_2 = arith.constant 0 : index
    %get3A_3 = arith.constant 0 : index
    %get3A_4 = arith.constant 0 : index
    %get3A_5 = vector.load %arg1[%get3A_2, %get3A_3, %get3A_4] : memref<2x1024x16xf32, #tpu.memory_space<vmem>>, vector<1x1024x16xf32>
    %get3A_6 = vector.shape_cast %get3A_5 : vector<1x1024x16xf32> to vector<1024x16xf32>
    %get3A_7 = arith.constant 1 : index
    %get3A_8 = arith.constant 0 : index
    %get3A_9 = arith.constant 0 : index
    %get3A_10 = vector.load %arg1[%get3A_7, %get3A_8, %get3A_9] : memref<2x1024x16xf32, #tpu.memory_space<vmem>>, vector<1x1024x16xf32>
    %get3A_11 = vector.shape_cast %get3A_10 : vector<1x1024x16xf32> to vector<1024x16xf32>
    %add3A = arith.addf %get3A_6, %get3A_11 : vector<1024x16xf32>
    %get3A_12 = arith.constant 0 : index
    %get3A_13 = arith.constant 0 : index
    %get3A_14 = vector.load %arg2[%get3A_12, %get3A_13] : memref<1024x16xf32, #tpu.memory_space<vmem>>, vector<1024x16xf32>
    %add3A_15 = arith.addf %add3A, %get3A_14 : vector<1024x16xf32>
    %mul3A = vector.broadcast %get3A_1 : vector<1024x1xf32> to vector<1024x16xf32>
    %mul3A_16 = arith.mulf %add3A_15, %mul3A : vector<1024x16xf32>
    %get3A_17 = arith.constant 0 : index
    %get3A_18 = arith.constant 0 : index
    %get3A_19 = vector.load %arg4[%get3A_17, %get3A_18] : memref<1x16xf32, #tpu.memory_space<vmem>>, vector<1x16xf32>
    %add3A_20 = vector.broadcast %get3A_19 : vector<1x16xf32> to vector<1024x16xf32>
    %add3A_21 = arith.addf %mul3A_16, %add3A_20 : vector<1024x16xf32>
    %max3A = arith.constant 0.000000e+00 : f32
    %max3A_22 = vector.broadcast %max3A : f32 to vector<1024x16xf32>
    %max3A_23 = arith.maximumf %add3A_21, %max3A_22 : vector<1024x16xf32>
    %get3A_24 = arith.constant 0 : index
    %get3A_25 = arith.constant 0 : index
    %get3A_26 = vector.load %arg5[%get3A_24, %get3A_25] : memref<16x2xf32, #tpu.memory_space<vmem>>, vector<16x2xf32>
    %dot_general3A = arith.constant dense<0.000000e+00> : vector<1024x2xf32>
    %dot_general3A_27 = tpu.matmul %max3A_23, %get3A_26, %dot_general3A {dimension_numbers = #tpu.dot_dimension_numbers<[1], [0], [0], [1], [0, 0, 1, 1], [], []>, transpose_lhs_hint = false} : vector<1024x16xf32>, vector<16x2xf32>, vector<1024x2xf32> -> vector<1024x2xf32>
    %mul3A_28 = vector.broadcast %get3A_1 : vector<1024x1xf32> to vector<1024x2xf32>
    %mul3A_29 = arith.mulf %dot_general3A_27, %mul3A_28 : vector<1024x2xf32>
    %jit3A = arith.constant 0 : i32
    %convert_element_type3A = arith.sitofp %jit3A : i32 to f32
    %pad3A = vector.broadcast %convert_element_type3A : f32 to vector<1024x6xf32>
    %pad3A_30 = tpu.concatenate %mul3A_29, %pad3A in 1 : vector<1024x2xf32>, vector<1024x6xf32> -> vector<1024x8xf32>
    %swap3A = arith.constant 0 : index
    %swap3A_31 = arith.constant 0 : index
    %swap3A_32 = vector.load %arg6[%swap3A, %swap3A_31] : memref<1024x8xf32, #tpu.memory_space<vmem>>, vector<1024x8xf32>
    tpu.vector_store %arg6[%swap3A, %swap3A_31], %pad3A_30 {strides = array<i32>} : memref<1024x8xf32, #tpu.memory_space<vmem>>, vector<1024x8xf32>,
    return
  }
  func.func @transform_0(%arg0: i32) -> (i32, i32, i32) {
    %c0_i32 = arith.constant 0 : i32
    %c0_i32_0 = arith.constant 0 : i32
    %c0_i32_1 = arith.constant 0 : i32
    return %c0_i32, %arg0, %c0_i32_0 : i32, i32, i32
  }
  func.func @transform_1(%arg0: i32) -> (i32, i32) {
    %c0_i32 = arith.constant 0 : i32
    %c0_i32_0 = arith.constant 0 : i32
    return %arg0, %c0_i32 : i32, i32
  }
  func.func @transform_2(%arg0: i32) -> (i32, i32) {
    %c0_i32 = arith.constant 0 : i32
    %c0_i32_0 = arith.constant 0 : i32
    return %arg0, %c0_i32 : i32, i32
  }
  func.func @transform_3(%arg0: i32) -> (i32, i32) {
    %c0_i32 = arith.constant 0 : i32
    %c0_i32_0 = arith.constant 0 : i32
    %c0_i32_1 = arith.constant 0 : i32
    return %c0_i32, %c0_i32_0 : i32, i32
  }
  func.func @transform_4(%arg0: i32) -> (i32, i32) {
    %c0_i32 = arith.constant 0 : i32
    %c0_i32_0 = arith.constant 0 : i32
    %c0_i32_1 = arith.constant 0 : i32
    return %c0_i32, %c0_i32_0 : i32, i32
  }
  func.func @transform_5(%arg0: i32) -> (i32, i32) {
    %c0_i32 = arith.constant 0 : i32
    %c0_i32_0 = arith.constant 0 : i32
    return %arg0, %c0_i32 : i32, i32
  }
}

module attributes {stable_mosaic.version = 14 : i64} {
  func.func @_tc6_body(%arg0: i32, %arg1: memref<2x2000x8xf32, #tpu.memory_space<vmem>>, %arg2: memref<2000x8xf32, #tpu.memory_space<vmem>>, %arg3: memref<2000x1xf32, #tpu.memory_space<vmem>>, %arg4: memref<1x2xf32, #tpu.memory_space<vmem>>, %arg5: memref<2000x2xf32, #tpu.memory_space<vmem>>) attributes {dimension_semantics = [#tpu.dimension_semantics<arbitrary>], iteration_bounds = array<i64: 50>, scalar_prefetch = 0 : i64, scratch_operands = 0 : i64, tpu.core_type = #tpu.core_type<tc>, window_params = [{transform_indices = @transform_0, window_bounds = array<i64: 2, 2000, 8>}, {transform_indices = @transform_1, window_bounds = array<i64: 2000, 8>}, {transform_indices = @transform_2, window_bounds = array<i64: 2000, 1>}, {pipeline_mode = #tpu.pipeline_mode<synchronous>, transform_indices = @transform_3, window_bounds = array<i64: 1, 2>}, {transform_indices = @transform_4, window_bounds = array<i64: 2000, 2>}]} {
    %get3A = arith.constant 0 : index
    %get3A_0 = arith.constant 0 : index
    %get3A_1 = arith.constant 0 : index
    %get3A_2 = vector.load %arg1[%get3A, %get3A_0, %get3A_1] : memref<2x2000x8xf32, #tpu.memory_space<vmem>>, vector<1x2000x8xf32>
    %get3A_3 = vector.shape_cast %get3A_2 : vector<1x2000x8xf32> to vector<2000x8xf32>
    %get3A_4 = arith.constant 1 : index
    %get3A_5 = arith.constant 0 : index
    %get3A_6 = arith.constant 0 : index
    %get3A_7 = vector.load %arg1[%get3A_4, %get3A_5, %get3A_6] : memref<2x2000x8xf32, #tpu.memory_space<vmem>>, vector<1x2000x8xf32>
    %get3A_8 = vector.shape_cast %get3A_7 : vector<1x2000x8xf32> to vector<2000x8xf32>
    %add3A = arith.addf %get3A_3, %get3A_8 : vector<2000x8xf32>
    %get3A_9 = arith.constant 0 : index
    %get3A_10 = arith.constant 0 : index
    %get3A_11 = vector.load %arg2[%get3A_9, %get3A_10] : memref<2000x8xf32, #tpu.memory_space<vmem>>, vector<2000x8xf32>
    %add3A_12 = arith.addf %add3A, %get3A_11 : vector<2000x8xf32>
    %slice3A = vector.extract_strided_slice %add3A_12 {offsets = [0, 0], sizes = [2000, 2], strides = [1, 1]} : vector<2000x8xf32> to vector<2000x2xf32>
    %get3A_13 = arith.constant 0 : index
    %get3A_14 = arith.constant 0 : index
    %get3A_15 = vector.load %arg3[%get3A_13, %get3A_14] : memref<2000x1xf32, #tpu.memory_space<vmem>>, vector<2000x1xf32>
    %mul3A = vector.broadcast %get3A_15 : vector<2000x1xf32> to vector<2000x2xf32>
    %mul3A_16 = arith.mulf %slice3A, %mul3A : vector<2000x2xf32>
    %get3A_17 = arith.constant 0 : index
    %get3A_18 = arith.constant 0 : index
    %get3A_19 = vector.load %arg4[%get3A_17, %get3A_18] : memref<1x2xf32, #tpu.memory_space<vmem>>, vector<1x2xf32>
    %add3A_20 = vector.broadcast %get3A_19 : vector<1x2xf32> to vector<2000x2xf32>
    %add3A_21 = arith.addf %mul3A_16, %add3A_20 : vector<2000x2xf32>
    %swap3A = arith.constant 0 : index
    %swap3A_22 = arith.constant 0 : index
    %swap3A_23 = vector.load %arg5[%swap3A, %swap3A_22] : memref<2000x2xf32, #tpu.memory_space<vmem>>, vector<2000x2xf32>
    tpu.vector_store %arg5[%swap3A, %swap3A_22], %add3A_21 {strides = array<i32>} : memref<2000x2xf32, #tpu.memory_space<vmem>>, vector<2000x2xf32>,
    return
  }
  func.func @transform_0(%arg0: i32) -> (i32, i32, i32) {
    %c0_i32 = arith.constant 0 : i32
    %c0_i32_0 = arith.constant 0 : i32
    %c0_i32_1 = arith.constant 0 : i32
    return %c0_i32, %arg0, %c0_i32_0 : i32, i32, i32
  }
  func.func @transform_1(%arg0: i32) -> (i32, i32) {
    %c0_i32 = arith.constant 0 : i32
    %c0_i32_0 = arith.constant 0 : i32
    return %arg0, %c0_i32 : i32, i32
  }
  func.func @transform_2(%arg0: i32) -> (i32, i32) {
    %c0_i32 = arith.constant 0 : i32
    %c0_i32_0 = arith.constant 0 : i32
    return %arg0, %c0_i32 : i32, i32
  }
  func.func @transform_3(%arg0: i32) -> (i32, i32) {
    %c0_i32 = arith.constant 0 : i32
    %c0_i32_0 = arith.constant 0 : i32
    %c0_i32_1 = arith.constant 0 : i32
    return %c0_i32, %c0_i32_0 : i32, i32
  }
  func.func @transform_4(%arg0: i32) -> (i32, i32) {
    %c0_i32 = arith.constant 0 : i32
    %c0_i32_0 = arith.constant 0 : i32
    return %arg0, %c0_i32 : i32, i32
  }
}

</mosaic_0001>

<sc_bundles>
// kernel: kernel.11.cloned.1.call-start
scs
__scs_entry_jumppad:
0x0: {  	(pc) =	sbr.rel $0x88, $3  }
0x1: {  	(tag) =	ssettag $0x0;
	lr =	simm.s32 $0x1  }
0x2: {  	[smem:$0x3F9B] =	sst lr;
	_ =	strace $0xD0000000  }
0x3: {  	_ = 	snop  }
0x4: {  	_ = 	snop  }
0x5: {  	_ = 	snop  }
0x6: {  	_ = 	snop  }
0x7: {  	_ = 	snop  }
__scs_overlays_trampoline_lowered:
0x8: {  	[smem:$0x3FAA] =	sst s0  }
0x9: {  	[smem:$0x3FAB] =	sst s1  }
0xa: {  	[smem:$0x3FAC] =	sst s2  }
0xb: {  	[smem:$0x3FAD] =	sst s3  }
0xc: {  	[smem:$0x3FAE] =	sst s4  }
0xd: {  	[smem:$0x3FAF] =	sst s5  }
0xe: {  	[smem:$0x3FB0] =	sst s6  }
0xf: {  	[smem:$0x3FB1] =	sst s7  }
0x10: {  	[smem:$0x3FB2] =	sst s8  }
0x11: {  	[smem:$0x3FB3] =	sst s9;
	s0 =	simm.s32 @!p0 $0x0  }
0x12: {  	s1 =	sld [smem:$0x3F99];
	s0 =	simm.s32 @p0 $0x1  }
0x13: {  	[smem:$0x3FB4] =	sst s0;
	s0 =	simm.s32 @!p1 $0x0  }
0x14: {  	s2 =	sld [smem:$0x3F98];
	s0 =	simm.s32 @p1 $0x1  }
0x15: {  	[smem:$0x3FB5] =	sst s0;
	s0 =	simm.s32 @!p2 $0x0  }
0x16: {  	s3 =	sld [smem:$0x3FDB];
	s0 =	simm.s32 @p2 $0x1  }
0x17: {  	s4 =	simm.s32 $0x1BF5;
	[smem:$0x3FB7] =	sst s0  }
0x18: {  	s0 =	sld [smem:$0x3F9A];
	_ =	swait.ge [sflag:s4], $0x0  }
0x19: {  	s7 =	sld [smem:$0x3F9B]  }
0x1a: {  	s8 =	sadd.s32 $0xFFFFE003, lr  }
0x1b: {  	s9 =	sadd.s32 $0xFFFFFEF7, lr;
	s5 =	simm.s32 $0xFFFFFFFF;
	p2 =	slt.u32 s8, $0xFFFFF086  }
0x1c: {  	p1 =	slt.u32 s9, $0xF7A;
	s5 =	simm.s32 @!p2 $0x0  }
0x1d: {  	s5 =	simm.s32 @p1 $0x1;
	p0 =	seq.s32 s7, s2  }
0x1e: {  	s7 =	smul.u32 @!p0 $0xF7A, s2;
	p2 =	seq.s32 @!p0 s5, $0x0  }
0x1f: {  	s9 =	smul.u32 $0xF7A, s1;
	s8 =	simm.s32 @!p0 $0x1BF5;
	p2 =	por !p2, p0  }
0x20: {  	[sflag:s8] =	ssyncset.s32 @!p0 $0xFFFFF086;
	s6 =	sadd.s32 @!p0 s3, s7;
	s7 =	simm.s32 @!p0 $0x108  }
0x21: {  	s3 =	sadd.s32 s3, s9;
	s6 =	sadd.s32 @!p0 $0x88, s6;
	s7 =	simm.s32 @p2 $0x1082  }
0x22: {  	[simem:s7], [sflag:s8] =	dma.local @!p0 [hbm:s6], $0xF7A  }
0x23: {  	s9 =	sor.u32 $0xD0000000, s2;
	s6 =	simm.s32 $0x108;
	_ =	swait.ge @!p0 [sflag:s8], $0x0  }
0x24: {  	s3 =	sadd.s32 $0x88, s3;
	s6 =	simm.s32 @!p1 $0x1082;
	[sflag:s4] =	ssyncset.s32 $0xFFFFF086  }
0x25: {  	[simem:s6], [sflag:s4] =	dma.local [hbm:s3], $0xF7A  }
0x26: {  	[smem:$0x3F9B] =	sst s1;
	(tag) =	ssettag s2;
	_ =	strace s9  }
0x27: {  	s1 =	sld [smem:$0x3FAB]  }
0x28: {  	s2 =	sld [smem:$0x3FAC]  }
0x29: {  	s4 =	sld [smem:$0x3FAE]  }
0x2a: {  	p0 =	seq.s32 s5, $0x0;
	s5 =	sld [smem:$0x3FAF]  }
0x2b: {  	s6 =	sld [smem:$0x3FB0]  }
0x2c: {  	s7 =	sld [smem:$0x3FB1]  }
0x2d: {  	s3 =	simm.s32 $0x108;
	s8 =	sld [smem:$0x3FB2]  }
0x2e: {  	s3 =	simm.s32 @!p0 $0x1082;
	s9 =	sld [smem:$0x3FB3]  }
0x2f: {  	lr =	sadd.s32 s0, s3;
	s0 =	sld [smem:$0x3FAA]  }
0x30: {  	s3 =	sld [smem:$0x3FAD]  }
0x31: {  	[smem:$0x3FB6] =	sst s10  }
0x32: {  	s10 =	sld [smem:$0x3FB4];
	_ =	sdelay $0x3  }
0x33: {  	p0 =	seq.s32 s10, $0x1;
	s10 =	sld [smem:$0x3FB6];
	_ =	sdelay $0x3  }
0x34: {  	[smem:$0x3FB6] =	sst s10  }
0x35: {  	s10 =	sld [smem:$0x3FB5];
	_ =	sdelay $0x3  }
0x36: {  	p1 =	seq.s32 s10, $0x1;
	s10 =	sld [smem:$0x3FB6];
	_ =	sdelay $0x3  }
0x37: {  	[smem:$0x3FB6] =	sst s10  }
0x38: {  	s10 =	sld [smem:$0x3FB7]  }
0x39: {  	_ = 	snop;
	(pc) =	sbr.ind lr, $3  }
0x3a: {  	_ = 	snop  }
0x3b: {  	_ = 	snop  }
0x3c: {  	p2 =	seq.s32 s10, $0x1;
	s10 =	sld [smem:$0x3FB6]  }
0x3d: {  	_ =	shalt  }
0x3e: {  	_ =	shalt  }
0x3f: {  	_ =	shalt  }
0x40: {  	_ =	shalt  }
0x41: {  	_ =	shalt  }
0x42: {  	_ =	shalt  }
0x43: {  	_ =	shalt  }
0x44: {  	_ =	shalt  }
0x45: {  	_ =	shalt  }
0x46: {  	_ =	shalt  }
0x47: {  	_ =	shalt  }
0x48: {  	_ =	shalt  }
0x49: {  	_ =	shalt  }
0x4a: {  	_ =	shalt  }
0x4b: {  	_ =	shalt  }
0x4c: {  	_ =	shalt  }
0x4d: {  	_ =	shalt  }
0x4e: {  	_ =	shalt  }
0x4f: {  	_ =	shalt  }
0x50: {  	_ =	shalt  }
0x51: {  	_ =	shalt  }
0x52: {  	_ =	shalt  }
0x53: {  	_ =	shalt  }
0x54: {  	_ =	shalt  }
0x55: {  	_ =	shalt  }
0x56: {  	_ =	shalt  }
0x57: {  	_ =	shalt  }
0x58: {  	_ =	shalt  }
0x59: {  	_ =	shalt  }
0x5a: {  	_ =	shalt  }
0x5b: {  	_ =	shalt  }
0x5c: {  	_ =	shalt  }
0x5d: {  	_ =	shalt  }
0x5e: {  	_ =	shalt  }
0x5f: {  	_ =	shalt  }
0x60: {  	_ =	shalt  }
0x61: {  	_ =	shalt  }
0x62: {  	_ =	shalt  }
0x63: {  	_ =	shalt  }
0x64: {  	_ =	shalt  }
0x65: {  	_ =	shalt  }
0x66: {  	_ =	shalt  }
0x67: {  	_ =	shalt  }
0x68: {  	_ =	shalt  }
0x69: {  	_ =	shalt  }
0x6a: {  	_ =	shalt  }
0x6b: {  	_ =	shalt  }
0x6c: {  	_ =	shalt  }
0x6d: {  	_ =	shalt  }
0x6e: {  	_ =	shalt  }
0x6f: {  	_ =	shalt  }
0x70: {  	_ =	shalt  }
0x71: {  	_ =	shalt  }
0x72: {  	_ =	shalt  }
0x73: {  	_ =	shalt  }
0x74: {  	_ =	shalt  }
0x75: {  	_ =	shalt  }
0x76: {  	_ =	shalt  }
0x77: {  	_ =	shalt  }
0x78: {  	_ =	shalt  }
0x79: {  	_ =	shalt  }
0x7a: {  	_ =	shalt  }
0x7b: {  	_ =	shalt  }
0x7c: {  	_ =	shalt  }
0x7d: {  	_ =	shalt  }
0x7e: {  	_ =	shalt  }
0x7f: {  	_ =	shalt  }
0x80: {  	_ =	shalt  }
0x81: {  	_ =	shalt  }
0x82: {  	_ =	shalt  }
0x83: {  	_ =	shalt  }
0x84: {  	_ =	shalt  }
0x85: {  	_ =	shalt  }
0x86: {  	_ =	shalt  }
0x87: {  	_ =	shalt  }
.Lfunc_end0:
.L_simem_size_0:
called_computation.1_lowered:
.L_overlay_start_0:
0x88: {  	s2 =	sld [smem:$0x3FD9]  }
0x89: {  	s3 =	sld [smem:$0x3FFE];
	_ =	sdelay $0x1  }
0x8a: {  	s1 =	srdreg.scid  }
0x8b: {  	s0 =	sand.u32 $0x1, s1  }
0x8c: {  	s17 =	sshll.u32 s0, $0xA;
	s2 =	sadd.s32 s3, s2  }
0x8d: {  	s2 =	sadd.s32 s2, s17  }
0x8e: {  	[smem:$0x3FC2] =	sst s2  }
0x8f: {  	_ = 	snop  }
0x90: {  	s2 =	sld [smem:$0x3FD0];
	(tm) =	ssettm $0x1  }
0x91: {  	s18 =	sld [smem:$0x3FFB];
	_ =	sdelay $0x3  }
0x92: {  	_ =	strace s18  }
0x93: {  	s3 =	sld [smem:$0x3FFC];
	_ =	sdelay $0x3  }
0x94: {  	_ =	strace s3  }
0x95: {  	s3 =	sld [smem:$0x3FFD];
	_ =	sdelay $0x3  }
0x96: {  	_ =	strace s3  }
0x97: {  	_ =	strace $0x8FFFFFFF  }
0x98: {  	s19 =	sld [smem:$0x3FDB];
	_ =	sdelay $0x1  }
0x99: {  	s4 =	simm.s32 $_scs_section_size  }
0x9a: {  	s5 =	simm.s32 $_size__tile_overlayer_lowered;
	s6 =	simm.s32 $_tile_overlayer_lowered  }
0x9b: {  	s22 =	simm.s32 $0x1BFF;
	s21 =	sshll.u32 s6, $0x1;
	s3 =	sadd.s32 s4, s19  }
0x9c: {  	s7 =	simm.s32 $0x0;
	s20 =	sshll.u32 s5, $0x1;
	s5 =	sadd.s32 s21, s3  }
0x9d: {  	[timem:s7], [sflag:s22] =	dma.local [hbm:s5], s20  }
0x9e: {  	_ =	swait.ge [sflag:s22], s20  }
0x9f: {  	s4 =	ssub.s32 $0x0, s20;
	[sflag:s22] =	ssyncset.done $0x0  }
0xa0: {  	[sflag:s22] =	ssyncadd.s32 s4;
	_ =	sdelay $0x1  }
0xa1: {  	s23 =	simm.s32 $0x1B8B  }
0xa2: {  	_ =	swait.ge [sflag:s23], $0x1  }
0xa3: {  	[sflag:s23] =	ssyncset.done $0x0  }
0xa4: {  	s25 =	simm.s32 $0x1B8E;
	s24 =	sld [smem:$0x3FFE];
	[sflag:s23] =	ssyncadd.s32 $0xFFFFFFFF  }
0xa5: {  	s26 =	simm.s32 $execute0_lowered;
	[smem:$0x3FD2] =	sst s25  }
0xa6: {  	s5 =	sshll.u32 s26, $0x1;
	_ =	strace $0x80000049;
	[dreg:$0x1] =	wrdreg $0xFFFFFFFF  }
0xa7: {  	s28 =	simm.s32 $_size_execute0_lowered;
	s3 =	sadd.s32 s3, s5;
	[dreg:$0x0] =	wrdreg $0x0  }
0xa8: {  	s5 =	sshll.u32 s28, $0x1;
	[dreg:$0x2] =	wrdreg s3  }
0xa9: {  	[dreg:$0x3] =	wrdreg s5  }
0xaa: {  	[dreg:$0x4] =	wrdreg $0xC0  }
0xab: {  	_ =	task [dreg:s7], $0x5FFFF  }
0xac: {  	[dreg:$0x1] =	wrdreg $0xFFFFFFFF  }
0xad: {  	[dreg:$0x0] =	wrdreg $0x60  }
0xae: {  	[dreg:$0x2] =	wrdreg s24  }
0xaf: {  	[dreg:$0x3] =	wrdreg s2  }
0xb0: {  	[dreg:$0x4] =	wrdreg $0x0  }
0xb1: {  	[dreg:$0x5] =	wrdreg $0x9  }
0xb2: {  	_ =	task.clear_ibuf [dreg:s7], $0x6FFFF;
	_ =	strace $0x90000049  }
0xb3: {  	s29 =	simm.s32 $0x9;
	_ =	strace $0x8000004B  }
0xb4: {  	_ =	swait.ge [sflag:s29], $0x1  }
0xb5: {  	[sflag:s29] =	ssyncadd.s32 $0xFFFFFFFF  }
0xb6: {  	_ =	strace $0x9000004B  }
0xb7: {  	_ =	sfence  }
0xb8: {  	s30 =	sld [smem:$0x0];
	_ =	sdelay $0x2  }
0xb9: {  	s31 =	sshll.u32 s1, $0xD;
	s1 =	sshrl.u32 s1, $0x2  }
0xba: {  	s3 =	sand.u32 $0x4000, s31;
	s1 =	sadd.s32 s1, s30  }
0xbb: {  	s0 =	sor.u32 s3, s0;
	s1 =	sshll.u32 s1, $0x11  }
0xbc: {  	s0 =	sor.u32 s1, s0  }
0xbd: {  	s0 =	sadd.s32 $0x8F2B, s0  }
0xbe: {  	[sflag:s0] =	ssyncadd.remote.s32 $0x1  }
0xbf: {  	_ =	sfence.sel $0xFFFF  }
0xc0: {  	[dreg:$0x0] =	wrdreg $0xFFFFFFFF;
	(pc) =	sbr.abs _section_cstart, $3  }
0xc1: {  	[dreg:$0x1] =	wrdreg $0xFFFFFFFF  }
0xc2: {  	_ =	task.clear_ibuf [dreg:s7], $0x2FFFF;
	_ =	strace $0x9FFFFFFF  }
0xc3: {  	(tm) =	ssettm $0x7FFFFFFF  }
tec
execute0_lowered:
.L_overlay_start_1:
0x0: {  	(tag) =	ssettag $0x1  }
0x1: {  	s0 =	rddreg [dreg:$0x0]  }
0x2: {  	s3 =	rddreg [dreg:$0x2]  }
0x3: {  	s1 =	srdreg.scid;
	s10 =	stileid.u32;
	s4 =	simm.s32 $0x0  }
0x4: {  	s11 =	simm.s32 $0x18880;
	s12 =	simm.s32 $0x18900;
	s13 =	simm.s32 $0x18980  }
0x5: {  	s14 =	simm.s32 $0x18A00;
	s15 =	simm.s32 $0x18A80;
	s16 =	simm.s32 $0x18B00  }
0x6: {  	s17 =	simm.s32 $0x18B80;
	s18 =	simm.s32 $0x18C00;
	s19 =	simm.s32 $0x18C80  }
0x7: {  	s20 =	simm.s32 $0x18D00;
	s21 =	simm.s32 $0x18D80;
	[smem:$0x7FF] =	sst s4  }
0x8: {  	s22 =	simm.s32 $0x18E80;
	_ =	strace $0x8000004A;
	[dreg:$0x6] =	wrdreg s11  }
0x9: {  	s23 =	simm.s32 $0x18F00;
	s24 =	simm.s32 $0x18F80;
	[dreg:$0x7] =	wrdreg s12  }
0xa: {  	s25 =	simm.s32 $0x19000;
	s26 =	simm.s32 $0x19080;
	[dreg:$0x8] =	wrdreg s13  }
0xb: {  	s28 =	simm.s32 $0x2;
	s29 =	simm.s32 $0x19100;
	[dreg:$0x9] =	wrdreg s14  }
0xc: {  	s30 =	simm.s32 $0x19180;
	s2 =	smul.u32 $0x18800, s10;
	[dreg:$0xa] =	wrdreg s15  }
0xd: {  	s1 =	sand.u32 $0x1, s1;
	s9 =	smul.u32 $0x6300, s10;
	[dreg:$0xb] =	wrdreg s16  }
0xe: {  	s31 =	simm.s32 $0x19200;
	s6 =	smul.u32 $0x188000, s1;
	[dreg:$0xc] =	wrdreg s17  }
0xf: {  	s5 =	sadd.s32 $0x2000, s0;
	s7 =	smul.u32 $0x63000, s1;
	[dreg:$0xd] =	wrdreg s18  }
0x10: {  	s1 =	ssub.s32 $0x2, s1;
	s11 =	simm.s32 $0x18800;
	[dreg:$0xe] =	wrdreg s19  }
0x11: {  	s12 =	simm.s32 $0x18E00;
	s13 =	simm.s32 $0x1;
	[dreg:$0xf] =	wrdreg s20  }
0x12: {  	s14 =	simm.s32 $0x80;
	s15 =	simm.s32 $0x19400;
	[dreg:$0x10] =	wrdreg s21  }
0x13: {  	s16 =	simm.s32 $0x19C00;
	s17 =	simm.s32 $0x1A400;
	[dreg:$0x11] =	wrdreg s22  }
0x14: {  	s18 =	simm.s32 $0x1AC00;
	s19 =	simm.s32 $0x1B400;
	[dreg:$0x12] =	wrdreg s23  }
0x15: {  	s20 =	simm.s32 $0x1BC00;
	s21 =	simm.s32 $0x1C400;
	[dreg:$0x13] =	wrdreg s24  }
0x16: {  	s22 =	simm.s32 $0x1CC00;
	s23 =	simm.s32 $0x1D400;
	[dreg:$0x14] =	wrdreg s25  }
0x17: {  	s24 =	simm.s32 $0x1DC00;
	[dreg:$0x15] =	wrdreg s26;
	s25 =	simm.s32 $0x1E400  }
0x18: {  	s26 =	simm.s32 $0x1EC00;
	s8 =	sshrl.u32 s1, $0x1;
	s6 =	sadd.s32 s2, s6  }
0x19: {  	s7 =	sadd.s32 s7, s0;
	s1 =	ssub.s32 s1, s8;
	s2 =	sadd.s32 s2, s3  }
0x1a: {  	s8 =	sshll.u32 s10, $0x6;
	s6 =	sshrl.u32 s6, $0x3;
	s1 =	smax.u32 s1, $0x1  }
0x1b: {  	s7 =	sadd.s32 s9, s7;
	s8 =	sor.u32 $0x1C04, s8;
	[dreg:$0x18] =	wrdreg s1  }
0x1c: {  	s0 =	sadd.s32 s6, s0;
	s9 =	sadd.s32 $0xC5600, s7;
	[dreg:$0x16] =	wrdreg s8  }
0x1d: {  	s10 =	sadd.s32 $0x18B600, s7;
	s7 =	sshrl.u32 s2, $0x3;
	[dreg:$0x4] =	wrdreg s9  }
0x1e: {  	s1 =	simm.s32 $0x19300;
	s2 =	simm.s32 $0x19380;
	[dreg:$0x5] =	wrdreg s10  }
0x1f: {  	s0 =	sadd.s32 $0x33000, s0;
	s9 =	simm.s32 $0x4;
	[dreg:$0x19] =	wrdreg s7  }
0x20: {  	s10 =	simm.s32 $0x0;
	[dreg:$0x17] =	wrdreg s0;
	s0 =	simm.s32 $0x19280  }
.LBB2_1:
0x21: {  	[dreg:$0x1a] =	wrdreg s10  }
0x22: {  	s6 =	rddreg [dreg:$0x1]  }
0x23: {  	[spmem:s7], [sflag:s8] =	dma.local [hbm:s6], $0x3100  }
0x24: {  	_ =	swait.ge [sflag:s9], $0x3100  }
0x25: {  	[sflag:s9] =	ssyncset.done $0x0  }
0x26: {  	p0 =	por $0x1, $0x1;
	[sflag:s9] =	ssyncadd.s32 $0xFFFFCF00  }
0x27: {  	s6 =	simm.s32 @!p0 $0x3;
	[bflag:$0x0] =	sbarrier.arrive $0xFFFF  }
0x28: {  	_ =	swait.ge @!p0 [sflag:s6], $0x800  }
0x29: {  	[sflag:s6] =	ssyncset.done @!p0 $0x0  }
0x2a: {  	[sflag:s6] =	ssyncadd.s32 @!p0 $0xFFFFF800  }
0x2b: {  	_ =	swait.ge @!p0 [sflag:s6], $0x800  }
0x2c: {  	[sflag:s6] =	ssyncset.done @!p0 $0x0  }
0x2d: {  	[sflag:s6] =	ssyncadd.s32 @!p0 $0xFFFFF800  }
0x2e: {  	_ =	swait.ge @!p0 [sflag:s6], $0x800  }
0x2f: {  	[sflag:s6] =	ssyncset.done @!p0 $0x0  }
0x30: {  	[sflag:s6] =	ssyncadd.s32 @!p0 $0xFFFFF800  }
0x31: {  	_ =	swait.ge @!p0 [sflag:s6], $0x800  }
0x32: {  	[sflag:s6] =	ssyncset.done @!p0 $0x0  }
0x33: {  	[sflag:s6] =	ssyncadd.s32 @!p0 $0xFFFFF800  }
0x34: {  	_ =	swait.ge @!p0 [sflag:s6], $0x800  }
0x35: {  	[sflag:s6] =	ssyncset.done @!p0 $0x0  }
0x36: {  	[sflag:s6] =	ssyncadd.s32 @!p0 $0xFFFFF800  }
0x37: {  	_ =	swait.ge @!p0 [sflag:s6], $0x800  }
0x38: {  	[sflag:s6] =	ssyncset.done @!p0 $0x0  }
0x39: {  	[sflag:s6] =	ssyncadd.s32 @!p0 $0xFFFFF800  }
0x3a: {  	_ =	swait.ge @!p0 [sflag:s6], $0x800  }
0x3b: {  	[sflag:s6] =	ssyncset.done @!p0 $0x0  }
0x3c: {  	[sflag:s6] =	ssyncadd.s32 @!p0 $0xFFFFF800  }
0x3d: {  	_ =	swait.ge @!p0 [sflag:s6], $0x800  }
0x3e: {  	[sflag:s6] =	ssyncset.done @!p0 $0x0  }
0x3f: {  	[sflag:s6] =	ssyncadd.s32 @!p0 $0xFFFFF800  }
0x40: {  	_ =	swait.ge @!p0 [sflag:s6], $0x800  }
0x41: {  	[sflag:s6] =	ssyncset.done @!p0 $0x0  }
0x42: {  	[sflag:s6] =	ssyncadd.s32 @!p0 $0xFFFFF800  }
0x43: {  	_ =	swait.ge @!p0 [sflag:s6], $0x800  }
0x44: {  	[sflag:s6] =	ssyncset.done @!p0 $0x0  }
0x45: {  	[sflag:s6] =	ssyncadd.s32 @!p0 $0xFFFFF800  }
0x46: {  	_ =	swait.ge @!p0 [sflag:s6], $0x800  }
0x47: {  	[sflag:s6] =	ssyncset.done @!p0 $0x0  }
0x48: {  	[sflag:s6] =	ssyncadd.s32 @!p0 $0xFFFFF800  }
0x49: {  	_ =	swait.ge @!p0 [sflag:s6], $0x800  }
0x4a: {  	s10 =	rddreg [dreg:$0x5];
	[sflag:s6] =	ssyncset.done @!p0 $0x0  }
0x4b: {  	s7 =	rddreg [dreg:$0x4];
	[sflag:s6] =	ssyncadd.s32 @!p0 $0xFFFFF800;
	s10 =	sadd.s32 $0x0, s10  }
0x4c: {  	[tilespmem:s11], [sflag:$0x1] =	stream.linear.gather [hbm4b:s10+s4], $0x600, $0x38;
	[tilespmem:$0x1F400] =	vst v63  }
0x4d: {  	s7 =	sadd.s32 $0x0, s7  }
0x4e: {  	[tilespmem:s12], [sflag:$0x1] =	stream.linear.gather [hbm4b:s7+s4], $0x600, $0x38;
	[tilespmem:$0x1F400] =	vst v63  }
0x4f: {  	_ =	swait.ge [sflag:s13], $0x600  }
0x50: {  	[sflag:s13] =	ssyncset.done $0x0  }
0x51: {  	[sflag:s13] =	ssyncadd.s32 $0xFFFFFA00  }
0x52: {  	_ =	swait.ge [sflag:s13], $0x600  }
0x53: {  	[sflag:s13] =	ssyncset.done $0x0  }
0x54: {  	[sflag:s13] =	ssyncadd.s32 $0xFFFFFA00  }
0x55: {  	[tilespmem:s15], [sflag:$0x2] =	stream.indirect.gather [hbm4b:s5+s14], $0x10, s11, s14, $0xb8;
	[tilespmem:$0x1F400] =	vst v63  }
0x56: {  	s8 =	rddreg [dreg:$0x6]  }
0x57: {  	[tilespmem:s16], [sflag:$0x2] =	stream.indirect.gather [hbm4b:s5+s14], $0x10, s8, s14, $0xb8;
	[tilespmem:$0x1F400] =	vst v63  }
0x58: {  	s9 =	rddreg [dreg:$0x7]  }
0x59: {  	[tilespmem:s17], [sflag:$0x2] =	stream.indirect.gather [hbm4b:s5+s14], $0x10, s9, s14, $0xb8;
	[tilespmem:$0x1F400] =	vst v63  }
0x5a: {  	s10 =	rddreg [dreg:$0x8]  }
0x5b: {  	[tilespmem:s18], [sflag:$0x2] =	stream.indirect.gather [hbm4b:s5+s14], $0x10, s10, s14, $0xb8;
	[tilespmem:$0x1F400] =	vst v63  }
0x5c: {  	s7 =	rddreg [dreg:$0x9]  }
0x5d: {  	[tilespmem:s19], [sflag:$0x2] =	stream.indirect.gather [hbm4b:s5+s14], $0x10, s7, s14, $0xb8;
	[tilespmem:$0x1F400] =	vst v63  }
0x5e: {  	s9 =	rddreg [dreg:$0xa]  }
0x5f: {  	[tilespmem:s20], [sflag:$0x2] =	stream.indirect.gather [hbm4b:s5+s14], $0x10, s9, s14, $0xb8;
	[tilespmem:$0x1F400] =	vst v63  }
0x60: {  	s10 =	rddreg [dreg:$0xb]  }
0x61: {  	[tilespmem:s21], [sflag:$0x2] =	stream.indirect.gather [hbm4b:s5+s14], $0x10, s10, s14, $0xb8;
	[tilespmem:$0x1F400] =	vst v63  }
0x62: {  	s7 =	rddreg [dreg:$0xc]  }
0x63: {  	[tilespmem:s22], [sflag:$0x2] =	stream.indirect.gather [hbm4b:s5+s14], $0x10, s7, s14, $0xb8;
	[tilespmem:$0x1F400] =	vst v63  }
0x64: {  	s9 =	rddreg [dreg:$0xd]  }
0x65: {  	[tilespmem:s23], [sflag:$0x2] =	stream.indirect.gather [hbm4b:s5+s14], $0x10, s9, s14, $0xb8;
	[tilespmem:$0x1F400] =	vst v63  }
0x66: {  	s10 =	rddreg [dreg:$0xe]  }
0x67: {  	[tilespmem:s24], [sflag:$0x2] =	stream.indirect.gather [hbm4b:s5+s14], $0x10, s10, s14, $0xb8;
	[tilespmem:$0x1F400] =	vst v63  }
0x68: {  	s7 =	rddreg [dreg:$0xf]  }
0x69: {  	[tilespmem:s25], [sflag:$0x2] =	stream.indirect.gather [hbm4b:s5+s14], $0x10, s7, s14, $0xb8;
	[tilespmem:$0x1F400] =	vst v63  }
0x6a: {  	s9 =	rddreg [dreg:$0x10]  }
0x6b: {  	[tilespmem:s26], [sflag:$0x2] =	stream.indirect.gather [hbm4b:s5+s14], $0x10, s9, s14, $0xb8;
	[tilespmem:$0x1F400] =	vst v63  }
0x6c: {  	_ =	swait.ge [sflag:s28], $0x800  }
0x6d: {  	[sflag:s28] =	ssyncset.done $0x0  }
0x6e: {  	[sflag:s28] =	ssyncadd.s32 $0xFFFFF800  }
0x6f: {  	[spmem:s3] =	stream.indirect.scatter.add.f32 [tilespmem:s15], [sflag:$0x3], $0x10, s12, s14, $0xb8;
	[tilespmem:$0x1F400] =	vst v63  }
0x70: {  	_ =	swait.ge [sflag:s28], $0x800  }
0x71: {  	[sflag:s28] =	ssyncset.done $0x0  }
0x72: {  	s10 =	rddreg [dreg:$0x11];
	[sflag:s28] =	ssyncadd.s32 $0xFFFFF800  }
0x73: {  	[spmem:s3] =	stream.indirect.scatter.add.f32 [tilespmem:s16], [sflag:$0x3], $0x10, s10, s14, $0xb8;
	[tilespmem:$0x1F400] =	vst v63  }
0x74: {  	_ =	swait.ge [sflag:s28], $0x800  }
0x75: {  	[sflag:s28] =	ssyncset.done $0x0  }
0x76: {  	s7 =	rddreg [dreg:$0x12];
	[sflag:s28] =	ssyncadd.s32 $0xFFFFF800  }
0x77: {  	[spmem:s3] =	stream.indirect.scatter.add.f32 [tilespmem:s17], [sflag:$0x3], $0x10, s7, s14, $0xb8;
	[tilespmem:$0x1F400] =	vst v63  }
0x78: {  	_ =	swait.ge [sflag:s28], $0x800  }
0x79: {  	[sflag:s28] =	ssyncset.done $0x0  }
0x7a: {  	s8 =	rddreg [dreg:$0x13];
	[sflag:s28] =	ssyncadd.s32 $0xFFFFF800  }
0x7b: {  	[spmem:s3] =	stream.indirect.scatter.add.f32 [tilespmem:s18], [sflag:$0x3], $0x10, s8, s14, $0xb8;
	[tilespmem:$0x1F400] =	vst v63  }
0x7c: {  	_ =	swait.ge [sflag:s28], $0x800  }
0x7d: {  	[sflag:s28] =	ssyncset.done $0x0  }
0x7e: {  	s9 =	rddreg [dreg:$0x14];
	[sflag:s28] =	ssyncadd.s32 $0xFFFFF800  }
0x7f: {  	[spmem:s3] =	stream.indirect.scatter.add.f32 [tilespmem:s19], [sflag:$0x3], $0x10, s9, s14, $0xb8;
	[tilespmem:$0x1F400] =	vst v63  }
0x80: {  	_ =	swait.ge [sflag:s28], $0x800  }
0x81: {  	[sflag:s28] =	ssyncset.done $0x0  }
0x82: {  	s10 =	rddreg [dreg:$0x15];
	[sflag:s28] =	ssyncadd.s32 $0xFFFFF800  }
0x83: {  	[spmem:s3] =	stream.indirect.scatter.add.f32 [tilespmem:s20], [sflag:$0x3], $0x10, s10, s14, $0xb8;
	[tilespmem:$0x1F400] =	vst v63  }
0x84: {  	_ =	swait.ge [sflag:s28], $0x800  }
0x85: {  	[sflag:s28] =	ssyncset.done $0x0  }
0x86: {  	[sflag:s28] =	ssyncadd.s32 $0xFFFFF800  }
0x87: {  	[spmem:s3] =	stream.indirect.scatter.add.f32 [tilespmem:s21], [sflag:$0x3], $0x10, s29, s14, $0xb8;
	[tilespmem:$0x1F400] =	vst v63  }
0x88: {  	_ =	swait.ge [sflag:s28], $0x800  }
0x89: {  	[sflag:s28] =	ssyncset.done $0x0  }
0x8a: {  	[sflag:s28] =	ssyncadd.s32 $0xFFFFF800  }
0x8b: {  	[spmem:s3] =	stream.indirect.scatter.add.f32 [tilespmem:s22], [sflag:$0x3], $0x10, s30, s14, $0xb8;
	[tilespmem:$0x1F400] =	vst v63  }
0x8c: {  	_ =	swait.ge [sflag:s28], $0x800  }
0x8d: {  	[sflag:s28] =	ssyncset.done $0x0  }
0x8e: {  	[sflag:s28] =	ssyncadd.s32 $0xFFFFF800  }
0x8f: {  	[spmem:s3] =	stream.indirect.scatter.add.f32 [tilespmem:s23], [sflag:$0x3], $0x10, s31, s14, $0xb8;
	[tilespmem:$0x1F400] =	vst v63  }
0x90: {  	_ =	swait.ge [sflag:s28], $0x800  }
0x91: {  	[sflag:s28] =	ssyncset.done $0x0  }
0x92: {  	[sflag:s28] =	ssyncadd.s32 $0xFFFFF800  }
0x93: {  	[spmem:s3] =	stream.indirect.scatter.add.f32 [tilespmem:s24], [sflag:$0x3], $0x10, s0, s14, $0xb8;
	[tilespmem:$0x1F400] =	vst v63  }
0x94: {  	_ =	swait.ge [sflag:s28], $0x800  }
0x95: {  	[sflag:s28] =	ssyncset.done $0x0  }
0x96: {  	[sflag:s28] =	ssyncadd.s32 $0xFFFFF800  }
0x97: {  	[spmem:s3] =	stream.indirect.scatter.add.f32 [tilespmem:s25], [sflag:$0x3], $0x10, s1, s14, $0xb8;
	[tilespmem:$0x1F400] =	vst v63  }
0x98: {  	p1 =	por $0x0, $0x0;
	_ =	swait.ge [sflag:s28], $0x800  }
0x99: {  	s6 =	simm.s32 $0xC0;
	s9 =	simm.s32 $0x180;
	[sflag:s28] =	ssyncset.done $0x0  }
.LBB2_2:
0x9a: {  	s8 =	simm.s32 @!p1 $0x3;
	[sflag:s28] =	ssyncadd.s32 $0xFFFFF800  }
0x9b: {  	[spmem:s3] =	stream.indirect.scatter.add.f32 [tilespmem:s26], [sflag:$0x3], $0x10, s2, s14, $0xb8;
	[tilespmem:$0x1F400] =	vst v63  }
0x9c: {  	_ =	swait.ge @!p1 [sflag:s8], $0x800  }
0x9d: {  	[sflag:s8] =	ssyncset.done @!p1 $0x0  }
0x9e: {  	[sflag:s8] =	ssyncadd.s32 @!p1 $0xFFFFF800  }
0x9f: {  	_ =	swait.ge @!p1 [sflag:s8], $0x800  }
0xa0: {  	[sflag:s8] =	ssyncset.done @!p1 $0x0  }
0xa1: {  	[sflag:s8] =	ssyncadd.s32 @!p1 $0xFFFFF800  }
0xa2: {  	_ =	swait.ge @!p1 [sflag:s8], $0x800  }
0xa3: {  	[sflag:s8] =	ssyncset.done @!p1 $0x0  }
0xa4: {  	[sflag:s8] =	ssyncadd.s32 @!p1 $0xFFFFF800  }
0xa5: {  	_ =	swait.ge @!p1 [sflag:s8], $0x800  }
0xa6: {  	[sflag:s8] =	ssyncset.done @!p1 $0x0  }
0xa7: {  	[sflag:s8] =	ssyncadd.s32 @!p1 $0xFFFFF800  }
0xa8: {  	_ =	swait.ge @!p1 [sflag:s8], $0x800  }
0xa9: {  	[sflag:s8] =	ssyncset.done @!p1 $0x0  }
0xaa: {  	[sflag:s8] =	ssyncadd.s32 @!p1 $0xFFFFF800  }
0xab: {  	_ =	swait.ge @!p1 [sflag:s8], $0x800  }
0xac: {  	[sflag:s8] =	ssyncset.done @!p1 $0x0  }
0xad: {  	[sflag:s8] =	ssyncadd.s32 @!p1 $0xFFFFF800  }
0xae: {  	_ =	swait.ge @!p1 [sflag:s8], $0x800  }
0xaf: {  	[sflag:s8] =	ssyncset.done @!p1 $0x0  }
0xb0: {  	[sflag:s8] =	ssyncadd.s32 @!p1 $0xFFFFF800  }
0xb1: {  	_ =	swait.ge @!p1 [sflag:s8], $0x800  }
0xb2: {  	[sflag:s8] =	ssyncset.done @!p1 $0x0  }
0xb3: {  	[sflag:s8] =	ssyncadd.s32 @!p1 $0xFFFFF800  }
0xb4: {  	_ =	swait.ge @!p1 [sflag:s8], $0x800  }
0xb5: {  	[sflag:s8] =	ssyncset.done @!p1 $0x0  }
0xb6: {  	[sflag:s8] =	ssyncadd.s32 @!p1 $0xFFFFF800  }
0xb7: {  	_ =	swait.ge @!p1 [sflag:s8], $0x800  }
0xb8: {  	[sflag:s8] =	ssyncset.done @!p1 $0x0  }
0xb9: {  	[sflag:s8] =	ssyncadd.s32 @!p1 $0xFFFFF800  }
0xba: {  	_ =	swait.ge @!p1 [sflag:s8], $0x800  }
0xbb: {  	[sflag:s8] =	ssyncset.done @!p1 $0x0  }
0xbc: {  	[sflag:s8] =	ssyncadd.s32 @!p1 $0xFFFFF800  }
0xbd: {  	_ =	swait.ge @!p1 [sflag:s8], $0x800  }
0xbe: {  	[sflag:s8] =	ssyncset.done @!p1 $0x0;
	s7 =	rddreg [dreg:$0x5]  }
0xbf: {  	[sflag:s8] =	ssyncadd.s32 @!p1 $0xFFFFF800;
	s8 =	rddreg [dreg:$0x4];
	s7 =	sadd.s32 s6, s7  }
0xc0: {  	[tilespmem:s11], [sflag:$0x1] =	stream.linear.gather [hbm4b:s7+s4], $0x600, $0x38;
	[tilespmem:$0x1F400] =	vst v63  }
0xc1: {  	s8 =	sadd.s32 s6, s8  }
0xc2: {  	[tilespmem:s12], [sflag:$0x1] =	stream.linear.gather [hbm4b:s8+s4], $0x600, $0x38;
	[tilespmem:$0x1F400] =	vst v63  }
0xc3: {  	_ =	swait.ge [sflag:s13], $0x600  }
0xc4: {  	[sflag:s13] =	ssyncset.done $0x0  }
0xc5: {  	[sflag:s13] =	ssyncadd.s32 $0xFFFFFA00  }
0xc6: {  	_ =	swait.ge [sflag:s13], $0x600  }
0xc7: {  	[sflag:s13] =	ssyncset.done $0x0  }
0xc8: {  	s10 =	smov.u32 s9;
	[sflag:s13] =	ssyncadd.s32 $0xFFFFFA00  }
0xc9: {  	[tilespmem:s15], [sflag:$0x2] =	stream.indirect.gather [hbm4b:s5+s14], $0x10, s11, s14, $0xb8;
	[tilespmem:$0x1F400] =	vst v63  }
0xca: {  	s6 =	smov.u32 s10;
	s10 =	rddreg [dreg:$0x6]  }
0xcb: {  	[tilespmem:s16], [sflag:$0x2] =	stream.indirect.gather [hbm4b:s5+s14], $0x10, s10, s14, $0xb8;
	[tilespmem:$0x1F400] =	vst v63  }
0xcc: {  	s8 =	rddreg [dreg:$0x7]  }
0xcd: {  	[tilespmem:s17], [sflag:$0x2] =	stream.indirect.gather [hbm4b:s5+s14], $0x10, s8, s14, $0xb8;
	[tilespmem:$0x1F400] =	vst v63  }
0xce: {  	s10 =	rddreg [dreg:$0x8]  }
0xcf: {  	[tilespmem:s18], [sflag:$0x2] =	stream.indirect.gather [hbm4b:s5+s14], $0x10, s10, s14, $0xb8;
	[tilespmem:$0x1F400] =	vst v63  }
0xd0: {  	s8 =	rddreg [dreg:$0x9]  }
0xd1: {  	[tilespmem:s19], [sflag:$0x2] =	stream.indirect.gather [hbm4b:s5+s14], $0x10, s8, s14, $0xb8;
	[tilespmem:$0x1F400] =	vst v63  }
0xd2: {  	s10 =	rddreg [dreg:$0xa]  }
0xd3: {  	[tilespmem:s20], [sflag:$0x2] =	stream.indirect.gather [hbm4b:s5+s14], $0x10, s10, s14, $0xb8;
	[tilespmem:$0x1F400] =	vst v63  }
0xd4: {  	s8 =	rddreg [dreg:$0xb]  }
0xd5: {  	[tilespmem:s21], [sflag:$0x2] =	stream.indirect.gather [hbm4b:s5+s14], $0x10, s8, s14, $0xb8;
	[tilespmem:$0x1F400] =	vst v63  }
0xd6: {  	s10 =	rddreg [dreg:$0xc]  }
0xd7: {  	[tilespmem:s22], [sflag:$0x2] =	stream.indirect.gather [hbm4b:s5+s14], $0x10, s10, s14, $0xb8;
	[tilespmem:$0x1F400] =	vst v63  }
0xd8: {  	s8 =	rddreg [dreg:$0xd]  }
0xd9: {  	[tilespmem:s23], [sflag:$0x2] =	stream.indirect.gather [hbm4b:s5+s14], $0x10, s8, s14, $0xb8;
	[tilespmem:$0x1F400] =	vst v63  }
0xda: {  	s10 =	rddreg [dreg:$0xe]  }
0xdb: {  	[tilespmem:s24], [sflag:$0x2] =	stream.indirect.gather [hbm4b:s5+s14], $0x10, s10, s14, $0xb8;
	[tilespmem:$0x1F400] =	vst v63  }
0xdc: {  	s8 =	rddreg [dreg:$0xf]  }
0xdd: {  	[tilespmem:s25], [sflag:$0x2] =	stream.indirect.gather [hbm4b:s5+s14], $0x10, s8, s14, $0xb8;
	[tilespmem:$0x1F400] =	vst v63  }
0xde: {  	s10 =	rddreg [dreg:$0x10]  }
0xdf: {  	[tilespmem:s26], [sflag:$0x2] =	stream.indirect.gather [hbm4b:s5+s14], $0x10, s10, s14, $0xb8;
	[tilespmem:$0x1F400] =	vst v63  }
0xe0: {  	_ =	swait.ge [sflag:s28], $0x800  }
0xe1: {  	[sflag:s28] =	ssyncset.done $0x0  }
0xe2: {  	[sflag:s28] =	ssyncadd.s32 $0xFFFFF800  }
0xe3: {  	[spmem:s3] =	stream.indirect.scatter.add.f32 [tilespmem:s15], [sflag:$0x3], $0x10, s12, s14, $0xb8;
	[tilespmem:$0x1F400] =	vst v63  }
0xe4: {  	_ =	swait.ge [sflag:s28], $0x800  }
0xe5: {  	[sflag:s28] =	ssyncset.done $0x0  }
0xe6: {  	s10 =	rddreg [dreg:$0x11];
	[sflag:s28] =	ssyncadd.s32 $0xFFFFF800  }
0xe7: {  	[spmem:s3] =	stream.indirect.scatter.add.f32 [tilespmem:s16], [sflag:$0x3], $0x10, s10, s14, $0xb8;
	[tilespmem:$0x1F400] =	vst v63  }
0xe8: {  	_ =	swait.ge [sflag:s28], $0x800  }
0xe9: {  	[sflag:s28] =	ssyncset.done $0x0  }
0xea: {  	s8 =	rddreg [dreg:$0x12];
	[sflag:s28] =	ssyncadd.s32 $0xFFFFF800  }
0xeb: {  	[spmem:s3] =	stream.indirect.scatter.add.f32 [tilespmem:s17], [sflag:$0x3], $0x10, s8, s14, $0xb8;
	[tilespmem:$0x1F400] =	vst v63  }
0xec: {  	_ =	swait.ge [sflag:s28], $0x800  }
0xed: {  	[sflag:s28] =	ssyncset.done $0x0  }
0xee: {  	s10 =	rddreg [dreg:$0x13];
	[sflag:s28] =	ssyncadd.s32 $0xFFFFF800  }
0xef: {  	[spmem:s3] =	stream.indirect.scatter.add.f32 [tilespmem:s18], [sflag:$0x3], $0x10, s10, s14, $0xb8;
	[tilespmem:$0x1F400] =	vst v63  }
0xf0: {  	_ =	swait.ge [sflag:s28], $0x800  }
0xf1: {  	[sflag:s28] =	ssyncset.done $0x0  }
0xf2: {  	s8 =	rddreg [dreg:$0x14];
	[sflag:s28] =	ssyncadd.s32 $0xFFFFF800  }
0xf3: {  	[spmem:s3] =	stream.indirect.scatter.add.f32 [tilespmem:s19], [sflag:$0x3], $0x10, s8, s14, $0xb8;
	[tilespmem:$0x1F400] =	vst v63  }
0xf4: {  	_ =	swait.ge [sflag:s28], $0x800  }
0xf5: {  	[sflag:s28] =	ssyncset.done $0x0  }
0xf6: {  	s10 =	rddreg [dreg:$0x15];
	[sflag:s28] =	ssyncadd.s32 $0xFFFFF800  }
0xf7: {  	[spmem:s3] =	stream.indirect.scatter.add.f32 [tilespmem:s20], [sflag:$0x3], $0x10, s10, s14, $0xb8;
	[tilespmem:$0x1F400] =	vst v63  }
0xf8: {  	_ =	swait.ge [sflag:s28], $0x800  }
0xf9: {  	[sflag:s28] =	ssyncset.done $0x0  }
0xfa: {  	[sflag:s28] =	ssyncadd.s32 $0xFFFFF800  }
0xfb: {  	[spmem:s3] =	stream.indirect.scatter.add.f32 [tilespmem:s21], [sflag:$0x3], $0x10, s29, s14, $0xb8;
	[tilespmem:$0x1F400] =	vst v63  }
0xfc: {  	_ =	swait.ge [sflag:s28], $0x800  }
0xfd: {  	[sflag:s28] =	ssyncset.done $0x0  }
0xfe: {  	[sflag:s28] =	ssyncadd.s32 $0xFFFFF800  }
0xff: {  	[spmem:s3] =	stream.indirect.scatter.add.f32 [tilespmem:s22], [sflag:$0x3], $0x10, s30, s14, $0xb8;
	[tilespmem:$0x1F400] =	vst v63  }
0x100: {  	_ =	swait.ge [sflag:s28], $0x800  }
0x101: {  	[sflag:s28] =	ssyncset.done $0x0  }
0x102: {  	[sflag:s28] =	ssyncadd.s32 $0xFFFFF800  }
0x103: {  	[spmem:s3] =	stream.indirect.scatter.add.f32 [tilespmem:s23], [sflag:$0x3], $0x10, s31, s14, $0xb8;
	[tilespmem:$0x1F400] =	vst v63  }
0x104: {  	_ =	swait.ge [sflag:s28], $0x800  }
0x105: {  	[sflag:s28] =	ssyncset.done $0x0  }
0x106: {  	s9 =	sadd.s32 $0xC0, s9;
	[sflag:s28] =	ssyncadd.s32 $0xFFFFF800  }
0x107: {  	[spmem:s3] =	stream.indirect.scatter.add.f32 [tilespmem:s24], [sflag:$0x3], $0x10, s0, s14, $0xb8;
	[tilespmem:$0x1F400] =	vst v63  }
0x108: {  	p0 =	sne.s32 s9, $0x6300;
	_ =	swait.ge [sflag:s28], $0x800  }
.Ltmp0:
0x109: {  	[sflag:s28] =	ssyncset.done $0x0;
	(pc) =	sbr.rel @p0 .LBB2_2-.Ltmp0, $4  }
0x10a: {  	[sflag:s28] =	ssyncadd.s32 $0xFFFFF800  }
0x10b: {  	[spmem:s3] =	stream.indirect.scatter.add.f32 [tilespmem:s25], [sflag:$0x3], $0x10, s1, s14, $0xb8;
	[tilespmem:$0x1F400] =	vst v63  }
0x10c: {  	_ =	swait.ge [sflag:s28], $0x800  }
0x10d: {  	p1 =	seq.s32 s6, $0x0;
	[sflag:s28] =	ssyncset.done $0x0  }
0x10e: {  	s7 =	simm.s32 @!p1 $0x3;
	[sflag:s28] =	ssyncadd.s32 $0xFFFFF800  }
0x10f: {  	[spmem:s3] =	stream.indirect.scatter.add.f32 [tilespmem:s26], [sflag:$0x3], $0x10, s2, s14, $0xb8;
	[tilespmem:$0x1F400] =	vst v63  }
0x110: {  	_ =	swait.ge @!p1 [sflag:s7], $0x800  }
0x111: {  	[sflag:s7] =	ssyncset.done @!p1 $0x0  }
0x112: {  	[sflag:s7] =	ssyncadd.s32 @!p1 $0xFFFFF800  }
0x113: {  	_ =	swait.ge @!p1 [sflag:s7], $0x800  }
0x114: {  	[sflag:s7] =	ssyncset.done @!p1 $0x0  }
0x115: {  	[sflag:s7] =	ssyncadd.s32 @!p1 $0xFFFFF800  }
0x116: {  	_ =	swait.ge @!p1 [sflag:s7], $0x800  }
0x117: {  	[sflag:s7] =	ssyncset.done @!p1 $0x0  }
0x118: {  	[sflag:s7] =	ssyncadd.s32 @!p1 $0xFFFFF800  }
0x119: {  	_ =	swait.ge @!p1 [sflag:s7], $0x800  }
0x11a: {  	[sflag:s7] =	ssyncset.done @!p1 $0x0  }
0x11b: {  	[sflag:s7] =	ssyncadd.s32 @!p1 $0xFFFFF800  }
0x11c: {  	_ =	swait.ge @!p1 [sflag:s7], $0x800  }
0x11d: {  	[sflag:s7] =	ssyncset.done @!p1 $0x0  }
0x11e: {  	[sflag:s7] =	ssyncadd.s32 @!p1 $0xFFFFF800  }
0x11f: {  	_ =	swait.ge @!p1 [sflag:s7], $0x800  }
0x120: {  	[sflag:s7] =	ssyncset.done @!p1 $0x0  }
0x121: {  	[sflag:s7] =	ssyncadd.s32 @!p1 $0xFFFFF800  }
0x122: {  	_ =	swait.ge @!p1 [sflag:s7], $0x800  }
0x123: {  	[sflag:s7] =	ssyncset.done @!p1 $0x0  }
0x124: {  	[sflag:s7] =	ssyncadd.s32 @!p1 $0xFFFFF800  }
0x125: {  	_ =	swait.ge @!p1 [sflag:s7], $0x800  }
0x126: {  	[sflag:s7] =	ssyncset.done @!p1 $0x0  }
0x127: {  	[sflag:s7] =	ssyncadd.s32 @!p1 $0xFFFFF800  }
0x128: {  	_ =	swait.ge @!p1 [sflag:s7], $0x800  }
0x129: {  	[sflag:s7] =	ssyncset.done @!p1 $0x0  }
0x12a: {  	[sflag:s7] =	ssyncadd.s32 @!p1 $0xFFFFF800  }
0x12b: {  	_ =	swait.ge @!p1 [sflag:s7], $0x800  }
0x12c: {  	[sflag:s7] =	ssyncset.done @!p1 $0x0  }
0x12d: {  	[sflag:s7] =	ssyncadd.s32 @!p1 $0xFFFFF800  }
0x12e: {  	_ =	swait.ge @!p1 [sflag:s7], $0x800  }
0x12f: {  	[sflag:s7] =	ssyncset.done @!p1 $0x0  }
0x130: {  	[sflag:s7] =	ssyncadd.s32 @!p1 $0xFFFFF800  }
0x131: {  	_ =	swait.ge @!p1 [sflag:s7], $0x800  }
0x132: {  	s8 =	rddreg [dreg:$0x5];
	[sflag:s7] =	ssyncset.done @!p1 $0x0  }
0x133: {  	s9 =	rddreg [dreg:$0x4];
	[sflag:s7] =	ssyncadd.s32 @!p1 $0xFFFFF800;
	s10 =	sadd.s32 s6, s8  }
0x134: {  	[tilespmem:s11], [sflag:$0x1] =	stream.linear.gather [hbm4b:s10+s4], $0x600, $0x38;
	[tilespmem:$0x1F400] =	vst v63  }
0x135: {  	s8 =	sadd.s32 s6, s9  }
0x136: {  	[tilespmem:s12], [sflag:$0x1] =	stream.linear.gather [hbm4b:s8+s4], $0x600, $0x38;
	[tilespmem:$0x1F400] =	vst v63  }
0x137: {  	_ =	swait.ge [sflag:s13], $0x600  }
0x138: {  	[sflag:s13] =	ssyncset.done $0x0  }
0x139: {  	[sflag:s13] =	ssyncadd.s32 $0xFFFFFA00  }
0x13a: {  	_ =	swait.ge [sflag:s13], $0x600  }
0x13b: {  	[sflag:s13] =	ssyncset.done $0x0  }
0x13c: {  	[sflag:s13] =	ssyncadd.s32 $0xFFFFFA00  }
0x13d: {  	[tilespmem:s15], [sflag:$0x2] =	stream.indirect.gather [hbm4b:s5+s14], $0x10, s11, s14, $0xb8;
	[tilespmem:$0x1F400] =	vst v63  }
0x13e: {  	s9 =	rddreg [dreg:$0x6]  }
0x13f: {  	[tilespmem:s16], [sflag:$0x2] =	stream.indirect.gather [hbm4b:s5+s14], $0x10, s9, s14, $0xb8;
	[tilespmem:$0x1F400] =	vst v63  }
0x140: {  	s10 =	rddreg [dreg:$0x7]  }
0x141: {  	[tilespmem:s17], [sflag:$0x2] =	stream.indirect.gather [hbm4b:s5+s14], $0x10, s10, s14, $0xb8;
	[tilespmem:$0x1F400] =	vst v63  }
0x142: {  	s8 =	rddreg [dreg:$0x8]  }
0x143: {  	[tilespmem:s18], [sflag:$0x2] =	stream.indirect.gather [hbm4b:s5+s14], $0x10, s8, s14, $0xb8;
	[tilespmem:$0x1F400] =	vst v63  }
0x144: {  	s9 =	rddreg [dreg:$0x9]  }
0x145: {  	[tilespmem:s19], [sflag:$0x2] =	stream.indirect.gather [hbm4b:s5+s14], $0x10, s9, s14, $0xb8;
	[tilespmem:$0x1F400] =	vst v63  }
0x146: {  	s10 =	rddreg [dreg:$0xa]  }
0x147: {  	[tilespmem:s20], [sflag:$0x2] =	stream.indirect.gather [hbm4b:s5+s14], $0x10, s10, s14, $0xb8;
	[tilespmem:$0x1F400] =	vst v63  }
0x148: {  	s8 =	rddreg [dreg:$0xb]  }
0x149: {  	[tilespmem:s21], [sflag:$0x2] =	stream.indirect.gather [hbm4b:s5+s14], $0x10, s8, s14, $0xb8;
	[tilespmem:$0x1F400] =	vst v63  }
0x14a: {  	s9 =	rddreg [dreg:$0xc]  }
0x14b: {  	[tilespmem:s22], [sflag:$0x2] =	stream.indirect.gather [hbm4b:s5+s14], $0x10, s9, s14, $0xb8;
	[tilespmem:$0x1F400] =	vst v63  }
0x14c: {  	s10 =	rddreg [dreg:$0xd]  }
0x14d: {  	[tilespmem:s23], [sflag:$0x2] =	stream.indirect.gather [hbm4b:s5+s14], $0x10, s10, s14, $0xb8;
	[tilespmem:$0x1F400] =	vst v63  }
0x14e: {  	s8 =	rddreg [dreg:$0xe]  }
0x14f: {  	[tilespmem:s24], [sflag:$0x2] =	stream.indirect.gather [hbm4b:s5+s14], $0x10, s8, s14, $0xb8;
	[tilespmem:$0x1F400] =	vst v63  }
0x150: {  	s9 =	rddreg [dreg:$0xf]  }
0x151: {  	[tilespmem:s25], [sflag:$0x2] =	stream.indirect.gather [hbm4b:s5+s14], $0x10, s9, s14, $0xb8;
	[tilespmem:$0x1F400] =	vst v63  }
0x152: {  	s10 =	rddreg [dreg:$0x10]  }
0x153: {  	[tilespmem:s26], [sflag:$0x2] =	stream.indirect.gather [hbm4b:s5+s14], $0x10, s10, s14, $0xb8;
	[tilespmem:$0x1F400] =	vst v63  }
0x154: {  	_ =	swait.ge [sflag:s28], $0x800  }
0x155: {  	[sflag:s28] =	ssyncset.done $0x0  }
0x156: {  	[sflag:s28] =	ssyncadd.s32 $0xFFFFF800  }
0x157: {  	[spmem:s3] =	stream.indirect.scatter.add.f32 [tilespmem:s15], [sflag:$0x3], $0x10, s12, s14, $0xb8;
	[tilespmem:$0x1F400] =	vst v63  }
0x158: {  	_ =	swait.ge [sflag:s28], $0x800  }
0x159: {  	[sflag:s28] =	ssyncset.done $0x0  }
0x15a: {  	s8 =	rddreg [dreg:$0x11];
	[sflag:s28] =	ssyncadd.s32 $0xFFFFF800  }
0x15b: {  	[spmem:s3] =	stream.indirect.scatter.add.f32 [tilespmem:s16], [sflag:$0x3], $0x10, s8, s14, $0xb8;
	[tilespmem:$0x1F400] =	vst v63  }
0x15c: {  	_ =	swait.ge [sflag:s28], $0x800  }
0x15d: {  	[sflag:s28] =	ssyncset.done $0x0  }
0x15e: {  	s9 =	rddreg [dreg:$0x12];
	[sflag:s28] =	ssyncadd.s32 $0xFFFFF800  }
0x15f: {  	[spmem:s3] =	stream.indirect.scatter.add.f32 [tilespmem:s17], [sflag:$0x3], $0x10, s9, s14, $0xb8;
	[tilespmem:$0x1F400] =	vst v63  }
0x160: {  	_ =	swait.ge [sflag:s28], $0x800  }
0x161: {  	[sflag:s28] =	ssyncset.done $0x0  }
0x162: {  	s10 =	rddreg [dreg:$0x13];
	[sflag:s28] =	ssyncadd.s32 $0xFFFFF800  }
0x163: {  	[spmem:s3] =	stream.indirect.scatter.add.f32 [tilespmem:s18], [sflag:$0x3], $0x10, s10, s14, $0xb8;
	[tilespmem:$0x1F400] =	vst v63  }
0x164: {  	_ =	swait.ge [sflag:s28], $0x800  }
0x165: {  	[sflag:s28] =	ssyncset.done $0x0  }
0x166: {  	s7 =	rddreg [dreg:$0x14];
	[sflag:s28] =	ssyncadd.s32 $0xFFFFF800  }
0x167: {  	[spmem:s3] =	stream.indirect.scatter.add.f32 [tilespmem:s19], [sflag:$0x3], $0x10, s7, s14, $0xb8;
	[tilespmem:$0x1F400] =	vst v63  }
0x168: {  	_ =	swait.ge [sflag:s28], $0x800  }
0x169: {  	[sflag:s28] =	ssyncset.done $0x0  }
0x16a: {  	s8 =	rddreg [dreg:$0x15];
	[sflag:s28] =	ssyncadd.s32 $0xFFFFF800  }
0x16b: {  	[spmem:s3] =	stream.indirect.scatter.add.f32 [tilespmem:s20], [sflag:$0x3], $0x10, s8, s14, $0xb8;
	[tilespmem:$0x1F400] =	vst v63  }
0x16c: {  	_ =	swait.ge [sflag:s28], $0x800  }
0x16d: {  	[sflag:s28] =	ssyncset.done $0x0  }
0x16e: {  	[sflag:s28] =	ssyncadd.s32 $0xFFFFF800  }
0x16f: {  	[spmem:s3] =	stream.indirect.scatter.add.f32 [tilespmem:s21], [sflag:$0x3], $0x10, s29, s14, $0xb8;
	[tilespmem:$0x1F400] =	vst v63  }
0x170: {  	_ =	swait.ge [sflag:s28], $0x800  }
0x171: {  	[sflag:s28] =	ssyncset.done $0x0  }
0x172: {  	[sflag:s28] =	ssyncadd.s32 $0xFFFFF800  }
0x173: {  	[spmem:s3] =	stream.indirect.scatter.add.f32 [tilespmem:s22], [sflag:$0x3], $0x10, s30, s14, $0xb8;
	[tilespmem:$0x1F400] =	vst v63  }
0x174: {  	_ =	swait.ge [sflag:s28], $0x800  }
0x175: {  	[sflag:s28] =	ssyncset.done $0x0  }
0x176: {  	[sflag:s28] =	ssyncadd.s32 $0xFFFFF800  }
0x177: {  	[spmem:s3] =	stream.indirect.scatter.add.f32 [tilespmem:s23], [sflag:$0x3], $0x10, s31, s14, $0xb8;
	[tilespmem:$0x1F400] =	vst v63  }
0x178: {  	_ =	swait.ge [sflag:s28], $0x800  }
0x179: {  	[sflag:s28] =	ssyncset.done $0x0  }
0x17a: {  	[sflag:s28] =	ssyncadd.s32 $0xFFFFF800  }
0x17b: {  	[spmem:s3] =	stream.indirect.scatter.add.f32 [tilespmem:s24], [sflag:$0x3], $0x10, s0, s14, $0xb8;
	[tilespmem:$0x1F400] =	vst v63  }
0x17c: {  	_ =	swait.ge [sflag:s28], $0x800  }
0x17d: {  	[sflag:s28] =	ssyncset.done $0x0  }
0x17e: {  	[sflag:s28] =	ssyncadd.s32 $0xFFFFF800  }
0x17f: {  	[spmem:s3] =	stream.indirect.scatter.add.f32 [tilespmem:s25], [sflag:$0x3], $0x10, s1, s14, $0xb8;
	[tilespmem:$0x1F400] =	vst v63  }
0x180: {  	_ =	swait.ge [sflag:s28], $0x800  }
0x181: {  	[sflag:s28] =	ssyncset.done $0x0  }
0x182: {  	s9 =	simm.s32 $0x3;
	[sflag:s28] =	ssyncadd.s32 $0xFFFFF800  }
0x183: {  	[spmem:s3] =	stream.indirect.scatter.add.f32 [tilespmem:s26], [sflag:$0x3], $0x10, s2, s14, $0xb8;
	[tilespmem:$0x1F400] =	vst v63  }
0x184: {  	_ =	swait.ge [sflag:s9], $0x800  }
0x185: {  	[sflag:s9] =	ssyncset.done $0x0  }
0x186: {  	[sflag:s9] =	ssyncadd.s32 $0xFFFFF800  }
0x187: {  	_ =	swait.ge [sflag:s9], $0x800  }
0x188: {  	[sflag:s9] =	ssyncset.done $0x0  }
0x189: {  	[sflag:s9] =	ssyncadd.s32 $0xFFFFF800  }
0x18a: {  	_ =	swait.ge [sflag:s9], $0x800  }
0x18b: {  	[sflag:s9] =	ssyncset.done $0x0  }
0x18c: {  	[sflag:s9] =	ssyncadd.s32 $0xFFFFF800  }
0x18d: {  	_ =	swait.ge [sflag:s9], $0x800  }
0x18e: {  	[sflag:s9] =	ssyncset.done $0x0  }
0x18f: {  	[sflag:s9] =	ssyncadd.s32 $0xFFFFF800  }
0x190: {  	_ =	swait.ge [sflag:s9], $0x800  }
0x191: {  	[sflag:s9] =	ssyncset.done $0x0  }
0x192: {  	[sflag:s9] =	ssyncadd.s32 $0xFFFFF800  }
0x193: {  	_ =	swait.ge [sflag:s9], $0x800  }
0x194: {  	[sflag:s9] =	ssyncset.done $0x0  }
0x195: {  	[sflag:s9] =	ssyncadd.s32 $0xFFFFF800  }
0x196: {  	_ =	swait.ge [sflag:s9], $0x800  }
0x197: {  	[sflag:s9] =	ssyncset.done $0x0  }
0x198: {  	[sflag:s9] =	ssyncadd.s32 $0xFFFFF800  }
0x199: {  	_ =	swait.ge [sflag:s9], $0x800  }
0x19a: {  	[sflag:s9] =	ssyncset.done $0x0  }
0x19b: {  	[sflag:s9] =	ssyncadd.s32 $0xFFFFF800  }
0x19c: {  	_ =	swait.ge [sflag:s9], $0x800  }
0x19d: {  	[sflag:s9] =	ssyncset.done $0x0  }
0x19e: {  	[sflag:s9] =	ssyncadd.s32 $0xFFFFF800  }
0x19f: {  	_ =	swait.ge [sflag:s9], $0x800  }
0x1a0: {  	[sflag:s9] =	ssyncset.done $0x0  }
0x1a1: {  	[sflag:s9] =	ssyncadd.s32 $0xFFFFF800  }
0x1a2: {  	_ =	swait.ge [sflag:s9], $0x800  }
0x1a3: {  	[sflag:s9] =	ssyncset.done $0x0  }
0x1a4: {  	[sflag:s9] =	ssyncadd.s32 $0xFFFFF800  }
0x1a5: {  	_ =	swait.ge [sflag:s9], $0x800  }
0x1a6: {  	[sflag:s9] =	ssyncset.done $0x0  }
0x1a7: {  	[sflag:s9] =	ssyncadd.s32 $0xFFFFF800  }
0x1a8: {  	[bflag:$0x0] =	sbarrier.arrive $0xFFFF  }
0x1a9: {  	s8 =	rddreg [dreg:$0x16]  }
0x1aa: {  	s10 =	rddreg [dreg:$0x17]  }
0x1ab: {  	s9 =	simm.s32 $0x4;
	s7 =	rddreg [dreg:$0x19]  }
0x1ac: {  	[hbm:s10], [sflag:s8] =	dma.local [spmem:s7], $0x3100  }
0x1ad: {  	_ =	swait.ge [sflag:s9], $0x3100  }
0x1ae: {  	s10 =	rddreg [dreg:$0x1a]  }
0x1af: {  	s6 =	rddreg [dreg:$0x18];
	s10 =	sadd.s32 $0x1, s10  }
0x1b0: {  	p0 =	sne.s32 s10, s6  }
.Ltmp1:
0x1b1: {  	_ = 	snop;
	(pc) =	sbr.rel @p0 .LBB2_1-.Ltmp1, $3  }
0x1b2: {  	_ =	sdelay $0x1  }
0x1b3: {  	[sflag:s9] =	ssyncset.done $0x0  }
0x1b4: {  	[sflag:s9] =	ssyncadd.s32 $0xFFFFCF00  }
0x1b5: {  	_ =	sfence.sel $0x180000  }
0x1b6: {  	[bflag:$0x0] =	sbarrier.arrive $0xFFFF  }
0x1b7: {  	_ =	strace $0x9000004A  }
0x1b8: {  	s0 =	stileid.u32;
	[bflag:$0x2] =	sbarrier.arrive $0xFFFF  }
0x1b9: {  	p0 =	sne.s32 s0, $0x0;
	s0 =	rddreg [dreg:$0x3]  }
0x1ba: {  	s0 =	sadd.s32 @!p0 $0x100000, s0  }
0x1bb: {  	[sflag:s0] =	ssyncadd.tile.s32 @!p0 $0x1;
	_ =	shalt  }
.Lfunc_end2:
_tile_overlayer_lowered:
.L_overlay_start_2:
0x1bc: {  	(tag) =	ssettag $0x2  }
0x1bd: {  	s0 =	rddreg [dreg:$0x0];
	s2 =	stileid.u32  }
0x1be: {  	s1 =	rddreg [dreg:$0x1];
	p0 =	sne.s32 s2, $0x0  }
0x1bf: {  	s3 =	rddreg [dreg:$0x2];
	[bflag:$0x3] =	sbarrier.arrive $0xFFFF;
	s2 =	simm.s32 @!p0 $0x1C04  }
0x1c0: {  	[timem:s3], [sflag:s2] =	dma.local @!p0 [hbm:s0], s1  }
0x1c1: {  	s0 =	simm.s32 @!p0 $0x4  }
0x1c2: {  	_ =	swait.ge @!p0 [sflag:s0], s1  }
0x1c3: {  	s1 =	ssub.s32 @!p0 $0x0, s1;
	[sflag:s0] =	ssyncset.done @!p0 $0x0  }
0x1c4: {  	[sflag:s0] =	ssyncadd.s32 @!p0 s1  }
0x1c5: {  	[bflag:$0x3] =	sbarrier.arrive $0xFFFF  }
0x1c6: {  	_ =	shalt  }

// kernel: kernel.14.cloned.1.call-start
scs
__scs_entry_jumppad:
0x0: {  	(pc) =	sbr.rel $0x88, $3  }
0x1: {  	(tag) =	ssettag $0x0;
	lr =	simm.s32 $0x1  }
0x2: {  	[smem:$0x3F9B] =	sst lr;
	_ =	strace $0xD0000000  }
0x3: {  	_ = 	snop  }
0x4: {  	_ = 	snop  }
0x5: {  	_ = 	snop  }
0x6: {  	_ = 	snop  }
0x7: {  	_ = 	snop  }
__scs_overlays_trampoline_lowered:
0x8: {  	[smem:$0x3FAA] =	sst s0  }
0x9: {  	[smem:$0x3FAB] =	sst s1  }
0xa: {  	[smem:$0x3FAC] =	sst s2  }
0xb: {  	[smem:$0x3FAD] =	sst s3  }
0xc: {  	[smem:$0x3FAE] =	sst s4  }
0xd: {  	[smem:$0x3FAF] =	sst s5  }
0xe: {  	[smem:$0x3FB0] =	sst s6  }
0xf: {  	[smem:$0x3FB1] =	sst s7  }
0x10: {  	[smem:$0x3FB2] =	sst s8  }
0x11: {  	[smem:$0x3FB3] =	sst s9;
	s0 =	simm.s32 @!p0 $0x0  }
0x12: {  	s1 =	sld [smem:$0x3F99];
	s0 =	simm.s32 @p0 $0x1  }
0x13: {  	[smem:$0x3FB4] =	sst s0;
	s0 =	simm.s32 @!p1 $0x0  }
0x14: {  	s2 =	sld [smem:$0x3F98];
	s0 =	simm.s32 @p1 $0x1  }
0x15: {  	[smem:$0x3FB5] =	sst s0;
	s0 =	simm.s32 @!p2 $0x0  }
0x16: {  	s3 =	sld [smem:$0x3FDB];
	s0 =	simm.s32 @p2 $0x1  }
0x17: {  	s4 =	simm.s32 $0x1BF5;
	[smem:$0x3FB7] =	sst s0  }
0x18: {  	s0 =	sld [smem:$0x3F9A];
	_ =	swait.ge [sflag:s4], $0x0  }
0x19: {  	s7 =	sld [smem:$0x3F9B]  }
0x1a: {  	s8 =	sadd.s32 $0xFFFFE003, lr  }
0x1b: {  	s9 =	sadd.s32 $0xFFFFFEF7, lr;
	s5 =	simm.s32 $0xFFFFFFFF;
	p2 =	slt.u32 s8, $0xFFFFF086  }
0x1c: {  	p1 =	slt.u32 s9, $0xF7A;
	s5 =	simm.s32 @!p2 $0x0  }
0x1d: {  	s5 =	simm.s32 @p1 $0x1;
	p0 =	seq.s32 s7, s2  }
0x1e: {  	s7 =	smul.u32 @!p0 $0xF7A, s2;
	p2 =	seq.s32 @!p0 s5, $0x0  }
0x1f: {  	s9 =	smul.u32 $0xF7A, s1;
	s8 =	simm.s32 @!p0 $0x1BF5;
	p2 =	por !p2, p0  }
0x20: {  	[sflag:s8] =	ssyncset.s32 @!p0 $0xFFFFF086;
	s6 =	sadd.s32 @!p0 s3, s7;
	s7 =	simm.s32 @!p0 $0x108  }
0x21: {  	s3 =	sadd.s32 s3, s9;
	s6 =	sadd.s32 @!p0 $0x88, s6;
	s7 =	simm.s32 @p2 $0x1082  }
0x22: {  	[simem:s7], [sflag:s8] =	dma.local @!p0 [hbm:s6], $0xF7A  }
0x23: {  	s9 =	sor.u32 $0xD0000000, s2;
	s6 =	simm.s32 $0x108;
	_ =	swait.ge @!p0 [sflag:s8], $0x0  }
0x24: {  	s3 =	sadd.s32 $0x88, s3;
	s6 =	simm.s32 @!p1 $0x1082;
	[sflag:s4] =	ssyncset.s32 $0xFFFFF086  }
0x25: {  	[simem:s6], [sflag:s4] =	dma.local [hbm:s3], $0xF7A  }
0x26: {  	[smem:$0x3F9B] =	sst s1;
	(tag) =	ssettag s2;
	_ =	strace s9  }
0x27: {  	s1 =	sld [smem:$0x3FAB]  }
0x28: {  	s2 =	sld [smem:$0x3FAC]  }
0x29: {  	s4 =	sld [smem:$0x3FAE]  }
0x2a: {  	p0 =	seq.s32 s5, $0x0;
	s5 =	sld [smem:$0x3FAF]  }
0x2b: {  	s6 =	sld [smem:$0x3FB0]  }
0x2c: {  	s7 =	sld [smem:$0x3FB1]  }
0x2d: {  	s3 =	simm.s32 $0x108;
	s8 =	sld [smem:$0x3FB2]  }
0x2e: {  	s3 =	simm.s32 @!p0 $0x1082;
	s9 =	sld [smem:$0x3FB3]  }
0x2f: {  	lr =	sadd.s32 s0, s3;
	s0 =	sld [smem:$0x3FAA]  }
0x30: {  	s3 =	sld [smem:$0x3FAD]  }
0x31: {  	[smem:$0x3FB6] =	sst s10  }
0x32: {  	s10 =	sld [smem:$0x3FB4];
	_ =	sdelay $0x3  }
0x33: {  	p0 =	seq.s32 s10, $0x1;
	s10 =	sld [smem:$0x3FB6];
	_ =	sdelay $0x3  }
0x34: {  	[smem:$0x3FB6] =	sst s10  }
0x35: {  	s10 =	sld [smem:$0x3FB5];
	_ =	sdelay $0x3  }
0x36: {  	p1 =	seq.s32 s10, $0x1;
	s10 =	sld [smem:$0x3FB6];
	_ =	sdelay $0x3  }
0x37: {  	[smem:$0x3FB6] =	sst s10  }
0x38: {  	s10 =	sld [smem:$0x3FB7]  }
0x39: {  	_ = 	snop;
	(pc) =	sbr.ind lr, $3  }
0x3a: {  	_ = 	snop  }
0x3b: {  	_ = 	snop  }
0x3c: {  	p2 =	seq.s32 s10, $0x1;
	s10 =	sld [smem:$0x3FB6]  }
0x3d: {  	_ =	shalt  }
0x3e: {  	_ =	shalt  }
0x3f: {  	_ =	shalt  }
0x40: {  	_ =	shalt  }
0x41: {  	_ =	shalt  }
0x42: {  	_ =	shalt  }
0x43: {  	_ =	shalt  }
0x44: {  	_ =	shalt  }
0x45: {  	_ =	shalt  }
0x46: {  	_ =	shalt  }
0x47: {  	_ =	shalt  }
0x48: {  	_ =	shalt  }
0x49: {  	_ =	shalt  }
0x4a: {  	_ =	shalt  }
0x4b: {  	_ =	shalt  }
0x4c: {  	_ =	shalt  }
0x4d: {  	_ =	shalt  }
0x4e: {  	_ =	shalt  }
0x4f: {  	_ =	shalt  }
0x50: {  	_ =	shalt  }
0x51: {  	_ =	shalt  }
0x52: {  	_ =	shalt  }
0x53: {  	_ =	shalt  }
0x54: {  	_ =	shalt  }
0x55: {  	_ =	shalt  }
0x56: {  	_ =	shalt  }
0x57: {  	_ =	shalt  }
0x58: {  	_ =	shalt  }
0x59: {  	_ =	shalt  }
0x5a: {  	_ =	shalt  }
0x5b: {  	_ =	shalt  }
0x5c: {  	_ =	shalt  }
0x5d: {  	_ =	shalt  }
0x5e: {  	_ =	shalt  }
0x5f: {  	_ =	shalt  }
0x60: {  	_ =	shalt  }
0x61: {  	_ =	shalt  }
0x62: {  	_ =	shalt  }
0x63: {  	_ =	shalt  }
0x64: {  	_ =	shalt  }
0x65: {  	_ =	shalt  }
0x66: {  	_ =	shalt  }
0x67: {  	_ =	shalt  }
0x68: {  	_ =	shalt  }
0x69: {  	_ =	shalt  }
0x6a: {  	_ =	shalt  }
0x6b: {  	_ =	shalt  }
0x6c: {  	_ =	shalt  }
0x6d: {  	_ =	shalt  }
0x6e: {  	_ =	shalt  }
0x6f: {  	_ =	shalt  }
0x70: {  	_ =	shalt  }
0x71: {  	_ =	shalt  }
0x72: {  	_ =	shalt  }
0x73: {  	_ =	shalt  }
0x74: {  	_ =	shalt  }
0x75: {  	_ =	shalt  }
0x76: {  	_ =	shalt  }
0x77: {  	_ =	shalt  }
0x78: {  	_ =	shalt  }
0x79: {  	_ =	shalt  }
0x7a: {  	_ =	shalt  }
0x7b: {  	_ =	shalt  }
0x7c: {  	_ =	shalt  }
0x7d: {  	_ =	shalt  }
0x7e: {  	_ =	shalt  }
0x7f: {  	_ =	shalt  }
0x80: {  	_ =	shalt  }
0x81: {  	_ =	shalt  }
0x82: {  	_ =	shalt  }
0x83: {  	_ =	shalt  }
0x84: {  	_ =	shalt  }
0x85: {  	_ =	shalt  }
0x86: {  	_ =	shalt  }
0x87: {  	_ =	shalt  }
.Lfunc_end0:
.L_simem_size_0:
called_computation.2_lowered:
.L_overlay_start_0:
0x88: {  	s2 =	sld [smem:$0x3FD9]  }
0x89: {  	s3 =	sld [smem:$0x3FFE];
	_ =	sdelay $0x1  }
0x8a: {  	s1 =	srdreg.scid  }
0x8b: {  	s0 =	sand.u32 $0x1, s1  }
0x8c: {  	s17 =	sshll.u32 s0, $0xA;
	s2 =	sadd.s32 s3, s2  }
0x8d: {  	s2 =	sadd.s32 s2, s17  }
0x8e: {  	[smem:$0x3FC2] =	sst s2  }
0x8f: {  	_ = 	snop  }
0x90: {  	s2 =	sld [smem:$0x3FD0];
	(tm) =	ssettm $0x1  }
0x91: {  	s18 =	sld [smem:$0x3FFB];
	_ =	sdelay $0x3  }
0x92: {  	_ =	strace s18  }
0x93: {  	s3 =	sld [smem:$0x3FFC];
	_ =	sdelay $0x3  }
0x94: {  	_ =	strace s3  }
0x95: {  	s3 =	sld [smem:$0x3FFD];
	_ =	sdelay $0x3  }
0x96: {  	_ =	strace s3  }
0x97: {  	_ =	strace $0x8FFFFFFF  }
0x98: {  	s19 =	sld [smem:$0x3FDB];
	_ =	sdelay $0x1  }
0x99: {  	s4 =	simm.s32 $_scs_section_size  }
0x9a: {  	s5 =	simm.s32 $_size__tile_overlayer_lowered;
	s6 =	simm.s32 $_tile_overlayer_lowered  }
0x9b: {  	s22 =	simm.s32 $0x1BFF;
	s21 =	sshll.u32 s6, $0x1;
	s3 =	sadd.s32 s4, s19  }
0x9c: {  	s7 =	simm.s32 $0x0;
	s20 =	sshll.u32 s5, $0x1;
	s5 =	sadd.s32 s21, s3  }
0x9d: {  	[timem:s7], [sflag:s22] =	dma.local [hbm:s5], s20  }
0x9e: {  	_ =	swait.ge [sflag:s22], s20  }
0x9f: {  	s4 =	ssub.s32 $0x0, s20;
	[sflag:s22] =	ssyncset.done $0x0  }
0xa0: {  	[sflag:s22] =	ssyncadd.s32 s4;
	_ =	sdelay $0x1  }
0xa1: {  	s23 =	simm.s32 $0x1B8B  }
0xa2: {  	_ =	swait.ge [sflag:s23], $0x1  }
0xa3: {  	[sflag:s23] =	ssyncset.done $0x0  }
0xa4: {  	s25 =	simm.s32 $0x1B8E;
	s24 =	sld [smem:$0x3FFE];
	[sflag:s23] =	ssyncadd.s32 $0xFFFFFFFF  }
0xa5: {  	s26 =	simm.s32 $execute0_lowered;
	[smem:$0x3FD2] =	sst s25  }
0xa6: {  	s5 =	sshll.u32 s26, $0x1;
	_ =	strace $0x8000004C;
	[dreg:$0x1] =	wrdreg $0xFFFFFFFF  }
0xa7: {  	s28 =	simm.s32 $_size_execute0_lowered;
	s3 =	sadd.s32 s3, s5;
	[dreg:$0x0] =	wrdreg $0x0  }
0xa8: {  	s5 =	sshll.u32 s28, $0x1;
	[dreg:$0x2] =	wrdreg s3  }
0xa9: {  	[dreg:$0x3] =	wrdreg s5  }
0xaa: {  	[dreg:$0x4] =	wrdreg $0xC0  }
0xab: {  	_ =	task [dreg:s7], $0x5FFFF  }
0xac: {  	[dreg:$0x1] =	wrdreg $0xFFFFFFFF  }
0xad: {  	[dreg:$0x0] =	wrdreg $0x60  }
0xae: {  	[dreg:$0x2] =	wrdreg s24  }
0xaf: {  	[dreg:$0x3] =	wrdreg s2  }
0xb0: {  	[dreg:$0x4] =	wrdreg $0x0  }
0xb1: {  	[dreg:$0x5] =	wrdreg $0xC4000  }
0xb2: {  	[dreg:$0x6] =	wrdreg $0x9  }
0xb3: {  	_ =	task.clear_ibuf [dreg:s7], $0x7FFFF;
	_ =	strace $0x9000004C  }
0xb4: {  	s29 =	simm.s32 $0x9;
	_ =	strace $0x8000004E  }
0xb5: {  	_ =	swait.ge [sflag:s29], $0x1  }
0xb6: {  	[sflag:s29] =	ssyncadd.s32 $0xFFFFFFFF  }
0xb7: {  	_ =	strace $0x9000004E  }
0xb8: {  	_ =	sfence  }
0xb9: {  	s30 =	sld [smem:$0x0];
	_ =	sdelay $0x2  }
0xba: {  	s31 =	sshll.u32 s1, $0xD;
	s1 =	sshrl.u32 s1, $0x2  }
0xbb: {  	s3 =	sand.u32 $0x4000, s31;
	s1 =	sadd.s32 s1, s30  }
0xbc: {  	s0 =	sor.u32 s3, s0;
	s1 =	sshll.u32 s1, $0x11  }
0xbd: {  	s0 =	sor.u32 s1, s0  }
0xbe: {  	s0 =	sadd.s32 $0x8F2B, s0  }
0xbf: {  	[sflag:s0] =	ssyncadd.remote.s32 $0x1  }
0xc0: {  	_ =	sfence.sel $0xFFFF  }
0xc1: {  	[dreg:$0x0] =	wrdreg $0xFFFFFFFF;
	(pc) =	sbr.abs _section_cstart, $3  }
0xc2: {  	[dreg:$0x1] =	wrdreg $0xFFFFFFFF  }
0xc3: {  	_ =	task.clear_ibuf [dreg:s7], $0x2FFFF;
	_ =	strace $0x9FFFFFFF  }
0xc4: {  	(tm) =	ssettm $0x7FFFFFFF  }
0xc5: {  	_ =	shalt  }
tec
execute0_lowered:
.L_overlay_start_1:
0x0: {  	(tag) =	ssettag $0x1  }
0x1: {  	s0 =	rddreg [dreg:$0x0]  }
0x2: {  	s3 =	rddreg [dreg:$0x2]  }
0x3: {  	s4 =	rddreg [dreg:$0x3]  }
0x4: {  	s11 =	stileid.u32;
	s2 =	srdreg.scid;
	s5 =	simm.s32 $0x0  }
0x5: {  	s12 =	simm.s32 $0x18900;
	s13 =	simm.s32 $0x18980;
	s14 =	simm.s32 $0x18A00  }
0x6: {  	s15 =	simm.s32 $0x18A80;
	s16 =	simm.s32 $0x18B00;
	s17 =	simm.s32 $0x18B80  }
0x7: {  	s18 =	simm.s32 $0x18C00;
	s1 =	smul.u32 $0xC400, s11;
	[smem:$0x7FF] =	sst s5  }
0x8: {  	s10 =	smul.u32 $0x6300, s11;
	s25 =	sshll.u32 s11, $0x6;
	s11 =	simm.s32 $0x18880  }
0x9: {  	s19 =	simm.s32 $0x18C80;
	_ =	strace $0x8000004D;
	[dreg:$0x7] =	wrdreg s11  }
0xa: {  	s20 =	simm.s32 $0x18D00;
	s21 =	simm.s32 $0x18D80;
	[dreg:$0x8] =	wrdreg s12  }
0xb: {  	s22 =	simm.s32 $0x18E80;
	s23 =	simm.s32 $0x18F00;
	[dreg:$0x9] =	wrdreg s13  }
0xc: {  	s28 =	simm.s32 $0x1BC00;
	s29 =	simm.s32 $0x1C000;
	[dreg:$0xa] =	wrdreg s14  }
0xd: {  	s30 =	simm.s32 $0x2;
	s2 =	sand.u32 $0x1, s2;
	[dreg:$0xb] =	wrdreg s15  }
0xe: {  	s31 =	simm.s32 $0x19100;
	s7 =	smul.u32 $0xC4000, s2;
	[dreg:$0xc] =	wrdreg s16  }
0xf: {  	s8 =	smul.u32 $0x63000, s2;
	s2 =	ssub.s32 $0x2, s2;
	[dreg:$0xd] =	wrdreg s17  }
0x10: {  	s11 =	simm.s32 $0x4;
	s13 =	simm.s32 $0x18800;
	[dreg:$0xe] =	wrdreg s18  }
0x11: {  	s14 =	simm.s32 $0x18E00;
	s15 =	simm.s32 $0x1;
	[dreg:$0xf] =	wrdreg s19  }
0x12: {  	s16 =	simm.s32 $0x80;
	s17 =	simm.s32 $0x19400;
	[dreg:$0x10] =	wrdreg s20  }
0x13: {  	s18 =	simm.s32 $0x19800;
	s19 =	simm.s32 $0x19C00;
	[dreg:$0x11] =	wrdreg s21  }
0x14: {  	s20 =	simm.s32 $0x1A000;
	[dreg:$0x12] =	wrdreg s22;
	s21 =	simm.s32 $0x1A400  }
0x15: {  	[dreg:$0x13] =	wrdreg s23;
	s22 =	simm.s32 $0x1A800;
	s23 =	simm.s32 $0x1AC00  }
0x16: {  	s6 =	sshrl.u32 s1, $0x3;
	s9 =	sshrl.u32 s2, $0x1;
	s24 =	sadd.s32 s1, s3  }
0x17: {  	s6 =	sadd.s32 s6, s0;
	s7 =	sadd.s32 s1, s7;
	s8 =	sadd.s32 s8, s0  }
0x18: {  	s2 =	ssub.s32 s2, s9;
	s1 =	sadd.s32 s1, s4;
	s6 =	sadd.s32 $0x2000, s6  }
0x19: {  	s7 =	sshrl.u32 s7, $0x3;
	s2 =	smax.u32 s2, $0x1;
	[dreg:$0x18] =	wrdreg s6  }
0x1a: {  	s8 =	sadd.s32 s10, s8;
	s1 =	sshrl.u32 s1, $0x3;
	[dreg:$0x1a] =	wrdreg s2  }
0x1b: {  	s10 =	sor.u32 $0x1C04, s25;
	s25 =	simm.s32 $0x19000;
	[dreg:$0x1c] =	wrdreg s1  }
0x1c: {  	s12 =	simm.s32 $0x0;
	s0 =	sadd.s32 s7, s0;
	[dreg:$0x15] =	wrdreg s25  }
0x1d: {  	s26 =	sadd.s32 $0xC5600, s8;
	s9 =	sadd.s32 $0x18B600, s8;
	[dreg:$0x17] =	wrdreg s10  }
0x1e: {  	s25 =	simm.s32 $0x1B400;
	s1 =	simm.s32 $0x19180;
	[dreg:$0x5] =	wrdreg s26  }
0x1f: {  	s2 =	simm.s32 $0x19280;
	s0 =	sadd.s32 $0x1A800, s0;
	[dreg:$0x6] =	wrdreg s9  }
0x20: {  	s9 =	sshrl.u32 s24, $0x3;
	s24 =	simm.s32 $0x18F80;
	[dreg:$0x19] =	wrdreg s0  }
0x21: {  	s7 =	simm.s32 $0x19300;
	s26 =	simm.s32 $0x19080;
	[dreg:$0x14] =	wrdreg s24  }
0x22: {  	s8 =	simm.s32 $0x19380;
	s24 =	simm.s32 $0x1B000;
	[dreg:$0x16] =	wrdreg s26  }
0x23: {  	s26 =	simm.s32 $0x1B800;
	s0 =	simm.s32 $0x19200;
	[dreg:$0x1b] =	wrdreg s9  }
.LBB2_1:
0x24: {  	[dreg:$0x1d] =	wrdreg s12  }
0x25: {  	s6 =	rddreg [dreg:$0x1]  }
0x26: {  	[spmem:s9], [sflag:s10] =	dma.local [hbm:s6], $0x1880  }
0x27: {  	_ =	swait.ge [sflag:s11], $0x1880  }
0x28: {  	[sflag:s11] =	ssyncset.done $0x0;
	s9 =	rddreg [dreg:$0x18]  }
0x29: {  	s12 =	rddreg [dreg:$0x1c];
	[sflag:s11] =	ssyncadd.s32 $0xFFFFE780  }
0x2a: {  	[spmem:s12], [sflag:s10] =	dma.local [hbm:s9], $0x1880  }
0x2b: {  	_ =	swait.ge [sflag:s11], $0x1880  }
0x2c: {  	[sflag:s11] =	ssyncset.done $0x0  }
0x2d: {  	p0 =	por $0x1, $0x1;
	[sflag:s11] =	ssyncadd.s32 $0xFFFFE780  }
0x2e: {  	s6 =	simm.s32 @!p0 $0x3;
	[bflag:$0x0] =	sbarrier.arrive $0xFFFF  }
0x2f: {  	_ =	swait.ge @!p0 [sflag:s6], $0x400  }
0x30: {  	[sflag:s6] =	ssyncset.done @!p0 $0x0  }
0x31: {  	[sflag:s6] =	ssyncadd.s32 @!p0 $0xFFFFFC00  }
0x32: {  	_ =	swait.ge @!p0 [sflag:s6], $0x400  }
0x33: {  	[sflag:s6] =	ssyncset.done @!p0 $0x0  }
0x34: {  	[sflag:s6] =	ssyncadd.s32 @!p0 $0xFFFFFC00  }
0x35: {  	_ =	swait.ge @!p0 [sflag:s6], $0x400  }
0x36: {  	[sflag:s6] =	ssyncset.done @!p0 $0x0  }
0x37: {  	[sflag:s6] =	ssyncadd.s32 @!p0 $0xFFFFFC00  }
0x38: {  	_ =	swait.ge @!p0 [sflag:s6], $0x400  }
0x39: {  	[sflag:s6] =	ssyncset.done @!p0 $0x0  }
0x3a: {  	[sflag:s6] =	ssyncadd.s32 @!p0 $0xFFFFFC00  }
0x3b: {  	_ =	swait.ge @!p0 [sflag:s6], $0x400  }
0x3c: {  	[sflag:s6] =	ssyncset.done @!p0 $0x0  }
0x3d: {  	[sflag:s6] =	ssyncadd.s32 @!p0 $0xFFFFFC00  }
0x3e: {  	_ =	swait.ge @!p0 [sflag:s6], $0x400  }
0x3f: {  	[sflag:s6] =	ssyncset.done @!p0 $0x0  }
0x40: {  	[sflag:s6] =	ssyncadd.s32 @!p0 $0xFFFFFC00  }
0x41: {  	_ =	swait.ge @!p0 [sflag:s6], $0x400  }
0x42: {  	[sflag:s6] =	ssyncset.done @!p0 $0x0  }
0x43: {  	[sflag:s6] =	ssyncadd.s32 @!p0 $0xFFFFFC00  }
0x44: {  	_ =	swait.ge @!p0 [sflag:s6], $0x400  }
0x45: {  	[sflag:s6] =	ssyncset.done @!p0 $0x0  }
0x46: {  	[sflag:s6] =	ssyncadd.s32 @!p0 $0xFFFFFC00  }
0x47: {  	_ =	swait.ge @!p0 [sflag:s6], $0x400  }
0x48: {  	[sflag:s6] =	ssyncset.done @!p0 $0x0  }
0x49: {  	[sflag:s6] =	ssyncadd.s32 @!p0 $0xFFFFFC00  }
0x4a: {  	_ =	swait.ge @!p0 [sflag:s6], $0x400  }
0x4b: {  	[sflag:s6] =	ssyncset.done @!p0 $0x0  }
0x4c: {  	[sflag:s6] =	ssyncadd.s32 @!p0 $0xFFFFFC00  }
0x4d: {  	_ =	swait.ge @!p0 [sflag:s6], $0x400  }
0x4e: {  	[sflag:s6] =	ssyncset.done @!p0 $0x0  }
0x4f: {  	[sflag:s6] =	ssyncadd.s32 @!p0 $0xFFFFFC00  }
0x50: {  	_ =	swait.ge @!p0 [sflag:s6], $0x400  }
0x51: {  	s12 =	rddreg [dreg:$0x6];
	[sflag:s6] =	ssyncset.done @!p0 $0x0  }
0x52: {  	s9 =	rddreg [dreg:$0x5];
	[sflag:s6] =	ssyncadd.s32 @!p0 $0xFFFFFC00;
	s12 =	sadd.s32 $0x0, s12  }
0x53: {  	[tilespmem:s13], [sflag:$0x1] =	stream.linear.gather [hbm4b:s12+s5], $0x600, $0x38;
	[tilespmem:$0x1C400] =	vst v63  }
0x54: {  	s9 =	sadd.s32 $0x0, s9  }
0x55: {  	[tilespmem:s14], [sflag:$0x1] =	stream.linear.gather [hbm4b:s9+s5], $0x600, $0x38;
	[tilespmem:$0x1C400] =	vst v63  }
0x56: {  	_ =	swait.ge [sflag:s15], $0x600  }
0x57: {  	[sflag:s15] =	ssyncset.done $0x0  }
0x58: {  	[sflag:s15] =	ssyncadd.s32 $0xFFFFFA00  }
0x59: {  	_ =	swait.ge [sflag:s15], $0x600  }
0x5a: {  	[sflag:s15] =	ssyncset.done $0x0  }
0x5b: {  	[sflag:s15] =	ssyncadd.s32 $0xFFFFFA00  }
0x5c: {  	[tilespmem:s17], [sflag:$0x2] =	stream.indirect.gather [spmem:s4], $0x8, s13, s16, $0xb8;
	[tilespmem:$0x1C400] =	vst v63  }
0x5d: {  	s10 =	rddreg [dreg:$0x7]  }
0x5e: {  	[tilespmem:s18], [sflag:$0x2] =	stream.indirect.gather [spmem:s4], $0x8, s10, s16, $0xb8;
	[tilespmem:$0x1C400] =	vst v63  }
0x5f: {  	s11 =	rddreg [dreg:$0x8]  }
0x60: {  	[tilespmem:s19], [sflag:$0x2] =	stream.indirect.gather [spmem:s4], $0x8, s11, s16, $0xb8;
	[tilespmem:$0x1C400] =	vst v63  }
0x61: {  	s12 =	rddreg [dreg:$0x9]  }
0x62: {  	[tilespmem:s20], [sflag:$0x2] =	stream.indirect.gather [spmem:s4], $0x8, s12, s16, $0xb8;
	[tilespmem:$0x1C400] =	vst v63  }
0x63: {  	s9 =	rddreg [dreg:$0xa]  }
0x64: {  	[tilespmem:s21], [sflag:$0x2] =	stream.indirect.gather [spmem:s4], $0x8, s9, s16, $0xb8;
	[tilespmem:$0x1C400] =	vst v63  }
0x65: {  	s11 =	rddreg [dreg:$0xb]  }
0x66: {  	[tilespmem:s22], [sflag:$0x2] =	stream.indirect.gather [spmem:s4], $0x8, s11, s16, $0xb8;
	[tilespmem:$0x1C400] =	vst v63  }
0x67: {  	s12 =	rddreg [dreg:$0xc]  }
0x68: {  	[tilespmem:s23], [sflag:$0x2] =	stream.indirect.gather [spmem:s4], $0x8, s12, s16, $0xb8;
	[tilespmem:$0x1C400] =	vst v63  }
0x69: {  	s9 =	rddreg [dreg:$0xd]  }
0x6a: {  	[tilespmem:s24], [sflag:$0x2] =	stream.indirect.gather [spmem:s4], $0x8, s9, s16, $0xb8;
	[tilespmem:$0x1C400] =	vst v63  }
0x6b: {  	s11 =	rddreg [dreg:$0xe]  }
0x6c: {  	[tilespmem:s25], [sflag:$0x2] =	stream.indirect.gather [spmem:s4], $0x8, s11, s16, $0xb8;
	[tilespmem:$0x1C400] =	vst v63  }
0x6d: {  	s12 =	rddreg [dreg:$0xf]  }
0x6e: {  	[tilespmem:s26], [sflag:$0x2] =	stream.indirect.gather [spmem:s4], $0x8, s12, s16, $0xb8;
	[tilespmem:$0x1C400] =	vst v63  }
0x6f: {  	s9 =	rddreg [dreg:$0x10]  }
0x70: {  	[tilespmem:s28], [sflag:$0x2] =	stream.indirect.gather [spmem:s4], $0x8, s9, s16, $0xb8;
	[tilespmem:$0x1C400] =	vst v63  }
0x71: {  	s11 =	rddreg [dreg:$0x11]  }
0x72: {  	[tilespmem:s29], [sflag:$0x2] =	stream.indirect.gather [spmem:s4], $0x8, s11, s16, $0xb8;
	[tilespmem:$0x1C400] =	vst v63  }
0x73: {  	_ =	swait.ge [sflag:s30], $0x400  }
0x74: {  	[sflag:s30] =	ssyncset.done $0x0  }
0x75: {  	[sflag:s30] =	ssyncadd.s32 $0xFFFFFC00  }
0x76: {  	[spmem:s3] =	stream.indirect.scatter.add.f32 [tilespmem:s17], [sflag:$0x3], $0x8, s14, s16, $0xb8;
	[tilespmem:$0x1C400] =	vst v63  }
0x77: {  	_ =	swait.ge [sflag:s30], $0x400  }
0x78: {  	[sflag:s30] =	ssyncset.done $0x0  }
0x79: {  	s12 =	rddreg [dreg:$0x12];
	[sflag:s30] =	ssyncadd.s32 $0xFFFFFC00  }
0x7a: {  	[spmem:s3] =	stream.indirect.scatter.add.f32 [tilespmem:s18], [sflag:$0x3], $0x8, s12, s16, $0xb8;
	[tilespmem:$0x1C400] =	vst v63  }
0x7b: {  	_ =	swait.ge [sflag:s30], $0x400  }
0x7c: {  	[sflag:s30] =	ssyncset.done $0x0  }
0x7d: {  	s9 =	rddreg [dreg:$0x13];
	[sflag:s30] =	ssyncadd.s32 $0xFFFFFC00  }
0x7e: {  	[spmem:s3] =	stream.indirect.scatter.add.f32 [tilespmem:s19], [sflag:$0x3], $0x8, s9, s16, $0xb8;
	[tilespmem:$0x1C400] =	vst v63  }
0x7f: {  	_ =	swait.ge [sflag:s30], $0x400  }
0x80: {  	[sflag:s30] =	ssyncset.done $0x0  }
0x81: {  	s10 =	rddreg [dreg:$0x14];
	[sflag:s30] =	ssyncadd.s32 $0xFFFFFC00  }
0x82: {  	[spmem:s3] =	stream.indirect.scatter.add.f32 [tilespmem:s20], [sflag:$0x3], $0x8, s10, s16, $0xb8;
	[tilespmem:$0x1C400] =	vst v63  }
0x83: {  	_ =	swait.ge [sflag:s30], $0x400  }
0x84: {  	[sflag:s30] =	ssyncset.done $0x0  }
0x85: {  	s11 =	rddreg [dreg:$0x15];
	[sflag:s30] =	ssyncadd.s32 $0xFFFFFC00  }
0x86: {  	[spmem:s3] =	stream.indirect.scatter.add.f32 [tilespmem:s21], [sflag:$0x3], $0x8, s11, s16, $0xb8;
	[tilespmem:$0x1C400] =	vst v63  }
0x87: {  	_ =	swait.ge [sflag:s30], $0x400  }
0x88: {  	[sflag:s30] =	ssyncset.done $0x0  }
0x89: {  	s12 =	rddreg [dreg:$0x16];
	[sflag:s30] =	ssyncadd.s32 $0xFFFFFC00  }
0x8a: {  	[spmem:s3] =	stream.indirect.scatter.add.f32 [tilespmem:s22], [sflag:$0x3], $0x8, s12, s16, $0xb8;
	[tilespmem:$0x1C400] =	vst v63  }
0x8b: {  	_ =	swait.ge [sflag:s30], $0x400  }
0x8c: {  	[sflag:s30] =	ssyncset.done $0x0  }
0x8d: {  	[sflag:s30] =	ssyncadd.s32 $0xFFFFFC00  }
0x8e: {  	[spmem:s3] =	stream.indirect.scatter.add.f32 [tilespmem:s23], [sflag:$0x3], $0x8, s31, s16, $0xb8;
	[tilespmem:$0x1C400] =	vst v63  }
0x8f: {  	_ =	swait.ge [sflag:s30], $0x400  }
0x90: {  	[sflag:s30] =	ssyncset.done $0x0  }
0x91: {  	[sflag:s30] =	ssyncadd.s32 $0xFFFFFC00  }
0x92: {  	[spmem:s3] =	stream.indirect.scatter.add.f32 [tilespmem:s24], [sflag:$0x3], $0x8, s1, s16, $0xb8;
	[tilespmem:$0x1C400] =	vst v63  }
0x93: {  	_ =	swait.ge [sflag:s30], $0x400  }
0x94: {  	[sflag:s30] =	ssyncset.done $0x0  }
0x95: {  	[sflag:s30] =	ssyncadd.s32 $0xFFFFFC00  }
0x96: {  	[spmem:s3] =	stream.indirect.scatter.add.f32 [tilespmem:s25], [sflag:$0x3], $0x8, s0, s16, $0xb8;
	[tilespmem:$0x1C400] =	vst v63  }
0x97: {  	_ =	swait.ge [sflag:s30], $0x400  }
0x98: {  	[sflag:s30] =	ssyncset.done $0x0  }
0x99: {  	[sflag:s30] =	ssyncadd.s32 $0xFFFFFC00  }
0x9a: {  	[spmem:s3] =	stream.indirect.scatter.add.f32 [tilespmem:s26], [sflag:$0x3], $0x8, s2, s16, $0xb8;
	[tilespmem:$0x1C400] =	vst v63  }
0x9b: {  	_ =	swait.ge [sflag:s30], $0x400  }
0x9c: {  	[sflag:s30] =	ssyncset.done $0x0  }
0x9d: {  	[sflag:s30] =	ssyncadd.s32 $0xFFFFFC00  }
0x9e: {  	[spmem:s3] =	stream.indirect.scatter.add.f32 [tilespmem:s28], [sflag:$0x3], $0x8, s7, s16, $0xb8;
	[tilespmem:$0x1C400] =	vst v63  }
0x9f: {  	p1 =	por $0x0, $0x0;
	_ =	swait.ge [sflag:s30], $0x400  }
0xa0: {  	s6 =	simm.s32 $0x180;
	s10 =	simm.s32 $0xC0;
	[sflag:s30] =	ssyncset.done $0x0  }
.LBB2_2:
0xa1: {  	s12 =	simm.s32 @!p1 $0x3;
	[sflag:s30] =	ssyncadd.s32 $0xFFFFFC00  }
0xa2: {  	[spmem:s3] =	stream.indirect.scatter.add.f32 [tilespmem:s29], [sflag:$0x3], $0x8, s8, s16, $0xb8;
	[tilespmem:$0x1C400] =	vst v63  }
0xa3: {  	_ =	swait.ge @!p1 [sflag:s12], $0x400  }
0xa4: {  	[sflag:s12] =	ssyncset.done @!p1 $0x0  }
0xa5: {  	[sflag:s12] =	ssyncadd.s32 @!p1 $0xFFFFFC00  }
0xa6: {  	_ =	swait.ge @!p1 [sflag:s12], $0x400  }
0xa7: {  	[sflag:s12] =	ssyncset.done @!p1 $0x0  }
0xa8: {  	[sflag:s12] =	ssyncadd.s32 @!p1 $0xFFFFFC00  }
0xa9: {  	_ =	swait.ge @!p1 [sflag:s12], $0x400  }
0xaa: {  	[sflag:s12] =	ssyncset.done @!p1 $0x0  }
0xab: {  	[sflag:s12] =	ssyncadd.s32 @!p1 $0xFFFFFC00  }
0xac: {  	_ =	swait.ge @!p1 [sflag:s12], $0x400  }
0xad: {  	[sflag:s12] =	ssyncset.done @!p1 $0x0  }
0xae: {  	[sflag:s12] =	ssyncadd.s32 @!p1 $0xFFFFFC00  }
0xaf: {  	_ =	swait.ge @!p1 [sflag:s12], $0x400  }
0xb0: {  	[sflag:s12] =	ssyncset.done @!p1 $0x0  }
0xb1: {  	[sflag:s12] =	ssyncadd.s32 @!p1 $0xFFFFFC00  }
0xb2: {  	_ =	swait.ge @!p1 [sflag:s12], $0x400  }
0xb3: {  	[sflag:s12] =	ssyncset.done @!p1 $0x0  }
0xb4: {  	[sflag:s12] =	ssyncadd.s32 @!p1 $0xFFFFFC00  }
0xb5: {  	_ =	swait.ge @!p1 [sflag:s12], $0x400  }
0xb6: {  	[sflag:s12] =	ssyncset.done @!p1 $0x0  }
0xb7: {  	[sflag:s12] =	ssyncadd.s32 @!p1 $0xFFFFFC00  }
0xb8: {  	_ =	swait.ge @!p1 [sflag:s12], $0x400  }
0xb9: {  	[sflag:s12] =	ssyncset.done @!p1 $0x0  }
0xba: {  	[sflag:s12] =	ssyncadd.s32 @!p1 $0xFFFFFC00  }
0xbb: {  	_ =	swait.ge @!p1 [sflag:s12], $0x400  }
0xbc: {  	[sflag:s12] =	ssyncset.done @!p1 $0x0  }
0xbd: {  	[sflag:s12] =	ssyncadd.s32 @!p1 $0xFFFFFC00  }
0xbe: {  	_ =	swait.ge @!p1 [sflag:s12], $0x400  }
0xbf: {  	[sflag:s12] =	ssyncset.done @!p1 $0x0  }
0xc0: {  	[sflag:s12] =	ssyncadd.s32 @!p1 $0xFFFFFC00  }
0xc1: {  	_ =	swait.ge @!p1 [sflag:s12], $0x400  }
0xc2: {  	[sflag:s12] =	ssyncset.done @!p1 $0x0  }
0xc3: {  	[sflag:s12] =	ssyncadd.s32 @!p1 $0xFFFFFC00  }
0xc4: {  	_ =	swait.ge @!p1 [sflag:s12], $0x400  }
0xc5: {  	[sflag:s12] =	ssyncset.done @!p1 $0x0;
	s9 =	rddreg [dreg:$0x6]  }
0xc6: {  	[sflag:s12] =	ssyncadd.s32 @!p1 $0xFFFFFC00;
	s12 =	rddreg [dreg:$0x5];
	s9 =	sadd.s32 s10, s9  }
0xc7: {  	[tilespmem:s13], [sflag:$0x1] =	stream.linear.gather [hbm4b:s9+s5], $0x600, $0x38;
	[tilespmem:$0x1C400] =	vst v63  }
0xc8: {  	s12 =	sadd.s32 s10, s12  }
0xc9: {  	[tilespmem:s14], [sflag:$0x1] =	stream.linear.gather [hbm4b:s12+s5], $0x600, $0x38;
	[tilespmem:$0x1C400] =	vst v63  }
0xca: {  	_ =	swait.ge [sflag:s15], $0x600  }
0xcb: {  	[sflag:s15] =	ssyncset.done $0x0  }
0xcc: {  	[sflag:s15] =	ssyncadd.s32 $0xFFFFFA00  }
0xcd: {  	_ =	swait.ge [sflag:s15], $0x600  }
0xce: {  	[sflag:s15] =	ssyncset.done $0x0  }
0xcf: {  	[sflag:s15] =	ssyncadd.s32 $0xFFFFFA00  }
0xd0: {  	[tilespmem:s17], [sflag:$0x2] =	stream.indirect.gather [spmem:s4], $0x8, s13, s16, $0xb8;
	[tilespmem:$0x1C400] =	vst v63  }
0xd1: {  	s11 =	smov.u32 s6;
	s12 =	rddreg [dreg:$0x7]  }
0xd2: {  	[tilespmem:s18], [sflag:$0x2] =	stream.indirect.gather [spmem:s4], $0x8, s12, s16, $0xb8;
	[tilespmem:$0x1C400] =	vst v63  }
0xd3: {  	s10 =	smov.u32 s11;
	s11 =	rddreg [dreg:$0x8]  }
0xd4: {  	[tilespmem:s19], [sflag:$0x2] =	stream.indirect.gather [spmem:s4], $0x8, s11, s16, $0xb8;
	[tilespmem:$0x1C400] =	vst v63  }
0xd5: {  	s12 =	rddreg [dreg:$0x9]  }
0xd6: {  	[tilespmem:s20], [sflag:$0x2] =	stream.indirect.gather [spmem:s4], $0x8, s12, s16, $0xb8;
	[tilespmem:$0x1C400] =	vst v63  }
0xd7: {  	s11 =	rddreg [dreg:$0xa]  }
0xd8: {  	[tilespmem:s21], [sflag:$0x2] =	stream.indirect.gather [spmem:s4], $0x8, s11, s16, $0xb8;
	[tilespmem:$0x1C400] =	vst v63  }
0xd9: {  	s12 =	rddreg [dreg:$0xb]  }
0xda: {  	[tilespmem:s22], [sflag:$0x2] =	stream.indirect.gather [spmem:s4], $0x8, s12, s16, $0xb8;
	[tilespmem:$0x1C400] =	vst v63  }
0xdb: {  	s11 =	rddreg [dreg:$0xc]  }
0xdc: {  	[tilespmem:s23], [sflag:$0x2] =	stream.indirect.gather [spmem:s4], $0x8, s11, s16, $0xb8;
	[tilespmem:$0x1C400] =	vst v63  }
0xdd: {  	s12 =	rddreg [dreg:$0xd]  }
0xde: {  	[tilespmem:s24], [sflag:$0x2] =	stream.indirect.gather [spmem:s4], $0x8, s12, s16, $0xb8;
	[tilespmem:$0x1C400] =	vst v63  }
0xdf: {  	s11 =	rddreg [dreg:$0xe]  }
0xe0: {  	[tilespmem:s25], [sflag:$0x2] =	stream.indirect.gather [spmem:s4], $0x8, s11, s16, $0xb8;
	[tilespmem:$0x1C400] =	vst v63  }
0xe1: {  	s12 =	rddreg [dreg:$0xf]  }
0xe2: {  	[tilespmem:s26], [sflag:$0x2] =	stream.indirect.gather [spmem:s4], $0x8, s12, s16, $0xb8;
	[tilespmem:$0x1C400] =	vst v63  }
0xe3: {  	s11 =	rddreg [dreg:$0x10]  }
0xe4: {  	[tilespmem:s28], [sflag:$0x2] =	stream.indirect.gather [spmem:s4], $0x8, s11, s16, $0xb8;
	[tilespmem:$0x1C400] =	vst v63  }
0xe5: {  	s12 =	rddreg [dreg:$0x11]  }
0xe6: {  	[tilespmem:s29], [sflag:$0x2] =	stream.indirect.gather [spmem:s4], $0x8, s12, s16, $0xb8;
	[tilespmem:$0x1C400] =	vst v63  }
0xe7: {  	_ =	swait.ge [sflag:s30], $0x400  }
0xe8: {  	[sflag:s30] =	ssyncset.done $0x0  }
0xe9: {  	[sflag:s30] =	ssyncadd.s32 $0xFFFFFC00  }
0xea: {  	[spmem:s3] =	stream.indirect.scatter.add.f32 [tilespmem:s17], [sflag:$0x3], $0x8, s14, s16, $0xb8;
	[tilespmem:$0x1C400] =	vst v63  }
0xeb: {  	_ =	swait.ge [sflag:s30], $0x400  }
0xec: {  	[sflag:s30] =	ssyncset.done $0x0  }
0xed: {  	s12 =	rddreg [dreg:$0x12];
	[sflag:s30] =	ssyncadd.s32 $0xFFFFFC00  }
0xee: {  	[spmem:s3] =	stream.indirect.scatter.add.f32 [tilespmem:s18], [sflag:$0x3], $0x8, s12, s16, $0xb8;
	[tilespmem:$0x1C400] =	vst v63  }
0xef: {  	_ =	swait.ge [sflag:s30], $0x400  }
0xf0: {  	[sflag:s30] =	ssyncset.done $0x0  }
0xf1: {  	s11 =	rddreg [dreg:$0x13];
	[sflag:s30] =	ssyncadd.s32 $0xFFFFFC00  }
0xf2: {  	[spmem:s3] =	stream.indirect.scatter.add.f32 [tilespmem:s19], [sflag:$0x3], $0x8, s11, s16, $0xb8;
	[tilespmem:$0x1C400] =	vst v63  }
0xf3: {  	_ =	swait.ge [sflag:s30], $0x400  }
0xf4: {  	[sflag:s30] =	ssyncset.done $0x0  }
0xf5: {  	s12 =	rddreg [dreg:$0x14];
	[sflag:s30] =	ssyncadd.s32 $0xFFFFFC00  }
0xf6: {  	[spmem:s3] =	stream.indirect.scatter.add.f32 [tilespmem:s20], [sflag:$0x3], $0x8, s12, s16, $0xb8;
	[tilespmem:$0x1C400] =	vst v63  }
0xf7: {  	_ =	swait.ge [sflag:s30], $0x400  }
0xf8: {  	[sflag:s30] =	ssyncset.done $0x0  }
0xf9: {  	s11 =	rddreg [dreg:$0x15];
	[sflag:s30] =	ssyncadd.s32 $0xFFFFFC00  }
0xfa: {  	[spmem:s3] =	stream.indirect.scatter.add.f32 [tilespmem:s21], [sflag:$0x3], $0x8, s11, s16, $0xb8;
	[tilespmem:$0x1C400] =	vst v63  }
0xfb: {  	_ =	swait.ge [sflag:s30], $0x400  }
0xfc: {  	[sflag:s30] =	ssyncset.done $0x0  }
0xfd: {  	s12 =	rddreg [dreg:$0x16];
	[sflag:s30] =	ssyncadd.s32 $0xFFFFFC00  }
0xfe: {  	[spmem:s3] =	stream.indirect.scatter.add.f32 [tilespmem:s22], [sflag:$0x3], $0x8, s12, s16, $0xb8;
	[tilespmem:$0x1C400] =	vst v63  }
0xff: {  	_ =	swait.ge [sflag:s30], $0x400  }
0x100: {  	[sflag:s30] =	ssyncset.done $0x0  }
0x101: {  	[sflag:s30] =	ssyncadd.s32 $0xFFFFFC00  }
0x102: {  	[spmem:s3] =	stream.indirect.scatter.add.f32 [tilespmem:s23], [sflag:$0x3], $0x8, s31, s16, $0xb8;
	[tilespmem:$0x1C400] =	vst v63  }
0x103: {  	_ =	swait.ge [sflag:s30], $0x400  }
0x104: {  	[sflag:s30] =	ssyncset.done $0x0  }
0x105: {  	[sflag:s30] =	ssyncadd.s32 $0xFFFFFC00  }
0x106: {  	[spmem:s3] =	stream.indirect.scatter.add.f32 [tilespmem:s24], [sflag:$0x3], $0x8, s1, s16, $0xb8;
	[tilespmem:$0x1C400] =	vst v63  }
0x107: {  	_ =	swait.ge [sflag:s30], $0x400  }
0x108: {  	[sflag:s30] =	ssyncset.done $0x0  }
0x109: {  	[sflag:s30] =	ssyncadd.s32 $0xFFFFFC00  }
0x10a: {  	[spmem:s3] =	stream.indirect.scatter.add.f32 [tilespmem:s25], [sflag:$0x3], $0x8, s0, s16, $0xb8;
	[tilespmem:$0x1C400] =	vst v63  }
0x10b: {  	_ =	swait.ge [sflag:s30], $0x400  }
0x10c: {  	[sflag:s30] =	ssyncset.done $0x0  }
0x10d: {  	s6 =	sadd.s32 $0xC0, s6;
	[sflag:s30] =	ssyncadd.s32 $0xFFFFFC00  }
0x10e: {  	[spmem:s3] =	stream.indirect.scatter.add.f32 [tilespmem:s26], [sflag:$0x3], $0x8, s2, s16, $0xb8;
	[tilespmem:$0x1C400] =	vst v63  }
0x10f: {  	p0 =	sne.s32 s6, $0x6300;
	_ =	swait.ge [sflag:s30], $0x400  }
.Ltmp0:
0x110: {  	[sflag:s30] =	ssyncset.done $0x0;
	(pc) =	sbr.rel @p0 .LBB2_2-.Ltmp0, $4  }
0x111: {  	[sflag:s30] =	ssyncadd.s32 $0xFFFFFC00  }
0x112: {  	[spmem:s3] =	stream.indirect.scatter.add.f32 [tilespmem:s28], [sflag:$0x3], $0x8, s7, s16, $0xb8;
	[tilespmem:$0x1C400] =	vst v63  }
0x113: {  	_ =	swait.ge [sflag:s30], $0x400  }
0x114: {  	p1 =	seq.s32 s10, $0x0;
	[sflag:s30] =	ssyncset.done $0x0  }
0x115: {  	s6 =	simm.s32 @!p1 $0x3;
	[sflag:s30] =	ssyncadd.s32 $0xFFFFFC00  }
0x116: {  	[spmem:s3] =	stream.indirect.scatter.add.f32 [tilespmem:s29], [sflag:$0x3], $0x8, s8, s16, $0xb8;
	[tilespmem:$0x1C400] =	vst v63  }
0x117: {  	_ =	swait.ge @!p1 [sflag:s6], $0x400  }
0x118: {  	[sflag:s6] =	ssyncset.done @!p1 $0x0  }
0x119: {  	[sflag:s6] =	ssyncadd.s32 @!p1 $0xFFFFFC00  }
0x11a: {  	_ =	swait.ge @!p1 [sflag:s6], $0x400  }
0x11b: {  	[sflag:s6] =	ssyncset.done @!p1 $0x0  }
0x11c: {  	[sflag:s6] =	ssyncadd.s32 @!p1 $0xFFFFFC00  }
0x11d: {  	_ =	swait.ge @!p1 [sflag:s6], $0x400  }
0x11e: {  	[sflag:s6] =	ssyncset.done @!p1 $0x0  }
0x11f: {  	[sflag:s6] =	ssyncadd.s32 @!p1 $0xFFFFFC00  }
0x120: {  	_ =	swait.ge @!p1 [sflag:s6], $0x400  }
0x121: {  	[sflag:s6] =	ssyncset.done @!p1 $0x0  }
0x122: {  	[sflag:s6] =	ssyncadd.s32 @!p1 $0xFFFFFC00  }
0x123: {  	_ =	swait.ge @!p1 [sflag:s6], $0x400  }
0x124: {  	[sflag:s6] =	ssyncset.done @!p1 $0x0  }
0x125: {  	[sflag:s6] =	ssyncadd.s32 @!p1 $0xFFFFFC00  }
0x126: {  	_ =	swait.ge @!p1 [sflag:s6], $0x400  }
0x127: {  	[sflag:s6] =	ssyncset.done @!p1 $0x0  }
0x128: {  	[sflag:s6] =	ssyncadd.s32 @!p1 $0xFFFFFC00  }
0x129: {  	_ =	swait.ge @!p1 [sflag:s6], $0x400  }
0x12a: {  	[sflag:s6] =	ssyncset.done @!p1 $0x0  }
0x12b: {  	[sflag:s6] =	ssyncadd.s32 @!p1 $0xFFFFFC00  }
0x12c: {  	_ =	swait.ge @!p1 [sflag:s6], $0x400  }
0x12d: {  	[sflag:s6] =	ssyncset.done @!p1 $0x0  }
0x12e: {  	[sflag:s6] =	ssyncadd.s32 @!p1 $0xFFFFFC00  }
0x12f: {  	_ =	swait.ge @!p1 [sflag:s6], $0x400  }
0x130: {  	[sflag:s6] =	ssyncset.done @!p1 $0x0  }
0x131: {  	[sflag:s6] =	ssyncadd.s32 @!p1 $0xFFFFFC00  }
0x132: {  	_ =	swait.ge @!p1 [sflag:s6], $0x400  }
0x133: {  	[sflag:s6] =	ssyncset.done @!p1 $0x0  }
0x134: {  	[sflag:s6] =	ssyncadd.s32 @!p1 $0xFFFFFC00  }
0x135: {  	_ =	swait.ge @!p1 [sflag:s6], $0x400  }
0x136: {  	[sflag:s6] =	ssyncset.done @!p1 $0x0  }
0x137: {  	[sflag:s6] =	ssyncadd.s32 @!p1 $0xFFFFFC00  }
0x138: {  	_ =	swait.ge @!p1 [sflag:s6], $0x400  }
0x139: {  	s9 =	rddreg [dreg:$0x6];
	[sflag:s6] =	ssyncset.done @!p1 $0x0  }
0x13a: {  	s11 =	rddreg [dreg:$0x5];
	[sflag:s6] =	ssyncadd.s32 @!p1 $0xFFFFFC00;
	s9 =	sadd.s32 s10, s9  }
0x13b: {  	[tilespmem:s13], [sflag:$0x1] =	stream.linear.gather [hbm4b:s9+s5], $0x600, $0x38;
	[tilespmem:$0x1C400] =	vst v63  }
0x13c: {  	s10 =	sadd.s32 s10, s11  }
0x13d: {  	[tilespmem:s14], [sflag:$0x1] =	stream.linear.gather [hbm4b:s10+s5], $0x600, $0x38;
	[tilespmem:$0x1C400] =	vst v63  }
0x13e: {  	_ =	swait.ge [sflag:s15], $0x600  }
0x13f: {  	[sflag:s15] =	ssyncset.done $0x0  }
0x140: {  	[sflag:s15] =	ssyncadd.s32 $0xFFFFFA00  }
0x141: {  	_ =	swait.ge [sflag:s15], $0x600  }
0x142: {  	[sflag:s15] =	ssyncset.done $0x0  }
0x143: {  	[sflag:s15] =	ssyncadd.s32 $0xFFFFFA00  }
0x144: {  	[tilespmem:s17], [sflag:$0x2] =	stream.indirect.gather [spmem:s4], $0x8, s13, s16, $0xb8;
	[tilespmem:$0x1C400] =	vst v63  }
0x145: {  	s11 =	rddreg [dreg:$0x7]  }
0x146: {  	[tilespmem:s18], [sflag:$0x2] =	stream.indirect.gather [spmem:s4], $0x8, s11, s16, $0xb8;
	[tilespmem:$0x1C400] =	vst v63  }
0x147: {  	s12 =	rddreg [dreg:$0x8]  }
0x148: {  	[tilespmem:s19], [sflag:$0x2] =	stream.indirect.gather [spmem:s4], $0x8, s12, s16, $0xb8;
	[tilespmem:$0x1C400] =	vst v63  }
0x149: {  	s10 =	rddreg [dreg:$0x9]  }
0x14a: {  	[tilespmem:s20], [sflag:$0x2] =	stream.indirect.gather [spmem:s4], $0x8, s10, s16, $0xb8;
	[tilespmem:$0x1C400] =	vst v63  }
0x14b: {  	s11 =	rddreg [dreg:$0xa]  }
0x14c: {  	[tilespmem:s21], [sflag:$0x2] =	stream.indirect.gather [spmem:s4], $0x8, s11, s16, $0xb8;
	[tilespmem:$0x1C400] =	vst v63  }
0x14d: {  	s12 =	rddreg [dreg:$0xb]  }
0x14e: {  	[tilespmem:s22], [sflag:$0x2] =	stream.indirect.gather [spmem:s4], $0x8, s12, s16, $0xb8;
	[tilespmem:$0x1C400] =	vst v63  }
0x14f: {  	s10 =	rddreg [dreg:$0xc]  }
0x150: {  	[tilespmem:s23], [sflag:$0x2] =	stream.indirect.gather [spmem:s4], $0x8, s10, s16, $0xb8;
	[tilespmem:$0x1C400] =	vst v63  }
0x151: {  	s11 =	rddreg [dreg:$0xd]  }
0x152: {  	[tilespmem:s24], [sflag:$0x2] =	stream.indirect.gather [spmem:s4], $0x8, s11, s16, $0xb8;
	[tilespmem:$0x1C400] =	vst v63  }
0x153: {  	s12 =	rddreg [dreg:$0xe]  }
0x154: {  	[tilespmem:s25], [sflag:$0x2] =	stream.indirect.gather [spmem:s4], $0x8, s12, s16, $0xb8;
	[tilespmem:$0x1C400] =	vst v63  }
0x155: {  	s10 =	rddreg [dreg:$0xf]  }
0x156: {  	[tilespmem:s26], [sflag:$0x2] =	stream.indirect.gather [spmem:s4], $0x8, s10, s16, $0xb8;
	[tilespmem:$0x1C400] =	vst v63  }
0x157: {  	s11 =	rddreg [dreg:$0x10]  }
0x158: {  	[tilespmem:s28], [sflag:$0x2] =	stream.indirect.gather [spmem:s4], $0x8, s11, s16, $0xb8;
	[tilespmem:$0x1C400] =	vst v63  }
0x159: {  	s12 =	rddreg [dreg:$0x11]  }
0x15a: {  	[tilespmem:s29], [sflag:$0x2] =	stream.indirect.gather [spmem:s4], $0x8, s12, s16, $0xb8;
	[tilespmem:$0x1C400] =	vst v63  }
0x15b: {  	_ =	swait.ge [sflag:s30], $0x400  }
0x15c: {  	[sflag:s30] =	ssyncset.done $0x0  }
0x15d: {  	[sflag:s30] =	ssyncadd.s32 $0xFFFFFC00  }
0x15e: {  	[spmem:s3] =	stream.indirect.scatter.add.f32 [tilespmem:s17], [sflag:$0x3], $0x8, s14, s16, $0xb8;
	[tilespmem:$0x1C400] =	vst v63  }
0x15f: {  	_ =	swait.ge [sflag:s30], $0x400  }
0x160: {  	[sflag:s30] =	ssyncset.done $0x0  }
0x161: {  	s10 =	rddreg [dreg:$0x12];
	[sflag:s30] =	ssyncadd.s32 $0xFFFFFC00  }
0x162: {  	[spmem:s3] =	stream.indirect.scatter.add.f32 [tilespmem:s18], [sflag:$0x3], $0x8, s10, s16, $0xb8;
	[tilespmem:$0x1C400] =	vst v63  }
0x163: {  	_ =	swait.ge [sflag:s30], $0x400  }
0x164: {  	[sflag:s30] =	ssyncset.done $0x0  }
0x165: {  	s11 =	rddreg [dreg:$0x13];
	[sflag:s30] =	ssyncadd.s32 $0xFFFFFC00  }
0x166: {  	[spmem:s3] =	stream.indirect.scatter.add.f32 [tilespmem:s19], [sflag:$0x3], $0x8, s11, s16, $0xb8;
	[tilespmem:$0x1C400] =	vst v63  }
0x167: {  	_ =	swait.ge [sflag:s30], $0x400  }
0x168: {  	[sflag:s30] =	ssyncset.done $0x0  }
0x169: {  	s12 =	rddreg [dreg:$0x14];
	[sflag:s30] =	ssyncadd.s32 $0xFFFFFC00  }
0x16a: {  	[spmem:s3] =	stream.indirect.scatter.add.f32 [tilespmem:s20], [sflag:$0x3], $0x8, s12, s16, $0xb8;
	[tilespmem:$0x1C400] =	vst v63  }
0x16b: {  	_ =	swait.ge [sflag:s30], $0x400  }
0x16c: {  	[sflag:s30] =	ssyncset.done $0x0  }
0x16d: {  	s9 =	rddreg [dreg:$0x15];
	[sflag:s30] =	ssyncadd.s32 $0xFFFFFC00  }
0x16e: {  	[spmem:s3] =	stream.indirect.scatter.add.f32 [tilespmem:s21], [sflag:$0x3], $0x8, s9, s16, $0xb8;
	[tilespmem:$0x1C400] =	vst v63  }
0x16f: {  	_ =	swait.ge [sflag:s30], $0x400  }
0x170: {  	[sflag:s30] =	ssyncset.done $0x0  }
0x171: {  	s10 =	rddreg [dreg:$0x16];
	[sflag:s30] =	ssyncadd.s32 $0xFFFFFC00  }
0x172: {  	[spmem:s3] =	stream.indirect.scatter.add.f32 [tilespmem:s22], [sflag:$0x3], $0x8, s10, s16, $0xb8;
	[tilespmem:$0x1C400] =	vst v63  }
0x173: {  	_ =	swait.ge [sflag:s30], $0x400  }
0x174: {  	[sflag:s30] =	ssyncset.done $0x0  }
0x175: {  	[sflag:s30] =	ssyncadd.s32 $0xFFFFFC00  }
0x176: {  	[spmem:s3] =	stream.indirect.scatter.add.f32 [tilespmem:s23], [sflag:$0x3], $0x8, s31, s16, $0xb8;
	[tilespmem:$0x1C400] =	vst v63  }
0x177: {  	_ =	swait.ge [sflag:s30], $0x400  }
0x178: {  	[sflag:s30] =	ssyncset.done $0x0  }
0x179: {  	[sflag:s30] =	ssyncadd.s32 $0xFFFFFC00  }
0x17a: {  	[spmem:s3] =	stream.indirect.scatter.add.f32 [tilespmem:s24], [sflag:$0x3], $0x8, s1, s16, $0xb8;
	[tilespmem:$0x1C400] =	vst v63  }
0x17b: {  	_ =	swait.ge [sflag:s30], $0x400  }
0x17c: {  	[sflag:s30] =	ssyncset.done $0x0  }
0x17d: {  	[sflag:s30] =	ssyncadd.s32 $0xFFFFFC00  }
0x17e: {  	[spmem:s3] =	stream.indirect.scatter.add.f32 [tilespmem:s25], [sflag:$0x3], $0x8, s0, s16, $0xb8;
	[tilespmem:$0x1C400] =	vst v63  }
0x17f: {  	_ =	swait.ge [sflag:s30], $0x400  }
0x180: {  	[sflag:s30] =	ssyncset.done $0x0  }
0x181: {  	[sflag:s30] =	ssyncadd.s32 $0xFFFFFC00  }
0x182: {  	[spmem:s3] =	stream.indirect.scatter.add.f32 [tilespmem:s26], [sflag:$0x3], $0x8, s2, s16, $0xb8;
	[tilespmem:$0x1C400] =	vst v63  }
0x183: {  	_ =	swait.ge [sflag:s30], $0x400  }
0x184: {  	[sflag:s30] =	ssyncset.done $0x0  }
0x185: {  	[sflag:s30] =	ssyncadd.s32 $0xFFFFFC00  }
0x186: {  	[spmem:s3] =	stream.indirect.scatter.add.f32 [tilespmem:s28], [sflag:$0x3], $0x8, s7, s16, $0xb8;
	[tilespmem:$0x1C400] =	vst v63  }
0x187: {  	_ =	swait.ge [sflag:s30], $0x400  }
0x188: {  	[sflag:s30] =	ssyncset.done $0x0  }
0x189: {  	s11 =	simm.s32 $0x3;
	[sflag:s30] =	ssyncadd.s32 $0xFFFFFC00  }
0x18a: {  	[spmem:s3] =	stream.indirect.scatter.add.f32 [tilespmem:s29], [sflag:$0x3], $0x8, s8, s16, $0xb8;
	[tilespmem:$0x1C400] =	vst v63  }
0x18b: {  	_ =	swait.ge [sflag:s11], $0x400  }
0x18c: {  	[sflag:s11] =	ssyncset.done $0x0  }
0x18d: {  	[sflag:s11] =	ssyncadd.s32 $0xFFFFFC00  }
0x18e: {  	_ =	swait.ge [sflag:s11], $0x400  }
0x18f: {  	[sflag:s11] =	ssyncset.done $0x0  }
0x190: {  	[sflag:s11] =	ssyncadd.s32 $0xFFFFFC00  }
0x191: {  	_ =	swait.ge [sflag:s11], $0x400  }
0x192: {  	[sflag:s11] =	ssyncset.done $0x0  }
0x193: {  	[sflag:s11] =	ssyncadd.s32 $0xFFFFFC00  }
0x194: {  	_ =	swait.ge [sflag:s11], $0x400  }
0x195: {  	[sflag:s11] =	ssyncset.done $0x0  }
0x196: {  	[sflag:s11] =	ssyncadd.s32 $0xFFFFFC00  }
0x197: {  	_ =	swait.ge [sflag:s11], $0x400  }
0x198: {  	[sflag:s11] =	ssyncset.done $0x0  }
0x199: {  	[sflag:s11] =	ssyncadd.s32 $0xFFFFFC00  }
0x19a: {  	_ =	swait.ge [sflag:s11], $0x400  }
0x19b: {  	[sflag:s11] =	ssyncset.done $0x0  }
0x19c: {  	[sflag:s11] =	ssyncadd.s32 $0xFFFFFC00  }
0x19d: {  	_ =	swait.ge [sflag:s11], $0x400  }
0x19e: {  	[sflag:s11] =	ssyncset.done $0x0  }
0x19f: {  	[sflag:s11] =	ssyncadd.s32 $0xFFFFFC00  }
0x1a0: {  	_ =	swait.ge [sflag:s11], $0x400  }
0x1a1: {  	[sflag:s11] =	ssyncset.done $0x0  }
0x1a2: {  	[sflag:s11] =	ssyncadd.s32 $0xFFFFFC00  }
0x1a3: {  	_ =	swait.ge [sflag:s11], $0x400  }
0x1a4: {  	[sflag:s11] =	ssyncset.done $0x0  }
0x1a5: {  	[sflag:s11] =	ssyncadd.s32 $0xFFFFFC00  }
0x1a6: {  	_ =	swait.ge [sflag:s11], $0x400  }
0x1a7: {  	[sflag:s11] =	ssyncset.done $0x0  }
0x1a8: {  	[sflag:s11] =	ssyncadd.s32 $0xFFFFFC00  }
0x1a9: {  	_ =	swait.ge [sflag:s11], $0x400  }
0x1aa: {  	[sflag:s11] =	ssyncset.done $0x0  }
0x1ab: {  	[sflag:s11] =	ssyncadd.s32 $0xFFFFFC00  }
0x1ac: {  	_ =	swait.ge [sflag:s11], $0x400  }
0x1ad: {  	[sflag:s11] =	ssyncset.done $0x0  }
0x1ae: {  	[sflag:s11] =	ssyncadd.s32 $0xFFFFFC00  }
0x1af: {  	[bflag:$0x0] =	sbarrier.arrive $0xFFFF  }
0x1b0: {  	s10 =	rddreg [dreg:$0x17]  }
0x1b1: {  	s12 =	rddreg [dreg:$0x19]  }
0x1b2: {  	s11 =	simm.s32 $0x4;
	s9 =	rddreg [dreg:$0x1b]  }
0x1b3: {  	[hbm:s12], [sflag:s10] =	dma.local [spmem:s9], $0x1880  }
0x1b4: {  	_ =	swait.ge [sflag:s11], $0x1880  }
0x1b5: {  	s12 =	rddreg [dreg:$0x1d]  }
0x1b6: {  	s6 =	rddreg [dreg:$0x1a];
	s12 =	sadd.s32 $0x1, s12  }
0x1b7: {  	p0 =	sne.s32 s12, s6  }
.Ltmp1:
0x1b8: {  	_ = 	snop;
	(pc) =	sbr.rel @p0 .LBB2_1-.Ltmp1, $3  }
0x1b9: {  	_ =	sdelay $0x1  }
0x1ba: {  	[sflag:s11] =	ssyncset.done $0x0  }
0x1bb: {  	[sflag:s11] =	ssyncadd.s32 $0xFFFFE780  }
0x1bc: {  	_ =	sfence.sel $0x180000  }
0x1bd: {  	[bflag:$0x0] =	sbarrier.arrive $0xFFFF  }
0x1be: {  	_ =	strace $0x9000004D  }
0x1bf: {  	s0 =	stileid.u32;
	[bflag:$0x2] =	sbarrier.arrive $0xFFFF  }
0x1c0: {  	p0 =	sne.s32 s0, $0x0;
	s0 =	rddreg [dreg:$0x4]  }
0x1c1: {  	s0 =	sadd.s32 @!p0 $0x100000, s0  }
0x1c2: {  	[sflag:s0] =	ssyncadd.tile.s32 @!p0 $0x1;
	_ =	shalt  }
.Lfunc_end2:
_tile_overlayer_lowered:
.L_overlay_start_2:
0x1c3: {  	(tag) =	ssettag $0x2  }
0x1c4: {  	s0 =	rddreg [dreg:$0x0];
	s2 =	stileid.u32  }
0x1c5: {  	s1 =	rddreg [dreg:$0x1];
	p0 =	sne.s32 s2, $0x0  }
0x1c6: {  	s3 =	rddreg [dreg:$0x2];
	[bflag:$0x3] =	sbarrier.arrive $0xFFFF;
	s2 =	simm.s32 @!p0 $0x1C04  }
0x1c7: {  	[timem:s3], [sflag:s2] =	dma.local @!p0 [hbm:s0], s1  }
0x1c8: {  	s0 =	simm.s32 @!p0 $0x4  }
0x1c9: {  	_ =	swait.ge @!p0 [sflag:s0], s1  }
0x1ca: {  	s1 =	ssub.s32 @!p0 $0x0, s1;
	[sflag:s0] =	ssyncset.done @!p0 $0x0  }
0x1cb: {  	[sflag:s0] =	ssyncadd.s32 @!p0 s1  }
0x1cc: {  	[bflag:$0x3] =	sbarrier.arrive $0xFFFF  }
0x1cd: {  	_ =	shalt  }

// kernel: kernel.8.cloned.1.call-start
scs
__scs_entry_jumppad:
0x0: {  	(pc) =	sbr.rel $0x88, $3  }
0x1: {  	(tag) =	ssettag $0x0;
	lr =	simm.s32 $0x1  }
0x2: {  	[smem:$0x3F9B] =	sst lr;
	_ =	strace $0xD0000000  }
0x3: {  	_ = 	snop  }
0x4: {  	_ = 	snop  }
0x5: {  	_ = 	snop  }
0x6: {  	_ = 	snop  }
0x7: {  	_ = 	snop  }
__scs_overlays_trampoline_lowered:
0x8: {  	[smem:$0x3FAA] =	sst s0  }
0x9: {  	[smem:$0x3FAB] =	sst s1  }
0xa: {  	[smem:$0x3FAC] =	sst s2  }
0xb: {  	[smem:$0x3FAD] =	sst s3  }
0xc: {  	[smem:$0x3FAE] =	sst s4  }
0xd: {  	[smem:$0x3FAF] =	sst s5  }
0xe: {  	[smem:$0x3FB0] =	sst s6  }
0xf: {  	[smem:$0x3FB1] =	sst s7  }
0x10: {  	[smem:$0x3FB2] =	sst s8  }
0x11: {  	[smem:$0x3FB3] =	sst s9;
	s0 =	simm.s32 @!p0 $0x0  }
0x12: {  	s1 =	sld [smem:$0x3F99];
	s0 =	simm.s32 @p0 $0x1  }
0x13: {  	[smem:$0x3FB4] =	sst s0;
	s0 =	simm.s32 @!p1 $0x0  }
0x14: {  	s2 =	sld [smem:$0x3F98];
	s0 =	simm.s32 @p1 $0x1  }
0x15: {  	[smem:$0x3FB5] =	sst s0;
	s0 =	simm.s32 @!p2 $0x0  }
0x16: {  	s3 =	sld [smem:$0x3FDB];
	s0 =	simm.s32 @p2 $0x1  }
0x17: {  	s4 =	simm.s32 $0x1BF5;
	[smem:$0x3FB7] =	sst s0  }
0x18: {  	s0 =	sld [smem:$0x3F9A];
	_ =	swait.ge [sflag:s4], $0x0  }
0x19: {  	s7 =	sld [smem:$0x3F9B]  }
0x1a: {  	s8 =	sadd.s32 $0xFFFFE003, lr  }
0x1b: {  	s9 =	sadd.s32 $0xFFFFFEF7, lr;
	s5 =	simm.s32 $0xFFFFFFFF;
	p2 =	slt.u32 s8, $0xFFFFF086  }
0x1c: {  	p1 =	slt.u32 s9, $0xF7A;
	s5 =	simm.s32 @!p2 $0x0  }
0x1d: {  	s5 =	simm.s32 @p1 $0x1;
	p0 =	seq.s32 s7, s2  }
0x1e: {  	s7 =	smul.u32 @!p0 $0xF7A, s2;
	p2 =	seq.s32 @!p0 s5, $0x0  }
0x1f: {  	s9 =	smul.u32 $0xF7A, s1;
	s8 =	simm.s32 @!p0 $0x1BF5;
	p2 =	por !p2, p0  }
0x20: {  	[sflag:s8] =	ssyncset.s32 @!p0 $0xFFFFF086;
	s6 =	sadd.s32 @!p0 s3, s7;
	s7 =	simm.s32 @!p0 $0x108  }
0x21: {  	s3 =	sadd.s32 s3, s9;
	s6 =	sadd.s32 @!p0 $0x88, s6;
	s7 =	simm.s32 @p2 $0x1082  }
0x22: {  	[simem:s7], [sflag:s8] =	dma.local @!p0 [hbm:s6], $0xF7A  }
0x23: {  	s9 =	sor.u32 $0xD0000000, s2;
	s6 =	simm.s32 $0x108;
	_ =	swait.ge @!p0 [sflag:s8], $0x0  }
0x24: {  	s3 =	sadd.s32 $0x88, s3;
	s6 =	simm.s32 @!p1 $0x1082;
	[sflag:s4] =	ssyncset.s32 $0xFFFFF086  }
0x25: {  	[simem:s6], [sflag:s4] =	dma.local [hbm:s3], $0xF7A  }
0x26: {  	[smem:$0x3F9B] =	sst s1;
	(tag) =	ssettag s2;
	_ =	strace s9  }
0x27: {  	s1 =	sld [smem:$0x3FAB]  }
0x28: {  	s2 =	sld [smem:$0x3FAC]  }
0x29: {  	s4 =	sld [smem:$0x3FAE]  }
0x2a: {  	p0 =	seq.s32 s5, $0x0;
	s5 =	sld [smem:$0x3FAF]  }
0x2b: {  	s6 =	sld [smem:$0x3FB0]  }
0x2c: {  	s7 =	sld [smem:$0x3FB1]  }
0x2d: {  	s3 =	simm.s32 $0x108;
	s8 =	sld [smem:$0x3FB2]  }
0x2e: {  	s3 =	simm.s32 @!p0 $0x1082;
	s9 =	sld [smem:$0x3FB3]  }
0x2f: {  	lr =	sadd.s32 s0, s3;
	s0 =	sld [smem:$0x3FAA]  }
0x30: {  	s3 =	sld [smem:$0x3FAD]  }
0x31: {  	[smem:$0x3FB6] =	sst s10  }
0x32: {  	s10 =	sld [smem:$0x3FB4];
	_ =	sdelay $0x3  }
0x33: {  	p0 =	seq.s32 s10, $0x1;
	s10 =	sld [smem:$0x3FB6];
	_ =	sdelay $0x3  }
0x34: {  	[smem:$0x3FB6] =	sst s10  }
0x35: {  	s10 =	sld [smem:$0x3FB5];
	_ =	sdelay $0x3  }
0x36: {  	p1 =	seq.s32 s10, $0x1;
	s10 =	sld [smem:$0x3FB6];
	_ =	sdelay $0x3  }
0x37: {  	[smem:$0x3FB6] =	sst s10  }
0x38: {  	s10 =	sld [smem:$0x3FB7]  }
0x39: {  	_ = 	snop;
	(pc) =	sbr.ind lr, $3  }
0x3a: {  	_ = 	snop  }
0x3b: {  	_ = 	snop  }
0x3c: {  	p2 =	seq.s32 s10, $0x1;
	s10 =	sld [smem:$0x3FB6]  }
0x3d: {  	_ =	shalt  }
0x3e: {  	_ =	shalt  }
0x3f: {  	_ =	shalt  }
0x40: {  	_ =	shalt  }
0x41: {  	_ =	shalt  }
0x42: {  	_ =	shalt  }
0x43: {  	_ =	shalt  }
0x44: {  	_ =	shalt  }
0x45: {  	_ =	shalt  }
0x46: {  	_ =	shalt  }
0x47: {  	_ =	shalt  }
0x48: {  	_ =	shalt  }
0x49: {  	_ =	shalt  }
0x4a: {  	_ =	shalt  }
0x4b: {  	_ =	shalt  }
0x4c: {  	_ =	shalt  }
0x4d: {  	_ =	shalt  }
0x4e: {  	_ =	shalt  }
0x4f: {  	_ =	shalt  }
0x50: {  	_ =	shalt  }
0x51: {  	_ =	shalt  }
0x52: {  	_ =	shalt  }
0x53: {  	_ =	shalt  }
0x54: {  	_ =	shalt  }
0x55: {  	_ =	shalt  }
0x56: {  	_ =	shalt  }
0x57: {  	_ =	shalt  }
0x58: {  	_ =	shalt  }
0x59: {  	_ =	shalt  }
0x5a: {  	_ =	shalt  }
0x5b: {  	_ =	shalt  }
0x5c: {  	_ =	shalt  }
0x5d: {  	_ =	shalt  }
0x5e: {  	_ =	shalt  }
0x5f: {  	_ =	shalt  }
0x60: {  	_ =	shalt  }
0x61: {  	_ =	shalt  }
0x62: {  	_ =	shalt  }
0x63: {  	_ =	shalt  }
0x64: {  	_ =	shalt  }
0x65: {  	_ =	shalt  }
0x66: {  	_ =	shalt  }
0x67: {  	_ =	shalt  }
0x68: {  	_ =	shalt  }
0x69: {  	_ =	shalt  }
0x6a: {  	_ =	shalt  }
0x6b: {  	_ =	shalt  }
0x6c: {  	_ =	shalt  }
0x6d: {  	_ =	shalt  }
0x6e: {  	_ =	shalt  }
0x6f: {  	_ =	shalt  }
0x70: {  	_ =	shalt  }
0x71: {  	_ =	shalt  }
0x72: {  	_ =	shalt  }
0x73: {  	_ =	shalt  }
0x74: {  	_ =	shalt  }
0x75: {  	_ =	shalt  }
0x76: {  	_ =	shalt  }
0x77: {  	_ =	shalt  }
0x78: {  	_ =	shalt  }
0x79: {  	_ =	shalt  }
0x7a: {  	_ =	shalt  }
0x7b: {  	_ =	shalt  }
0x7c: {  	_ =	shalt  }
0x7d: {  	_ =	shalt  }
0x7e: {  	_ =	shalt  }
0x7f: {  	_ =	shalt  }
0x80: {  	_ =	shalt  }
0x81: {  	_ =	shalt  }
0x82: {  	_ =	shalt  }
0x83: {  	_ =	shalt  }
0x84: {  	_ =	shalt  }
0x85: {  	_ =	shalt  }
0x86: {  	_ =	shalt  }
0x87: {  	_ =	shalt  }
.Lfunc_end0:
.L_simem_size_0:
called_computation_lowered:
.L_overlay_start_0:
0x88: {  	s2 =	sld [smem:$0x3FD9]  }
0x89: {  	s3 =	sld [smem:$0x3FFE];
	_ =	sdelay $0x1  }
0x8a: {  	s1 =	srdreg.scid  }
0x8b: {  	s0 =	sand.u32 $0x1, s1  }
0x8c: {  	s17 =	sshll.u32 s0, $0xA;
	s2 =	sadd.s32 s3, s2  }
0x8d: {  	s2 =	sadd.s32 s2, s17  }
0x8e: {  	[smem:$0x3FC2] =	sst s2  }
0x8f: {  	_ = 	snop  }
0x90: {  	s2 =	sld [smem:$0x3FD0];
	(tm) =	ssettm $0x1  }
0x91: {  	s18 =	sld [smem:$0x3FFB];
	_ =	sdelay $0x3  }
0x92: {  	_ =	strace s18  }
0x93: {  	s3 =	sld [smem:$0x3FFC];
	_ =	sdelay $0x3  }
0x94: {  	_ =	strace s3  }
0x95: {  	s3 =	sld [smem:$0x3FFD];
	_ =	sdelay $0x3  }
0x96: {  	_ =	strace s3  }
0x97: {  	_ =	strace $0x8FFFFFFF  }
0x98: {  	s19 =	sld [smem:$0x3FDB];
	_ =	sdelay $0x1  }
0x99: {  	s4 =	simm.s32 $_scs_section_size  }
0x9a: {  	s5 =	simm.s32 $_size__tile_overlayer_lowered;
	s6 =	simm.s32 $_tile_overlayer_lowered  }
0x9b: {  	s22 =	simm.s32 $0x1BFF;
	s21 =	sshll.u32 s6, $0x1;
	s3 =	sadd.s32 s4, s19  }
0x9c: {  	s7 =	simm.s32 $0x0;
	s20 =	sshll.u32 s5, $0x1;
	s5 =	sadd.s32 s21, s3  }
0x9d: {  	[timem:s7], [sflag:s22] =	dma.local [hbm:s5], s20  }
0x9e: {  	_ =	swait.ge [sflag:s22], s20  }
0x9f: {  	s4 =	ssub.s32 $0x0, s20;
	[sflag:s22] =	ssyncset.done $0x0  }
0xa0: {  	[sflag:s22] =	ssyncadd.s32 s4;
	_ =	sdelay $0x1  }
0xa1: {  	s23 =	simm.s32 $0x1B8B  }
0xa2: {  	_ =	swait.ge [sflag:s23], $0x1  }
0xa3: {  	[sflag:s23] =	ssyncset.done $0x0  }
0xa4: {  	s25 =	simm.s32 $0x1B8E;
	s24 =	sld [smem:$0x3FFE];
	[sflag:s23] =	ssyncadd.s32 $0xFFFFFFFF  }
0xa5: {  	s26 =	simm.s32 $execute0_lowered;
	[smem:$0x3FD2] =	sst s25  }
0xa6: {  	s5 =	sshll.u32 s26, $0x1;
	_ =	strace $0x80000046;
	[dreg:$0x1] =	wrdreg $0xFFFFFFFF  }
0xa7: {  	s28 =	simm.s32 $_size_execute0_lowered;
	s3 =	sadd.s32 s3, s5;
	[dreg:$0x0] =	wrdreg $0x0  }
0xa8: {  	s5 =	sshll.u32 s28, $0x1;
	[dreg:$0x2] =	wrdreg s3  }
0xa9: {  	[dreg:$0x3] =	wrdreg s5  }
0xaa: {  	[dreg:$0x4] =	wrdreg $0xC0  }
0xab: {  	_ =	task [dreg:s7], $0x5FFFF  }
0xac: {  	[dreg:$0x1] =	wrdreg $0xFFFFFFFF  }
0xad: {  	[dreg:$0x0] =	wrdreg $0x60  }
0xae: {  	[dreg:$0x2] =	wrdreg s24  }
0xaf: {  	[dreg:$0x3] =	wrdreg s2  }
0xb0: {  	[dreg:$0x4] =	wrdreg $0x0  }
0xb1: {  	[dreg:$0x5] =	wrdreg $0x9  }
0xb2: {  	_ =	task.clear_ibuf [dreg:s7], $0x6FFFF;
	_ =	strace $0x90000046  }
0xb3: {  	s29 =	simm.s32 $0x9;
	_ =	strace $0x80000048  }
0xb4: {  	_ =	swait.ge [sflag:s29], $0x1  }
0xb5: {  	[sflag:s29] =	ssyncadd.s32 $0xFFFFFFFF  }
0xb6: {  	_ =	strace $0x90000048  }
0xb7: {  	_ =	sfence  }
0xb8: {  	s30 =	sld [smem:$0x0];
	_ =	sdelay $0x2  }
0xb9: {  	s31 =	sshll.u32 s1, $0xD;
	s1 =	sshrl.u32 s1, $0x2  }
0xba: {  	s3 =	sand.u32 $0x4000, s31;
	s1 =	sadd.s32 s1, s30  }
0xbb: {  	s0 =	sor.u32 s3, s0;
	s1 =	sshll.u32 s1, $0x11  }
0xbc: {  	s0 =	sor.u32 s1, s0  }
0xbd: {  	s0 =	sadd.s32 $0x8F2B, s0  }
0xbe: {  	[sflag:s0] =	ssyncadd.remote.s32 $0x1  }
0xbf: {  	_ =	sfence.sel $0xFFFF  }
0xc0: {  	[dreg:$0x0] =	wrdreg $0xFFFFFFFF;
	(pc) =	sbr.abs _section_cstart, $3  }
0xc1: {  	[dreg:$0x1] =	wrdreg $0xFFFFFFFF  }
0xc2: {  	_ =	task.clear_ibuf [dreg:s7], $0x2FFFF;
	_ =	strace $0x9FFFFFFF  }
0xc3: {  	(tm) =	ssettm $0x7FFFFFFF  }
tec
execute0_lowered:
.L_overlay_start_1:
0x0: {  	(tag) =	ssettag $0x1  }
0x1: {  	s0 =	srdreg.scid;
	s1 =	rddreg [dreg:$0x0]  }
0x2: {  	s8 =	stileid.u32;
	s3 =	rddreg [dreg:$0x2]  }
0x3: {  	s4 =	simm.s32 $0x0;
	s10 =	simm.s32 $0x3;
	s11 =	simm.s32 $0x1880  }
0x4: {  	s12 =	simm.s32 $0x1;
	s13 =	simm.s32 $0x80;
	s14 =	simm.s32 $0x2080  }
0x5: {  	s15 =	simm.s32 $0x1900;
	s16 =	simm.s32 $0x1980;
	s17 =	simm.s32 $0x1A00  }
0x6: {  	s18 =	simm.s32 $0x1A80;
	s19 =	simm.s32 $0x1B00;
	s20 =	simm.s32 $0x1B80  }
0x7: {  	s21 =	simm.s32 $0x1C00;
	s22 =	simm.s32 $0x1C80;
	s23 =	simm.s32 $0x1D00  }
0x8: {  	s28 =	simm.s32 $0x1F00;
	s29 =	simm.s32 $0x1F80;
	s5 =	smul.u32 $0x31800, s8  }
0x9: {  	s30 =	simm.s32 $0x2000;
	s0 =	sand.u32 $0x1, s0;
	s6 =	smul.u32 $0x1880, s8  }
0xa: {  	s31 =	simm.s32 $0x2;
	[smem:$0x7FF] =	sst s4;
	s2 =	smul.u32 $0x318000, s0  }
0xb: {  	s26 =	sshll.u32 s8, $0x6;
	s7 =	smul.u32 $0x18800, s0;
	s0 =	ssub.s32 $0x2, s0  }
0xc: {  	_ =	strace $0x80000047;
	s25 =	sshrl.u32 s0, $0x1;
	s2 =	sadd.s32 s5, s2  }
0xd: {  	s24 =	sadd.s32 s6, s7;
	s0 =	ssub.s32 s0, s25;
	s6 =	sadd.s32 s6, s3  }
0xe: {  	s25 =	simm.s32 $0x1E00;
	s2 =	sshrl.u32 s2, $0x3;
	s5 =	sshrl.u32 s24, $0x3  }
0xf: {  	s0 =	smax.u32 s0, $0x1;
	s9 =	sshrl.u32 s6, $0x3;
	s24 =	simm.s32 $0x1D80  }
0x10: {  	s2 =	sadd.s32 s2, s1;
	s1 =	sadd.s32 s5, s1;
	s5 =	sor.u32 $0x1C03, s26  }
0x11: {  	[dreg:$0x5] =	wrdreg s0;
	s26 =	simm.s32 $0x1E80;
	s1 =	sadd.s32 $0x2000, s1  }
0x12: {  	v0 =	vimm.f32 $1.000000000e+00;
	s8 =	sadd.s32 $0xC5600, s2;
	[dreg:$0x4] =	wrdreg s1;
	s1 =	simm.s32 $0x0  }
.LBB2_1:
0x13: {  	[tilespmem:$0x2080] =	vst v0  }
0x14: {  	[tilespmem:$0x2090] =	vst v0  }
0x15: {  	[tilespmem:$0x20A0] =	vst v0  }
0x16: {  	[tilespmem:$0x20B0] =	vst v0  }
0x17: {  	[tilespmem:$0x20C0] =	vst v0  }
0x18: {  	[tilespmem:$0x20D0] =	vst v0  }
0x19: {  	[tilespmem:$0x20E0] =	vst v0  }
0x1a: {  	[tilespmem:$0x20F0] =	vst v0;
	s0 =	rddreg [dreg:$0x1]  }
0x1b: {  	[spmem:s9], [sflag:s5] =	dma.local [hbm:s0], $0x310  }
0x1c: {  	_ =	swait.ge [sflag:s10], $0x310  }
0x1d: {  	p0 =	por $0x1, $0x1;
	[sflag:s10] =	ssyncset.done $0x0  }
0x1e: {  	p0 =	por p0, p0;
	[sflag:s10] =	ssyncadd.s32 $0xFFFFFCF0  }
0x1f: {  	s0 =	simm.s32 @!p0 $0x2;
	[bflag:$0x0] =	sbarrier.arrive $0xFFFF  }
0x20: {  	_ =	swait.ge @!p0 [sflag:s0], $0x80  }
0x21: {  	[sflag:s0] =	ssyncset.done @!p0 $0x0  }
0x22: {  	[sflag:s0] =	ssyncadd.s32 @!p0 $0xFFFFFF80  }
0x23: {  	_ =	swait.ge @!p0 [sflag:s0], $0x80  }
0x24: {  	[sflag:s0] =	ssyncset.done @!p0 $0x0  }
0x25: {  	[sflag:s0] =	ssyncadd.s32 @!p0 $0xFFFFFF80  }
0x26: {  	_ =	swait.ge @!p0 [sflag:s0], $0x80  }
0x27: {  	[sflag:s0] =	ssyncset.done @!p0 $0x0  }
0x28: {  	[sflag:s0] =	ssyncadd.s32 @!p0 $0xFFFFFF80  }
0x29: {  	_ =	swait.ge @!p0 [sflag:s0], $0x80  }
0x2a: {  	[sflag:s0] =	ssyncset.done @!p0 $0x0  }
0x2b: {  	[sflag:s0] =	ssyncadd.s32 @!p0 $0xFFFFFF80  }
0x2c: {  	_ =	swait.ge @!p0 [sflag:s0], $0x80  }
0x2d: {  	[sflag:s0] =	ssyncset.done @!p0 $0x0  }
0x2e: {  	[sflag:s0] =	ssyncadd.s32 @!p0 $0xFFFFFF80  }
0x2f: {  	_ =	swait.ge @!p0 [sflag:s0], $0x80  }
0x30: {  	[sflag:s0] =	ssyncset.done @!p0 $0x0  }
0x31: {  	[sflag:s0] =	ssyncadd.s32 @!p0 $0xFFFFFF80  }
0x32: {  	_ =	swait.ge @!p0 [sflag:s0], $0x80  }
0x33: {  	[sflag:s0] =	ssyncset.done @!p0 $0x0  }
0x34: {  	[sflag:s0] =	ssyncadd.s32 @!p0 $0xFFFFFF80  }
0x35: {  	_ =	swait.ge @!p0 [sflag:s0], $0x80  }
0x36: {  	[sflag:s0] =	ssyncset.done @!p0 $0x0  }
0x37: {  	[sflag:s0] =	ssyncadd.s32 @!p0 $0xFFFFFF80  }
0x38: {  	_ =	swait.ge @!p0 [sflag:s0], $0x80  }
0x39: {  	[sflag:s0] =	ssyncset.done @!p0 $0x0  }
0x3a: {  	[sflag:s0] =	ssyncadd.s32 @!p0 $0xFFFFFF80  }
0x3b: {  	_ =	swait.ge @!p0 [sflag:s0], $0x80  }
0x3c: {  	[sflag:s0] =	ssyncset.done @!p0 $0x0  }
0x3d: {  	[sflag:s0] =	ssyncadd.s32 @!p0 $0xFFFFFF80  }
0x3e: {  	_ =	swait.ge @!p0 [sflag:s0], $0x80  }
0x3f: {  	[sflag:s0] =	ssyncset.done @!p0 $0x0  }
0x40: {  	[sflag:s0] =	ssyncadd.s32 @!p0 $0xFFFFFF80  }
0x41: {  	_ =	swait.ge @!p0 [sflag:s0], $0x80  }
0x42: {  	[sflag:s0] =	ssyncset.done @!p0 $0x0  }
0x43: {  	[sflag:s0] =	ssyncadd.s32 @!p0 $0xFFFFFF80  }
0x44: {  	_ =	swait.ge @!p0 [sflag:s0], $0x80  }
0x45: {  	[sflag:s0] =	ssyncset.done @!p0 $0x0  }
0x46: {  	[sflag:s0] =	ssyncadd.s32 @!p0 $0xFFFFFF80  }
0x47: {  	_ =	swait.ge @!p0 [sflag:s0], $0x80  }
0x48: {  	[sflag:s0] =	ssyncset.done @!p0 $0x0  }
0x49: {  	[sflag:s0] =	ssyncadd.s32 @!p0 $0xFFFFFF80  }
0x4a: {  	_ =	swait.ge @!p0 [sflag:s0], $0x80  }
0x4b: {  	[sflag:s0] =	ssyncset.done @!p0 $0x0  }
0x4c: {  	[sflag:s0] =	ssyncadd.s32 @!p0 $0xFFFFFF80  }
0x4d: {  	_ =	swait.ge @!p0 [sflag:s0], $0x80  }
0x4e: {  	[sflag:s0] =	ssyncset.done @!p0 $0x0  }
0x4f: {  	s7 =	sadd.s32 $0x0, s8;
	[sflag:s0] =	ssyncadd.s32 @!p0 $0xFFFFFF80  }
0x50: {  	[tilespmem:s11], [sflag:$0x1] =	stream.linear.gather [hbm4b:s7+s4], $0x800, $0x38;
	[tilespmem:$0x2100] =	vst v63  }
0x51: {  	_ =	swait.ge [sflag:s12], $0x800  }
0x52: {  	[sflag:s12] =	ssyncset.done $0x0  }
0x53: {  	[sflag:s12] =	ssyncadd.s32 $0xFFFFF800  }
0x54: {  	[spmem:s3] =	stream.indirect.scatter.add.f32 [tilespmem:s14], [sflag:$0x2], $0x1, s11, s13, $0xb8;
	[tilespmem:$0x2100] =	vst v63  }
0x55: {  	_ = 	snop  }
0x56: {  	[spmem:s3] =	stream.indirect.scatter.add.f32 [tilespmem:s14], [sflag:$0x2], $0x1, s15, s13, $0xb8;
	[tilespmem:$0x2100] =	vst v63  }
0x57: {  	_ = 	snop  }
0x58: {  	[spmem:s3] =	stream.indirect.scatter.add.f32 [tilespmem:s14], [sflag:$0x2], $0x1, s16, s13, $0xb8;
	[tilespmem:$0x2100] =	vst v63  }
0x59: {  	_ = 	snop  }
0x5a: {  	[spmem:s3] =	stream.indirect.scatter.add.f32 [tilespmem:s14], [sflag:$0x2], $0x1, s17, s13, $0xb8;
	[tilespmem:$0x2100] =	vst v63  }
0x5b: {  	_ = 	snop  }
0x5c: {  	[spmem:s3] =	stream.indirect.scatter.add.f32 [tilespmem:s14], [sflag:$0x2], $0x1, s18, s13, $0xb8;
	[tilespmem:$0x2100] =	vst v63  }
0x5d: {  	_ = 	snop  }
0x5e: {  	[spmem:s3] =	stream.indirect.scatter.add.f32 [tilespmem:s14], [sflag:$0x2], $0x1, s19, s13, $0xb8;
	[tilespmem:$0x2100] =	vst v63  }
0x5f: {  	_ = 	snop  }
0x60: {  	[spmem:s3] =	stream.indirect.scatter.add.f32 [tilespmem:s14], [sflag:$0x2], $0x1, s20, s13, $0xb8;
	[tilespmem:$0x2100] =	vst v63  }
0x61: {  	_ = 	snop  }
0x62: {  	[spmem:s3] =	stream.indirect.scatter.add.f32 [tilespmem:s14], [sflag:$0x2], $0x1, s21, s13, $0xb8;
	[tilespmem:$0x2100] =	vst v63  }
0x63: {  	_ = 	snop  }
0x64: {  	[spmem:s3] =	stream.indirect.scatter.add.f32 [tilespmem:s14], [sflag:$0x2], $0x1, s22, s13, $0xb8;
	[tilespmem:$0x2100] =	vst v63  }
0x65: {  	_ = 	snop  }
0x66: {  	[spmem:s3] =	stream.indirect.scatter.add.f32 [tilespmem:s14], [sflag:$0x2], $0x1, s23, s13, $0xb8;
	[tilespmem:$0x2100] =	vst v63  }
0x67: {  	_ = 	snop  }
0x68: {  	[spmem:s3] =	stream.indirect.scatter.add.f32 [tilespmem:s14], [sflag:$0x2], $0x1, s24, s13, $0xb8;
	[tilespmem:$0x2100] =	vst v63  }
0x69: {  	_ = 	snop  }
0x6a: {  	[spmem:s3] =	stream.indirect.scatter.add.f32 [tilespmem:s14], [sflag:$0x2], $0x1, s25, s13, $0xb8;
	[tilespmem:$0x2100] =	vst v63  }
0x6b: {  	_ = 	snop  }
0x6c: {  	[spmem:s3] =	stream.indirect.scatter.add.f32 [tilespmem:s14], [sflag:$0x2], $0x1, s26, s13, $0xb8;
	[tilespmem:$0x2100] =	vst v63  }
0x6d: {  	p6 =	por $0x0, $0x0  }
0x6e: {  	[spmem:s3] =	stream.indirect.scatter.add.f32 [tilespmem:s14], [sflag:$0x2], $0x1, s28, s13, $0xb8;
	[tilespmem:$0x2100] =	vst v63  }
0x6f: {  	s2 =	simm.s32 $0x200;
	s0 =	simm.s32 $0x100;
	p0 =	por p6, p6  }
0x70: {  	[spmem:s3] =	stream.indirect.scatter.add.f32 [tilespmem:s14], [sflag:$0x2], $0x1, s29, s13, $0xb8;
	[tilespmem:$0x2100] =	vst v63  }
.LBB2_2:
0x71: {  	[spmem:s3] =	stream.indirect.scatter.add.f32 [tilespmem:s14], [sflag:$0x2], $0x1, s30, s13, $0xb8;
	[tilespmem:$0x2100] =	vst v63  }
0x72: {  	s6 =	smov.u32 s2  }
0x73: {  	s2 =	sadd.s32 $0x100, s2;
	s7 =	simm.s32 @!p0 $0x2;
	p2 =	seq.s32 s6, $0x0  }
0x74: {  	p1 =	sne.s32 s2, $0x6300;
	_ =	swait.ge @!p0 [sflag:s7], $0x80  }
0x75: {  	[sflag:s7] =	ssyncset.done @!p0 $0x0  }
0x76: {  	[sflag:s7] =	ssyncadd.s32 @!p0 $0xFFFFFF80  }
0x77: {  	_ =	swait.ge @!p0 [sflag:s7], $0x80  }
0x78: {  	[sflag:s7] =	ssyncset.done @!p0 $0x0  }
0x79: {  	[sflag:s7] =	ssyncadd.s32 @!p0 $0xFFFFFF80  }
0x7a: {  	_ =	swait.ge @!p0 [sflag:s7], $0x80  }
0x7b: {  	[sflag:s7] =	ssyncset.done @!p0 $0x0  }
0x7c: {  	[sflag:s7] =	ssyncadd.s32 @!p0 $0xFFFFFF80  }
0x7d: {  	_ =	swait.ge @!p0 [sflag:s7], $0x80  }
0x7e: {  	[sflag:s7] =	ssyncset.done @!p0 $0x0  }
0x7f: {  	[sflag:s7] =	ssyncadd.s32 @!p0 $0xFFFFFF80  }
0x80: {  	_ =	swait.ge @!p0 [sflag:s7], $0x80  }
0x81: {  	[sflag:s7] =	ssyncset.done @!p0 $0x0  }
0x82: {  	[sflag:s7] =	ssyncadd.s32 @!p0 $0xFFFFFF80  }
0x83: {  	_ =	swait.ge @!p0 [sflag:s7], $0x80  }
0x84: {  	[sflag:s7] =	ssyncset.done @!p0 $0x0  }
0x85: {  	[sflag:s7] =	ssyncadd.s32 @!p0 $0xFFFFFF80  }
0x86: {  	_ =	swait.ge @!p0 [sflag:s7], $0x80  }
0x87: {  	[sflag:s7] =	ssyncset.done @!p0 $0x0  }
0x88: {  	[sflag:s7] =	ssyncadd.s32 @!p0 $0xFFFFFF80  }
0x89: {  	_ =	swait.ge @!p0 [sflag:s7], $0x80  }
0x8a: {  	[sflag:s7] =	ssyncset.done @!p0 $0x0  }
0x8b: {  	[sflag:s7] =	ssyncadd.s32 @!p0 $0xFFFFFF80  }
0x8c: {  	_ =	swait.ge @!p0 [sflag:s7], $0x80  }
0x8d: {  	[sflag:s7] =	ssyncset.done @!p0 $0x0  }
0x8e: {  	[sflag:s7] =	ssyncadd.s32 @!p0 $0xFFFFFF80  }
0x8f: {  	_ =	swait.ge @!p0 [sflag:s7], $0x80  }
0x90: {  	[sflag:s7] =	ssyncset.done @!p0 $0x0  }
0x91: {  	[sflag:s7] =	ssyncadd.s32 @!p0 $0xFFFFFF80  }
0x92: {  	_ =	swait.ge @!p0 [sflag:s7], $0x80  }
0x93: {  	[sflag:s7] =	ssyncset.done @!p0 $0x0  }
0x94: {  	[sflag:s7] =	ssyncadd.s32 @!p0 $0xFFFFFF80  }
0x95: {  	_ =	swait.ge @!p0 [sflag:s7], $0x80  }
0x96: {  	[sflag:s7] =	ssyncset.done @!p0 $0x0  }
0x97: {  	[sflag:s7] =	ssyncadd.s32 @!p0 $0xFFFFFF80  }
0x98: {  	_ =	swait.ge @!p0 [sflag:s7], $0x80  }
0x99: {  	[sflag:s7] =	ssyncset.done @!p0 $0x0  }
0x9a: {  	[sflag:s7] =	ssyncadd.s32 @!p0 $0xFFFFFF80  }
0x9b: {  	_ =	swait.ge @!p0 [sflag:s7], $0x80  }
0x9c: {  	[sflag:s7] =	ssyncset.done @!p0 $0x0  }
0x9d: {  	[sflag:s7] =	ssyncadd.s32 @!p0 $0xFFFFFF80  }
0x9e: {  	_ =	swait.ge @!p0 [sflag:s7], $0x80  }
0x9f: {  	[sflag:s7] =	ssyncset.done @!p0 $0x0  }
0xa0: {  	[sflag:s7] =	ssyncadd.s32 @!p0 $0xFFFFFF80  }
0xa1: {  	_ =	swait.ge @!p0 [sflag:s7], $0x80  }
0xa2: {  	[sflag:s7] =	ssyncset.done @!p0 $0x0  }
0xa3: {  	[sflag:s7] =	ssyncadd.s32 @!p0 $0xFFFFFF80;
	s7 =	sadd.s32 s0, s8;
	s0 =	smov.u32 s6  }
0xa4: {  	[tilespmem:s11], [sflag:$0x1] =	stream.linear.gather [hbm4b:s7+s4], $0x800, $0x38;
	[tilespmem:$0x2100] =	vst v63  }
0xa5: {  	p0 =	por p2, p2;
	_ =	swait.ge [sflag:s12], $0x800  }
0xa6: {  	[sflag:s12] =	ssyncset.done $0x0  }
0xa7: {  	[sflag:s12] =	ssyncadd.s32 $0xFFFFF800  }
0xa8: {  	[spmem:s3] =	stream.indirect.scatter.add.f32 [tilespmem:s14], [sflag:$0x2], $0x1, s11, s13, $0xb8;
	[tilespmem:$0x2100] =	vst v63  }
0xa9: {  	_ = 	snop  }
0xaa: {  	[spmem:s3] =	stream.indirect.scatter.add.f32 [tilespmem:s14], [sflag:$0x2], $0x1, s15, s13, $0xb8;
	[tilespmem:$0x2100] =	vst v63  }
0xab: {  	_ = 	snop  }
0xac: {  	[spmem:s3] =	stream.indirect.scatter.add.f32 [tilespmem:s14], [sflag:$0x2], $0x1, s16, s13, $0xb8;
	[tilespmem:$0x2100] =	vst v63  }
0xad: {  	_ = 	snop  }
0xae: {  	[spmem:s3] =	stream.indirect.scatter.add.f32 [tilespmem:s14], [sflag:$0x2], $0x1, s17, s13, $0xb8;
	[tilespmem:$0x2100] =	vst v63  }
0xaf: {  	_ = 	snop  }
0xb0: {  	[spmem:s3] =	stream.indirect.scatter.add.f32 [tilespmem:s14], [sflag:$0x2], $0x1, s18, s13, $0xb8;
	[tilespmem:$0x2100] =	vst v63  }
0xb1: {  	_ = 	snop  }
0xb2: {  	[spmem:s3] =	stream.indirect.scatter.add.f32 [tilespmem:s14], [sflag:$0x2], $0x1, s19, s13, $0xb8;
	[tilespmem:$0x2100] =	vst v63  }
0xb3: {  	_ = 	snop  }
0xb4: {  	[spmem:s3] =	stream.indirect.scatter.add.f32 [tilespmem:s14], [sflag:$0x2], $0x1, s20, s13, $0xb8;
	[tilespmem:$0x2100] =	vst v63  }
0xb5: {  	_ = 	snop  }
0xb6: {  	[spmem:s3] =	stream.indirect.scatter.add.f32 [tilespmem:s14], [sflag:$0x2], $0x1, s21, s13, $0xb8;
	[tilespmem:$0x2100] =	vst v63  }
0xb7: {  	_ = 	snop  }
0xb8: {  	[spmem:s3] =	stream.indirect.scatter.add.f32 [tilespmem:s14], [sflag:$0x2], $0x1, s22, s13, $0xb8;
	[tilespmem:$0x2100] =	vst v63  }
0xb9: {  	_ = 	snop  }
0xba: {  	[spmem:s3] =	stream.indirect.scatter.add.f32 [tilespmem:s14], [sflag:$0x2], $0x1, s23, s13, $0xb8;
	[tilespmem:$0x2100] =	vst v63  }
0xbb: {  	_ = 	snop  }
0xbc: {  	[spmem:s3] =	stream.indirect.scatter.add.f32 [tilespmem:s14], [sflag:$0x2], $0x1, s24, s13, $0xb8;
	[tilespmem:$0x2100] =	vst v63  }
0xbd: {  	_ = 	snop  }
0xbe: {  	[spmem:s3] =	stream.indirect.scatter.add.f32 [tilespmem:s14], [sflag:$0x2], $0x1, s25, s13, $0xb8;
	[tilespmem:$0x2100] =	vst v63  }
0xbf: {  	_ = 	snop  }
0xc0: {  	[spmem:s3] =	stream.indirect.scatter.add.f32 [tilespmem:s14], [sflag:$0x2], $0x1, s26, s13, $0xb8;
	[tilespmem:$0x2100] =	vst v63  }
.Ltmp0:
0xc1: {  	_ = 	snop;
	(pc) =	sbr.rel @p1 .LBB2_2-.Ltmp0, $4  }
0xc2: {  	_ = 	snop  }
0xc3: {  	[spmem:s3] =	stream.indirect.scatter.add.f32 [tilespmem:s14], [sflag:$0x2], $0x1, s28, s13, $0xb8;
	[tilespmem:$0x2100] =	vst v63  }
0xc4: {  	_ = 	snop  }
0xc5: {  	[spmem:s3] =	stream.indirect.scatter.add.f32 [tilespmem:s14], [sflag:$0x2], $0x1, s29, s13, $0xb8;
	[tilespmem:$0x2100] =	vst v63  }
0xc6: {  	[spmem:s3] =	stream.indirect.scatter.add.f32 [tilespmem:s14], [sflag:$0x2], $0x1, s30, s13, $0xb8;
	[tilespmem:$0x2100] =	vst v63  }
0xc7: {  	s2 =	simm.s32 @!p0 $0x2  }
0xc8: {  	_ =	swait.ge @!p0 [sflag:s2], $0x80  }
0xc9: {  	[sflag:s2] =	ssyncset.done @!p0 $0x0  }
0xca: {  	[sflag:s2] =	ssyncadd.s32 @!p0 $0xFFFFFF80  }
0xcb: {  	_ =	swait.ge @!p0 [sflag:s2], $0x80  }
0xcc: {  	[sflag:s2] =	ssyncset.done @!p0 $0x0  }
0xcd: {  	[sflag:s2] =	ssyncadd.s32 @!p0 $0xFFFFFF80  }
0xce: {  	_ =	swait.ge @!p0 [sflag:s2], $0x80  }
0xcf: {  	[sflag:s2] =	ssyncset.done @!p0 $0x0  }
0xd0: {  	[sflag:s2] =	ssyncadd.s32 @!p0 $0xFFFFFF80  }
0xd1: {  	_ =	swait.ge @!p0 [sflag:s2], $0x80  }
0xd2: {  	[sflag:s2] =	ssyncset.done @!p0 $0x0  }
0xd3: {  	[sflag:s2] =	ssyncadd.s32 @!p0 $0xFFFFFF80  }
0xd4: {  	_ =	swait.ge @!p0 [sflag:s2], $0x80  }
0xd5: {  	[sflag:s2] =	ssyncset.done @!p0 $0x0  }
0xd6: {  	[sflag:s2] =	ssyncadd.s32 @!p0 $0xFFFFFF80  }
0xd7: {  	_ =	swait.ge @!p0 [sflag:s2], $0x80  }
0xd8: {  	[sflag:s2] =	ssyncset.done @!p0 $0x0  }
0xd9: {  	[sflag:s2] =	ssyncadd.s32 @!p0 $0xFFFFFF80  }
0xda: {  	_ =	swait.ge @!p0 [sflag:s2], $0x80  }
0xdb: {  	[sflag:s2] =	ssyncset.done @!p0 $0x0  }
0xdc: {  	[sflag:s2] =	ssyncadd.s32 @!p0 $0xFFFFFF80  }
0xdd: {  	_ =	swait.ge @!p0 [sflag:s2], $0x80  }
0xde: {  	[sflag:s2] =	ssyncset.done @!p0 $0x0  }
0xdf: {  	[sflag:s2] =	ssyncadd.s32 @!p0 $0xFFFFFF80  }
0xe0: {  	_ =	swait.ge @!p0 [sflag:s2], $0x80  }
0xe1: {  	[sflag:s2] =	ssyncset.done @!p0 $0x0  }
0xe2: {  	[sflag:s2] =	ssyncadd.s32 @!p0 $0xFFFFFF80  }
0xe3: {  	_ =	swait.ge @!p0 [sflag:s2], $0x80  }
0xe4: {  	[sflag:s2] =	ssyncset.done @!p0 $0x0  }
0xe5: {  	[sflag:s2] =	ssyncadd.s32 @!p0 $0xFFFFFF80  }
0xe6: {  	_ =	swait.ge @!p0 [sflag:s2], $0x80  }
0xe7: {  	[sflag:s2] =	ssyncset.done @!p0 $0x0  }
0xe8: {  	[sflag:s2] =	ssyncadd.s32 @!p0 $0xFFFFFF80  }
0xe9: {  	_ =	swait.ge @!p0 [sflag:s2], $0x80  }
0xea: {  	[sflag:s2] =	ssyncset.done @!p0 $0x0  }
0xeb: {  	[sflag:s2] =	ssyncadd.s32 @!p0 $0xFFFFFF80  }
0xec: {  	_ =	swait.ge @!p0 [sflag:s2], $0x80  }
0xed: {  	[sflag:s2] =	ssyncset.done @!p0 $0x0  }
0xee: {  	[sflag:s2] =	ssyncadd.s32 @!p0 $0xFFFFFF80  }
0xef: {  	_ =	swait.ge @!p0 [sflag:s2], $0x80  }
0xf0: {  	[sflag:s2] =	ssyncset.done @!p0 $0x0  }
0xf1: {  	[sflag:s2] =	ssyncadd.s32 @!p0 $0xFFFFFF80  }
0xf2: {  	_ =	swait.ge @!p0 [sflag:s2], $0x80  }
0xf3: {  	[sflag:s2] =	ssyncset.done @!p0 $0x0  }
0xf4: {  	[sflag:s2] =	ssyncadd.s32 @!p0 $0xFFFFFF80  }
0xf5: {  	_ =	swait.ge @!p0 [sflag:s2], $0x80  }
0xf6: {  	[sflag:s2] =	ssyncset.done @!p0 $0x0  }
0xf7: {  	s0 =	sadd.s32 s0, s8;
	[sflag:s2] =	ssyncadd.s32 @!p0 $0xFFFFFF80  }
0xf8: {  	[tilespmem:s11], [sflag:$0x1] =	stream.linear.gather [hbm4b:s0+s4], $0x800, $0x38;
	[tilespmem:$0x2100] =	vst v63  }
0xf9: {  	_ =	swait.ge [sflag:s12], $0x800  }
0xfa: {  	[sflag:s12] =	ssyncset.done $0x0  }
0xfb: {  	[sflag:s12] =	ssyncadd.s32 $0xFFFFF800  }
0xfc: {  	[spmem:s3] =	stream.indirect.scatter.add.f32 [tilespmem:s14], [sflag:$0x2], $0x1, s11, s13, $0xb8;
	[tilespmem:$0x2100] =	vst v63  }
0xfd: {  	_ = 	snop  }
0xfe: {  	[spmem:s3] =	stream.indirect.scatter.add.f32 [tilespmem:s14], [sflag:$0x2], $0x1, s15, s13, $0xb8;
	[tilespmem:$0x2100] =	vst v63  }
0xff: {  	_ = 	snop  }
0x100: {  	[spmem:s3] =	stream.indirect.scatter.add.f32 [tilespmem:s14], [sflag:$0x2], $0x1, s16, s13, $0xb8;
	[tilespmem:$0x2100] =	vst v63  }
0x101: {  	_ = 	snop  }
0x102: {  	[spmem:s3] =	stream.indirect.scatter.add.f32 [tilespmem:s14], [sflag:$0x2], $0x1, s17, s13, $0xb8;
	[tilespmem:$0x2100] =	vst v63  }
0x103: {  	_ = 	snop  }
0x104: {  	[spmem:s3] =	stream.indirect.scatter.add.f32 [tilespmem:s14], [sflag:$0x2], $0x1, s18, s13, $0xb8;
	[tilespmem:$0x2100] =	vst v63  }
0x105: {  	_ = 	snop  }
0x106: {  	[spmem:s3] =	stream.indirect.scatter.add.f32 [tilespmem:s14], [sflag:$0x2], $0x1, s19, s13, $0xb8;
	[tilespmem:$0x2100] =	vst v63  }
0x107: {  	_ = 	snop  }
0x108: {  	[spmem:s3] =	stream.indirect.scatter.add.f32 [tilespmem:s14], [sflag:$0x2], $0x1, s20, s13, $0xb8;
	[tilespmem:$0x2100] =	vst v63  }
0x109: {  	_ = 	snop  }
0x10a: {  	[spmem:s3] =	stream.indirect.scatter.add.f32 [tilespmem:s14], [sflag:$0x2], $0x1, s21, s13, $0xb8;
	[tilespmem:$0x2100] =	vst v63  }
0x10b: {  	_ = 	snop  }
0x10c: {  	[spmem:s3] =	stream.indirect.scatter.add.f32 [tilespmem:s14], [sflag:$0x2], $0x1, s22, s13, $0xb8;
	[tilespmem:$0x2100] =	vst v63  }
0x10d: {  	_ = 	snop  }
0x10e: {  	[spmem:s3] =	stream.indirect.scatter.add.f32 [tilespmem:s14], [sflag:$0x2], $0x1, s23, s13, $0xb8;
	[tilespmem:$0x2100] =	vst v63  }
0x10f: {  	_ = 	snop  }
0x110: {  	[spmem:s3] =	stream.indirect.scatter.add.f32 [tilespmem:s14], [sflag:$0x2], $0x1, s24, s13, $0xb8;
	[tilespmem:$0x2100] =	vst v63  }
0x111: {  	_ = 	snop  }
0x112: {  	[spmem:s3] =	stream.indirect.scatter.add.f32 [tilespmem:s14], [sflag:$0x2], $0x1, s25, s13, $0xb8;
	[tilespmem:$0x2100] =	vst v63  }
0x113: {  	_ = 	snop  }
0x114: {  	[spmem:s3] =	stream.indirect.scatter.add.f32 [tilespmem:s14], [sflag:$0x2], $0x1, s26, s13, $0xb8;
	[tilespmem:$0x2100] =	vst v63  }
0x115: {  	_ = 	snop  }
0x116: {  	[spmem:s3] =	stream.indirect.scatter.add.f32 [tilespmem:s14], [sflag:$0x2], $0x1, s28, s13, $0xb8;
	[tilespmem:$0x2100] =	vst v63  }
0x117: {  	_ = 	snop  }
0x118: {  	[spmem:s3] =	stream.indirect.scatter.add.f32 [tilespmem:s14], [sflag:$0x2], $0x1, s29, s13, $0xb8;
	[tilespmem:$0x2100] =	vst v63  }
0x119: {  	_ = 	snop  }
0x11a: {  	[spmem:s3] =	stream.indirect.scatter.add.f32 [tilespmem:s14], [sflag:$0x2], $0x1, s30, s13, $0xb8;
	[tilespmem:$0x2100] =	vst v63  }
0x11b: {  	_ =	swait.ge [sflag:s31], $0x80  }
0x11c: {  	[sflag:s31] =	ssyncset.done $0x0  }
0x11d: {  	[sflag:s31] =	ssyncadd.s32 $0xFFFFFF80  }
0x11e: {  	_ =	swait.ge [sflag:s31], $0x80  }
0x11f: {  	[sflag:s31] =	ssyncset.done $0x0  }
0x120: {  	[sflag:s31] =	ssyncadd.s32 $0xFFFFFF80  }
0x121: {  	_ =	swait.ge [sflag:s31], $0x80  }
0x122: {  	[sflag:s31] =	ssyncset.done $0x0  }
0x123: {  	[sflag:s31] =	ssyncadd.s32 $0xFFFFFF80  }
0x124: {  	_ =	swait.ge [sflag:s31], $0x80  }
0x125: {  	[sflag:s31] =	ssyncset.done $0x0  }
0x126: {  	[sflag:s31] =	ssyncadd.s32 $0xFFFFFF80  }
0x127: {  	_ =	swait.ge [sflag:s31], $0x80  }
0x128: {  	[sflag:s31] =	ssyncset.done $0x0  }
0x129: {  	[sflag:s31] =	ssyncadd.s32 $0xFFFFFF80  }
0x12a: {  	_ =	swait.ge [sflag:s31], $0x80  }
0x12b: {  	[sflag:s31] =	ssyncset.done $0x0  }
0x12c: {  	[sflag:s31] =	ssyncadd.s32 $0xFFFFFF80  }
0x12d: {  	_ =	swait.ge [sflag:s31], $0x80  }
0x12e: {  	[sflag:s31] =	ssyncset.done $0x0  }
0x12f: {  	[sflag:s31] =	ssyncadd.s32 $0xFFFFFF80  }
0x130: {  	_ =	swait.ge [sflag:s31], $0x80  }
0x131: {  	[sflag:s31] =	ssyncset.done $0x0  }
0x132: {  	[sflag:s31] =	ssyncadd.s32 $0xFFFFFF80  }
0x133: {  	_ =	swait.ge [sflag:s31], $0x80  }
0x134: {  	[sflag:s31] =	ssyncset.done $0x0  }
0x135: {  	[sflag:s31] =	ssyncadd.s32 $0xFFFFFF80  }
0x136: {  	_ =	swait.ge [sflag:s31], $0x80  }
0x137: {  	[sflag:s31] =	ssyncset.done $0x0  }
0x138: {  	[sflag:s31] =	ssyncadd.s32 $0xFFFFFF80  }
0x139: {  	_ =	swait.ge [sflag:s31], $0x80  }
0x13a: {  	[sflag:s31] =	ssyncset.done $0x0  }
0x13b: {  	[sflag:s31] =	ssyncadd.s32 $0xFFFFFF80  }
0x13c: {  	_ =	swait.ge [sflag:s31], $0x80  }
0x13d: {  	[sflag:s31] =	ssyncset.done $0x0  }
0x13e: {  	[sflag:s31] =	ssyncadd.s32 $0xFFFFFF80  }
0x13f: {  	_ =	swait.ge [sflag:s31], $0x80  }
0x140: {  	[sflag:s31] =	ssyncset.done $0x0  }
0x141: {  	[sflag:s31] =	ssyncadd.s32 $0xFFFFFF80  }
0x142: {  	_ =	swait.ge [sflag:s31], $0x80  }
0x143: {  	[sflag:s31] =	ssyncset.done $0x0  }
0x144: {  	[sflag:s31] =	ssyncadd.s32 $0xFFFFFF80  }
0x145: {  	_ =	swait.ge [sflag:s31], $0x80  }
0x146: {  	[sflag:s31] =	ssyncset.done $0x0  }
0x147: {  	[sflag:s31] =	ssyncadd.s32 $0xFFFFFF80  }
0x148: {  	_ =	swait.ge [sflag:s31], $0x80  }
0x149: {  	[sflag:s31] =	ssyncset.done $0x0  }
0x14a: {  	[sflag:s31] =	ssyncadd.s32 $0xFFFFFF80  }
0x14b: {  	[bflag:$0x0] =	sbarrier.arrive $0xFFFF  }
0x14c: {  	s6 =	rddreg [dreg:$0x4]  }
0x14d: {  	[hbm:s6], [sflag:s5] =	dma.local [spmem:s9], $0x310  }
0x14e: {  	_ =	swait.ge [sflag:s10], $0x310  }
0x14f: {  	s1 =	sadd.s32 $0x1, s1;
	s7 =	rddreg [dreg:$0x5]  }
0x150: {  	p0 =	sne.s32 s1, s7  }
.Ltmp1:
0x151: {  	_ = 	snop;
	(pc) =	sbr.rel @p0 .LBB2_1-.Ltmp1, $3  }
0x152: {  	_ =	sdelay $0x1  }
0x153: {  	[sflag:s10] =	ssyncset.done $0x0  }
0x154: {  	[sflag:s10] =	ssyncadd.s32 $0xFFFFFCF0  }
0x155: {  	_ =	sfence.sel $0x180000  }
0x156: {  	[bflag:$0x0] =	sbarrier.arrive $0xFFFF  }
0x157: {  	_ =	strace $0x90000047  }
0x158: {  	s0 =	stileid.u32;
	[bflag:$0x2] =	sbarrier.arrive $0xFFFF  }
0x159: {  	p0 =	sne.s32 s0, $0x0;
	s0 =	rddreg [dreg:$0x3]  }
0x15a: {  	s0 =	sadd.s32 @!p0 $0x100000, s0  }
0x15b: {  	[sflag:s0] =	ssyncadd.tile.s32 @!p0 $0x1;
	_ =	shalt  }
.Lfunc_end2:
_tile_overlayer_lowered:
.L_overlay_start_2:
0x15c: {  	(tag) =	ssettag $0x2  }
0x15d: {  	s0 =	rddreg [dreg:$0x0];
	s2 =	stileid.u32  }
0x15e: {  	s1 =	rddreg [dreg:$0x1];
	p0 =	sne.s32 s2, $0x0  }
0x15f: {  	s3 =	rddreg [dreg:$0x2];
	[bflag:$0x3] =	sbarrier.arrive $0xFFFF;
	s2 =	simm.s32 @!p0 $0x1C03  }
0x160: {  	[timem:s3], [sflag:s2] =	dma.local @!p0 [hbm:s0], s1  }
0x161: {  	s0 =	simm.s32 @!p0 $0x3  }
0x162: {  	_ =	swait.ge @!p0 [sflag:s0], s1  }
0x163: {  	s1 =	ssub.s32 @!p0 $0x0, s1;
	[sflag:s0] =	ssyncset.done @!p0 $0x0  }
0x164: {  	[sflag:s0] =	ssyncadd.s32 @!p0 s1  }
0x165: {  	[bflag:$0x3] =	sbarrier.arrive $0xFFFF  }
0x166: {  	_ =	shalt  }

</sc_bundles>
